<compile_context>
chip_gen: v7x
topology: tpu7x:2x2x1
jax: 0.10.2.dev20260603
libtpu: 0.0.44.dev20260713+nightly
codegen_flags: <defaults>
</compile_context>

<pallas_src>
import functools

import jax
import jax.numpy as jnp
from jax import lax
from jax.experimental import pallas as pl
from jax.experimental.pallas import tpu as pltpu
from jax.experimental.pallas import tpu_sc as plsc

_B, _M, _N = 32, 512, 32
_HW = 256
_HH = _HW // 2
_L = 16
_NC = 2
_G = _M // _L


def _scatter_planes(xt, loct):
    mesh = plsc.VectorSubcoreMesh(core_axis_name="c", subcore_axis_name="s")

    @functools.partial(
        pl.kernel,
        mesh=mesh,
        out_type=jax.ShapeDtypeStruct((_B, _N, _HW, _HW), jnp.float32),
        compiler_params=pltpu.CompilerParams(needs_layout_passes=False),
        scratch_types=[
            pltpu.VMEM((2, _M), jnp.int32),
            pltpu.VMEM((_M,), jnp.int32),
            pltpu.VMEM((_M,), jnp.int32),
            pltpu.VMEM((_N, _M), jnp.float32),
            pltpu.VMEM((_N, _M), jnp.float32),
            pltpu.VMEM((_HH, _HW), jnp.float32),
            pltpu.VMEM((_HH, _HW), jnp.float32),
            pltpu.SemaphoreType.DMA,
            pltpu.SemaphoreType.DMA,
        ],
    )
    def k(x_hbm, loc_hbm, out_hbm, loc_v, yr_v, yf_v, x_v, dx_v, ha_v, hb_v,
          sa, sb):
        b = lax.axis_index("s") * _NC + lax.axis_index("c")

        pltpu.sync_copy(x_hbm.at[b], x_v)
        pltpu.sync_copy(loc_hbm.at[b], loc_v)

        zero_f = jnp.zeros((_L,), jnp.float32)

        def coords_body(g, c):
            y = loc_v[0, pl.ds(g * _L, _L)]
            yf_v[pl.ds(g * _L, _L)] = y
            yr_v[pl.ds(g * _L, _L)] = y & (_HH - 1)
            return c

        lax.fori_loop(0, _G, coords_body, 0)

        def zero_half(buf):
            def zero_body(i, c):
                for j in range(_HW // _L):
                    buf[i, pl.ds(j * _L, _L)] = zero_f
                return c

            lax.fori_loop(0, _HH, zero_body, 0)

        def scatter_half(n, buf, want_b):
            for g in range(_G):
                yr = yr_v[pl.ds(g * _L, _L)]
                xc = loc_v[1, pl.ds(g * _L, _L)]
                in_b = yf_v[pl.ds(g * _L, _L)] >= _HH
                sel = in_b if want_b else ~in_b
                val = x_v[n, pl.ds(g * _L, _L)]
                plsc.addupdate_scatter(buf, [yr, xc], val, mask=sel)

        zero_half(ha_v)
        scatter_half(0, ha_v, False)
        pltpu.async_copy(ha_v, out_hbm.at[b, 0, pl.ds(0, _HH)], sa)
        zero_half(hb_v)
        scatter_half(0, hb_v, True)
        pltpu.async_copy(hb_v, out_hbm.at[b, 0, pl.ds(_HH, _HH)], sb)

        def dx_body(n, c):
            for g in range(_G):
                dx_v[n, pl.ds(g * _L, _L)] = (
                    x_v[n, pl.ds(g * _L, _L)] - x_v[n - 1, pl.ds(g * _L, _L)])
            return c

        lax.fori_loop(1, _N, dx_body, 0)

        def scatter_plane_delta(n):
            for g in range(_G):
                yr = yr_v[pl.ds(g * _L, _L)]
                xc = loc_v[1, pl.ds(g * _L, _L)]
                in_b = yf_v[pl.ds(g * _L, _L)] >= _HH
                val = dx_v[n, pl.ds(g * _L, _L)]
                plsc.addupdate_scatter(ha_v, [yr, xc], val, mask=~in_b)
                plsc.addupdate_scatter(hb_v, [yr, xc], val, mask=in_b)

        def plane_body(n, c):
            pltpu.make_async_copy(ha_v, out_hbm.at[b, n, pl.ds(0, _HH)], sa).wait()
            pltpu.make_async_copy(hb_v, out_hbm.at[b, n, pl.ds(_HH, _HH)], sb).wait()
            scatter_plane_delta(n)
            pltpu.async_copy(ha_v, out_hbm.at[b, n, pl.ds(0, _HH)], sa)
            pltpu.async_copy(hb_v, out_hbm.at[b, n, pl.ds(_HH, _HH)], sb)
            return c

        lax.fori_loop(1, _N, plane_body, 0)

        pltpu.make_async_copy(ha_v, out_hbm.at[b, 0, pl.ds(0, _HH)], sa).wait()
        pltpu.make_async_copy(hb_v, out_hbm.at[b, 0, pl.ds(_HH, _HH)], sb).wait()

    return k(xt, loct)


def kernel(x, spatial_size, location):
    xt = x.transpose(0, 2, 1)
    loct = location.astype(jnp.int32).transpose(0, 2, 1)
    return _scatter_planes(xt, loct)

# --- scband reference (transcript-rebuilt; emitter-appended) ---
"""Pipeline reference for scband-scatter-connection-4818953306473 (READ-ONLY COPY).

The authoritative reference and input builder live on the scoring server;
editing this copy changes nothing except your own understanding.
"""

import jax, jax.numpy as jnp
import numpy as np

B, M, N = 32, 512, 32
HW = 256

def setup_inputs(seed: int = 0) -> dict:
    key = jax.random.key(seed)
    k1, k2 = jax.random.split(key, 2)
    x = jax.random.normal(k1, (B, M, N), dtype=jnp.float32)
    location = jax.random.randint(k2, (B, M, 2), 0, HW, dtype=jnp.int64 if jax.config.jax_enable_x64 else jnp.int32)
    return {"x": x, "spatial_size": HW, "location": location}

def reference(x, spatial_size, location):
    # x: (B, M, N) float32; location: (B, M, 2) int (y, x); spatial_size: int -> H = W = spatial_size
    Bv, Mv, Nv = x.shape
    H = HW
    W = HW
    loc = location.reshape(-1, 2)
    flat_idx = loc[:, 0] * spatial_size + loc[:, 1]  # (B*M,)
    batch_idx = jnp.repeat(jnp.arange(Bv), Mv)       # (B*M,)
    src = x.reshape(-1, Nv)                          # (B*M, N)
    out = jnp.zeros((Bv, H * W, Nv), dtype=x.dtype)
    # scatter_type == 'add' -> scatter-add (duplicates accumulate)
    out = out.at[batch_idx, flat_idx].add(src)
    out = out.reshape(Bv, H, W, Nv).transpose(0, 3, 1, 2)  # (B, N, H, W)
    return out

if __name__ == "__main__":
    import jax
    _d = setup_inputs()
    print(jax.jit(kernel)(*tuple(_d.values())))

</pallas_src>

<mosaic_0001>
#map = affine_map<(d0, d1) -> (0, 0, 0)>
#map1 = affine_map<(d0, d1) -> (0, 0, 0, 0)>
module attributes {stable_mosaic.version = 14 : i64} {
  func.func @k(%arg0: i32, %arg1: i32, %arg2: memref<32x32x512xf32, #tpu.memory_space<hbm>>, %arg3: memref<32x2x512xi32, #tpu.memory_space<hbm>>, %arg4: memref<32x32x256x256xf32, #tpu.memory_space<hbm>>, %arg5: memref<2x512xi32, #tpu.memory_space<vmem>>, %arg6: memref<512xi32, #tpu.memory_space<vmem>>, %arg7: memref<512xi32, #tpu.memory_space<vmem>>, %arg8: memref<32x512xf32, #tpu.memory_space<vmem>>, %arg9: memref<32x512xf32, #tpu.memory_space<vmem>>, %arg10: memref<128x256xf32, #tpu.memory_space<vmem>>, %arg11: memref<128x256xf32, #tpu.memory_space<vmem>>, %arg12: memref<!tpu.dma_semaphore, #tpu.memory_space<semaphore_mem>>, %arg13: memref<!tpu.dma_semaphore, #tpu.memory_space<semaphore_mem>>) attributes {dimension_semantics = [#tpu.dimension_semantics<core_parallel>, #tpu.dimension_semantics<subcore_parallel>], iteration_bounds = array<i64: 2, 16>, scalar_prefetch = 0 : i64, scratch_operands = 9 : i64, tpu.core_type = #tpu.core_type<sc_vector_subcore>, window_params = [{transform_indices = #map}, {transform_indices = #map}, {transform_indices = #map1}]} {
    %mul3A = arith.constant 2 : i32
    %mul3A_0 = arith.muli %arg1, %mul3A : i32
    %add3A = arith.addi %mul3A_0, %arg0 : i32
    "tpu.region"() ({
      %run_scoped3A = tpu.sem_alloc : memref<!tpu.dma_semaphore, #tpu.memory_space<semaphore_mem>>
      %dma_start3A_1086 = arith.constant 0 : i32
      %dma_start3A_1087 = arith.constant 0 : i32
      %dma_start3A_1088 = tpu.memref_slice %arg2[%add3A, %dma_start3A_1086, %dma_start3A_1087] : memref<32x32x512xf32, #tpu.memory_space<hbm>> -> memref<1x32x512xf32, #tpu.memory_space<hbm>>
      %dma_start3A_1089 = tpu.memref_squeeze %dma_start3A_1088 : memref<1x32x512xf32, #tpu.memory_space<hbm>> -> memref<32x512xf32, #tpu.memory_space<hbm>>
      %dma_start3A_1090 = arith.constant 0 : i32
      %dma_start3A_1091 = arith.constant 0 : i32
      %dma_start3A_1092 = tpu.memref_slice %arg2[%add3A, %dma_start3A_1090, %dma_start3A_1091] : memref<32x32x512xf32, #tpu.memory_space<hbm>> -> memref<1x32x512xf32, #tpu.memory_space<hbm>>
      %dma_start3A_1093 = tpu.memref_squeeze %dma_start3A_1092 : memref<1x32x512xf32, #tpu.memory_space<hbm>> -> memref<32x512xf32, #tpu.memory_space<hbm>>
      tpu.enqueue_dma source(%dma_start3A_1093 : memref<32x512xf32, #tpu.memory_space<hbm>>) target(%arg8 : memref<32x512xf32, #tpu.memory_space<vmem>>) target_semaphore(%run_scoped3A : memref<!tpu.dma_semaphore, #tpu.memory_space<semaphore_mem>>)
      %dma_wait3A_1094 = arith.constant 0 : i32
      %dma_wait3A_1095 = arith.constant 0 : i32
      %dma_wait3A_1096 = tpu.memref_slice %arg2[%add3A, %dma_wait3A_1094, %dma_wait3A_1095] : memref<32x32x512xf32, #tpu.memory_space<hbm>> -> memref<1x32x512xf32, #tpu.memory_space<hbm>>
      %dma_wait3A_1097 = tpu.memref_squeeze %dma_wait3A_1096 : memref<1x32x512xf32, #tpu.memory_space<hbm>> -> memref<32x512xf32, #tpu.memory_space<hbm>>
      %dma_wait3A_1098 = arith.constant 0 : i32
      %dma_wait3A_1099 = arith.constant 0 : i32
      %dma_wait3A_1100 = tpu.memref_slice %arg2[%add3A, %dma_wait3A_1098, %dma_wait3A_1099] : memref<32x32x512xf32, #tpu.memory_space<hbm>> -> memref<1x32x512xf32, #tpu.memory_space<hbm>>
      %dma_wait3A_1101 = tpu.memref_squeeze %dma_wait3A_1100 : memref<1x32x512xf32, #tpu.memory_space<hbm>> -> memref<32x512xf32, #tpu.memory_space<hbm>>
      tpu.wait_dma2 semaphore(%run_scoped3A : memref<!tpu.dma_semaphore, #tpu.memory_space<semaphore_mem>>) src(%dma_wait3A_1101 : memref<32x512xf32, #tpu.memory_space<hbm>>) dst(%arg8 : memref<32x512xf32, #tpu.memory_space<vmem>>)
      tpu.yield
    }) : () -> ()
    "tpu.region"() ({
      %run_scoped3A = tpu.sem_alloc : memref<!tpu.dma_semaphore, #tpu.memory_space<semaphore_mem>>
      %dma_start3A_1086 = arith.constant 0 : i32
      %dma_start3A_1087 = arith.constant 0 : i32
      %dma_start3A_1088 = tpu.memref_slice %arg3[%add3A, %dma_start3A_1086, %dma_start3A_1087] : memref<32x2x512xi32, #tpu.memory_space<hbm>> -> memref<1x2x512xi32, #tpu.memory_space<hbm>>
      %dma_start3A_1089 = tpu.memref_squeeze %dma_start3A_1088 : memref<1x2x512xi32, #tpu.memory_space<hbm>> -> memref<2x512xi32, #tpu.memory_space<hbm>>
      %dma_start3A_1090 = arith.constant 0 : i32
      %dma_start3A_1091 = arith.constant 0 : i32
      %dma_start3A_1092 = tpu.memref_slice %arg3[%add3A, %dma_start3A_1090, %dma_start3A_1091] : memref<32x2x512xi32, #tpu.memory_space<hbm>> -> memref<1x2x512xi32, #tpu.memory_space<hbm>>
      %dma_start3A_1093 = tpu.memref_squeeze %dma_start3A_1092 : memref<1x2x512xi32, #tpu.memory_space<hbm>> -> memref<2x512xi32, #tpu.memory_space<hbm>>
      tpu.enqueue_dma source(%dma_start3A_1093 : memref<2x512xi32, #tpu.memory_space<hbm>>) target(%arg5 : memref<2x512xi32, #tpu.memory_space<vmem>>) target_semaphore(%run_scoped3A : memref<!tpu.dma_semaphore, #tpu.memory_space<semaphore_mem>>)
      %dma_wait3A_1094 = arith.constant 0 : i32
      %dma_wait3A_1095 = arith.constant 0 : i32
      %dma_wait3A_1096 = tpu.memref_slice %arg3[%add3A, %dma_wait3A_1094, %dma_wait3A_1095] : memref<32x2x512xi32, #tpu.memory_space<hbm>> -> memref<1x2x512xi32, #tpu.memory_space<hbm>>
      %dma_wait3A_1097 = tpu.memref_squeeze %dma_wait3A_1096 : memref<1x2x512xi32, #tpu.memory_space<hbm>> -> memref<2x512xi32, #tpu.memory_space<hbm>>
      %dma_wait3A_1098 = arith.constant 0 : i32
      %dma_wait3A_1099 = arith.constant 0 : i32
      %dma_wait3A_1100 = tpu.memref_slice %arg3[%add3A, %dma_wait3A_1098, %dma_wait3A_1099] : memref<32x2x512xi32, #tpu.memory_space<hbm>> -> memref<1x2x512xi32, #tpu.memory_space<hbm>>
      %dma_wait3A_1101 = tpu.memref_squeeze %dma_wait3A_1100 : memref<1x2x512xi32, #tpu.memory_space<hbm>> -> memref<2x512xi32, #tpu.memory_space<hbm>>
      tpu.wait_dma2 semaphore(%run_scoped3A : memref<!tpu.dma_semaphore, #tpu.memory_space<semaphore_mem>>) src(%dma_wait3A_1101 : memref<2x512xi32, #tpu.memory_space<hbm>>) dst(%arg5 : memref<2x512xi32, #tpu.memory_space<vmem>>)
      tpu.yield
    }) : () -> ()
    %broadcast_in_dim3A = arith.constant 0.000000e+00 : f32
    %broadcast_in_dim3A_1 = vector.broadcast %broadcast_in_dim3A : f32 to vector<16xf32>
    %scan3A = arith.constant 0 : i32
    %scan3A_2 = arith.constant 0 : i32
    %scan3A_3 = arith.constant 32 : i32
    %scan3A_4 = arith.addi %scan3A_2, %scan3A_3 : i32
    %scan3A_5 = arith.constant 1 : i32
    scf.for %scan3A_1086 = %scan3A_2 to %scan3A_4 step %scan3A_5  : i32 {
      %mul3A_1087 = arith.constant 16 : i32
      %mul3A_1088 = arith.muli %scan3A_1086, %mul3A_1087 : i32
      %get3A_1089 = arith.constant 0 : i32
      %get3A_1090 = arith.index_cast %get3A_1089 : i32 to index
      %get3A_1091 = arith.index_cast %mul3A_1088 : i32 to index
      %get3A_1092 = tpu.vector_load %arg5[%get3A_1090, %get3A_1091] {strides = array<i32>} : memref<2x512xi32, #tpu.memory_space<vmem>>, vector<16xi32>,
      %mul3A_1093 = arith.constant 16 : i32
      %mul3A_1094 = arith.muli %scan3A_1086, %mul3A_1093 : i32
      %swap3A = arith.index_cast %mul3A_1094 : i32 to index
      %swap3A_1095 = tpu.vector_load %arg7[%swap3A] {strides = array<i32>} : memref<512xi32, #tpu.memory_space<vmem>>, vector<16xi32>,
      tpu.vector_store %arg7[%swap3A], %get3A_1092 {strides = array<i32>} : memref<512xi32, #tpu.memory_space<vmem>>, vector<16xi32>,
      %and3A = arith.constant 127 : i32
      %and3A_1096 = vector.broadcast %and3A : i32 to vector<16xi32>
      %and3A_1097 = arith.andi %get3A_1092, %and3A_1096 : vector<16xi32>
      %mul3A_1098 = arith.constant 16 : i32
      %mul3A_1099 = arith.muli %scan3A_1086, %mul3A_1098 : i32
      %swap3A_1100 = arith.index_cast %mul3A_1099 : i32 to index
      %swap3A_1101 = tpu.vector_load %arg6[%swap3A_1100] {strides = array<i32>} : memref<512xi32, #tpu.memory_space<vmem>>, vector<16xi32>,
      tpu.vector_store %arg6[%swap3A_1100], %and3A_1097 {strides = array<i32>} : memref<512xi32, #tpu.memory_space<vmem>>, vector<16xi32>,
    }
    %scan3A_6 = arith.constant 32 : i32
    %scan3A_7 = arith.constant 0 : i32
    %scan3A_8 = arith.constant 0 : i32
    %scan3A_9 = arith.constant 128 : i32
    %scan3A_10 = arith.addi %scan3A_8, %scan3A_9 : i32
    %scan3A_11 = arith.constant 1 : i32
    scf.for %scan3A_1086 = %scan3A_8 to %scan3A_10 step %scan3A_11  : i32 {
      %swap3A = arith.index_cast %scan3A_1086 : i32 to index
      %swap3A_1087 = arith.constant 0 : index
      %swap3A_1088 = tpu.vector_load %arg10[%swap3A, %swap3A_1087] {strides = array<i32>} : memref<128x256xf32, #tpu.memory_space<vmem>>, vector<16xf32>,
      tpu.vector_store %arg10[%swap3A, %swap3A_1087], %broadcast_in_dim3A_1 {strides = array<i32>} : memref<128x256xf32, #tpu.memory_space<vmem>>, vector<16xf32>,
      %swap3A_1089 = arith.index_cast %scan3A_1086 : i32 to index
      %swap3A_1090 = arith.constant 16 : index
      %swap3A_1091 = tpu.vector_load %arg10[%swap3A_1089, %swap3A_1090] {strides = array<i32>} : memref<128x256xf32, #tpu.memory_space<vmem>>, vector<16xf32>,
      tpu.vector_store %arg10[%swap3A_1089, %swap3A_1090], %broadcast_in_dim3A_1 {strides = array<i32>} : memref<128x256xf32, #tpu.memory_space<vmem>>, vector<16xf32>,
      %swap3A_1092 = arith.index_cast %scan3A_1086 : i32 to index
      %swap3A_1093 = arith.constant 32 : index
      %swap3A_1094 = tpu.vector_load %arg10[%swap3A_1092, %swap3A_1093] {strides = array<i32>} : memref<128x256xf32, #tpu.memory_space<vmem>>, vector<16xf32>,
      tpu.vector_store %arg10[%swap3A_1092, %swap3A_1093], %broadcast_in_dim3A_1 {strides = array<i32>} : memref<128x256xf32, #tpu.memory_space<vmem>>, vector<16xf32>,
      %swap3A_1095 = arith.index_cast %scan3A_1086 : i32 to index
      %swap3A_1096 = arith.constant 48 : index
      %swap3A_1097 = tpu.vector_load %arg10[%swap3A_1095, %swap3A_1096] {strides = array<i32>} : memref<128x256xf32, #tpu.memory_space<vmem>>, vector<16xf32>,
      tpu.vector_store %arg10[%swap3A_1095, %swap3A_1096], %broadcast_in_dim3A_1 {strides = array<i32>} : memref<128x256xf32, #tpu.memory_space<vmem>>, vector<16xf32>,
      %swap3A_1098 = arith.index_cast %scan3A_1086 : i32 to index
      %swap3A_1099 = arith.constant 64 : index
      %swap3A_1100 = tpu.vector_load %arg10[%swap3A_1098, %swap3A_1099] {strides = array<i32>} : memref<128x256xf32, #tpu.memory_space<vmem>>, vector<16xf32>,
      tpu.vector_store %arg10[%swap3A_1098, %swap3A_1099], %broadcast_in_dim3A_1 {strides = array<i32>} : memref<128x256xf32, #tpu.memory_space<vmem>>, vector<16xf32>,
      %swap3A_1101 = arith.index_cast %scan3A_1086 : i32 to index
      %swap3A_1102 = arith.constant 80 : index
      %swap3A_1103 = tpu.vector_load %arg10[%swap3A_1101, %swap3A_1102] {strides = array<i32>} : memref<128x256xf32, #tpu.memory_space<vmem>>, vector<16xf32>,
      tpu.vector_store %arg10[%swap3A_1101, %swap3A_1102], %broadcast_in_dim3A_1 {strides = array<i32>} : memref<128x256xf32, #tpu.memory_space<vmem>>, vector<16xf32>,
      %swap3A_1104 = arith.index_cast %scan3A_1086 : i32 to index
      %swap3A_1105 = arith.constant 96 : index
      %swap3A_1106 = tpu.vector_load %arg10[%swap3A_1104, %swap3A_1105] {strides = array<i32>} : memref<128x256xf32, #tpu.memory_space<vmem>>, vector<16xf32>,
      tpu.vector_store %arg10[%swap3A_1104, %swap3A_1105], %broadcast_in_dim3A_1 {strides = array<i32>} : memref<128x256xf32, #tpu.memory_space<vmem>>, vector<16xf32>,
      %swap3A_1107 = arith.index_cast %scan3A_1086 : i32 to index
      %swap3A_1108 = arith.constant 112 : index
      %swap3A_1109 = tpu.vector_load %arg10[%swap3A_1107, %swap3A_1108] {strides = array<i32>} : memref<128x256xf32, #tpu.memory_space<vmem>>, vector<16xf32>,
      tpu.vector_store %arg10[%swap3A_1107, %swap3A_1108], %broadcast_in_dim3A_1 {strides = array<i32>} : memref<128x256xf32, #tpu.memory_space<vmem>>, vector<16xf32>,
      %swap3A_1110 = arith.index_cast %scan3A_1086 : i32 to index
      %swap3A_1111 = arith.constant 128 : index
      %swap3A_1112 = tpu.vector_load %arg10[%swap3A_1110, %swap3A_1111] {strides = array<i32>} : memref<128x256xf32, #tpu.memory_space<vmem>>, vector<16xf32>,
      tpu.vector_store %arg10[%swap3A_1110, %swap3A_1111], %broadcast_in_dim3A_1 {strides = array<i32>} : memref<128x256xf32, #tpu.memory_space<vmem>>, vector<16xf32>,
      %swap3A_1113 = arith.index_cast %scan3A_1086 : i32 to index
      %swap3A_1114 = arith.constant 144 : index
      %swap3A_1115 = tpu.vector_load %arg10[%swap3A_1113, %swap3A_1114] {strides = array<i32>} : memref<128x256xf32, #tpu.memory_space<vmem>>, vector<16xf32>,
      tpu.vector_store %arg10[%swap3A_1113, %swap3A_1114], %broadcast_in_dim3A_1 {strides = array<i32>} : memref<128x256xf32, #tpu.memory_space<vmem>>, vector<16xf32>,
      %swap3A_1116 = arith.index_cast %scan3A_1086 : i32 to index
      %swap3A_1117 = arith.constant 160 : index
      %swap3A_1118 = tpu.vector_load %arg10[%swap3A_1116, %swap3A_1117] {strides = array<i32>} : memref<128x256xf32, #tpu.memory_space<vmem>>, vector<16xf32>,
      tpu.vector_store %arg10[%swap3A_1116, %swap3A_1117], %broadcast_in_dim3A_1 {strides = array<i32>} : memref<128x256xf32, #tpu.memory_space<vmem>>, vector<16xf32>,
      %swap3A_1119 = arith.index_cast %scan3A_1086 : i32 to index
      %swap3A_1120 = arith.constant 176 : index
      %swap3A_1121 = tpu.vector_load %arg10[%swap3A_1119, %swap3A_1120] {strides = array<i32>} : memref<128x256xf32, #tpu.memory_space<vmem>>, vector<16xf32>,
      tpu.vector_store %arg10[%swap3A_1119, %swap3A_1120], %broadcast_in_dim3A_1 {strides = array<i32>} : memref<128x256xf32, #tpu.memory_space<vmem>>, vector<16xf32>,
      %swap3A_1122 = arith.index_cast %scan3A_1086 : i32 to index
      %swap3A_1123 = arith.constant 192 : index
      %swap3A_1124 = tpu.vector_load %arg10[%swap3A_1122, %swap3A_1123] {strides = array<i32>} : memref<128x256xf32, #tpu.memory_space<vmem>>, vector<16xf32>,
      tpu.vector_store %arg10[%swap3A_1122, %swap3A_1123], %broadcast_in_dim3A_1 {strides = array<i32>} : memref<128x256xf32, #tpu.memory_space<vmem>>, vector<16xf32>,
      %swap3A_1125 = arith.index_cast %scan3A_1086 : i32 to index
      %swap3A_1126 = arith.constant 208 : index
      %swap3A_1127 = tpu.vector_load %arg10[%swap3A_1125, %swap3A_1126] {strides = array<i32>} : memref<128x256xf32, #tpu.memory_space<vmem>>, vector<16xf32>,
      tpu.vector_store %arg10[%swap3A_1125, %swap3A_1126], %broadcast_in_dim3A_1 {strides = array<i32>} : memref<128x256xf32, #tpu.memory_space<vmem>>, vector<16xf32>,
      %swap3A_1128 = arith.index_cast %scan3A_1086 : i32 to index
      %swap3A_1129 = arith.constant 224 : index
      %swap3A_1130 = tpu.vector_load %arg10[%swap3A_1128, %swap3A_1129] {strides = array<i32>} : memref<128x256xf32, #tpu.memory_space<vmem>>, vector<16xf32>,
      tpu.vector_store %arg10[%swap3A_1128, %swap3A_1129], %broadcast_in_dim3A_1 {strides = array<i32>} : memref<128x256xf32, #tpu.memory_space<vmem>>, vector<16xf32>,
      %swap3A_1131 = arith.index_cast %scan3A_1086 : i32 to index
      %swap3A_1132 = arith.constant 240 : index
      %swap3A_1133 = tpu.vector_load %arg10[%swap3A_1131, %swap3A_1132] {strides = array<i32>} : memref<128x256xf32, #tpu.memory_space<vmem>>, vector<16xf32>,
      tpu.vector_store %arg10[%swap3A_1131, %swap3A_1132], %broadcast_in_dim3A_1 {strides = array<i32>} : memref<128x256xf32, #tpu.memory_space<vmem>>, vector<16xf32>,
    }
    %scan3A_12 = arith.constant 128 : i32
    %get3A = arith.constant 0 : index
    %get3A_13 = tpu.vector_load %arg6[%get3A] {strides = array<i32>} : memref<512xi32, #tpu.memory_space<vmem>>, vector<16xi32>,
    %get3A_14 = arith.constant 1 : i32
    %get3A_15 = arith.index_cast %get3A_14 : i32 to index
    %get3A_16 = arith.constant 0 : index
    %get3A_17 = tpu.vector_load %arg5[%get3A_15, %get3A_16] {strides = array<i32>} : memref<2x512xi32, #tpu.memory_space<vmem>>, vector<16xi32>,
    %get3A_18 = arith.constant 0 : index
    %get3A_19 = tpu.vector_load %arg7[%get3A_18] {strides = array<i32>} : memref<512xi32, #tpu.memory_space<vmem>>, vector<16xi32>,
    %ge3A = arith.constant 128 : i32
    %ge3A_20 = vector.broadcast %ge3A : i32 to vector<16xi32>
    %ge3A_21 = arith.cmpi sge, %get3A_19, %ge3A_20 : vector<16xi32>
    %not3A = arith.constant dense<true> : vector<16xi1>
    %not3A_22 = arith.xori %ge3A_21, %not3A : vector<16xi1>
    %get3A_23 = arith.constant 0 : i32
    %get3A_24 = arith.index_cast %get3A_23 : i32 to index
    %get3A_25 = arith.constant 0 : index
    %get3A_26 = tpu.vector_load %arg8[%get3A_24, %get3A_25] {strides = array<i32>} : memref<32x512xf32, #tpu.memory_space<vmem>>, vector<16xf32>,
    tpu.vector_store_idx %arg10[%get3A_13, %get3A_17], %get3A_26 masked %not3A_22 {add = true} : memref<128x256xf32, #tpu.memory_space<vmem>>[vector<16xi32>, vector<16xi32>], vector<16xf32>, vector<16xi1>
    %get3A_27 = arith.constant 16 : index
    %get3A_28 = tpu.vector_load %arg6[%get3A_27] {strides = array<i32>} : memref<512xi32, #tpu.memory_space<vmem>>, vector<16xi32>,
    %get3A_29 = arith.constant 1 : i32
    %get3A_30 = arith.index_cast %get3A_29 : i32 to index
    %get3A_31 = arith.constant 16 : index
    %get3A_32 = tpu.vector_load %arg5[%get3A_30, %get3A_31] {strides = array<i32>} : memref<2x512xi32, #tpu.memory_space<vmem>>, vector<16xi32>,
    %get3A_33 = arith.constant 16 : index
    %get3A_34 = tpu.vector_load %arg7[%get3A_33] {strides = array<i32>} : memref<512xi32, #tpu.memory_space<vmem>>, vector<16xi32>,
    %ge3A_35 = arith.constant 128 : i32
    %ge3A_36 = vector.broadcast %ge3A_35 : i32 to vector<16xi32>
    %ge3A_37 = arith.cmpi sge, %get3A_34, %ge3A_36 : vector<16xi32>
    %not3A_38 = arith.constant dense<true> : vector<16xi1>
    %not3A_39 = arith.xori %ge3A_37, %not3A_38 : vector<16xi1>
    %get3A_40 = arith.constant 0 : i32
    %get3A_41 = arith.index_cast %get3A_40 : i32 to index
    %get3A_42 = arith.constant 16 : index
    %get3A_43 = tpu.vector_load %arg8[%get3A_41, %get3A_42] {strides = array<i32>} : memref<32x512xf32, #tpu.memory_space<vmem>>, vector<16xf32>,
    tpu.vector_store_idx %arg10[%get3A_28, %get3A_32], %get3A_43 masked %not3A_39 {add = true} : memref<128x256xf32, #tpu.memory_space<vmem>>[vector<16xi32>, vector<16xi32>], vector<16xf32>, vector<16xi1>
    %get3A_44 = arith.constant 32 : index
    %get3A_45 = tpu.vector_load %arg6[%get3A_44] {strides = array<i32>} : memref<512xi32, #tpu.memory_space<vmem>>, vector<16xi32>,
    %get3A_46 = arith.constant 1 : i32
    %get3A_47 = arith.index_cast %get3A_46 : i32 to index
    %get3A_48 = arith.constant 32 : index
    %get3A_49 = tpu.vector_load %arg5[%get3A_47, %get3A_48] {strides = array<i32>} : memref<2x512xi32, #tpu.memory_space<vmem>>, vector<16xi32>,
    %get3A_50 = arith.constant 32 : index
    %get3A_51 = tpu.vector_load %arg7[%get3A_50] {strides = array<i32>} : memref<512xi32, #tpu.memory_space<vmem>>, vector<16xi32>,
    %ge3A_52 = arith.constant 128 : i32
    %ge3A_53 = vector.broadcast %ge3A_52 : i32 to vector<16xi32>
    %ge3A_54 = arith.cmpi sge, %get3A_51, %ge3A_53 : vector<16xi32>
    %not3A_55 = arith.constant dense<true> : vector<16xi1>
    %not3A_56 = arith.xori %ge3A_54, %not3A_55 : vector<16xi1>
    %get3A_57 = arith.constant 0 : i32
    %get3A_58 = arith.index_cast %get3A_57 : i32 to index
    %get3A_59 = arith.constant 32 : index
    %get3A_60 = tpu.vector_load %arg8[%get3A_58, %get3A_59] {strides = array<i32>} : memref<32x512xf32, #tpu.memory_space<vmem>>, vector<16xf32>,
    tpu.vector_store_idx %arg10[%get3A_45, %get3A_49], %get3A_60 masked %not3A_56 {add = true} : memref<128x256xf32, #tpu.memory_space<vmem>>[vector<16xi32>, vector<16xi32>], vector<16xf32>, vector<16xi1>
    %get3A_61 = arith.constant 48 : index
    %get3A_62 = tpu.vector_load %arg6[%get3A_61] {strides = array<i32>} : memref<512xi32, #tpu.memory_space<vmem>>, vector<16xi32>,
    %get3A_63 = arith.constant 1 : i32
    %get3A_64 = arith.index_cast %get3A_63 : i32 to index
    %get3A_65 = arith.constant 48 : index
    %get3A_66 = tpu.vector_load %arg5[%get3A_64, %get3A_65] {strides = array<i32>} : memref<2x512xi32, #tpu.memory_space<vmem>>, vector<16xi32>,
    %get3A_67 = arith.constant 48 : index
    %get3A_68 = tpu.vector_load %arg7[%get3A_67] {strides = array<i32>} : memref<512xi32, #tpu.memory_space<vmem>>, vector<16xi32>,
    %ge3A_69 = arith.constant 128 : i32
    %ge3A_70 = vector.broadcast %ge3A_69 : i32 to vector<16xi32>
    %ge3A_71 = arith.cmpi sge, %get3A_68, %ge3A_70 : vector<16xi32>
    %not3A_72 = arith.constant dense<true> : vector<16xi1>
    %not3A_73 = arith.xori %ge3A_71, %not3A_72 : vector<16xi1>
    %get3A_74 = arith.constant 0 : i32
    %get3A_75 = arith.index_cast %get3A_74 : i32 to index
    %get3A_76 = arith.constant 48 : index
    %get3A_77 = tpu.vector_load %arg8[%get3A_75, %get3A_76] {strides = array<i32>} : memref<32x512xf32, #tpu.memory_space<vmem>>, vector<16xf32>,
    tpu.vector_store_idx %arg10[%get3A_62, %get3A_66], %get3A_77 masked %not3A_73 {add = true} : memref<128x256xf32, #tpu.memory_space<vmem>>[vector<16xi32>, vector<16xi32>], vector<16xf32>, vector<16xi1>
    %get3A_78 = arith.constant 64 : index
    %get3A_79 = tpu.vector_load %arg6[%get3A_78] {strides = array<i32>} : memref<512xi32, #tpu.memory_space<vmem>>, vector<16xi32>,
    %get3A_80 = arith.constant 1 : i32
    %get3A_81 = arith.index_cast %get3A_80 : i32 to index
    %get3A_82 = arith.constant 64 : index
    %get3A_83 = tpu.vector_load %arg5[%get3A_81, %get3A_82] {strides = array<i32>} : memref<2x512xi32, #tpu.memory_space<vmem>>, vector<16xi32>,
    %get3A_84 = arith.constant 64 : index
    %get3A_85 = tpu.vector_load %arg7[%get3A_84] {strides = array<i32>} : memref<512xi32, #tpu.memory_space<vmem>>, vector<16xi32>,
    %ge3A_86 = arith.constant 128 : i32
    %ge3A_87 = vector.broadcast %ge3A_86 : i32 to vector<16xi32>
    %ge3A_88 = arith.cmpi sge, %get3A_85, %ge3A_87 : vector<16xi32>
    %not3A_89 = arith.constant dense<true> : vector<16xi1>
    %not3A_90 = arith.xori %ge3A_88, %not3A_89 : vector<16xi1>
    %get3A_91 = arith.constant 0 : i32
    %get3A_92 = arith.index_cast %get3A_91 : i32 to index
    %get3A_93 = arith.constant 64 : index
    %get3A_94 = tpu.vector_load %arg8[%get3A_92, %get3A_93] {strides = array<i32>} : memref<32x512xf32, #tpu.memory_space<vmem>>, vector<16xf32>,
    tpu.vector_store_idx %arg10[%get3A_79, %get3A_83], %get3A_94 masked %not3A_90 {add = true} : memref<128x256xf32, #tpu.memory_space<vmem>>[vector<16xi32>, vector<16xi32>], vector<16xf32>, vector<16xi1>
    %get3A_95 = arith.constant 80 : index
    %get3A_96 = tpu.vector_load %arg6[%get3A_95] {strides = array<i32>} : memref<512xi32, #tpu.memory_space<vmem>>, vector<16xi32>,
    %get3A_97 = arith.constant 1 : i32
    %get3A_98 = arith.index_cast %get3A_97 : i32 to index
    %get3A_99 = arith.constant 80 : index
    %get3A_100 = tpu.vector_load %arg5[%get3A_98, %get3A_99] {strides = array<i32>} : memref<2x512xi32, #tpu.memory_space<vmem>>, vector<16xi32>,
    %get3A_101 = arith.constant 80 : index
    %get3A_102 = tpu.vector_load %arg7[%get3A_101] {strides = array<i32>} : memref<512xi32, #tpu.memory_space<vmem>>, vector<16xi32>,
    %ge3A_103 = arith.constant 128 : i32
    %ge3A_104 = vector.broadcast %ge3A_103 : i32 to vector<16xi32>
    %ge3A_105 = arith.cmpi sge, %get3A_102, %ge3A_104 : vector<16xi32>
    %not3A_106 = arith.constant dense<true> : vector<16xi1>
    %not3A_107 = arith.xori %ge3A_105, %not3A_106 : vector<16xi1>
    %get3A_108 = arith.constant 0 : i32
    %get3A_109 = arith.index_cast %get3A_108 : i32 to index
    %get3A_110 = arith.constant 80 : index
    %get3A_111 = tpu.vector_load %arg8[%get3A_109, %get3A_110] {strides = array<i32>} : memref<32x512xf32, #tpu.memory_space<vmem>>, vector<16xf32>,
    tpu.vector_store_idx %arg10[%get3A_96, %get3A_100], %get3A_111 masked %not3A_107 {add = true} : memref<128x256xf32, #tpu.memory_space<vmem>>[vector<16xi32>, vector<16xi32>], vector<16xf32>, vector<16xi1>
    %get3A_112 = arith.constant 96 : index
    %get3A_113 = tpu.vector_load %arg6[%get3A_112] {strides = array<i32>} : memref<512xi32, #tpu.memory_space<vmem>>, vector<16xi32>,
    %get3A_114 = arith.constant 1 : i32
    %get3A_115 = arith.index_cast %get3A_114 : i32 to index
    %get3A_116 = arith.constant 96 : index
    %get3A_117 = tpu.vector_load %arg5[%get3A_115, %get3A_116] {strides = array<i32>} : memref<2x512xi32, #tpu.memory_space<vmem>>, vector<16xi32>,
    %get3A_118 = arith.constant 96 : index
    %get3A_119 = tpu.vector_load %arg7[%get3A_118] {strides = array<i32>} : memref<512xi32, #tpu.memory_space<vmem>>, vector<16xi32>,
    %ge3A_120 = arith.constant 128 : i32
    %ge3A_121 = vector.broadcast %ge3A_120 : i32 to vector<16xi32>
    %ge3A_122 = arith.cmpi sge, %get3A_119, %ge3A_121 : vector<16xi32>
    %not3A_123 = arith.constant dense<true> : vector<16xi1>
    %not3A_124 = arith.xori %ge3A_122, %not3A_123 : vector<16xi1>
    %get3A_125 = arith.constant 0 : i32
    %get3A_126 = arith.index_cast %get3A_125 : i32 to index
    %get3A_127 = arith.constant 96 : index
    %get3A_128 = tpu.vector_load %arg8[%get3A_126, %get3A_127] {strides = array<i32>} : memref<32x512xf32, #tpu.memory_space<vmem>>, vector<16xf32>,
    tpu.vector_store_idx %arg10[%get3A_113, %get3A_117], %get3A_128 masked %not3A_124 {add = true} : memref<128x256xf32, #tpu.memory_space<vmem>>[vector<16xi32>, vector<16xi32>], vector<16xf32>, vector<16xi1>
    %get3A_129 = arith.constant 112 : index
    %get3A_130 = tpu.vector_load %arg6[%get3A_129] {strides = array<i32>} : memref<512xi32, #tpu.memory_space<vmem>>, vector<16xi32>,
    %get3A_131 = arith.constant 1 : i32
    %get3A_132 = arith.index_cast %get3A_131 : i32 to index
    %get3A_133 = arith.constant 112 : index
    %get3A_134 = tpu.vector_load %arg5[%get3A_132, %get3A_133] {strides = array<i32>} : memref<2x512xi32, #tpu.memory_space<vmem>>, vector<16xi32>,
    %get3A_135 = arith.constant 112 : index
    %get3A_136 = tpu.vector_load %arg7[%get3A_135] {strides = array<i32>} : memref<512xi32, #tpu.memory_space<vmem>>, vector<16xi32>,
    %ge3A_137 = arith.constant 128 : i32
    %ge3A_138 = vector.broadcast %ge3A_137 : i32 to vector<16xi32>
    %ge3A_139 = arith.cmpi sge, %get3A_136, %ge3A_138 : vector<16xi32>
    %not3A_140 = arith.constant dense<true> : vector<16xi1>
    %not3A_141 = arith.xori %ge3A_139, %not3A_140 : vector<16xi1>
    %get3A_142 = arith.constant 0 : i32
    %get3A_143 = arith.index_cast %get3A_142 : i32 to index
    %get3A_144 = arith.constant 112 : index
    %get3A_145 = tpu.vector_load %arg8[%get3A_143, %get3A_144] {strides = array<i32>} : memref<32x512xf32, #tpu.memory_space<vmem>>, vector<16xf32>,
    tpu.vector_store_idx %arg10[%get3A_130, %get3A_134], %get3A_145 masked %not3A_141 {add = true} : memref<128x256xf32, #tpu.memory_space<vmem>>[vector<16xi32>, vector<16xi32>], vector<16xf32>, vector<16xi1>
    %get3A_146 = arith.constant 128 : index
    %get3A_147 = tpu.vector_load %arg6[%get3A_146] {strides = array<i32>} : memref<512xi32, #tpu.memory_space<vmem>>, vector<16xi32>,
    %get3A_148 = arith.constant 1 : i32
    %get3A_149 = arith.index_cast %get3A_148 : i32 to index
    %get3A_150 = arith.constant 128 : index
    %get3A_151 = tpu.vector_load %arg5[%get3A_149, %get3A_150] {strides = array<i32>} : memref<2x512xi32, #tpu.memory_space<vmem>>, vector<16xi32>,
    %get3A_152 = arith.constant 128 : index
    %get3A_153 = tpu.vector_load %arg7[%get3A_152] {strides = array<i32>} : memref<512xi32, #tpu.memory_space<vmem>>, vector<16xi32>,
    %ge3A_154 = arith.constant 128 : i32
    %ge3A_155 = vector.broadcast %ge3A_154 : i32 to vector<16xi32>
    %ge3A_156 = arith.cmpi sge, %get3A_153, %ge3A_155 : vector<16xi32>
    %not3A_157 = arith.constant dense<true> : vector<16xi1>
    %not3A_158 = arith.xori %ge3A_156, %not3A_157 : vector<16xi1>
    %get3A_159 = arith.constant 0 : i32
    %get3A_160 = arith.index_cast %get3A_159 : i32 to index
    %get3A_161 = arith.constant 128 : index
    %get3A_162 = tpu.vector_load %arg8[%get3A_160, %get3A_161] {strides = array<i32>} : memref<32x512xf32, #tpu.memory_space<vmem>>, vector<16xf32>,
    tpu.vector_store_idx %arg10[%get3A_147, %get3A_151], %get3A_162 masked %not3A_158 {add = true} : memref<128x256xf32, #tpu.memory_space<vmem>>[vector<16xi32>, vector<16xi32>], vector<16xf32>, vector<16xi1>
    %get3A_163 = arith.constant 144 : index
    %get3A_164 = tpu.vector_load %arg6[%get3A_163] {strides = array<i32>} : memref<512xi32, #tpu.memory_space<vmem>>, vector<16xi32>,
    %get3A_165 = arith.constant 1 : i32
    %get3A_166 = arith.index_cast %get3A_165 : i32 to index
    %get3A_167 = arith.constant 144 : index
    %get3A_168 = tpu.vector_load %arg5[%get3A_166, %get3A_167] {strides = array<i32>} : memref<2x512xi32, #tpu.memory_space<vmem>>, vector<16xi32>,
    %get3A_169 = arith.constant 144 : index
    %get3A_170 = tpu.vector_load %arg7[%get3A_169] {strides = array<i32>} : memref<512xi32, #tpu.memory_space<vmem>>, vector<16xi32>,
    %ge3A_171 = arith.constant 128 : i32
    %ge3A_172 = vector.broadcast %ge3A_171 : i32 to vector<16xi32>
    %ge3A_173 = arith.cmpi sge, %get3A_170, %ge3A_172 : vector<16xi32>
    %not3A_174 = arith.constant dense<true> : vector<16xi1>
    %not3A_175 = arith.xori %ge3A_173, %not3A_174 : vector<16xi1>
    %get3A_176 = arith.constant 0 : i32
    %get3A_177 = arith.index_cast %get3A_176 : i32 to index
    %get3A_178 = arith.constant 144 : index
    %get3A_179 = tpu.vector_load %arg8[%get3A_177, %get3A_178] {strides = array<i32>} : memref<32x512xf32, #tpu.memory_space<vmem>>, vector<16xf32>,
    tpu.vector_store_idx %arg10[%get3A_164, %get3A_168], %get3A_179 masked %not3A_175 {add = true} : memref<128x256xf32, #tpu.memory_space<vmem>>[vector<16xi32>, vector<16xi32>], vector<16xf32>, vector<16xi1>
    %get3A_180 = arith.constant 160 : index
    %get3A_181 = tpu.vector_load %arg6[%get3A_180] {strides = array<i32>} : memref<512xi32, #tpu.memory_space<vmem>>, vector<16xi32>,
    %get3A_182 = arith.constant 1 : i32
    %get3A_183 = arith.index_cast %get3A_182 : i32 to index
    %get3A_184 = arith.constant 160 : index
    %get3A_185 = tpu.vector_load %arg5[%get3A_183, %get3A_184] {strides = array<i32>} : memref<2x512xi32, #tpu.memory_space<vmem>>, vector<16xi32>,
    %get3A_186 = arith.constant 160 : index
    %get3A_187 = tpu.vector_load %arg7[%get3A_186] {strides = array<i32>} : memref<512xi32, #tpu.memory_space<vmem>>, vector<16xi32>,
    %ge3A_188 = arith.constant 128 : i32
    %ge3A_189 = vector.broadcast %ge3A_188 : i32 to vector<16xi32>
    %ge3A_190 = arith.cmpi sge, %get3A_187, %ge3A_189 : vector<16xi32>
    %not3A_191 = arith.constant dense<true> : vector<16xi1>
    %not3A_192 = arith.xori %ge3A_190, %not3A_191 : vector<16xi1>
    %get3A_193 = arith.constant 0 : i32
    %get3A_194 = arith.index_cast %get3A_193 : i32 to index
    %get3A_195 = arith.constant 160 : index
    %get3A_196 = tpu.vector_load %arg8[%get3A_194, %get3A_195] {strides = array<i32>} : memref<32x512xf32, #tpu.memory_space<vmem>>, vector<16xf32>,
    tpu.vector_store_idx %arg10[%get3A_181, %get3A_185], %get3A_196 masked %not3A_192 {add = true} : memref<128x256xf32, #tpu.memory_space<vmem>>[vector<16xi32>, vector<16xi32>], vector<16xf32>, vector<16xi1>
    %get3A_197 = arith.constant 176 : index
    %get3A_198 = tpu.vector_load %arg6[%get3A_197] {strides = array<i32>} : memref<512xi32, #tpu.memory_space<vmem>>, vector<16xi32>,
    %get3A_199 = arith.constant 1 : i32
    %get3A_200 = arith.index_cast %get3A_199 : i32 to index
    %get3A_201 = arith.constant 176 : index
    %get3A_202 = tpu.vector_load %arg5[%get3A_200, %get3A_201] {strides = array<i32>} : memref<2x512xi32, #tpu.memory_space<vmem>>, vector<16xi32>,
    %get3A_203 = arith.constant 176 : index
    %get3A_204 = tpu.vector_load %arg7[%get3A_203] {strides = array<i32>} : memref<512xi32, #tpu.memory_space<vmem>>, vector<16xi32>,
    %ge3A_205 = arith.constant 128 : i32
    %ge3A_206 = vector.broadcast %ge3A_205 : i32 to vector<16xi32>
    %ge3A_207 = arith.cmpi sge, %get3A_204, %ge3A_206 : vector<16xi32>
    %not3A_208 = arith.constant dense<true> : vector<16xi1>
    %not3A_209 = arith.xori %ge3A_207, %not3A_208 : vector<16xi1>
    %get3A_210 = arith.constant 0 : i32
    %get3A_211 = arith.index_cast %get3A_210 : i32 to index
    %get3A_212 = arith.constant 176 : index
    %get3A_213 = tpu.vector_load %arg8[%get3A_211, %get3A_212] {strides = array<i32>} : memref<32x512xf32, #tpu.memory_space<vmem>>, vector<16xf32>,
    tpu.vector_store_idx %arg10[%get3A_198, %get3A_202], %get3A_213 masked %not3A_209 {add = true} : memref<128x256xf32, #tpu.memory_space<vmem>>[vector<16xi32>, vector<16xi32>], vector<16xf32>, vector<16xi1>
    %get3A_214 = arith.constant 192 : index
    %get3A_215 = tpu.vector_load %arg6[%get3A_214] {strides = array<i32>} : memref<512xi32, #tpu.memory_space<vmem>>, vector<16xi32>,
    %get3A_216 = arith.constant 1 : i32
    %get3A_217 = arith.index_cast %get3A_216 : i32 to index
    %get3A_218 = arith.constant 192 : index
    %get3A_219 = tpu.vector_load %arg5[%get3A_217, %get3A_218] {strides = array<i32>} : memref<2x512xi32, #tpu.memory_space<vmem>>, vector<16xi32>,
    %get3A_220 = arith.constant 192 : index
    %get3A_221 = tpu.vector_load %arg7[%get3A_220] {strides = array<i32>} : memref<512xi32, #tpu.memory_space<vmem>>, vector<16xi32>,
    %ge3A_222 = arith.constant 128 : i32
    %ge3A_223 = vector.broadcast %ge3A_222 : i32 to vector<16xi32>
    %ge3A_224 = arith.cmpi sge, %get3A_221, %ge3A_223 : vector<16xi32>
    %not3A_225 = arith.constant dense<true> : vector<16xi1>
    %not3A_226 = arith.xori %ge3A_224, %not3A_225 : vector<16xi1>
    %get3A_227 = arith.constant 0 : i32
    %get3A_228 = arith.index_cast %get3A_227 : i32 to index
    %get3A_229 = arith.constant 192 : index
    %get3A_230 = tpu.vector_load %arg8[%get3A_228, %get3A_229] {strides = array<i32>} : memref<32x512xf32, #tpu.memory_space<vmem>>, vector<16xf32>,
    tpu.vector_store_idx %arg10[%get3A_215, %get3A_219], %get3A_230 masked %not3A_226 {add = true} : memref<128x256xf32, #tpu.memory_space<vmem>>[vector<16xi32>, vector<16xi32>], vector<16xf32>, vector<16xi1>
    %get3A_231 = arith.constant 208 : index
    %get3A_232 = tpu.vector_load %arg6[%get3A_231] {strides = array<i32>} : memref<512xi32, #tpu.memory_space<vmem>>, vector<16xi32>,
    %get3A_233 = arith.constant 1 : i32
    %get3A_234 = arith.index_cast %get3A_233 : i32 to index
    %get3A_235 = arith.constant 208 : index
    %get3A_236 = tpu.vector_load %arg5[%get3A_234, %get3A_235] {strides = array<i32>} : memref<2x512xi32, #tpu.memory_space<vmem>>, vector<16xi32>,
    %get3A_237 = arith.constant 208 : index
    %get3A_238 = tpu.vector_load %arg7[%get3A_237] {strides = array<i32>} : memref<512xi32, #tpu.memory_space<vmem>>, vector<16xi32>,
    %ge3A_239 = arith.constant 128 : i32
    %ge3A_240 = vector.broadcast %ge3A_239 : i32 to vector<16xi32>
    %ge3A_241 = arith.cmpi sge, %get3A_238, %ge3A_240 : vector<16xi32>
    %not3A_242 = arith.constant dense<true> : vector<16xi1>
    %not3A_243 = arith.xori %ge3A_241, %not3A_242 : vector<16xi1>
    %get3A_244 = arith.constant 0 : i32
    %get3A_245 = arith.index_cast %get3A_244 : i32 to index
    %get3A_246 = arith.constant 208 : index
    %get3A_247 = tpu.vector_load %arg8[%get3A_245, %get3A_246] {strides = array<i32>} : memref<32x512xf32, #tpu.memory_space<vmem>>, vector<16xf32>,
    tpu.vector_store_idx %arg10[%get3A_232, %get3A_236], %get3A_247 masked %not3A_243 {add = true} : memref<128x256xf32, #tpu.memory_space<vmem>>[vector<16xi32>, vector<16xi32>], vector<16xf32>, vector<16xi1>
    %get3A_248 = arith.constant 224 : index
    %get3A_249 = tpu.vector_load %arg6[%get3A_248] {strides = array<i32>} : memref<512xi32, #tpu.memory_space<vmem>>, vector<16xi32>,
    %get3A_250 = arith.constant 1 : i32
    %get3A_251 = arith.index_cast %get3A_250 : i32 to index
    %get3A_252 = arith.constant 224 : index
    %get3A_253 = tpu.vector_load %arg5[%get3A_251, %get3A_252] {strides = array<i32>} : memref<2x512xi32, #tpu.memory_space<vmem>>, vector<16xi32>,
    %get3A_254 = arith.constant 224 : index
    %get3A_255 = tpu.vector_load %arg7[%get3A_254] {strides = array<i32>} : memref<512xi32, #tpu.memory_space<vmem>>, vector<16xi32>,
    %ge3A_256 = arith.constant 128 : i32
    %ge3A_257 = vector.broadcast %ge3A_256 : i32 to vector<16xi32>
    %ge3A_258 = arith.cmpi sge, %get3A_255, %ge3A_257 : vector<16xi32>
    %not3A_259 = arith.constant dense<true> : vector<16xi1>
    %not3A_260 = arith.xori %ge3A_258, %not3A_259 : vector<16xi1>
    %get3A_261 = arith.constant 0 : i32
    %get3A_262 = arith.index_cast %get3A_261 : i32 to index
    %get3A_263 = arith.constant 224 : index
    %get3A_264 = tpu.vector_load %arg8[%get3A_262, %get3A_263] {strides = array<i32>} : memref<32x512xf32, #tpu.memory_space<vmem>>, vector<16xf32>,
    tpu.vector_store_idx %arg10[%get3A_249, %get3A_253], %get3A_264 masked %not3A_260 {add = true} : memref<128x256xf32, #tpu.memory_space<vmem>>[vector<16xi32>, vector<16xi32>], vector<16xf32>, vector<16xi1>
    %get3A_265 = arith.constant 240 : index
    %get3A_266 = tpu.vector_load %arg6[%get3A_265] {strides = array<i32>} : memref<512xi32, #tpu.memory_space<vmem>>, vector<16xi32>,
    %get3A_267 = arith.constant 1 : i32
    %get3A_268 = arith.index_cast %get3A_267 : i32 to index
    %get3A_269 = arith.constant 240 : index
    %get3A_270 = tpu.vector_load %arg5[%get3A_268, %get3A_269] {strides = array<i32>} : memref<2x512xi32, #tpu.memory_space<vmem>>, vector<16xi32>,
    %get3A_271 = arith.constant 240 : index
    %get3A_272 = tpu.vector_load %arg7[%get3A_271] {strides = array<i32>} : memref<512xi32, #tpu.memory_space<vmem>>, vector<16xi32>,
    %ge3A_273 = arith.constant 128 : i32
    %ge3A_274 = vector.broadcast %ge3A_273 : i32 to vector<16xi32>
    %ge3A_275 = arith.cmpi sge, %get3A_272, %ge3A_274 : vector<16xi32>
    %not3A_276 = arith.constant dense<true> : vector<16xi1>
    %not3A_277 = arith.xori %ge3A_275, %not3A_276 : vector<16xi1>
    %get3A_278 = arith.constant 0 : i32
    %get3A_279 = arith.index_cast %get3A_278 : i32 to index
    %get3A_280 = arith.constant 240 : index
    %get3A_281 = tpu.vector_load %arg8[%get3A_279, %get3A_280] {strides = array<i32>} : memref<32x512xf32, #tpu.memory_space<vmem>>, vector<16xf32>,
    tpu.vector_store_idx %arg10[%get3A_266, %get3A_270], %get3A_281 masked %not3A_277 {add = true} : memref<128x256xf32, #tpu.memory_space<vmem>>[vector<16xi32>, vector<16xi32>], vector<16xf32>, vector<16xi1>
    %get3A_282 = arith.constant 256 : index
    %get3A_283 = tpu.vector_load %arg6[%get3A_282] {strides = array<i32>} : memref<512xi32, #tpu.memory_space<vmem>>, vector<16xi32>,
    %get3A_284 = arith.constant 1 : i32
    %get3A_285 = arith.index_cast %get3A_284 : i32 to index
    %get3A_286 = arith.constant 256 : index
    %get3A_287 = tpu.vector_load %arg5[%get3A_285, %get3A_286] {strides = array<i32>} : memref<2x512xi32, #tpu.memory_space<vmem>>, vector<16xi32>,
    %get3A_288 = arith.constant 256 : index
    %get3A_289 = tpu.vector_load %arg7[%get3A_288] {strides = array<i32>} : memref<512xi32, #tpu.memory_space<vmem>>, vector<16xi32>,
    %ge3A_290 = arith.constant 128 : i32
    %ge3A_291 = vector.broadcast %ge3A_290 : i32 to vector<16xi32>
    %ge3A_292 = arith.cmpi sge, %get3A_289, %ge3A_291 : vector<16xi32>
    %not3A_293 = arith.constant dense<true> : vector<16xi1>
    %not3A_294 = arith.xori %ge3A_292, %not3A_293 : vector<16xi1>
    %get3A_295 = arith.constant 0 : i32
    %get3A_296 = arith.index_cast %get3A_295 : i32 to index
    %get3A_297 = arith.constant 256 : index
    %get3A_298 = tpu.vector_load %arg8[%get3A_296, %get3A_297] {strides = array<i32>} : memref<32x512xf32, #tpu.memory_space<vmem>>, vector<16xf32>,
    tpu.vector_store_idx %arg10[%get3A_283, %get3A_287], %get3A_298 masked %not3A_294 {add = true} : memref<128x256xf32, #tpu.memory_space<vmem>>[vector<16xi32>, vector<16xi32>], vector<16xf32>, vector<16xi1>
    %get3A_299 = arith.constant 272 : index
    %get3A_300 = tpu.vector_load %arg6[%get3A_299] {strides = array<i32>} : memref<512xi32, #tpu.memory_space<vmem>>, vector<16xi32>,
    %get3A_301 = arith.constant 1 : i32
    %get3A_302 = arith.index_cast %get3A_301 : i32 to index
    %get3A_303 = arith.constant 272 : index
    %get3A_304 = tpu.vector_load %arg5[%get3A_302, %get3A_303] {strides = array<i32>} : memref<2x512xi32, #tpu.memory_space<vmem>>, vector<16xi32>,
    %get3A_305 = arith.constant 272 : index
    %get3A_306 = tpu.vector_load %arg7[%get3A_305] {strides = array<i32>} : memref<512xi32, #tpu.memory_space<vmem>>, vector<16xi32>,
    %ge3A_307 = arith.constant 128 : i32
    %ge3A_308 = vector.broadcast %ge3A_307 : i32 to vector<16xi32>
    %ge3A_309 = arith.cmpi sge, %get3A_306, %ge3A_308 : vector<16xi32>
    %not3A_310 = arith.constant dense<true> : vector<16xi1>
    %not3A_311 = arith.xori %ge3A_309, %not3A_310 : vector<16xi1>
    %get3A_312 = arith.constant 0 : i32
    %get3A_313 = arith.index_cast %get3A_312 : i32 to index
    %get3A_314 = arith.constant 272 : index
    %get3A_315 = tpu.vector_load %arg8[%get3A_313, %get3A_314] {strides = array<i32>} : memref<32x512xf32, #tpu.memory_space<vmem>>, vector<16xf32>,
    tpu.vector_store_idx %arg10[%get3A_300, %get3A_304], %get3A_315 masked %not3A_311 {add = true} : memref<128x256xf32, #tpu.memory_space<vmem>>[vector<16xi32>, vector<16xi32>], vector<16xf32>, vector<16xi1>
    %get3A_316 = arith.constant 288 : index
    %get3A_317 = tpu.vector_load %arg6[%get3A_316] {strides = array<i32>} : memref<512xi32, #tpu.memory_space<vmem>>, vector<16xi32>,
    %get3A_318 = arith.constant 1 : i32
    %get3A_319 = arith.index_cast %get3A_318 : i32 to index
    %get3A_320 = arith.constant 288 : index
    %get3A_321 = tpu.vector_load %arg5[%get3A_319, %get3A_320] {strides = array<i32>} : memref<2x512xi32, #tpu.memory_space<vmem>>, vector<16xi32>,
    %get3A_322 = arith.constant 288 : index
    %get3A_323 = tpu.vector_load %arg7[%get3A_322] {strides = array<i32>} : memref<512xi32, #tpu.memory_space<vmem>>, vector<16xi32>,
    %ge3A_324 = arith.constant 128 : i32
    %ge3A_325 = vector.broadcast %ge3A_324 : i32 to vector<16xi32>
    %ge3A_326 = arith.cmpi sge, %get3A_323, %ge3A_325 : vector<16xi32>
    %not3A_327 = arith.constant dense<true> : vector<16xi1>
    %not3A_328 = arith.xori %ge3A_326, %not3A_327 : vector<16xi1>
    %get3A_329 = arith.constant 0 : i32
    %get3A_330 = arith.index_cast %get3A_329 : i32 to index
    %get3A_331 = arith.constant 288 : index
    %get3A_332 = tpu.vector_load %arg8[%get3A_330, %get3A_331] {strides = array<i32>} : memref<32x512xf32, #tpu.memory_space<vmem>>, vector<16xf32>,
    tpu.vector_store_idx %arg10[%get3A_317, %get3A_321], %get3A_332 masked %not3A_328 {add = true} : memref<128x256xf32, #tpu.memory_space<vmem>>[vector<16xi32>, vector<16xi32>], vector<16xf32>, vector<16xi1>
    %get3A_333 = arith.constant 304 : index
    %get3A_334 = tpu.vector_load %arg6[%get3A_333] {strides = array<i32>} : memref<512xi32, #tpu.memory_space<vmem>>, vector<16xi32>,
    %get3A_335 = arith.constant 1 : i32
    %get3A_336 = arith.index_cast %get3A_335 : i32 to index
    %get3A_337 = arith.constant 304 : index
    %get3A_338 = tpu.vector_load %arg5[%get3A_336, %get3A_337] {strides = array<i32>} : memref<2x512xi32, #tpu.memory_space<vmem>>, vector<16xi32>,
    %get3A_339 = arith.constant 304 : index
    %get3A_340 = tpu.vector_load %arg7[%get3A_339] {strides = array<i32>} : memref<512xi32, #tpu.memory_space<vmem>>, vector<16xi32>,
    %ge3A_341 = arith.constant 128 : i32
    %ge3A_342 = vector.broadcast %ge3A_341 : i32 to vector<16xi32>
    %ge3A_343 = arith.cmpi sge, %get3A_340, %ge3A_342 : vector<16xi32>
    %not3A_344 = arith.constant dense<true> : vector<16xi1>
    %not3A_345 = arith.xori %ge3A_343, %not3A_344 : vector<16xi1>
    %get3A_346 = arith.constant 0 : i32
    %get3A_347 = arith.index_cast %get3A_346 : i32 to index
    %get3A_348 = arith.constant 304 : index
    %get3A_349 = tpu.vector_load %arg8[%get3A_347, %get3A_348] {strides = array<i32>} : memref<32x512xf32, #tpu.memory_space<vmem>>, vector<16xf32>,
    tpu.vector_store_idx %arg10[%get3A_334, %get3A_338], %get3A_349 masked %not3A_345 {add = true} : memref<128x256xf32, #tpu.memory_space<vmem>>[vector<16xi32>, vector<16xi32>], vector<16xf32>, vector<16xi1>
    %get3A_350 = arith.constant 320 : index
    %get3A_351 = tpu.vector_load %arg6[%get3A_350] {strides = array<i32>} : memref<512xi32, #tpu.memory_space<vmem>>, vector<16xi32>,
    %get3A_352 = arith.constant 1 : i32
    %get3A_353 = arith.index_cast %get3A_352 : i32 to index
    %get3A_354 = arith.constant 320 : index
    %get3A_355 = tpu.vector_load %arg5[%get3A_353, %get3A_354] {strides = array<i32>} : memref<2x512xi32, #tpu.memory_space<vmem>>, vector<16xi32>,
    %get3A_356 = arith.constant 320 : index
    %get3A_357 = tpu.vector_load %arg7[%get3A_356] {strides = array<i32>} : memref<512xi32, #tpu.memory_space<vmem>>, vector<16xi32>,
    %ge3A_358 = arith.constant 128 : i32
    %ge3A_359 = vector.broadcast %ge3A_358 : i32 to vector<16xi32>
    %ge3A_360 = arith.cmpi sge, %get3A_357, %ge3A_359 : vector<16xi32>
    %not3A_361 = arith.constant dense<true> : vector<16xi1>
    %not3A_362 = arith.xori %ge3A_360, %not3A_361 : vector<16xi1>
    %get3A_363 = arith.constant 0 : i32
    %get3A_364 = arith.index_cast %get3A_363 : i32 to index
    %get3A_365 = arith.constant 320 : index
    %get3A_366 = tpu.vector_load %arg8[%get3A_364, %get3A_365] {strides = array<i32>} : memref<32x512xf32, #tpu.memory_space<vmem>>, vector<16xf32>,
    tpu.vector_store_idx %arg10[%get3A_351, %get3A_355], %get3A_366 masked %not3A_362 {add = true} : memref<128x256xf32, #tpu.memory_space<vmem>>[vector<16xi32>, vector<16xi32>], vector<16xf32>, vector<16xi1>
    %get3A_367 = arith.constant 336 : index
    %get3A_368 = tpu.vector_load %arg6[%get3A_367] {strides = array<i32>} : memref<512xi32, #tpu.memory_space<vmem>>, vector<16xi32>,
    %get3A_369 = arith.constant 1 : i32
    %get3A_370 = arith.index_cast %get3A_369 : i32 to index
    %get3A_371 = arith.constant 336 : index
    %get3A_372 = tpu.vector_load %arg5[%get3A_370, %get3A_371] {strides = array<i32>} : memref<2x512xi32, #tpu.memory_space<vmem>>, vector<16xi32>,
    %get3A_373 = arith.constant 336 : index
    %get3A_374 = tpu.vector_load %arg7[%get3A_373] {strides = array<i32>} : memref<512xi32, #tpu.memory_space<vmem>>, vector<16xi32>,
    %ge3A_375 = arith.constant 128 : i32
    %ge3A_376 = vector.broadcast %ge3A_375 : i32 to vector<16xi32>
    %ge3A_377 = arith.cmpi sge, %get3A_374, %ge3A_376 : vector<16xi32>
    %not3A_378 = arith.constant dense<true> : vector<16xi1>
    %not3A_379 = arith.xori %ge3A_377, %not3A_378 : vector<16xi1>
    %get3A_380 = arith.constant 0 : i32
    %get3A_381 = arith.index_cast %get3A_380 : i32 to index
    %get3A_382 = arith.constant 336 : index
    %get3A_383 = tpu.vector_load %arg8[%get3A_381, %get3A_382] {strides = array<i32>} : memref<32x512xf32, #tpu.memory_space<vmem>>, vector<16xf32>,
    tpu.vector_store_idx %arg10[%get3A_368, %get3A_372], %get3A_383 masked %not3A_379 {add = true} : memref<128x256xf32, #tpu.memory_space<vmem>>[vector<16xi32>, vector<16xi32>], vector<16xf32>, vector<16xi1>
    %get3A_384 = arith.constant 352 : index
    %get3A_385 = tpu.vector_load %arg6[%get3A_384] {strides = array<i32>} : memref<512xi32, #tpu.memory_space<vmem>>, vector<16xi32>,
    %get3A_386 = arith.constant 1 : i32
    %get3A_387 = arith.index_cast %get3A_386 : i32 to index
    %get3A_388 = arith.constant 352 : index
    %get3A_389 = tpu.vector_load %arg5[%get3A_387, %get3A_388] {strides = array<i32>} : memref<2x512xi32, #tpu.memory_space<vmem>>, vector<16xi32>,
    %get3A_390 = arith.constant 352 : index
    %get3A_391 = tpu.vector_load %arg7[%get3A_390] {strides = array<i32>} : memref<512xi32, #tpu.memory_space<vmem>>, vector<16xi32>,
    %ge3A_392 = arith.constant 128 : i32
    %ge3A_393 = vector.broadcast %ge3A_392 : i32 to vector<16xi32>
    %ge3A_394 = arith.cmpi sge, %get3A_391, %ge3A_393 : vector<16xi32>
    %not3A_395 = arith.constant dense<true> : vector<16xi1>
    %not3A_396 = arith.xori %ge3A_394, %not3A_395 : vector<16xi1>
    %get3A_397 = arith.constant 0 : i32
    %get3A_398 = arith.index_cast %get3A_397 : i32 to index
    %get3A_399 = arith.constant 352 : index
    %get3A_400 = tpu.vector_load %arg8[%get3A_398, %get3A_399] {strides = array<i32>} : memref<32x512xf32, #tpu.memory_space<vmem>>, vector<16xf32>,
    tpu.vector_store_idx %arg10[%get3A_385, %get3A_389], %get3A_400 masked %not3A_396 {add = true} : memref<128x256xf32, #tpu.memory_space<vmem>>[vector<16xi32>, vector<16xi32>], vector<16xf32>, vector<16xi1>
    %get3A_401 = arith.constant 368 : index
    %get3A_402 = tpu.vector_load %arg6[%get3A_401] {strides = array<i32>} : memref<512xi32, #tpu.memory_space<vmem>>, vector<16xi32>,
    %get3A_403 = arith.constant 1 : i32
    %get3A_404 = arith.index_cast %get3A_403 : i32 to index
    %get3A_405 = arith.constant 368 : index
    %get3A_406 = tpu.vector_load %arg5[%get3A_404, %get3A_405] {strides = array<i32>} : memref<2x512xi32, #tpu.memory_space<vmem>>, vector<16xi32>,
    %get3A_407 = arith.constant 368 : index
    %get3A_408 = tpu.vector_load %arg7[%get3A_407] {strides = array<i32>} : memref<512xi32, #tpu.memory_space<vmem>>, vector<16xi32>,
    %ge3A_409 = arith.constant 128 : i32
    %ge3A_410 = vector.broadcast %ge3A_409 : i32 to vector<16xi32>
    %ge3A_411 = arith.cmpi sge, %get3A_408, %ge3A_410 : vector<16xi32>
    %not3A_412 = arith.constant dense<true> : vector<16xi1>
    %not3A_413 = arith.xori %ge3A_411, %not3A_412 : vector<16xi1>
    %get3A_414 = arith.constant 0 : i32
    %get3A_415 = arith.index_cast %get3A_414 : i32 to index
    %get3A_416 = arith.constant 368 : index
    %get3A_417 = tpu.vector_load %arg8[%get3A_415, %get3A_416] {strides = array<i32>} : memref<32x512xf32, #tpu.memory_space<vmem>>, vector<16xf32>,
    tpu.vector_store_idx %arg10[%get3A_402, %get3A_406], %get3A_417 masked %not3A_413 {add = true} : memref<128x256xf32, #tpu.memory_space<vmem>>[vector<16xi32>, vector<16xi32>], vector<16xf32>, vector<16xi1>
    %get3A_418 = arith.constant 384 : index
    %get3A_419 = tpu.vector_load %arg6[%get3A_418] {strides = array<i32>} : memref<512xi32, #tpu.memory_space<vmem>>, vector<16xi32>,
    %get3A_420 = arith.constant 1 : i32
    %get3A_421 = arith.index_cast %get3A_420 : i32 to index
    %get3A_422 = arith.constant 384 : index
    %get3A_423 = tpu.vector_load %arg5[%get3A_421, %get3A_422] {strides = array<i32>} : memref<2x512xi32, #tpu.memory_space<vmem>>, vector<16xi32>,
    %get3A_424 = arith.constant 384 : index
    %get3A_425 = tpu.vector_load %arg7[%get3A_424] {strides = array<i32>} : memref<512xi32, #tpu.memory_space<vmem>>, vector<16xi32>,
    %ge3A_426 = arith.constant 128 : i32
    %ge3A_427 = vector.broadcast %ge3A_426 : i32 to vector<16xi32>
    %ge3A_428 = arith.cmpi sge, %get3A_425, %ge3A_427 : vector<16xi32>
    %not3A_429 = arith.constant dense<true> : vector<16xi1>
    %not3A_430 = arith.xori %ge3A_428, %not3A_429 : vector<16xi1>
    %get3A_431 = arith.constant 0 : i32
    %get3A_432 = arith.index_cast %get3A_431 : i32 to index
    %get3A_433 = arith.constant 384 : index
    %get3A_434 = tpu.vector_load %arg8[%get3A_432, %get3A_433] {strides = array<i32>} : memref<32x512xf32, #tpu.memory_space<vmem>>, vector<16xf32>,
    tpu.vector_store_idx %arg10[%get3A_419, %get3A_423], %get3A_434 masked %not3A_430 {add = true} : memref<128x256xf32, #tpu.memory_space<vmem>>[vector<16xi32>, vector<16xi32>], vector<16xf32>, vector<16xi1>
    %get3A_435 = arith.constant 400 : index
    %get3A_436 = tpu.vector_load %arg6[%get3A_435] {strides = array<i32>} : memref<512xi32, #tpu.memory_space<vmem>>, vector<16xi32>,
    %get3A_437 = arith.constant 1 : i32
    %get3A_438 = arith.index_cast %get3A_437 : i32 to index
    %get3A_439 = arith.constant 400 : index
    %get3A_440 = tpu.vector_load %arg5[%get3A_438, %get3A_439] {strides = array<i32>} : memref<2x512xi32, #tpu.memory_space<vmem>>, vector<16xi32>,
    %get3A_441 = arith.constant 400 : index
    %get3A_442 = tpu.vector_load %arg7[%get3A_441] {strides = array<i32>} : memref<512xi32, #tpu.memory_space<vmem>>, vector<16xi32>,
    %ge3A_443 = arith.constant 128 : i32
    %ge3A_444 = vector.broadcast %ge3A_443 : i32 to vector<16xi32>
    %ge3A_445 = arith.cmpi sge, %get3A_442, %ge3A_444 : vector<16xi32>
    %not3A_446 = arith.constant dense<true> : vector<16xi1>
    %not3A_447 = arith.xori %ge3A_445, %not3A_446 : vector<16xi1>
    %get3A_448 = arith.constant 0 : i32
    %get3A_449 = arith.index_cast %get3A_448 : i32 to index
    %get3A_450 = arith.constant 400 : index
    %get3A_451 = tpu.vector_load %arg8[%get3A_449, %get3A_450] {strides = array<i32>} : memref<32x512xf32, #tpu.memory_space<vmem>>, vector<16xf32>,
    tpu.vector_store_idx %arg10[%get3A_436, %get3A_440], %get3A_451 masked %not3A_447 {add = true} : memref<128x256xf32, #tpu.memory_space<vmem>>[vector<16xi32>, vector<16xi32>], vector<16xf32>, vector<16xi1>
    %get3A_452 = arith.constant 416 : index
    %get3A_453 = tpu.vector_load %arg6[%get3A_452] {strides = array<i32>} : memref<512xi32, #tpu.memory_space<vmem>>, vector<16xi32>,
    %get3A_454 = arith.constant 1 : i32
    %get3A_455 = arith.index_cast %get3A_454 : i32 to index
    %get3A_456 = arith.constant 416 : index
    %get3A_457 = tpu.vector_load %arg5[%get3A_455, %get3A_456] {strides = array<i32>} : memref<2x512xi32, #tpu.memory_space<vmem>>, vector<16xi32>,
    %get3A_458 = arith.constant 416 : index
    %get3A_459 = tpu.vector_load %arg7[%get3A_458] {strides = array<i32>} : memref<512xi32, #tpu.memory_space<vmem>>, vector<16xi32>,
    %ge3A_460 = arith.constant 128 : i32
    %ge3A_461 = vector.broadcast %ge3A_460 : i32 to vector<16xi32>
    %ge3A_462 = arith.cmpi sge, %get3A_459, %ge3A_461 : vector<16xi32>
    %not3A_463 = arith.constant dense<true> : vector<16xi1>
    %not3A_464 = arith.xori %ge3A_462, %not3A_463 : vector<16xi1>
    %get3A_465 = arith.constant 0 : i32
    %get3A_466 = arith.index_cast %get3A_465 : i32 to index
    %get3A_467 = arith.constant 416 : index
    %get3A_468 = tpu.vector_load %arg8[%get3A_466, %get3A_467] {strides = array<i32>} : memref<32x512xf32, #tpu.memory_space<vmem>>, vector<16xf32>,
    tpu.vector_store_idx %arg10[%get3A_453, %get3A_457], %get3A_468 masked %not3A_464 {add = true} : memref<128x256xf32, #tpu.memory_space<vmem>>[vector<16xi32>, vector<16xi32>], vector<16xf32>, vector<16xi1>
    %get3A_469 = arith.constant 432 : index
    %get3A_470 = tpu.vector_load %arg6[%get3A_469] {strides = array<i32>} : memref<512xi32, #tpu.memory_space<vmem>>, vector<16xi32>,
    %get3A_471 = arith.constant 1 : i32
    %get3A_472 = arith.index_cast %get3A_471 : i32 to index
    %get3A_473 = arith.constant 432 : index
    %get3A_474 = tpu.vector_load %arg5[%get3A_472, %get3A_473] {strides = array<i32>} : memref<2x512xi32, #tpu.memory_space<vmem>>, vector<16xi32>,
    %get3A_475 = arith.constant 432 : index
    %get3A_476 = tpu.vector_load %arg7[%get3A_475] {strides = array<i32>} : memref<512xi32, #tpu.memory_space<vmem>>, vector<16xi32>,
    %ge3A_477 = arith.constant 128 : i32
    %ge3A_478 = vector.broadcast %ge3A_477 : i32 to vector<16xi32>
    %ge3A_479 = arith.cmpi sge, %get3A_476, %ge3A_478 : vector<16xi32>
    %not3A_480 = arith.constant dense<true> : vector<16xi1>
    %not3A_481 = arith.xori %ge3A_479, %not3A_480 : vector<16xi1>
    %get3A_482 = arith.constant 0 : i32
    %get3A_483 = arith.index_cast %get3A_482 : i32 to index
    %get3A_484 = arith.constant 432 : index
    %get3A_485 = tpu.vector_load %arg8[%get3A_483, %get3A_484] {strides = array<i32>} : memref<32x512xf32, #tpu.memory_space<vmem>>, vector<16xf32>,
    tpu.vector_store_idx %arg10[%get3A_470, %get3A_474], %get3A_485 masked %not3A_481 {add = true} : memref<128x256xf32, #tpu.memory_space<vmem>>[vector<16xi32>, vector<16xi32>], vector<16xf32>, vector<16xi1>
    %get3A_486 = arith.constant 448 : index
    %get3A_487 = tpu.vector_load %arg6[%get3A_486] {strides = array<i32>} : memref<512xi32, #tpu.memory_space<vmem>>, vector<16xi32>,
    %get3A_488 = arith.constant 1 : i32
    %get3A_489 = arith.index_cast %get3A_488 : i32 to index
    %get3A_490 = arith.constant 448 : index
    %get3A_491 = tpu.vector_load %arg5[%get3A_489, %get3A_490] {strides = array<i32>} : memref<2x512xi32, #tpu.memory_space<vmem>>, vector<16xi32>,
    %get3A_492 = arith.constant 448 : index
    %get3A_493 = tpu.vector_load %arg7[%get3A_492] {strides = array<i32>} : memref<512xi32, #tpu.memory_space<vmem>>, vector<16xi32>,
    %ge3A_494 = arith.constant 128 : i32
    %ge3A_495 = vector.broadcast %ge3A_494 : i32 to vector<16xi32>
    %ge3A_496 = arith.cmpi sge, %get3A_493, %ge3A_495 : vector<16xi32>
    %not3A_497 = arith.constant dense<true> : vector<16xi1>
    %not3A_498 = arith.xori %ge3A_496, %not3A_497 : vector<16xi1>
    %get3A_499 = arith.constant 0 : i32
    %get3A_500 = arith.index_cast %get3A_499 : i32 to index
    %get3A_501 = arith.constant 448 : index
    %get3A_502 = tpu.vector_load %arg8[%get3A_500, %get3A_501] {strides = array<i32>} : memref<32x512xf32, #tpu.memory_space<vmem>>, vector<16xf32>,
    tpu.vector_store_idx %arg10[%get3A_487, %get3A_491], %get3A_502 masked %not3A_498 {add = true} : memref<128x256xf32, #tpu.memory_space<vmem>>[vector<16xi32>, vector<16xi32>], vector<16xf32>, vector<16xi1>
    %get3A_503 = arith.constant 464 : index
    %get3A_504 = tpu.vector_load %arg6[%get3A_503] {strides = array<i32>} : memref<512xi32, #tpu.memory_space<vmem>>, vector<16xi32>,
    %get3A_505 = arith.constant 1 : i32
    %get3A_506 = arith.index_cast %get3A_505 : i32 to index
    %get3A_507 = arith.constant 464 : index
    %get3A_508 = tpu.vector_load %arg5[%get3A_506, %get3A_507] {strides = array<i32>} : memref<2x512xi32, #tpu.memory_space<vmem>>, vector<16xi32>,
    %get3A_509 = arith.constant 464 : index
    %get3A_510 = tpu.vector_load %arg7[%get3A_509] {strides = array<i32>} : memref<512xi32, #tpu.memory_space<vmem>>, vector<16xi32>,
    %ge3A_511 = arith.constant 128 : i32
    %ge3A_512 = vector.broadcast %ge3A_511 : i32 to vector<16xi32>
    %ge3A_513 = arith.cmpi sge, %get3A_510, %ge3A_512 : vector<16xi32>
    %not3A_514 = arith.constant dense<true> : vector<16xi1>
    %not3A_515 = arith.xori %ge3A_513, %not3A_514 : vector<16xi1>
    %get3A_516 = arith.constant 0 : i32
    %get3A_517 = arith.index_cast %get3A_516 : i32 to index
    %get3A_518 = arith.constant 464 : index
    %get3A_519 = tpu.vector_load %arg8[%get3A_517, %get3A_518] {strides = array<i32>} : memref<32x512xf32, #tpu.memory_space<vmem>>, vector<16xf32>,
    tpu.vector_store_idx %arg10[%get3A_504, %get3A_508], %get3A_519 masked %not3A_515 {add = true} : memref<128x256xf32, #tpu.memory_space<vmem>>[vector<16xi32>, vector<16xi32>], vector<16xf32>, vector<16xi1>
    %get3A_520 = arith.constant 480 : index
    %get3A_521 = tpu.vector_load %arg6[%get3A_520] {strides = array<i32>} : memref<512xi32, #tpu.memory_space<vmem>>, vector<16xi32>,
    %get3A_522 = arith.constant 1 : i32
    %get3A_523 = arith.index_cast %get3A_522 : i32 to index
    %get3A_524 = arith.constant 480 : index
    %get3A_525 = tpu.vector_load %arg5[%get3A_523, %get3A_524] {strides = array<i32>} : memref<2x512xi32, #tpu.memory_space<vmem>>, vector<16xi32>,
    %get3A_526 = arith.constant 480 : index
    %get3A_527 = tpu.vector_load %arg7[%get3A_526] {strides = array<i32>} : memref<512xi32, #tpu.memory_space<vmem>>, vector<16xi32>,
    %ge3A_528 = arith.constant 128 : i32
    %ge3A_529 = vector.broadcast %ge3A_528 : i32 to vector<16xi32>
    %ge3A_530 = arith.cmpi sge, %get3A_527, %ge3A_529 : vector<16xi32>
    %not3A_531 = arith.constant dense<true> : vector<16xi1>
    %not3A_532 = arith.xori %ge3A_530, %not3A_531 : vector<16xi1>
    %get3A_533 = arith.constant 0 : i32
    %get3A_534 = arith.index_cast %get3A_533 : i32 to index
    %get3A_535 = arith.constant 480 : index
    %get3A_536 = tpu.vector_load %arg8[%get3A_534, %get3A_535] {strides = array<i32>} : memref<32x512xf32, #tpu.memory_space<vmem>>, vector<16xf32>,
    tpu.vector_store_idx %arg10[%get3A_521, %get3A_525], %get3A_536 masked %not3A_532 {add = true} : memref<128x256xf32, #tpu.memory_space<vmem>>[vector<16xi32>, vector<16xi32>], vector<16xf32>, vector<16xi1>
    %get3A_537 = arith.constant 496 : index
    %get3A_538 = tpu.vector_load %arg6[%get3A_537] {strides = array<i32>} : memref<512xi32, #tpu.memory_space<vmem>>, vector<16xi32>,
    %get3A_539 = arith.constant 1 : i32
    %get3A_540 = arith.index_cast %get3A_539 : i32 to index
    %get3A_541 = arith.constant 496 : index
    %get3A_542 = tpu.vector_load %arg5[%get3A_540, %get3A_541] {strides = array<i32>} : memref<2x512xi32, #tpu.memory_space<vmem>>, vector<16xi32>,
    %get3A_543 = arith.constant 496 : index
    %get3A_544 = tpu.vector_load %arg7[%get3A_543] {strides = array<i32>} : memref<512xi32, #tpu.memory_space<vmem>>, vector<16xi32>,
    %ge3A_545 = arith.constant 128 : i32
    %ge3A_546 = vector.broadcast %ge3A_545 : i32 to vector<16xi32>
    %ge3A_547 = arith.cmpi sge, %get3A_544, %ge3A_546 : vector<16xi32>
    %not3A_548 = arith.constant dense<true> : vector<16xi1>
    %not3A_549 = arith.xori %ge3A_547, %not3A_548 : vector<16xi1>
    %get3A_550 = arith.constant 0 : i32
    %get3A_551 = arith.index_cast %get3A_550 : i32 to index
    %get3A_552 = arith.constant 496 : index
    %get3A_553 = tpu.vector_load %arg8[%get3A_551, %get3A_552] {strides = array<i32>} : memref<32x512xf32, #tpu.memory_space<vmem>>, vector<16xf32>,
    tpu.vector_store_idx %arg10[%get3A_538, %get3A_542], %get3A_553 masked %not3A_549 {add = true} : memref<128x256xf32, #tpu.memory_space<vmem>>[vector<16xi32>, vector<16xi32>], vector<16xf32>, vector<16xi1>
    %dma_start3A = arith.constant 0 : i32
    %dma_start3A_554 = arith.constant 0 : i32
    %dma_start3A_555 = arith.constant 0 : i32
    %dma_start3A_556 = tpu.memref_slice %arg4[%add3A, %dma_start3A, %dma_start3A_554, %dma_start3A_555] : memref<32x32x256x256xf32, #tpu.memory_space<hbm>> -> memref<1x1x128x256xf32, #tpu.memory_space<hbm>>
    %dma_start3A_557 = tpu.memref_squeeze %dma_start3A_556 : memref<1x1x128x256xf32, #tpu.memory_space<hbm>> -> memref<128x256xf32, #tpu.memory_space<hbm>>
    %dma_start3A_558 = arith.constant 0 : i32
    %dma_start3A_559 = arith.constant 0 : i32
    %dma_start3A_560 = tpu.memref_slice %arg4[%add3A, %dma_start3A, %dma_start3A_558, %dma_start3A_559] : memref<32x32x256x256xf32, #tpu.memory_space<hbm>> -> memref<1x1x128x256xf32, #tpu.memory_space<hbm>>
    %dma_start3A_561 = tpu.memref_squeeze %dma_start3A_560 : memref<1x1x128x256xf32, #tpu.memory_space<hbm>> -> memref<128x256xf32, #tpu.memory_space<hbm>>
    tpu.enqueue_dma source(%arg10 : memref<128x256xf32, #tpu.memory_space<vmem>>) target(%dma_start3A_561 : memref<128x256xf32, #tpu.memory_space<hbm>>) target_semaphore(%arg12 : memref<!tpu.dma_semaphore, #tpu.memory_space<semaphore_mem>>)
    %scan3A_562 = arith.constant 0 : i32
    %scan3A_563 = arith.constant 0 : i32
    %scan3A_564 = arith.constant 128 : i32
    %scan3A_565 = arith.addi %scan3A_563, %scan3A_564 : i32
    %scan3A_566 = arith.constant 1 : i32
    scf.for %scan3A_1086 = %scan3A_563 to %scan3A_565 step %scan3A_566  : i32 {
      %swap3A = arith.index_cast %scan3A_1086 : i32 to index
      %swap3A_1087 = arith.constant 0 : index
      %swap3A_1088 = tpu.vector_load %arg11[%swap3A, %swap3A_1087] {strides = array<i32>} : memref<128x256xf32, #tpu.memory_space<vmem>>, vector<16xf32>,
      tpu.vector_store %arg11[%swap3A, %swap3A_1087], %broadcast_in_dim3A_1 {strides = array<i32>} : memref<128x256xf32, #tpu.memory_space<vmem>>, vector<16xf32>,
      %swap3A_1089 = arith.index_cast %scan3A_1086 : i32 to index
      %swap3A_1090 = arith.constant 16 : index
      %swap3A_1091 = tpu.vector_load %arg11[%swap3A_1089, %swap3A_1090] {strides = array<i32>} : memref<128x256xf32, #tpu.memory_space<vmem>>, vector<16xf32>,
      tpu.vector_store %arg11[%swap3A_1089, %swap3A_1090], %broadcast_in_dim3A_1 {strides = array<i32>} : memref<128x256xf32, #tpu.memory_space<vmem>>, vector<16xf32>,
      %swap3A_1092 = arith.index_cast %scan3A_1086 : i32 to index
      %swap3A_1093 = arith.constant 32 : index
      %swap3A_1094 = tpu.vector_load %arg11[%swap3A_1092, %swap3A_1093] {strides = array<i32>} : memref<128x256xf32, #tpu.memory_space<vmem>>, vector<16xf32>,
      tpu.vector_store %arg11[%swap3A_1092, %swap3A_1093], %broadcast_in_dim3A_1 {strides = array<i32>} : memref<128x256xf32, #tpu.memory_space<vmem>>, vector<16xf32>,
      %swap3A_1095 = arith.index_cast %scan3A_1086 : i32 to index
      %swap3A_1096 = arith.constant 48 : index
      %swap3A_1097 = tpu.vector_load %arg11[%swap3A_1095, %swap3A_1096] {strides = array<i32>} : memref<128x256xf32, #tpu.memory_space<vmem>>, vector<16xf32>,
      tpu.vector_store %arg11[%swap3A_1095, %swap3A_1096], %broadcast_in_dim3A_1 {strides = array<i32>} : memref<128x256xf32, #tpu.memory_space<vmem>>, vector<16xf32>,
      %swap3A_1098 = arith.index_cast %scan3A_1086 : i32 to index
      %swap3A_1099 = arith.constant 64 : index
      %swap3A_1100 = tpu.vector_load %arg11[%swap3A_1098, %swap3A_1099] {strides = array<i32>} : memref<128x256xf32, #tpu.memory_space<vmem>>, vector<16xf32>,
      tpu.vector_store %arg11[%swap3A_1098, %swap3A_1099], %broadcast_in_dim3A_1 {strides = array<i32>} : memref<128x256xf32, #tpu.memory_space<vmem>>, vector<16xf32>,
      %swap3A_1101 = arith.index_cast %scan3A_1086 : i32 to index
      %swap3A_1102 = arith.constant 80 : index
      %swap3A_1103 = tpu.vector_load %arg11[%swap3A_1101, %swap3A_1102] {strides = array<i32>} : memref<128x256xf32, #tpu.memory_space<vmem>>, vector<16xf32>,
      tpu.vector_store %arg11[%swap3A_1101, %swap3A_1102], %broadcast_in_dim3A_1 {strides = array<i32>} : memref<128x256xf32, #tpu.memory_space<vmem>>, vector<16xf32>,
      %swap3A_1104 = arith.index_cast %scan3A_1086 : i32 to index
      %swap3A_1105 = arith.constant 96 : index
      %swap3A_1106 = tpu.vector_load %arg11[%swap3A_1104, %swap3A_1105] {strides = array<i32>} : memref<128x256xf32, #tpu.memory_space<vmem>>, vector<16xf32>,
      tpu.vector_store %arg11[%swap3A_1104, %swap3A_1105], %broadcast_in_dim3A_1 {strides = array<i32>} : memref<128x256xf32, #tpu.memory_space<vmem>>, vector<16xf32>,
      %swap3A_1107 = arith.index_cast %scan3A_1086 : i32 to index
      %swap3A_1108 = arith.constant 112 : index
      %swap3A_1109 = tpu.vector_load %arg11[%swap3A_1107, %swap3A_1108] {strides = array<i32>} : memref<128x256xf32, #tpu.memory_space<vmem>>, vector<16xf32>,
      tpu.vector_store %arg11[%swap3A_1107, %swap3A_1108], %broadcast_in_dim3A_1 {strides = array<i32>} : memref<128x256xf32, #tpu.memory_space<vmem>>, vector<16xf32>,
      %swap3A_1110 = arith.index_cast %scan3A_1086 : i32 to index
      %swap3A_1111 = arith.constant 128 : index
      %swap3A_1112 = tpu.vector_load %arg11[%swap3A_1110, %swap3A_1111] {strides = array<i32>} : memref<128x256xf32, #tpu.memory_space<vmem>>, vector<16xf32>,
      tpu.vector_store %arg11[%swap3A_1110, %swap3A_1111], %broadcast_in_dim3A_1 {strides = array<i32>} : memref<128x256xf32, #tpu.memory_space<vmem>>, vector<16xf32>,
      %swap3A_1113 = arith.index_cast %scan3A_1086 : i32 to index
      %swap3A_1114 = arith.constant 144 : index
      %swap3A_1115 = tpu.vector_load %arg11[%swap3A_1113, %swap3A_1114] {strides = array<i32>} : memref<128x256xf32, #tpu.memory_space<vmem>>, vector<16xf32>,
      tpu.vector_store %arg11[%swap3A_1113, %swap3A_1114], %broadcast_in_dim3A_1 {strides = array<i32>} : memref<128x256xf32, #tpu.memory_space<vmem>>, vector<16xf32>,
      %swap3A_1116 = arith.index_cast %scan3A_1086 : i32 to index
      %swap3A_1117 = arith.constant 160 : index
      %swap3A_1118 = tpu.vector_load %arg11[%swap3A_1116, %swap3A_1117] {strides = array<i32>} : memref<128x256xf32, #tpu.memory_space<vmem>>, vector<16xf32>,
      tpu.vector_store %arg11[%swap3A_1116, %swap3A_1117], %broadcast_in_dim3A_1 {strides = array<i32>} : memref<128x256xf32, #tpu.memory_space<vmem>>, vector<16xf32>,
      %swap3A_1119 = arith.index_cast %scan3A_1086 : i32 to index
      %swap3A_1120 = arith.constant 176 : index
      %swap3A_1121 = tpu.vector_load %arg11[%swap3A_1119, %swap3A_1120] {strides = array<i32>} : memref<128x256xf32, #tpu.memory_space<vmem>>, vector<16xf32>,
      tpu.vector_store %arg11[%swap3A_1119, %swap3A_1120], %broadcast_in_dim3A_1 {strides = array<i32>} : memref<128x256xf32, #tpu.memory_space<vmem>>, vector<16xf32>,
      %swap3A_1122 = arith.index_cast %scan3A_1086 : i32 to index
      %swap3A_1123 = arith.constant 192 : index
      %swap3A_1124 = tpu.vector_load %arg11[%swap3A_1122, %swap3A_1123] {strides = array<i32>} : memref<128x256xf32, #tpu.memory_space<vmem>>, vector<16xf32>,
      tpu.vector_store %arg11[%swap3A_1122, %swap3A_1123], %broadcast_in_dim3A_1 {strides = array<i32>} : memref<128x256xf32, #tpu.memory_space<vmem>>, vector<16xf32>,
      %swap3A_1125 = arith.index_cast %scan3A_1086 : i32 to index
      %swap3A_1126 = arith.constant 208 : index
      %swap3A_1127 = tpu.vector_load %arg11[%swap3A_1125, %swap3A_1126] {strides = array<i32>} : memref<128x256xf32, #tpu.memory_space<vmem>>, vector<16xf32>,
      tpu.vector_store %arg11[%swap3A_1125, %swap3A_1126], %broadcast_in_dim3A_1 {strides = array<i32>} : memref<128x256xf32, #tpu.memory_space<vmem>>, vector<16xf32>,
      %swap3A_1128 = arith.index_cast %scan3A_1086 : i32 to index
      %swap3A_1129 = arith.constant 224 : index
      %swap3A_1130 = tpu.vector_load %arg11[%swap3A_1128, %swap3A_1129] {strides = array<i32>} : memref<128x256xf32, #tpu.memory_space<vmem>>, vector<16xf32>,
      tpu.vector_store %arg11[%swap3A_1128, %swap3A_1129], %broadcast_in_dim3A_1 {strides = array<i32>} : memref<128x256xf32, #tpu.memory_space<vmem>>, vector<16xf32>,
      %swap3A_1131 = arith.index_cast %scan3A_1086 : i32 to index
      %swap3A_1132 = arith.constant 240 : index
      %swap3A_1133 = tpu.vector_load %arg11[%swap3A_1131, %swap3A_1132] {strides = array<i32>} : memref<128x256xf32, #tpu.memory_space<vmem>>, vector<16xf32>,
      tpu.vector_store %arg11[%swap3A_1131, %swap3A_1132], %broadcast_in_dim3A_1 {strides = array<i32>} : memref<128x256xf32, #tpu.memory_space<vmem>>, vector<16xf32>,
    }
    %scan3A_567 = arith.constant 128 : i32
    %get3A_568 = arith.constant 0 : index
    %get3A_569 = tpu.vector_load %arg6[%get3A_568] {strides = array<i32>} : memref<512xi32, #tpu.memory_space<vmem>>, vector<16xi32>,
    %get3A_570 = arith.constant 1 : i32
    %get3A_571 = arith.index_cast %get3A_570 : i32 to index
    %get3A_572 = arith.constant 0 : index
    %get3A_573 = tpu.vector_load %arg5[%get3A_571, %get3A_572] {strides = array<i32>} : memref<2x512xi32, #tpu.memory_space<vmem>>, vector<16xi32>,
    %get3A_574 = arith.constant 0 : index
    %get3A_575 = tpu.vector_load %arg7[%get3A_574] {strides = array<i32>} : memref<512xi32, #tpu.memory_space<vmem>>, vector<16xi32>,
    %ge3A_576 = arith.constant 128 : i32
    %ge3A_577 = vector.broadcast %ge3A_576 : i32 to vector<16xi32>
    %ge3A_578 = arith.cmpi sge, %get3A_575, %ge3A_577 : vector<16xi32>
    %get3A_579 = arith.constant 0 : i32
    %get3A_580 = arith.index_cast %get3A_579 : i32 to index
    %get3A_581 = arith.constant 0 : index
    %get3A_582 = tpu.vector_load %arg8[%get3A_580, %get3A_581] {strides = array<i32>} : memref<32x512xf32, #tpu.memory_space<vmem>>, vector<16xf32>,
    tpu.vector_store_idx %arg11[%get3A_569, %get3A_573], %get3A_582 masked %ge3A_578 {add = true} : memref<128x256xf32, #tpu.memory_space<vmem>>[vector<16xi32>, vector<16xi32>], vector<16xf32>, vector<16xi1>
    %get3A_583 = arith.constant 16 : index
    %get3A_584 = tpu.vector_load %arg6[%get3A_583] {strides = array<i32>} : memref<512xi32, #tpu.memory_space<vmem>>, vector<16xi32>,
    %get3A_585 = arith.constant 1 : i32
    %get3A_586 = arith.index_cast %get3A_585 : i32 to index
    %get3A_587 = arith.constant 16 : index
    %get3A_588 = tpu.vector_load %arg5[%get3A_586, %get3A_587] {strides = array<i32>} : memref<2x512xi32, #tpu.memory_space<vmem>>, vector<16xi32>,
    %get3A_589 = arith.constant 16 : index
    %get3A_590 = tpu.vector_load %arg7[%get3A_589] {strides = array<i32>} : memref<512xi32, #tpu.memory_space<vmem>>, vector<16xi32>,
    %ge3A_591 = arith.constant 128 : i32
    %ge3A_592 = vector.broadcast %ge3A_591 : i32 to vector<16xi32>
    %ge3A_593 = arith.cmpi sge, %get3A_590, %ge3A_592 : vector<16xi32>
    %get3A_594 = arith.constant 0 : i32
    %get3A_595 = arith.index_cast %get3A_594 : i32 to index
    %get3A_596 = arith.constant 16 : index
    %get3A_597 = tpu.vector_load %arg8[%get3A_595, %get3A_596] {strides = array<i32>} : memref<32x512xf32, #tpu.memory_space<vmem>>, vector<16xf32>,
    tpu.vector_store_idx %arg11[%get3A_584, %get3A_588], %get3A_597 masked %ge3A_593 {add = true} : memref<128x256xf32, #tpu.memory_space<vmem>>[vector<16xi32>, vector<16xi32>], vector<16xf32>, vector<16xi1>
    %get3A_598 = arith.constant 32 : index
    %get3A_599 = tpu.vector_load %arg6[%get3A_598] {strides = array<i32>} : memref<512xi32, #tpu.memory_space<vmem>>, vector<16xi32>,
    %get3A_600 = arith.constant 1 : i32
    %get3A_601 = arith.index_cast %get3A_600 : i32 to index
    %get3A_602 = arith.constant 32 : index
    %get3A_603 = tpu.vector_load %arg5[%get3A_601, %get3A_602] {strides = array<i32>} : memref<2x512xi32, #tpu.memory_space<vmem>>, vector<16xi32>,
    %get3A_604 = arith.constant 32 : index
    %get3A_605 = tpu.vector_load %arg7[%get3A_604] {strides = array<i32>} : memref<512xi32, #tpu.memory_space<vmem>>, vector<16xi32>,
    %ge3A_606 = arith.constant 128 : i32
    %ge3A_607 = vector.broadcast %ge3A_606 : i32 to vector<16xi32>
    %ge3A_608 = arith.cmpi sge, %get3A_605, %ge3A_607 : vector<16xi32>
    %get3A_609 = arith.constant 0 : i32
    %get3A_610 = arith.index_cast %get3A_609 : i32 to index
    %get3A_611 = arith.constant 32 : index
    %get3A_612 = tpu.vector_load %arg8[%get3A_610, %get3A_611] {strides = array<i32>} : memref<32x512xf32, #tpu.memory_space<vmem>>, vector<16xf32>,
    tpu.vector_store_idx %arg11[%get3A_599, %get3A_603], %get3A_612 masked %ge3A_608 {add = true} : memref<128x256xf32, #tpu.memory_space<vmem>>[vector<16xi32>, vector<16xi32>], vector<16xf32>, vector<16xi1>
    %get3A_613 = arith.constant 48 : index
    %get3A_614 = tpu.vector_load %arg6[%get3A_613] {strides = array<i32>} : memref<512xi32, #tpu.memory_space<vmem>>, vector<16xi32>,
    %get3A_615 = arith.constant 1 : i32
    %get3A_616 = arith.index_cast %get3A_615 : i32 to index
    %get3A_617 = arith.constant 48 : index
    %get3A_618 = tpu.vector_load %arg5[%get3A_616, %get3A_617] {strides = array<i32>} : memref<2x512xi32, #tpu.memory_space<vmem>>, vector<16xi32>,
    %get3A_619 = arith.constant 48 : index
    %get3A_620 = tpu.vector_load %arg7[%get3A_619] {strides = array<i32>} : memref<512xi32, #tpu.memory_space<vmem>>, vector<16xi32>,
    %ge3A_621 = arith.constant 128 : i32
    %ge3A_622 = vector.broadcast %ge3A_621 : i32 to vector<16xi32>
    %ge3A_623 = arith.cmpi sge, %get3A_620, %ge3A_622 : vector<16xi32>
    %get3A_624 = arith.constant 0 : i32
    %get3A_625 = arith.index_cast %get3A_624 : i32 to index
    %get3A_626 = arith.constant 48 : index
    %get3A_627 = tpu.vector_load %arg8[%get3A_625, %get3A_626] {strides = array<i32>} : memref<32x512xf32, #tpu.memory_space<vmem>>, vector<16xf32>,
    tpu.vector_store_idx %arg11[%get3A_614, %get3A_618], %get3A_627 masked %ge3A_623 {add = true} : memref<128x256xf32, #tpu.memory_space<vmem>>[vector<16xi32>, vector<16xi32>], vector<16xf32>, vector<16xi1>
    %get3A_628 = arith.constant 64 : index
    %get3A_629 = tpu.vector_load %arg6[%get3A_628] {strides = array<i32>} : memref<512xi32, #tpu.memory_space<vmem>>, vector<16xi32>,
    %get3A_630 = arith.constant 1 : i32
    %get3A_631 = arith.index_cast %get3A_630 : i32 to index
    %get3A_632 = arith.constant 64 : index
    %get3A_633 = tpu.vector_load %arg5[%get3A_631, %get3A_632] {strides = array<i32>} : memref<2x512xi32, #tpu.memory_space<vmem>>, vector<16xi32>,
    %get3A_634 = arith.constant 64 : index
    %get3A_635 = tpu.vector_load %arg7[%get3A_634] {strides = array<i32>} : memref<512xi32, #tpu.memory_space<vmem>>, vector<16xi32>,
    %ge3A_636 = arith.constant 128 : i32
    %ge3A_637 = vector.broadcast %ge3A_636 : i32 to vector<16xi32>
    %ge3A_638 = arith.cmpi sge, %get3A_635, %ge3A_637 : vector<16xi32>
    %get3A_639 = arith.constant 0 : i32
    %get3A_640 = arith.index_cast %get3A_639 : i32 to index
    %get3A_641 = arith.constant 64 : index
    %get3A_642 = tpu.vector_load %arg8[%get3A_640, %get3A_641] {strides = array<i32>} : memref<32x512xf32, #tpu.memory_space<vmem>>, vector<16xf32>,
    tpu.vector_store_idx %arg11[%get3A_629, %get3A_633], %get3A_642 masked %ge3A_638 {add = true} : memref<128x256xf32, #tpu.memory_space<vmem>>[vector<16xi32>, vector<16xi32>], vector<16xf32>, vector<16xi1>
    %get3A_643 = arith.constant 80 : index
    %get3A_644 = tpu.vector_load %arg6[%get3A_643] {strides = array<i32>} : memref<512xi32, #tpu.memory_space<vmem>>, vector<16xi32>,
    %get3A_645 = arith.constant 1 : i32
    %get3A_646 = arith.index_cast %get3A_645 : i32 to index
    %get3A_647 = arith.constant 80 : index
    %get3A_648 = tpu.vector_load %arg5[%get3A_646, %get3A_647] {strides = array<i32>} : memref<2x512xi32, #tpu.memory_space<vmem>>, vector<16xi32>,
    %get3A_649 = arith.constant 80 : index
    %get3A_650 = tpu.vector_load %arg7[%get3A_649] {strides = array<i32>} : memref<512xi32, #tpu.memory_space<vmem>>, vector<16xi32>,
    %ge3A_651 = arith.constant 128 : i32
    %ge3A_652 = vector.broadcast %ge3A_651 : i32 to vector<16xi32>
    %ge3A_653 = arith.cmpi sge, %get3A_650, %ge3A_652 : vector<16xi32>
    %get3A_654 = arith.constant 0 : i32
    %get3A_655 = arith.index_cast %get3A_654 : i32 to index
    %get3A_656 = arith.constant 80 : index
    %get3A_657 = tpu.vector_load %arg8[%get3A_655, %get3A_656] {strides = array<i32>} : memref<32x512xf32, #tpu.memory_space<vmem>>, vector<16xf32>,
    tpu.vector_store_idx %arg11[%get3A_644, %get3A_648], %get3A_657 masked %ge3A_653 {add = true} : memref<128x256xf32, #tpu.memory_space<vmem>>[vector<16xi32>, vector<16xi32>], vector<16xf32>, vector<16xi1>
    %get3A_658 = arith.constant 96 : index
    %get3A_659 = tpu.vector_load %arg6[%get3A_658] {strides = array<i32>} : memref<512xi32, #tpu.memory_space<vmem>>, vector<16xi32>,
    %get3A_660 = arith.constant 1 : i32
    %get3A_661 = arith.index_cast %get3A_660 : i32 to index
    %get3A_662 = arith.constant 96 : index
    %get3A_663 = tpu.vector_load %arg5[%get3A_661, %get3A_662] {strides = array<i32>} : memref<2x512xi32, #tpu.memory_space<vmem>>, vector<16xi32>,
    %get3A_664 = arith.constant 96 : index
    %get3A_665 = tpu.vector_load %arg7[%get3A_664] {strides = array<i32>} : memref<512xi32, #tpu.memory_space<vmem>>, vector<16xi32>,
    %ge3A_666 = arith.constant 128 : i32
    %ge3A_667 = vector.broadcast %ge3A_666 : i32 to vector<16xi32>
    %ge3A_668 = arith.cmpi sge, %get3A_665, %ge3A_667 : vector<16xi32>
    %get3A_669 = arith.constant 0 : i32
    %get3A_670 = arith.index_cast %get3A_669 : i32 to index
    %get3A_671 = arith.constant 96 : index
    %get3A_672 = tpu.vector_load %arg8[%get3A_670, %get3A_671] {strides = array<i32>} : memref<32x512xf32, #tpu.memory_space<vmem>>, vector<16xf32>,
    tpu.vector_store_idx %arg11[%get3A_659, %get3A_663], %get3A_672 masked %ge3A_668 {add = true} : memref<128x256xf32, #tpu.memory_space<vmem>>[vector<16xi32>, vector<16xi32>], vector<16xf32>, vector<16xi1>
    %get3A_673 = arith.constant 112 : index
    %get3A_674 = tpu.vector_load %arg6[%get3A_673] {strides = array<i32>} : memref<512xi32, #tpu.memory_space<vmem>>, vector<16xi32>,
    %get3A_675 = arith.constant 1 : i32
    %get3A_676 = arith.index_cast %get3A_675 : i32 to index
    %get3A_677 = arith.constant 112 : index
    %get3A_678 = tpu.vector_load %arg5[%get3A_676, %get3A_677] {strides = array<i32>} : memref<2x512xi32, #tpu.memory_space<vmem>>, vector<16xi32>,
    %get3A_679 = arith.constant 112 : index
    %get3A_680 = tpu.vector_load %arg7[%get3A_679] {strides = array<i32>} : memref<512xi32, #tpu.memory_space<vmem>>, vector<16xi32>,
    %ge3A_681 = arith.constant 128 : i32
    %ge3A_682 = vector.broadcast %ge3A_681 : i32 to vector<16xi32>
    %ge3A_683 = arith.cmpi sge, %get3A_680, %ge3A_682 : vector<16xi32>
    %get3A_684 = arith.constant 0 : i32
    %get3A_685 = arith.index_cast %get3A_684 : i32 to index
    %get3A_686 = arith.constant 112 : index
    %get3A_687 = tpu.vector_load %arg8[%get3A_685, %get3A_686] {strides = array<i32>} : memref<32x512xf32, #tpu.memory_space<vmem>>, vector<16xf32>,
    tpu.vector_store_idx %arg11[%get3A_674, %get3A_678], %get3A_687 masked %ge3A_683 {add = true} : memref<128x256xf32, #tpu.memory_space<vmem>>[vector<16xi32>, vector<16xi32>], vector<16xf32>, vector<16xi1>
    %get3A_688 = arith.constant 128 : index
    %get3A_689 = tpu.vector_load %arg6[%get3A_688] {strides = array<i32>} : memref<512xi32, #tpu.memory_space<vmem>>, vector<16xi32>,
    %get3A_690 = arith.constant 1 : i32
    %get3A_691 = arith.index_cast %get3A_690 : i32 to index
    %get3A_692 = arith.constant 128 : index
    %get3A_693 = tpu.vector_load %arg5[%get3A_691, %get3A_692] {strides = array<i32>} : memref<2x512xi32, #tpu.memory_space<vmem>>, vector<16xi32>,
    %get3A_694 = arith.constant 128 : index
    %get3A_695 = tpu.vector_load %arg7[%get3A_694] {strides = array<i32>} : memref<512xi32, #tpu.memory_space<vmem>>, vector<16xi32>,
    %ge3A_696 = arith.constant 128 : i32
    %ge3A_697 = vector.broadcast %ge3A_696 : i32 to vector<16xi32>
    %ge3A_698 = arith.cmpi sge, %get3A_695, %ge3A_697 : vector<16xi32>
    %get3A_699 = arith.constant 0 : i32
    %get3A_700 = arith.index_cast %get3A_699 : i32 to index
    %get3A_701 = arith.constant 128 : index
    %get3A_702 = tpu.vector_load %arg8[%get3A_700, %get3A_701] {strides = array<i32>} : memref<32x512xf32, #tpu.memory_space<vmem>>, vector<16xf32>,
    tpu.vector_store_idx %arg11[%get3A_689, %get3A_693], %get3A_702 masked %ge3A_698 {add = true} : memref<128x256xf32, #tpu.memory_space<vmem>>[vector<16xi32>, vector<16xi32>], vector<16xf32>, vector<16xi1>
    %get3A_703 = arith.constant 144 : index
    %get3A_704 = tpu.vector_load %arg6[%get3A_703] {strides = array<i32>} : memref<512xi32, #tpu.memory_space<vmem>>, vector<16xi32>,
    %get3A_705 = arith.constant 1 : i32
    %get3A_706 = arith.index_cast %get3A_705 : i32 to index
    %get3A_707 = arith.constant 144 : index
    %get3A_708 = tpu.vector_load %arg5[%get3A_706, %get3A_707] {strides = array<i32>} : memref<2x512xi32, #tpu.memory_space<vmem>>, vector<16xi32>,
    %get3A_709 = arith.constant 144 : index
    %get3A_710 = tpu.vector_load %arg7[%get3A_709] {strides = array<i32>} : memref<512xi32, #tpu.memory_space<vmem>>, vector<16xi32>,
    %ge3A_711 = arith.constant 128 : i32
    %ge3A_712 = vector.broadcast %ge3A_711 : i32 to vector<16xi32>
    %ge3A_713 = arith.cmpi sge, %get3A_710, %ge3A_712 : vector<16xi32>
    %get3A_714 = arith.constant 0 : i32
    %get3A_715 = arith.index_cast %get3A_714 : i32 to index
    %get3A_716 = arith.constant 144 : index
    %get3A_717 = tpu.vector_load %arg8[%get3A_715, %get3A_716] {strides = array<i32>} : memref<32x512xf32, #tpu.memory_space<vmem>>, vector<16xf32>,
    tpu.vector_store_idx %arg11[%get3A_704, %get3A_708], %get3A_717 masked %ge3A_713 {add = true} : memref<128x256xf32, #tpu.memory_space<vmem>>[vector<16xi32>, vector<16xi32>], vector<16xf32>, vector<16xi1>
    %get3A_718 = arith.constant 160 : index
    %get3A_719 = tpu.vector_load %arg6[%get3A_718] {strides = array<i32>} : memref<512xi32, #tpu.memory_space<vmem>>, vector<16xi32>,
    %get3A_720 = arith.constant 1 : i32
    %get3A_721 = arith.index_cast %get3A_720 : i32 to index
    %get3A_722 = arith.constant 160 : index
    %get3A_723 = tpu.vector_load %arg5[%get3A_721, %get3A_722] {strides = array<i32>} : memref<2x512xi32, #tpu.memory_space<vmem>>, vector<16xi32>,
    %get3A_724 = arith.constant 160 : index
    %get3A_725 = tpu.vector_load %arg7[%get3A_724] {strides = array<i32>} : memref<512xi32, #tpu.memory_space<vmem>>, vector<16xi32>,
    %ge3A_726 = arith.constant 128 : i32
    %ge3A_727 = vector.broadcast %ge3A_726 : i32 to vector<16xi32>
    %ge3A_728 = arith.cmpi sge, %get3A_725, %ge3A_727 : vector<16xi32>
    %get3A_729 = arith.constant 0 : i32
    %get3A_730 = arith.index_cast %get3A_729 : i32 to index
    %get3A_731 = arith.constant 160 : index
    %get3A_732 = tpu.vector_load %arg8[%get3A_730, %get3A_731] {strides = array<i32>} : memref<32x512xf32, #tpu.memory_space<vmem>>, vector<16xf32>,
    tpu.vector_store_idx %arg11[%get3A_719, %get3A_723], %get3A_732 masked %ge3A_728 {add = true} : memref<128x256xf32, #tpu.memory_space<vmem>>[vector<16xi32>, vector<16xi32>], vector<16xf32>, vector<16xi1>
    %get3A_733 = arith.constant 176 : index
    %get3A_734 = tpu.vector_load %arg6[%get3A_733] {strides = array<i32>} : memref<512xi32, #tpu.memory_space<vmem>>, vector<16xi32>,
    %get3A_735 = arith.constant 1 : i32
    %get3A_736 = arith.index_cast %get3A_735 : i32 to index
    %get3A_737 = arith.constant 176 : index
    %get3A_738 = tpu.vector_load %arg5[%get3A_736, %get3A_737] {strides = array<i32>} : memref<2x512xi32, #tpu.memory_space<vmem>>, vector<16xi32>,
    %get3A_739 = arith.constant 176 : index
    %get3A_740 = tpu.vector_load %arg7[%get3A_739] {strides = array<i32>} : memref<512xi32, #tpu.memory_space<vmem>>, vector<16xi32>,
    %ge3A_741 = arith.constant 128 : i32
    %ge3A_742 = vector.broadcast %ge3A_741 : i32 to vector<16xi32>
    %ge3A_743 = arith.cmpi sge, %get3A_740, %ge3A_742 : vector<16xi32>
    %get3A_744 = arith.constant 0 : i32
    %get3A_745 = arith.index_cast %get3A_744 : i32 to index
    %get3A_746 = arith.constant 176 : index
    %get3A_747 = tpu.vector_load %arg8[%get3A_745, %get3A_746] {strides = array<i32>} : memref<32x512xf32, #tpu.memory_space<vmem>>, vector<16xf32>,
    tpu.vector_store_idx %arg11[%get3A_734, %get3A_738], %get3A_747 masked %ge3A_743 {add = true} : memref<128x256xf32, #tpu.memory_space<vmem>>[vector<16xi32>, vector<16xi32>], vector<16xf32>, vector<16xi1>
    %get3A_748 = arith.constant 192 : index
    %get3A_749 = tpu.vector_load %arg6[%get3A_748] {strides = array<i32>} : memref<512xi32, #tpu.memory_space<vmem>>, vector<16xi32>,
    %get3A_750 = arith.constant 1 : i32
    %get3A_751 = arith.index_cast %get3A_750 : i32 to index
    %get3A_752 = arith.constant 192 : index
    %get3A_753 = tpu.vector_load %arg5[%get3A_751, %get3A_752] {strides = array<i32>} : memref<2x512xi32, #tpu.memory_space<vmem>>, vector<16xi32>,
    %get3A_754 = arith.constant 192 : index
    %get3A_755 = tpu.vector_load %arg7[%get3A_754] {strides = array<i32>} : memref<512xi32, #tpu.memory_space<vmem>>, vector<16xi32>,
    %ge3A_756 = arith.constant 128 : i32
    %ge3A_757 = vector.broadcast %ge3A_756 : i32 to vector<16xi32>
    %ge3A_758 = arith.cmpi sge, %get3A_755, %ge3A_757 : vector<16xi32>
    %get3A_759 = arith.constant 0 : i32
    %get3A_760 = arith.index_cast %get3A_759 : i32 to index
    %get3A_761 = arith.constant 192 : index
    %get3A_762 = tpu.vector_load %arg8[%get3A_760, %get3A_761] {strides = array<i32>} : memref<32x512xf32, #tpu.memory_space<vmem>>, vector<16xf32>,
    tpu.vector_store_idx %arg11[%get3A_749, %get3A_753], %get3A_762 masked %ge3A_758 {add = true} : memref<128x256xf32, #tpu.memory_space<vmem>>[vector<16xi32>, vector<16xi32>], vector<16xf32>, vector<16xi1>
    %get3A_763 = arith.constant 208 : index
    %get3A_764 = tpu.vector_load %arg6[%get3A_763] {strides = array<i32>} : memref<512xi32, #tpu.memory_space<vmem>>, vector<16xi32>,
    %get3A_765 = arith.constant 1 : i32
    %get3A_766 = arith.index_cast %get3A_765 : i32 to index
    %get3A_767 = arith.constant 208 : index
    %get3A_768 = tpu.vector_load %arg5[%get3A_766, %get3A_767] {strides = array<i32>} : memref<2x512xi32, #tpu.memory_space<vmem>>, vector<16xi32>,
    %get3A_769 = arith.constant 208 : index
    %get3A_770 = tpu.vector_load %arg7[%get3A_769] {strides = array<i32>} : memref<512xi32, #tpu.memory_space<vmem>>, vector<16xi32>,
    %ge3A_771 = arith.constant 128 : i32
    %ge3A_772 = vector.broadcast %ge3A_771 : i32 to vector<16xi32>
    %ge3A_773 = arith.cmpi sge, %get3A_770, %ge3A_772 : vector<16xi32>
    %get3A_774 = arith.constant 0 : i32
    %get3A_775 = arith.index_cast %get3A_774 : i32 to index
    %get3A_776 = arith.constant 208 : index
    %get3A_777 = tpu.vector_load %arg8[%get3A_775, %get3A_776] {strides = array<i32>} : memref<32x512xf32, #tpu.memory_space<vmem>>, vector<16xf32>,
    tpu.vector_store_idx %arg11[%get3A_764, %get3A_768], %get3A_777 masked %ge3A_773 {add = true} : memref<128x256xf32, #tpu.memory_space<vmem>>[vector<16xi32>, vector<16xi32>], vector<16xf32>, vector<16xi1>
    %get3A_778 = arith.constant 224 : index
    %get3A_779 = tpu.vector_load %arg6[%get3A_778] {strides = array<i32>} : memref<512xi32, #tpu.memory_space<vmem>>, vector<16xi32>,
    %get3A_780 = arith.constant 1 : i32
    %get3A_781 = arith.index_cast %get3A_780 : i32 to index
    %get3A_782 = arith.constant 224 : index
    %get3A_783 = tpu.vector_load %arg5[%get3A_781, %get3A_782] {strides = array<i32>} : memref<2x512xi32, #tpu.memory_space<vmem>>, vector<16xi32>,
    %get3A_784 = arith.constant 224 : index
    %get3A_785 = tpu.vector_load %arg7[%get3A_784] {strides = array<i32>} : memref<512xi32, #tpu.memory_space<vmem>>, vector<16xi32>,
    %ge3A_786 = arith.constant 128 : i32
    %ge3A_787 = vector.broadcast %ge3A_786 : i32 to vector<16xi32>
    %ge3A_788 = arith.cmpi sge, %get3A_785, %ge3A_787 : vector<16xi32>
    %get3A_789 = arith.constant 0 : i32
    %get3A_790 = arith.index_cast %get3A_789 : i32 to index
    %get3A_791 = arith.constant 224 : index
    %get3A_792 = tpu.vector_load %arg8[%get3A_790, %get3A_791] {strides = array<i32>} : memref<32x512xf32, #tpu.memory_space<vmem>>, vector<16xf32>,
    tpu.vector_store_idx %arg11[%get3A_779, %get3A_783], %get3A_792 masked %ge3A_788 {add = true} : memref<128x256xf32, #tpu.memory_space<vmem>>[vector<16xi32>, vector<16xi32>], vector<16xf32>, vector<16xi1>
    %get3A_793 = arith.constant 240 : index
    %get3A_794 = tpu.vector_load %arg6[%get3A_793] {strides = array<i32>} : memref<512xi32, #tpu.memory_space<vmem>>, vector<16xi32>,
    %get3A_795 = arith.constant 1 : i32
    %get3A_796 = arith.index_cast %get3A_795 : i32 to index
    %get3A_797 = arith.constant 240 : index
    %get3A_798 = tpu.vector_load %arg5[%get3A_796, %get3A_797] {strides = array<i32>} : memref<2x512xi32, #tpu.memory_space<vmem>>, vector<16xi32>,
    %get3A_799 = arith.constant 240 : index
    %get3A_800 = tpu.vector_load %arg7[%get3A_799] {strides = array<i32>} : memref<512xi32, #tpu.memory_space<vmem>>, vector<16xi32>,
    %ge3A_801 = arith.constant 128 : i32
    %ge3A_802 = vector.broadcast %ge3A_801 : i32 to vector<16xi32>
    %ge3A_803 = arith.cmpi sge, %get3A_800, %ge3A_802 : vector<16xi32>
    %get3A_804 = arith.constant 0 : i32
    %get3A_805 = arith.index_cast %get3A_804 : i32 to index
    %get3A_806 = arith.constant 240 : index
    %get3A_807 = tpu.vector_load %arg8[%get3A_805, %get3A_806] {strides = array<i32>} : memref<32x512xf32, #tpu.memory_space<vmem>>, vector<16xf32>,
    tpu.vector_store_idx %arg11[%get3A_794, %get3A_798], %get3A_807 masked %ge3A_803 {add = true} : memref<128x256xf32, #tpu.memory_space<vmem>>[vector<16xi32>, vector<16xi32>], vector<16xf32>, vector<16xi1>
    %get3A_808 = arith.constant 256 : index
    %get3A_809 = tpu.vector_load %arg6[%get3A_808] {strides = array<i32>} : memref<512xi32, #tpu.memory_space<vmem>>, vector<16xi32>,
    %get3A_810 = arith.constant 1 : i32
    %get3A_811 = arith.index_cast %get3A_810 : i32 to index
    %get3A_812 = arith.constant 256 : index
    %get3A_813 = tpu.vector_load %arg5[%get3A_811, %get3A_812] {strides = array<i32>} : memref<2x512xi32, #tpu.memory_space<vmem>>, vector<16xi32>,
    %get3A_814 = arith.constant 256 : index
    %get3A_815 = tpu.vector_load %arg7[%get3A_814] {strides = array<i32>} : memref<512xi32, #tpu.memory_space<vmem>>, vector<16xi32>,
    %ge3A_816 = arith.constant 128 : i32
    %ge3A_817 = vector.broadcast %ge3A_816 : i32 to vector<16xi32>
    %ge3A_818 = arith.cmpi sge, %get3A_815, %ge3A_817 : vector<16xi32>
    %get3A_819 = arith.constant 0 : i32
    %get3A_820 = arith.index_cast %get3A_819 : i32 to index
    %get3A_821 = arith.constant 256 : index
    %get3A_822 = tpu.vector_load %arg8[%get3A_820, %get3A_821] {strides = array<i32>} : memref<32x512xf32, #tpu.memory_space<vmem>>, vector<16xf32>,
    tpu.vector_store_idx %arg11[%get3A_809, %get3A_813], %get3A_822 masked %ge3A_818 {add = true} : memref<128x256xf32, #tpu.memory_space<vmem>>[vector<16xi32>, vector<16xi32>], vector<16xf32>, vector<16xi1>
    %get3A_823 = arith.constant 272 : index
    %get3A_824 = tpu.vector_load %arg6[%get3A_823] {strides = array<i32>} : memref<512xi32, #tpu.memory_space<vmem>>, vector<16xi32>,
    %get3A_825 = arith.constant 1 : i32
    %get3A_826 = arith.index_cast %get3A_825 : i32 to index
    %get3A_827 = arith.constant 272 : index
    %get3A_828 = tpu.vector_load %arg5[%get3A_826, %get3A_827] {strides = array<i32>} : memref<2x512xi32, #tpu.memory_space<vmem>>, vector<16xi32>,
    %get3A_829 = arith.constant 272 : index
    %get3A_830 = tpu.vector_load %arg7[%get3A_829] {strides = array<i32>} : memref<512xi32, #tpu.memory_space<vmem>>, vector<16xi32>,
    %ge3A_831 = arith.constant 128 : i32
    %ge3A_832 = vector.broadcast %ge3A_831 : i32 to vector<16xi32>
    %ge3A_833 = arith.cmpi sge, %get3A_830, %ge3A_832 : vector<16xi32>
    %get3A_834 = arith.constant 0 : i32
    %get3A_835 = arith.index_cast %get3A_834 : i32 to index
    %get3A_836 = arith.constant 272 : index
    %get3A_837 = tpu.vector_load %arg8[%get3A_835, %get3A_836] {strides = array<i32>} : memref<32x512xf32, #tpu.memory_space<vmem>>, vector<16xf32>,
    tpu.vector_store_idx %arg11[%get3A_824, %get3A_828], %get3A_837 masked %ge3A_833 {add = true} : memref<128x256xf32, #tpu.memory_space<vmem>>[vector<16xi32>, vector<16xi32>], vector<16xf32>, vector<16xi1>
    %get3A_838 = arith.constant 288 : index
    %get3A_839 = tpu.vector_load %arg6[%get3A_838] {strides = array<i32>} : memref<512xi32, #tpu.memory_space<vmem>>, vector<16xi32>,
    %get3A_840 = arith.constant 1 : i32
    %get3A_841 = arith.index_cast %get3A_840 : i32 to index
    %get3A_842 = arith.constant 288 : index
    %get3A_843 = tpu.vector_load %arg5[%get3A_841, %get3A_842] {strides = array<i32>} : memref<2x512xi32, #tpu.memory_space<vmem>>, vector<16xi32>,
    %get3A_844 = arith.constant 288 : index
    %get3A_845 = tpu.vector_load %arg7[%get3A_844] {strides = array<i32>} : memref<512xi32, #tpu.memory_space<vmem>>, vector<16xi32>,
    %ge3A_846 = arith.constant 128 : i32
    %ge3A_847 = vector.broadcast %ge3A_846 : i32 to vector<16xi32>
    %ge3A_848 = arith.cmpi sge, %get3A_845, %ge3A_847 : vector<16xi32>
    %get3A_849 = arith.constant 0 : i32
    %get3A_850 = arith.index_cast %get3A_849 : i32 to index
    %get3A_851 = arith.constant 288 : index
    %get3A_852 = tpu.vector_load %arg8[%get3A_850, %get3A_851] {strides = array<i32>} : memref<32x512xf32, #tpu.memory_space<vmem>>, vector<16xf32>,
    tpu.vector_store_idx %arg11[%get3A_839, %get3A_843], %get3A_852 masked %ge3A_848 {add = true} : memref<128x256xf32, #tpu.memory_space<vmem>>[vector<16xi32>, vector<16xi32>], vector<16xf32>, vector<16xi1>
    %get3A_853 = arith.constant 304 : index
    %get3A_854 = tpu.vector_load %arg6[%get3A_853] {strides = array<i32>} : memref<512xi32, #tpu.memory_space<vmem>>, vector<16xi32>,
    %get3A_855 = arith.constant 1 : i32
    %get3A_856 = arith.index_cast %get3A_855 : i32 to index
    %get3A_857 = arith.constant 304 : index
    %get3A_858 = tpu.vector_load %arg5[%get3A_856, %get3A_857] {strides = array<i32>} : memref<2x512xi32, #tpu.memory_space<vmem>>, vector<16xi32>,
    %get3A_859 = arith.constant 304 : index
    %get3A_860 = tpu.vector_load %arg7[%get3A_859] {strides = array<i32>} : memref<512xi32, #tpu.memory_space<vmem>>, vector<16xi32>,
    %ge3A_861 = arith.constant 128 : i32
    %ge3A_862 = vector.broadcast %ge3A_861 : i32 to vector<16xi32>
    %ge3A_863 = arith.cmpi sge, %get3A_860, %ge3A_862 : vector<16xi32>
    %get3A_864 = arith.constant 0 : i32
    %get3A_865 = arith.index_cast %get3A_864 : i32 to index
    %get3A_866 = arith.constant 304 : index
    %get3A_867 = tpu.vector_load %arg8[%get3A_865, %get3A_866] {strides = array<i32>} : memref<32x512xf32, #tpu.memory_space<vmem>>, vector<16xf32>,
    tpu.vector_store_idx %arg11[%get3A_854, %get3A_858], %get3A_867 masked %ge3A_863 {add = true} : memref<128x256xf32, #tpu.memory_space<vmem>>[vector<16xi32>, vector<16xi32>], vector<16xf32>, vector<16xi1>
    %get3A_868 = arith.constant 320 : index
    %get3A_869 = tpu.vector_load %arg6[%get3A_868] {strides = array<i32>} : memref<512xi32, #tpu.memory_space<vmem>>, vector<16xi32>,
    %get3A_870 = arith.constant 1 : i32
    %get3A_871 = arith.index_cast %get3A_870 : i32 to index
    %get3A_872 = arith.constant 320 : index
    %get3A_873 = tpu.vector_load %arg5[%get3A_871, %get3A_872] {strides = array<i32>} : memref<2x512xi32, #tpu.memory_space<vmem>>, vector<16xi32>,
    %get3A_874 = arith.constant 320 : index
    %get3A_875 = tpu.vector_load %arg7[%get3A_874] {strides = array<i32>} : memref<512xi32, #tpu.memory_space<vmem>>, vector<16xi32>,
    %ge3A_876 = arith.constant 128 : i32
    %ge3A_877 = vector.broadcast %ge3A_876 : i32 to vector<16xi32>
    %ge3A_878 = arith.cmpi sge, %get3A_875, %ge3A_877 : vector<16xi32>
    %get3A_879 = arith.constant 0 : i32
    %get3A_880 = arith.index_cast %get3A_879 : i32 to index
    %get3A_881 = arith.constant 320 : index
    %get3A_882 = tpu.vector_load %arg8[%get3A_880, %get3A_881] {strides = array<i32>} : memref<32x512xf32, #tpu.memory_space<vmem>>, vector<16xf32>,
    tpu.vector_store_idx %arg11[%get3A_869, %get3A_873], %get3A_882 masked %ge3A_878 {add = true} : memref<128x256xf32, #tpu.memory_space<vmem>>[vector<16xi32>, vector<16xi32>], vector<16xf32>, vector<16xi1>
    %get3A_883 = arith.constant 336 : index
    %get3A_884 = tpu.vector_load %arg6[%get3A_883] {strides = array<i32>} : memref<512xi32, #tpu.memory_space<vmem>>, vector<16xi32>,
    %get3A_885 = arith.constant 1 : i32
    %get3A_886 = arith.index_cast %get3A_885 : i32 to index
    %get3A_887 = arith.constant 336 : index
    %get3A_888 = tpu.vector_load %arg5[%get3A_886, %get3A_887] {strides = array<i32>} : memref<2x512xi32, #tpu.memory_space<vmem>>, vector<16xi32>,
    %get3A_889 = arith.constant 336 : index
    %get3A_890 = tpu.vector_load %arg7[%get3A_889] {strides = array<i32>} : memref<512xi32, #tpu.memory_space<vmem>>, vector<16xi32>,
    %ge3A_891 = arith.constant 128 : i32
    %ge3A_892 = vector.broadcast %ge3A_891 : i32 to vector<16xi32>
    %ge3A_893 = arith.cmpi sge, %get3A_890, %ge3A_892 : vector<16xi32>
    %get3A_894 = arith.constant 0 : i32
    %get3A_895 = arith.index_cast %get3A_894 : i32 to index
    %get3A_896 = arith.constant 336 : index
    %get3A_897 = tpu.vector_load %arg8[%get3A_895, %get3A_896] {strides = array<i32>} : memref<32x512xf32, #tpu.memory_space<vmem>>, vector<16xf32>,
    tpu.vector_store_idx %arg11[%get3A_884, %get3A_888], %get3A_897 masked %ge3A_893 {add = true} : memref<128x256xf32, #tpu.memory_space<vmem>>[vector<16xi32>, vector<16xi32>], vector<16xf32>, vector<16xi1>
    %get3A_898 = arith.constant 352 : index
    %get3A_899 = tpu.vector_load %arg6[%get3A_898] {strides = array<i32>} : memref<512xi32, #tpu.memory_space<vmem>>, vector<16xi32>,
    %get3A_900 = arith.constant 1 : i32
    %get3A_901 = arith.index_cast %get3A_900 : i32 to index
    %get3A_902 = arith.constant 352 : index
    %get3A_903 = tpu.vector_load %arg5[%get3A_901, %get3A_902] {strides = array<i32>} : memref<2x512xi32, #tpu.memory_space<vmem>>, vector<16xi32>,
    %get3A_904 = arith.constant 352 : index
    %get3A_905 = tpu.vector_load %arg7[%get3A_904] {strides = array<i32>} : memref<512xi32, #tpu.memory_space<vmem>>, vector<16xi32>,
    %ge3A_906 = arith.constant 128 : i32
    %ge3A_907 = vector.broadcast %ge3A_906 : i32 to vector<16xi32>
    %ge3A_908 = arith.cmpi sge, %get3A_905, %ge3A_907 : vector<16xi32>
    %get3A_909 = arith.constant 0 : i32
    %get3A_910 = arith.index_cast %get3A_909 : i32 to index
    %get3A_911 = arith.constant 352 : index
    %get3A_912 = tpu.vector_load %arg8[%get3A_910, %get3A_911] {strides = array<i32>} : memref<32x512xf32, #tpu.memory_space<vmem>>, vector<16xf32>,
    tpu.vector_store_idx %arg11[%get3A_899, %get3A_903], %get3A_912 masked %ge3A_908 {add = true} : memref<128x256xf32, #tpu.memory_space<vmem>>[vector<16xi32>, vector<16xi32>], vector<16xf32>, vector<16xi1>
    %get3A_913 = arith.constant 368 : index
    %get3A_914 = tpu.vector_load %arg6[%get3A_913] {strides = array<i32>} : memref<512xi32, #tpu.memory_space<vmem>>, vector<16xi32>,
    %get3A_915 = arith.constant 1 : i32
    %get3A_916 = arith.index_cast %get3A_915 : i32 to index
    %get3A_917 = arith.constant 368 : index
    %get3A_918 = tpu.vector_load %arg5[%get3A_916, %get3A_917] {strides = array<i32>} : memref<2x512xi32, #tpu.memory_space<vmem>>, vector<16xi32>,
    %get3A_919 = arith.constant 368 : index
    %get3A_920 = tpu.vector_load %arg7[%get3A_919] {strides = array<i32>} : memref<512xi32, #tpu.memory_space<vmem>>, vector<16xi32>,
    %ge3A_921 = arith.constant 128 : i32
    %ge3A_922 = vector.broadcast %ge3A_921 : i32 to vector<16xi32>
    %ge3A_923 = arith.cmpi sge, %get3A_920, %ge3A_922 : vector<16xi32>
    %get3A_924 = arith.constant 0 : i32
    %get3A_925 = arith.index_cast %get3A_924 : i32 to index
    %get3A_926 = arith.constant 368 : index
    %get3A_927 = tpu.vector_load %arg8[%get3A_925, %get3A_926] {strides = array<i32>} : memref<32x512xf32, #tpu.memory_space<vmem>>, vector<16xf32>,
    tpu.vector_store_idx %arg11[%get3A_914, %get3A_918], %get3A_927 masked %ge3A_923 {add = true} : memref<128x256xf32, #tpu.memory_space<vmem>>[vector<16xi32>, vector<16xi32>], vector<16xf32>, vector<16xi1>
    %get3A_928 = arith.constant 384 : index
    %get3A_929 = tpu.vector_load %arg6[%get3A_928] {strides = array<i32>} : memref<512xi32, #tpu.memory_space<vmem>>, vector<16xi32>,
    %get3A_930 = arith.constant 1 : i32
    %get3A_931 = arith.index_cast %get3A_930 : i32 to index
    %get3A_932 = arith.constant 384 : index
    %get3A_933 = tpu.vector_load %arg5[%get3A_931, %get3A_932] {strides = array<i32>} : memref<2x512xi32, #tpu.memory_space<vmem>>, vector<16xi32>,
    %get3A_934 = arith.constant 384 : index
    %get3A_935 = tpu.vector_load %arg7[%get3A_934] {strides = array<i32>} : memref<512xi32, #tpu.memory_space<vmem>>, vector<16xi32>,
    %ge3A_936 = arith.constant 128 : i32
    %ge3A_937 = vector.broadcast %ge3A_936 : i32 to vector<16xi32>
    %ge3A_938 = arith.cmpi sge, %get3A_935, %ge3A_937 : vector<16xi32>
    %get3A_939 = arith.constant 0 : i32
    %get3A_940 = arith.index_cast %get3A_939 : i32 to index
    %get3A_941 = arith.constant 384 : index
    %get3A_942 = tpu.vector_load %arg8[%get3A_940, %get3A_941] {strides = array<i32>} : memref<32x512xf32, #tpu.memory_space<vmem>>, vector<16xf32>,
    tpu.vector_store_idx %arg11[%get3A_929, %get3A_933], %get3A_942 masked %ge3A_938 {add = true} : memref<128x256xf32, #tpu.memory_space<vmem>>[vector<16xi32>, vector<16xi32>], vector<16xf32>, vector<16xi1>
    %get3A_943 = arith.constant 400 : index
    %get3A_944 = tpu.vector_load %arg6[%get3A_943] {strides = array<i32>} : memref<512xi32, #tpu.memory_space<vmem>>, vector<16xi32>,
    %get3A_945 = arith.constant 1 : i32
    %get3A_946 = arith.index_cast %get3A_945 : i32 to index
    %get3A_947 = arith.constant 400 : index
    %get3A_948 = tpu.vector_load %arg5[%get3A_946, %get3A_947] {strides = array<i32>} : memref<2x512xi32, #tpu.memory_space<vmem>>, vector<16xi32>,
    %get3A_949 = arith.constant 400 : index
    %get3A_950 = tpu.vector_load %arg7[%get3A_949] {strides = array<i32>} : memref<512xi32, #tpu.memory_space<vmem>>, vector<16xi32>,
    %ge3A_951 = arith.constant 128 : i32
    %ge3A_952 = vector.broadcast %ge3A_951 : i32 to vector<16xi32>
    %ge3A_953 = arith.cmpi sge, %get3A_950, %ge3A_952 : vector<16xi32>
    %get3A_954 = arith.constant 0 : i32
    %get3A_955 = arith.index_cast %get3A_954 : i32 to index
    %get3A_956 = arith.constant 400 : index
    %get3A_957 = tpu.vector_load %arg8[%get3A_955, %get3A_956] {strides = array<i32>} : memref<32x512xf32, #tpu.memory_space<vmem>>, vector<16xf32>,
    tpu.vector_store_idx %arg11[%get3A_944, %get3A_948], %get3A_957 masked %ge3A_953 {add = true} : memref<128x256xf32, #tpu.memory_space<vmem>>[vector<16xi32>, vector<16xi32>], vector<16xf32>, vector<16xi1>
    %get3A_958 = arith.constant 416 : index
    %get3A_959 = tpu.vector_load %arg6[%get3A_958] {strides = array<i32>} : memref<512xi32, #tpu.memory_space<vmem>>, vector<16xi32>,
    %get3A_960 = arith.constant 1 : i32
    %get3A_961 = arith.index_cast %get3A_960 : i32 to index
    %get3A_962 = arith.constant 416 : index
    %get3A_963 = tpu.vector_load %arg5[%get3A_961, %get3A_962] {strides = array<i32>} : memref<2x512xi32, #tpu.memory_space<vmem>>, vector<16xi32>,
    %get3A_964 = arith.constant 416 : index
    %get3A_965 = tpu.vector_load %arg7[%get3A_964] {strides = array<i32>} : memref<512xi32, #tpu.memory_space<vmem>>, vector<16xi32>,
    %ge3A_966 = arith.constant 128 : i32
    %ge3A_967 = vector.broadcast %ge3A_966 : i32 to vector<16xi32>
    %ge3A_968 = arith.cmpi sge, %get3A_965, %ge3A_967 : vector<16xi32>
    %get3A_969 = arith.constant 0 : i32
    %get3A_970 = arith.index_cast %get3A_969 : i32 to index
    %get3A_971 = arith.constant 416 : index
    %get3A_972 = tpu.vector_load %arg8[%get3A_970, %get3A_971] {strides = array<i32>} : memref<32x512xf32, #tpu.memory_space<vmem>>, vector<16xf32>,
    tpu.vector_store_idx %arg11[%get3A_959, %get3A_963], %get3A_972 masked %ge3A_968 {add = true} : memref<128x256xf32, #tpu.memory_space<vmem>>[vector<16xi32>, vector<16xi32>], vector<16xf32>, vector<16xi1>
    %get3A_973 = arith.constant 432 : index
    %get3A_974 = tpu.vector_load %arg6[%get3A_973] {strides = array<i32>} : memref<512xi32, #tpu.memory_space<vmem>>, vector<16xi32>,
    %get3A_975 = arith.constant 1 : i32
    %get3A_976 = arith.index_cast %get3A_975 : i32 to index
    %get3A_977 = arith.constant 432 : index
    %get3A_978 = tpu.vector_load %arg5[%get3A_976, %get3A_977] {strides = array<i32>} : memref<2x512xi32, #tpu.memory_space<vmem>>, vector<16xi32>,
    %get3A_979 = arith.constant 432 : index
    %get3A_980 = tpu.vector_load %arg7[%get3A_979] {strides = array<i32>} : memref<512xi32, #tpu.memory_space<vmem>>, vector<16xi32>,
    %ge3A_981 = arith.constant 128 : i32
    %ge3A_982 = vector.broadcast %ge3A_981 : i32 to vector<16xi32>
    %ge3A_983 = arith.cmpi sge, %get3A_980, %ge3A_982 : vector<16xi32>
    %get3A_984 = arith.constant 0 : i32
    %get3A_985 = arith.index_cast %get3A_984 : i32 to index
    %get3A_986 = arith.constant 432 : index
    %get3A_987 = tpu.vector_load %arg8[%get3A_985, %get3A_986] {strides = array<i32>} : memref<32x512xf32, #tpu.memory_space<vmem>>, vector<16xf32>,
    tpu.vector_store_idx %arg11[%get3A_974, %get3A_978], %get3A_987 masked %ge3A_983 {add = true} : memref<128x256xf32, #tpu.memory_space<vmem>>[vector<16xi32>, vector<16xi32>], vector<16xf32>, vector<16xi1>
    %get3A_988 = arith.constant 448 : index
    %get3A_989 = tpu.vector_load %arg6[%get3A_988] {strides = array<i32>} : memref<512xi32, #tpu.memory_space<vmem>>, vector<16xi32>,
    %get3A_990 = arith.constant 1 : i32
    %get3A_991 = arith.index_cast %get3A_990 : i32 to index
    %get3A_992 = arith.constant 448 : index
    %get3A_993 = tpu.vector_load %arg5[%get3A_991, %get3A_992] {strides = array<i32>} : memref<2x512xi32, #tpu.memory_space<vmem>>, vector<16xi32>,
    %get3A_994 = arith.constant 448 : index
    %get3A_995 = tpu.vector_load %arg7[%get3A_994] {strides = array<i32>} : memref<512xi32, #tpu.memory_space<vmem>>, vector<16xi32>,
    %ge3A_996 = arith.constant 128 : i32
    %ge3A_997 = vector.broadcast %ge3A_996 : i32 to vector<16xi32>
    %ge3A_998 = arith.cmpi sge, %get3A_995, %ge3A_997 : vector<16xi32>
    %get3A_999 = arith.constant 0 : i32
    %get3A_1000 = arith.index_cast %get3A_999 : i32 to index
    %get3A_1001 = arith.constant 448 : index
    %get3A_1002 = tpu.vector_load %arg8[%get3A_1000, %get3A_1001] {strides = array<i32>} : memref<32x512xf32, #tpu.memory_space<vmem>>, vector<16xf32>,
    tpu.vector_store_idx %arg11[%get3A_989, %get3A_993], %get3A_1002 masked %ge3A_998 {add = true} : memref<128x256xf32, #tpu.memory_space<vmem>>[vector<16xi32>, vector<16xi32>], vector<16xf32>, vector<16xi1>
    %get3A_1003 = arith.constant 464 : index
    %get3A_1004 = tpu.vector_load %arg6[%get3A_1003] {strides = array<i32>} : memref<512xi32, #tpu.memory_space<vmem>>, vector<16xi32>,
    %get3A_1005 = arith.constant 1 : i32
    %get3A_1006 = arith.index_cast %get3A_1005 : i32 to index
    %get3A_1007 = arith.constant 464 : index
    %get3A_1008 = tpu.vector_load %arg5[%get3A_1006, %get3A_1007] {strides = array<i32>} : memref<2x512xi32, #tpu.memory_space<vmem>>, vector<16xi32>,
    %get3A_1009 = arith.constant 464 : index
    %get3A_1010 = tpu.vector_load %arg7[%get3A_1009] {strides = array<i32>} : memref<512xi32, #tpu.memory_space<vmem>>, vector<16xi32>,
    %ge3A_1011 = arith.constant 128 : i32
    %ge3A_1012 = vector.broadcast %ge3A_1011 : i32 to vector<16xi32>
    %ge3A_1013 = arith.cmpi sge, %get3A_1010, %ge3A_1012 : vector<16xi32>
    %get3A_1014 = arith.constant 0 : i32
    %get3A_1015 = arith.index_cast %get3A_1014 : i32 to index
    %get3A_1016 = arith.constant 464 : index
    %get3A_1017 = tpu.vector_load %arg8[%get3A_1015, %get3A_1016] {strides = array<i32>} : memref<32x512xf32, #tpu.memory_space<vmem>>, vector<16xf32>,
    tpu.vector_store_idx %arg11[%get3A_1004, %get3A_1008], %get3A_1017 masked %ge3A_1013 {add = true} : memref<128x256xf32, #tpu.memory_space<vmem>>[vector<16xi32>, vector<16xi32>], vector<16xf32>, vector<16xi1>
    %get3A_1018 = arith.constant 480 : index
    %get3A_1019 = tpu.vector_load %arg6[%get3A_1018] {strides = array<i32>} : memref<512xi32, #tpu.memory_space<vmem>>, vector<16xi32>,
    %get3A_1020 = arith.constant 1 : i32
    %get3A_1021 = arith.index_cast %get3A_1020 : i32 to index
    %get3A_1022 = arith.constant 480 : index
    %get3A_1023 = tpu.vector_load %arg5[%get3A_1021, %get3A_1022] {strides = array<i32>} : memref<2x512xi32, #tpu.memory_space<vmem>>, vector<16xi32>,
    %get3A_1024 = arith.constant 480 : index
    %get3A_1025 = tpu.vector_load %arg7[%get3A_1024] {strides = array<i32>} : memref<512xi32, #tpu.memory_space<vmem>>, vector<16xi32>,
    %ge3A_1026 = arith.constant 128 : i32
    %ge3A_1027 = vector.broadcast %ge3A_1026 : i32 to vector<16xi32>
    %ge3A_1028 = arith.cmpi sge, %get3A_1025, %ge3A_1027 : vector<16xi32>
    %get3A_1029 = arith.constant 0 : i32
    %get3A_1030 = arith.index_cast %get3A_1029 : i32 to index
    %get3A_1031 = arith.constant 480 : index
    %get3A_1032 = tpu.vector_load %arg8[%get3A_1030, %get3A_1031] {strides = array<i32>} : memref<32x512xf32, #tpu.memory_space<vmem>>, vector<16xf32>,
    tpu.vector_store_idx %arg11[%get3A_1019, %get3A_1023], %get3A_1032 masked %ge3A_1028 {add = true} : memref<128x256xf32, #tpu.memory_space<vmem>>[vector<16xi32>, vector<16xi32>], vector<16xf32>, vector<16xi1>
    %get3A_1033 = arith.constant 496 : index
    %get3A_1034 = tpu.vector_load %arg6[%get3A_1033] {strides = array<i32>} : memref<512xi32, #tpu.memory_space<vmem>>, vector<16xi32>,
    %get3A_1035 = arith.constant 1 : i32
    %get3A_1036 = arith.index_cast %get3A_1035 : i32 to index
    %get3A_1037 = arith.constant 496 : index
    %get3A_1038 = tpu.vector_load %arg5[%get3A_1036, %get3A_1037] {strides = array<i32>} : memref<2x512xi32, #tpu.memory_space<vmem>>, vector<16xi32>,
    %get3A_1039 = arith.constant 496 : index
    %get3A_1040 = tpu.vector_load %arg7[%get3A_1039] {strides = array<i32>} : memref<512xi32, #tpu.memory_space<vmem>>, vector<16xi32>,
    %ge3A_1041 = arith.constant 128 : i32
    %ge3A_1042 = vector.broadcast %ge3A_1041 : i32 to vector<16xi32>
    %ge3A_1043 = arith.cmpi sge, %get3A_1040, %ge3A_1042 : vector<16xi32>
    %get3A_1044 = arith.constant 0 : i32
    %get3A_1045 = arith.index_cast %get3A_1044 : i32 to index
    %get3A_1046 = arith.constant 496 : index
    %get3A_1047 = tpu.vector_load %arg8[%get3A_1045, %get3A_1046] {strides = array<i32>} : memref<32x512xf32, #tpu.memory_space<vmem>>, vector<16xf32>,
    tpu.vector_store_idx %arg11[%get3A_1034, %get3A_1038], %get3A_1047 masked %ge3A_1043 {add = true} : memref<128x256xf32, #tpu.memory_space<vmem>>[vector<16xi32>, vector<16xi32>], vector<16xf32>, vector<16xi1>
    %dma_start3A_1048 = arith.constant 0 : i32
    %dma_start3A_1049 = arith.constant 128 : i32
    %dma_start3A_1050 = arith.constant 0 : i32
    %dma_start3A_1051 = tpu.memref_slice %arg4[%add3A, %dma_start3A_1048, %dma_start3A_1049, %dma_start3A_1050] : memref<32x32x256x256xf32, #tpu.memory_space<hbm>> -> memref<1x1x128x256xf32, #tpu.memory_space<hbm>>
    %dma_start3A_1052 = tpu.memref_squeeze %dma_start3A_1051 : memref<1x1x128x256xf32, #tpu.memory_space<hbm>> -> memref<128x256xf32, #tpu.memory_space<hbm>>
    %dma_start3A_1053 = arith.constant 128 : i32
    %dma_start3A_1054 = arith.constant 0 : i32
    %dma_start3A_1055 = tpu.memref_slice %arg4[%add3A, %dma_start3A_1048, %dma_start3A_1053, %dma_start3A_1054] : memref<32x32x256x256xf32, #tpu.memory_space<hbm>> -> memref<1x1x128x256xf32, #tpu.memory_space<hbm>>
    %dma_start3A_1056 = tpu.memref_squeeze %dma_start3A_1055 : memref<1x1x128x256xf32, #tpu.memory_space<hbm>> -> memref<128x256xf32, #tpu.memory_space<hbm>>
    tpu.enqueue_dma source(%arg11 : memref<128x256xf32, #tpu.memory_space<vmem>>) target(%dma_start3A_1056 : memref<128x256xf32, #tpu.memory_space<hbm>>) target_semaphore(%arg13 : memref<!tpu.dma_semaphore, #tpu.memory_space<semaphore_mem>>)
    %scan3A_1057 = arith.constant 0 : i32
    %scan3A_1058 = arith.constant 1 : i32
    %scan3A_1059 = arith.constant 31 : i32
    %scan3A_1060 = arith.addi %scan3A_1058, %scan3A_1059 : i32
    %scan3A_1061 = arith.constant 1 : i32
    scf.for %scan3A_1086 = %scan3A_1058 to %scan3A_1060 step %scan3A_1061  : i32 {
      %get3A_1087 = arith.index_cast %scan3A_1086 : i32 to index
      %get3A_1088 = arith.constant 0 : index
      %get3A_1089 = tpu.vector_load %arg8[%get3A_1087, %get3A_1088] {strides = array<i32>} : memref<32x512xf32, #tpu.memory_space<vmem>>, vector<16xf32>,
      %sub3A = arith.constant 1 : i32
      %sub3A_1090 = arith.subi %scan3A_1086, %sub3A : i32
      %get3A_1091 = arith.index_cast %sub3A_1090 : i32 to index
      %get3A_1092 = arith.constant 0 : index
      %get3A_1093 = tpu.vector_load %arg8[%get3A_1091, %get3A_1092] {strides = array<i32>} : memref<32x512xf32, #tpu.memory_space<vmem>>, vector<16xf32>,
      %sub3A_1094 = arith.subf %get3A_1089, %get3A_1093 : vector<16xf32>
      %swap3A = arith.index_cast %scan3A_1086 : i32 to index
      %swap3A_1095 = arith.constant 0 : index
      %swap3A_1096 = tpu.vector_load %arg9[%swap3A, %swap3A_1095] {strides = array<i32>} : memref<32x512xf32, #tpu.memory_space<vmem>>, vector<16xf32>,
      tpu.vector_store %arg9[%swap3A, %swap3A_1095], %sub3A_1094 {strides = array<i32>} : memref<32x512xf32, #tpu.memory_space<vmem>>, vector<16xf32>,
      %get3A_1097 = arith.index_cast %scan3A_1086 : i32 to index
      %get3A_1098 = arith.constant 16 : index
      %get3A_1099 = tpu.vector_load %arg8[%get3A_1097, %get3A_1098] {strides = array<i32>} : memref<32x512xf32, #tpu.memory_space<vmem>>, vector<16xf32>,
      %sub3A_1100 = arith.constant 1 : i32
      %sub3A_1101 = arith.subi %scan3A_1086, %sub3A_1100 : i32
      %get3A_1102 = arith.index_cast %sub3A_1101 : i32 to index
      %get3A_1103 = arith.constant 16 : index
      %get3A_1104 = tpu.vector_load %arg8[%get3A_1102, %get3A_1103] {strides = array<i32>} : memref<32x512xf32, #tpu.memory_space<vmem>>, vector<16xf32>,
      %sub3A_1105 = arith.subf %get3A_1099, %get3A_1104 : vector<16xf32>
      %swap3A_1106 = arith.index_cast %scan3A_1086 : i32 to index
      %swap3A_1107 = arith.constant 16 : index
      %swap3A_1108 = tpu.vector_load %arg9[%swap3A_1106, %swap3A_1107] {strides = array<i32>} : memref<32x512xf32, #tpu.memory_space<vmem>>, vector<16xf32>,
      tpu.vector_store %arg9[%swap3A_1106, %swap3A_1107], %sub3A_1105 {strides = array<i32>} : memref<32x512xf32, #tpu.memory_space<vmem>>, vector<16xf32>,
      %get3A_1109 = arith.index_cast %scan3A_1086 : i32 to index
      %get3A_1110 = arith.constant 32 : index
      %get3A_1111 = tpu.vector_load %arg8[%get3A_1109, %get3A_1110] {strides = array<i32>} : memref<32x512xf32, #tpu.memory_space<vmem>>, vector<16xf32>,
      %sub3A_1112 = arith.constant 1 : i32
      %sub3A_1113 = arith.subi %scan3A_1086, %sub3A_1112 : i32
      %get3A_1114 = arith.index_cast %sub3A_1113 : i32 to index
      %get3A_1115 = arith.constant 32 : index
      %get3A_1116 = tpu.vector_load %arg8[%get3A_1114, %get3A_1115] {strides = array<i32>} : memref<32x512xf32, #tpu.memory_space<vmem>>, vector<16xf32>,
      %sub3A_1117 = arith.subf %get3A_1111, %get3A_1116 : vector<16xf32>
      %swap3A_1118 = arith.index_cast %scan3A_1086 : i32 to index
      %swap3A_1119 = arith.constant 32 : index
      %swap3A_1120 = tpu.vector_load %arg9[%swap3A_1118, %swap3A_1119] {strides = array<i32>} : memref<32x512xf32, #tpu.memory_space<vmem>>, vector<16xf32>,
      tpu.vector_store %arg9[%swap3A_1118, %swap3A_1119], %sub3A_1117 {strides = array<i32>} : memref<32x512xf32, #tpu.memory_space<vmem>>, vector<16xf32>,
      %get3A_1121 = arith.index_cast %scan3A_1086 : i32 to index
      %get3A_1122 = arith.constant 48 : index
      %get3A_1123 = tpu.vector_load %arg8[%get3A_1121, %get3A_1122] {strides = array<i32>} : memref<32x512xf32, #tpu.memory_space<vmem>>, vector<16xf32>,
      %sub3A_1124 = arith.constant 1 : i32
      %sub3A_1125 = arith.subi %scan3A_1086, %sub3A_1124 : i32
      %get3A_1126 = arith.index_cast %sub3A_1125 : i32 to index
      %get3A_1127 = arith.constant 48 : index
      %get3A_1128 = tpu.vector_load %arg8[%get3A_1126, %get3A_1127] {strides = array<i32>} : memref<32x512xf32, #tpu.memory_space<vmem>>, vector<16xf32>,
      %sub3A_1129 = arith.subf %get3A_1123, %get3A_1128 : vector<16xf32>
      %swap3A_1130 = arith.index_cast %scan3A_1086 : i32 to index
      %swap3A_1131 = arith.constant 48 : index
      %swap3A_1132 = tpu.vector_load %arg9[%swap3A_1130, %swap3A_1131] {strides = array<i32>} : memref<32x512xf32, #tpu.memory_space<vmem>>, vector<16xf32>,
      tpu.vector_store %arg9[%swap3A_1130, %swap3A_1131], %sub3A_1129 {strides = array<i32>} : memref<32x512xf32, #tpu.memory_space<vmem>>, vector<16xf32>,
      %get3A_1133 = arith.index_cast %scan3A_1086 : i32 to index
      %get3A_1134 = arith.constant 64 : index
      %get3A_1135 = tpu.vector_load %arg8[%get3A_1133, %get3A_1134] {strides = array<i32>} : memref<32x512xf32, #tpu.memory_space<vmem>>, vector<16xf32>,
      %sub3A_1136 = arith.constant 1 : i32
      %sub3A_1137 = arith.subi %scan3A_1086, %sub3A_1136 : i32
      %get3A_1138 = arith.index_cast %sub3A_1137 : i32 to index
      %get3A_1139 = arith.constant 64 : index
      %get3A_1140 = tpu.vector_load %arg8[%get3A_1138, %get3A_1139] {strides = array<i32>} : memref<32x512xf32, #tpu.memory_space<vmem>>, vector<16xf32>,
      %sub3A_1141 = arith.subf %get3A_1135, %get3A_1140 : vector<16xf32>
      %swap3A_1142 = arith.index_cast %scan3A_1086 : i32 to index
      %swap3A_1143 = arith.constant 64 : index
      %swap3A_1144 = tpu.vector_load %arg9[%swap3A_1142, %swap3A_1143] {strides = array<i32>} : memref<32x512xf32, #tpu.memory_space<vmem>>, vector<16xf32>,
      tpu.vector_store %arg9[%swap3A_1142, %swap3A_1143], %sub3A_1141 {strides = array<i32>} : memref<32x512xf32, #tpu.memory_space<vmem>>, vector<16xf32>,
      %get3A_1145 = arith.index_cast %scan3A_1086 : i32 to index
      %get3A_1146 = arith.constant 80 : index
      %get3A_1147 = tpu.vector_load %arg8[%get3A_1145, %get3A_1146] {strides = array<i32>} : memref<32x512xf32, #tpu.memory_space<vmem>>, vector<16xf32>,
      %sub3A_1148 = arith.constant 1 : i32
      %sub3A_1149 = arith.subi %scan3A_1086, %sub3A_1148 : i32
      %get3A_1150 = arith.index_cast %sub3A_1149 : i32 to index
      %get3A_1151 = arith.constant 80 : index
      %get3A_1152 = tpu.vector_load %arg8[%get3A_1150, %get3A_1151] {strides = array<i32>} : memref<32x512xf32, #tpu.memory_space<vmem>>, vector<16xf32>,
      %sub3A_1153 = arith.subf %get3A_1147, %get3A_1152 : vector<16xf32>
      %swap3A_1154 = arith.index_cast %scan3A_1086 : i32 to index
      %swap3A_1155 = arith.constant 80 : index
      %swap3A_1156 = tpu.vector_load %arg9[%swap3A_1154, %swap3A_1155] {strides = array<i32>} : memref<32x512xf32, #tpu.memory_space<vmem>>, vector<16xf32>,
      tpu.vector_store %arg9[%swap3A_1154, %swap3A_1155], %sub3A_1153 {strides = array<i32>} : memref<32x512xf32, #tpu.memory_space<vmem>>, vector<16xf32>,
      %get3A_1157 = arith.index_cast %scan3A_1086 : i32 to index
      %get3A_1158 = arith.constant 96 : index
      %get3A_1159 = tpu.vector_load %arg8[%get3A_1157, %get3A_1158] {strides = array<i32>} : memref<32x512xf32, #tpu.memory_space<vmem>>, vector<16xf32>,
      %sub3A_1160 = arith.constant 1 : i32
      %sub3A_1161 = arith.subi %scan3A_1086, %sub3A_1160 : i32
      %get3A_1162 = arith.index_cast %sub3A_1161 : i32 to index
      %get3A_1163 = arith.constant 96 : index
      %get3A_1164 = tpu.vector_load %arg8[%get3A_1162, %get3A_1163] {strides = array<i32>} : memref<32x512xf32, #tpu.memory_space<vmem>>, vector<16xf32>,
      %sub3A_1165 = arith.subf %get3A_1159, %get3A_1164 : vector<16xf32>
      %swap3A_1166 = arith.index_cast %scan3A_1086 : i32 to index
      %swap3A_1167 = arith.constant 96 : index
      %swap3A_1168 = tpu.vector_load %arg9[%swap3A_1166, %swap3A_1167] {strides = array<i32>} : memref<32x512xf32, #tpu.memory_space<vmem>>, vector<16xf32>,
      tpu.vector_store %arg9[%swap3A_1166, %swap3A_1167], %sub3A_1165 {strides = array<i32>} : memref<32x512xf32, #tpu.memory_space<vmem>>, vector<16xf32>,
      %get3A_1169 = arith.index_cast %scan3A_1086 : i32 to index
      %get3A_1170 = arith.constant 112 : index
      %get3A_1171 = tpu.vector_load %arg8[%get3A_1169, %get3A_1170] {strides = array<i32>} : memref<32x512xf32, #tpu.memory_space<vmem>>, vector<16xf32>,
      %sub3A_1172 = arith.constant 1 : i32
      %sub3A_1173 = arith.subi %scan3A_1086, %sub3A_1172 : i32
      %get3A_1174 = arith.index_cast %sub3A_1173 : i32 to index
      %get3A_1175 = arith.constant 112 : index
      %get3A_1176 = tpu.vector_load %arg8[%get3A_1174, %get3A_1175] {strides = array<i32>} : memref<32x512xf32, #tpu.memory_space<vmem>>, vector<16xf32>,
      %sub3A_1177 = arith.subf %get3A_1171, %get3A_1176 : vector<16xf32>
      %swap3A_1178 = arith.index_cast %scan3A_1086 : i32 to index
      %swap3A_1179 = arith.constant 112 : index
      %swap3A_1180 = tpu.vector_load %arg9[%swap3A_1178, %swap3A_1179] {strides = array<i32>} : memref<32x512xf32, #tpu.memory_space<vmem>>, vector<16xf32>,
      tpu.vector_store %arg9[%swap3A_1178, %swap3A_1179], %sub3A_1177 {strides = array<i32>} : memref<32x512xf32, #tpu.memory_space<vmem>>, vector<16xf32>,
      %get3A_1181 = arith.index_cast %scan3A_1086 : i32 to index
      %get3A_1182 = arith.constant 128 : index
      %get3A_1183 = tpu.vector_load %arg8[%get3A_1181, %get3A_1182] {strides = array<i32>} : memref<32x512xf32, #tpu.memory_space<vmem>>, vector<16xf32>,
      %sub3A_1184 = arith.constant 1 : i32
      %sub3A_1185 = arith.subi %scan3A_1086, %sub3A_1184 : i32
      %get3A_1186 = arith.index_cast %sub3A_1185 : i32 to index
      %get3A_1187 = arith.constant 128 : index
      %get3A_1188 = tpu.vector_load %arg8[%get3A_1186, %get3A_1187] {strides = array<i32>} : memref<32x512xf32, #tpu.memory_space<vmem>>, vector<16xf32>,
      %sub3A_1189 = arith.subf %get3A_1183, %get3A_1188 : vector<16xf32>
      %swap3A_1190 = arith.index_cast %scan3A_1086 : i32 to index
      %swap3A_1191 = arith.constant 128 : index
      %swap3A_1192 = tpu.vector_load %arg9[%swap3A_1190, %swap3A_1191] {strides = array<i32>} : memref<32x512xf32, #tpu.memory_space<vmem>>, vector<16xf32>,
      tpu.vector_store %arg9[%swap3A_1190, %swap3A_1191], %sub3A_1189 {strides = array<i32>} : memref<32x512xf32, #tpu.memory_space<vmem>>, vector<16xf32>,
      %get3A_1193 = arith.index_cast %scan3A_1086 : i32 to index
      %get3A_1194 = arith.constant 144 : index
      %get3A_1195 = tpu.vector_load %arg8[%get3A_1193, %get3A_1194] {strides = array<i32>} : memref<32x512xf32, #tpu.memory_space<vmem>>, vector<16xf32>,
      %sub3A_1196 = arith.constant 1 : i32
      %sub3A_1197 = arith.subi %scan3A_1086, %sub3A_1196 : i32
      %get3A_1198 = arith.index_cast %sub3A_1197 : i32 to index
      %get3A_1199 = arith.constant 144 : index
      %get3A_1200 = tpu.vector_load %arg8[%get3A_1198, %get3A_1199] {strides = array<i32>} : memref<32x512xf32, #tpu.memory_space<vmem>>, vector<16xf32>,
      %sub3A_1201 = arith.subf %get3A_1195, %get3A_1200 : vector<16xf32>
      %swap3A_1202 = arith.index_cast %scan3A_1086 : i32 to index
      %swap3A_1203 = arith.constant 144 : index
      %swap3A_1204 = tpu.vector_load %arg9[%swap3A_1202, %swap3A_1203] {strides = array<i32>} : memref<32x512xf32, #tpu.memory_space<vmem>>, vector<16xf32>,
      tpu.vector_store %arg9[%swap3A_1202, %swap3A_1203], %sub3A_1201 {strides = array<i32>} : memref<32x512xf32, #tpu.memory_space<vmem>>, vector<16xf32>,
      %get3A_1205 = arith.index_cast %scan3A_1086 : i32 to index
      %get3A_1206 = arith.constant 160 : index
      %get3A_1207 = tpu.vector_load %arg8[%get3A_1205, %get3A_1206] {strides = array<i32>} : memref<32x512xf32, #tpu.memory_space<vmem>>, vector<16xf32>,
      %sub3A_1208 = arith.constant 1 : i32
      %sub3A_1209 = arith.subi %scan3A_1086, %sub3A_1208 : i32
      %get3A_1210 = arith.index_cast %sub3A_1209 : i32 to index
      %get3A_1211 = arith.constant 160 : index
      %get3A_1212 = tpu.vector_load %arg8[%get3A_1210, %get3A_1211] {strides = array<i32>} : memref<32x512xf32, #tpu.memory_space<vmem>>, vector<16xf32>,
      %sub3A_1213 = arith.subf %get3A_1207, %get3A_1212 : vector<16xf32>
      %swap3A_1214 = arith.index_cast %scan3A_1086 : i32 to index
      %swap3A_1215 = arith.constant 160 : index
      %swap3A_1216 = tpu.vector_load %arg9[%swap3A_1214, %swap3A_1215] {strides = array<i32>} : memref<32x512xf32, #tpu.memory_space<vmem>>, vector<16xf32>,
      tpu.vector_store %arg9[%swap3A_1214, %swap3A_1215], %sub3A_1213 {strides = array<i32>} : memref<32x512xf32, #tpu.memory_space<vmem>>, vector<16xf32>,
      %get3A_1217 = arith.index_cast %scan3A_1086 : i32 to index
      %get3A_1218 = arith.constant 176 : index
      %get3A_1219 = tpu.vector_load %arg8[%get3A_1217, %get3A_1218] {strides = array<i32>} : memref<32x512xf32, #tpu.memory_space<vmem>>, vector<16xf32>,
      %sub3A_1220 = arith.constant 1 : i32
      %sub3A_1221 = arith.subi %scan3A_1086, %sub3A_1220 : i32
      %get3A_1222 = arith.index_cast %sub3A_1221 : i32 to index
      %get3A_1223 = arith.constant 176 : index
      %get3A_1224 = tpu.vector_load %arg8[%get3A_1222, %get3A_1223] {strides = array<i32>} : memref<32x512xf32, #tpu.memory_space<vmem>>, vector<16xf32>,
      %sub3A_1225 = arith.subf %get3A_1219, %get3A_1224 : vector<16xf32>
      %swap3A_1226 = arith.index_cast %scan3A_1086 : i32 to index
      %swap3A_1227 = arith.constant 176 : index
      %swap3A_1228 = tpu.vector_load %arg9[%swap3A_1226, %swap3A_1227] {strides = array<i32>} : memref<32x512xf32, #tpu.memory_space<vmem>>, vector<16xf32>,
      tpu.vector_store %arg9[%swap3A_1226, %swap3A_1227], %sub3A_1225 {strides = array<i32>} : memref<32x512xf32, #tpu.memory_space<vmem>>, vector<16xf32>,
      %get3A_1229 = arith.index_cast %scan3A_1086 : i32 to index
      %get3A_1230 = arith.constant 192 : index
      %get3A_1231 = tpu.vector_load %arg8[%get3A_1229, %get3A_1230] {strides = array<i32>} : memref<32x512xf32, #tpu.memory_space<vmem>>, vector<16xf32>,
      %sub3A_1232 = arith.constant 1 : i32
      %sub3A_1233 = arith.subi %scan3A_1086, %sub3A_1232 : i32
      %get3A_1234 = arith.index_cast %sub3A_1233 : i32 to index
      %get3A_1235 = arith.constant 192 : index
      %get3A_1236 = tpu.vector_load %arg8[%get3A_1234, %get3A_1235] {strides = array<i32>} : memref<32x512xf32, #tpu.memory_space<vmem>>, vector<16xf32>,
      %sub3A_1237 = arith.subf %get3A_1231, %get3A_1236 : vector<16xf32>
      %swap3A_1238 = arith.index_cast %scan3A_1086 : i32 to index
      %swap3A_1239 = arith.constant 192 : index
      %swap3A_1240 = tpu.vector_load %arg9[%swap3A_1238, %swap3A_1239] {strides = array<i32>} : memref<32x512xf32, #tpu.memory_space<vmem>>, vector<16xf32>,
      tpu.vector_store %arg9[%swap3A_1238, %swap3A_1239], %sub3A_1237 {strides = array<i32>} : memref<32x512xf32, #tpu.memory_space<vmem>>, vector<16xf32>,
      %get3A_1241 = arith.index_cast %scan3A_1086 : i32 to index
      %get3A_1242 = arith.constant 208 : index
      %get3A_1243 = tpu.vector_load %arg8[%get3A_1241, %get3A_1242] {strides = array<i32>} : memref<32x512xf32, #tpu.memory_space<vmem>>, vector<16xf32>,
      %sub3A_1244 = arith.constant 1 : i32
      %sub3A_1245 = arith.subi %scan3A_1086, %sub3A_1244 : i32
      %get3A_1246 = arith.index_cast %sub3A_1245 : i32 to index
      %get3A_1247 = arith.constant 208 : index
      %get3A_1248 = tpu.vector_load %arg8[%get3A_1246, %get3A_1247] {strides = array<i32>} : memref<32x512xf32, #tpu.memory_space<vmem>>, vector<16xf32>,
      %sub3A_1249 = arith.subf %get3A_1243, %get3A_1248 : vector<16xf32>
      %swap3A_1250 = arith.index_cast %scan3A_1086 : i32 to index
      %swap3A_1251 = arith.constant 208 : index
      %swap3A_1252 = tpu.vector_load %arg9[%swap3A_1250, %swap3A_1251] {strides = array<i32>} : memref<32x512xf32, #tpu.memory_space<vmem>>, vector<16xf32>,
      tpu.vector_store %arg9[%swap3A_1250, %swap3A_1251], %sub3A_1249 {strides = array<i32>} : memref<32x512xf32, #tpu.memory_space<vmem>>, vector<16xf32>,
      %get3A_1253 = arith.index_cast %scan3A_1086 : i32 to index
      %get3A_1254 = arith.constant 224 : index
      %get3A_1255 = tpu.vector_load %arg8[%get3A_1253, %get3A_1254] {strides = array<i32>} : memref<32x512xf32, #tpu.memory_space<vmem>>, vector<16xf32>,
      %sub3A_1256 = arith.constant 1 : i32
      %sub3A_1257 = arith.subi %scan3A_1086, %sub3A_1256 : i32
      %get3A_1258 = arith.index_cast %sub3A_1257 : i32 to index
      %get3A_1259 = arith.constant 224 : index
      %get3A_1260 = tpu.vector_load %arg8[%get3A_1258, %get3A_1259] {strides = array<i32>} : memref<32x512xf32, #tpu.memory_space<vmem>>, vector<16xf32>,
      %sub3A_1261 = arith.subf %get3A_1255, %get3A_1260 : vector<16xf32>
      %swap3A_1262 = arith.index_cast %scan3A_1086 : i32 to index
      %swap3A_1263 = arith.constant 224 : index
      %swap3A_1264 = tpu.vector_load %arg9[%swap3A_1262, %swap3A_1263] {strides = array<i32>} : memref<32x512xf32, #tpu.memory_space<vmem>>, vector<16xf32>,
      tpu.vector_store %arg9[%swap3A_1262, %swap3A_1263], %sub3A_1261 {strides = array<i32>} : memref<32x512xf32, #tpu.memory_space<vmem>>, vector<16xf32>,
      %get3A_1265 = arith.index_cast %scan3A_1086 : i32 to index
      %get3A_1266 = arith.constant 240 : index
      %get3A_1267 = tpu.vector_load %arg8[%get3A_1265, %get3A_1266] {strides = array<i32>} : memref<32x512xf32, #tpu.memory_space<vmem>>, vector<16xf32>,
      %sub3A_1268 = arith.constant 1 : i32
      %sub3A_1269 = arith.subi %scan3A_1086, %sub3A_1268 : i32
      %get3A_1270 = arith.index_cast %sub3A_1269 : i32 to index
      %get3A_1271 = arith.constant 240 : index
      %get3A_1272 = tpu.vector_load %arg8[%get3A_1270, %get3A_1271] {strides = array<i32>} : memref<32x512xf32, #tpu.memory_space<vmem>>, vector<16xf32>,
      %sub3A_1273 = arith.subf %get3A_1267, %get3A_1272 : vector<16xf32>
      %swap3A_1274 = arith.index_cast %scan3A_1086 : i32 to index
      %swap3A_1275 = arith.constant 240 : index
      %swap3A_1276 = tpu.vector_load %arg9[%swap3A_1274, %swap3A_1275] {strides = array<i32>} : memref<32x512xf32, #tpu.memory_space<vmem>>, vector<16xf32>,
      tpu.vector_store %arg9[%swap3A_1274, %swap3A_1275], %sub3A_1273 {strides = array<i32>} : memref<32x512xf32, #tpu.memory_space<vmem>>, vector<16xf32>,
      %get3A_1277 = arith.index_cast %scan3A_1086 : i32 to index
      %get3A_1278 = arith.constant 256 : index
      %get3A_1279 = tpu.vector_load %arg8[%get3A_1277, %get3A_1278] {strides = array<i32>} : memref<32x512xf32, #tpu.memory_space<vmem>>, vector<16xf32>,
      %sub3A_1280 = arith.constant 1 : i32
      %sub3A_1281 = arith.subi %scan3A_1086, %sub3A_1280 : i32
      %get3A_1282 = arith.index_cast %sub3A_1281 : i32 to index
      %get3A_1283 = arith.constant 256 : index
      %get3A_1284 = tpu.vector_load %arg8[%get3A_1282, %get3A_1283] {strides = array<i32>} : memref<32x512xf32, #tpu.memory_space<vmem>>, vector<16xf32>,
      %sub3A_1285 = arith.subf %get3A_1279, %get3A_1284 : vector<16xf32>
      %swap3A_1286 = arith.index_cast %scan3A_1086 : i32 to index
      %swap3A_1287 = arith.constant 256 : index
      %swap3A_1288 = tpu.vector_load %arg9[%swap3A_1286, %swap3A_1287] {strides = array<i32>} : memref<32x512xf32, #tpu.memory_space<vmem>>, vector<16xf32>,
      tpu.vector_store %arg9[%swap3A_1286, %swap3A_1287], %sub3A_1285 {strides = array<i32>} : memref<32x512xf32, #tpu.memory_space<vmem>>, vector<16xf32>,
      %get3A_1289 = arith.index_cast %scan3A_1086 : i32 to index
      %get3A_1290 = arith.constant 272 : index
      %get3A_1291 = tpu.vector_load %arg8[%get3A_1289, %get3A_1290] {strides = array<i32>} : memref<32x512xf32, #tpu.memory_space<vmem>>, vector<16xf32>,
      %sub3A_1292 = arith.constant 1 : i32
      %sub3A_1293 = arith.subi %scan3A_1086, %sub3A_1292 : i32
      %get3A_1294 = arith.index_cast %sub3A_1293 : i32 to index
      %get3A_1295 = arith.constant 272 : index
      %get3A_1296 = tpu.vector_load %arg8[%get3A_1294, %get3A_1295] {strides = array<i32>} : memref<32x512xf32, #tpu.memory_space<vmem>>, vector<16xf32>,
      %sub3A_1297 = arith.subf %get3A_1291, %get3A_1296 : vector<16xf32>
      %swap3A_1298 = arith.index_cast %scan3A_1086 : i32 to index
      %swap3A_1299 = arith.constant 272 : index
      %swap3A_1300 = tpu.vector_load %arg9[%swap3A_1298, %swap3A_1299] {strides = array<i32>} : memref<32x512xf32, #tpu.memory_space<vmem>>, vector<16xf32>,
      tpu.vector_store %arg9[%swap3A_1298, %swap3A_1299], %sub3A_1297 {strides = array<i32>} : memref<32x512xf32, #tpu.memory_space<vmem>>, vector<16xf32>,
      %get3A_1301 = arith.index_cast %scan3A_1086 : i32 to index
      %get3A_1302 = arith.constant 288 : index
      %get3A_1303 = tpu.vector_load %arg8[%get3A_1301, %get3A_1302] {strides = array<i32>} : memref<32x512xf32, #tpu.memory_space<vmem>>, vector<16xf32>,
      %sub3A_1304 = arith.constant 1 : i32
      %sub3A_1305 = arith.subi %scan3A_1086, %sub3A_1304 : i32
      %get3A_1306 = arith.index_cast %sub3A_1305 : i32 to index
      %get3A_1307 = arith.constant 288 : index
      %get3A_1308 = tpu.vector_load %arg8[%get3A_1306, %get3A_1307] {strides = array<i32>} : memref<32x512xf32, #tpu.memory_space<vmem>>, vector<16xf32>,
      %sub3A_1309 = arith.subf %get3A_1303, %get3A_1308 : vector<16xf32>
      %swap3A_1310 = arith.index_cast %scan3A_1086 : i32 to index
      %swap3A_1311 = arith.constant 288 : index
      %swap3A_1312 = tpu.vector_load %arg9[%swap3A_1310, %swap3A_1311] {strides = array<i32>} : memref<32x512xf32, #tpu.memory_space<vmem>>, vector<16xf32>,
      tpu.vector_store %arg9[%swap3A_1310, %swap3A_1311], %sub3A_1309 {strides = array<i32>} : memref<32x512xf32, #tpu.memory_space<vmem>>, vector<16xf32>,
      %get3A_1313 = arith.index_cast %scan3A_1086 : i32 to index
      %get3A_1314 = arith.constant 304 : index
      %get3A_1315 = tpu.vector_load %arg8[%get3A_1313, %get3A_1314] {strides = array<i32>} : memref<32x512xf32, #tpu.memory_space<vmem>>, vector<16xf32>,
      %sub3A_1316 = arith.constant 1 : i32
      %sub3A_1317 = arith.subi %scan3A_1086, %sub3A_1316 : i32
      %get3A_1318 = arith.index_cast %sub3A_1317 : i32 to index
      %get3A_1319 = arith.constant 304 : index
      %get3A_1320 = tpu.vector_load %arg8[%get3A_1318, %get3A_1319] {strides = array<i32>} : memref<32x512xf32, #tpu.memory_space<vmem>>, vector<16xf32>,
      %sub3A_1321 = arith.subf %get3A_1315, %get3A_1320 : vector<16xf32>
      %swap3A_1322 = arith.index_cast %scan3A_1086 : i32 to index
      %swap3A_1323 = arith.constant 304 : index
      %swap3A_1324 = tpu.vector_load %arg9[%swap3A_1322, %swap3A_1323] {strides = array<i32>} : memref<32x512xf32, #tpu.memory_space<vmem>>, vector<16xf32>,
      tpu.vector_store %arg9[%swap3A_1322, %swap3A_1323], %sub3A_1321 {strides = array<i32>} : memref<32x512xf32, #tpu.memory_space<vmem>>, vector<16xf32>,
      %get3A_1325 = arith.index_cast %scan3A_1086 : i32 to index
      %get3A_1326 = arith.constant 320 : index
      %get3A_1327 = tpu.vector_load %arg8[%get3A_1325, %get3A_1326] {strides = array<i32>} : memref<32x512xf32, #tpu.memory_space<vmem>>, vector<16xf32>,
      %sub3A_1328 = arith.constant 1 : i32
      %sub3A_1329 = arith.subi %scan3A_1086, %sub3A_1328 : i32
      %get3A_1330 = arith.index_cast %sub3A_1329 : i32 to index
      %get3A_1331 = arith.constant 320 : index
      %get3A_1332 = tpu.vector_load %arg8[%get3A_1330, %get3A_1331] {strides = array<i32>} : memref<32x512xf32, #tpu.memory_space<vmem>>, vector<16xf32>,
      %sub3A_1333 = arith.subf %get3A_1327, %get3A_1332 : vector<16xf32>
      %swap3A_1334 = arith.index_cast %scan3A_1086 : i32 to index
      %swap3A_1335 = arith.constant 320 : index
      %swap3A_1336 = tpu.vector_load %arg9[%swap3A_1334, %swap3A_1335] {strides = array<i32>} : memref<32x512xf32, #tpu.memory_space<vmem>>, vector<16xf32>,
      tpu.vector_store %arg9[%swap3A_1334, %swap3A_1335], %sub3A_1333 {strides = array<i32>} : memref<32x512xf32, #tpu.memory_space<vmem>>, vector<16xf32>,
      %get3A_1337 = arith.index_cast %scan3A_1086 : i32 to index
      %get3A_1338 = arith.constant 336 : index
      %get3A_1339 = tpu.vector_load %arg8[%get3A_1337, %get3A_1338] {strides = array<i32>} : memref<32x512xf32, #tpu.memory_space<vmem>>, vector<16xf32>,
      %sub3A_1340 = arith.constant 1 : i32
      %sub3A_1341 = arith.subi %scan3A_1086, %sub3A_1340 : i32
      %get3A_1342 = arith.index_cast %sub3A_1341 : i32 to index
      %get3A_1343 = arith.constant 336 : index
      %get3A_1344 = tpu.vector_load %arg8[%get3A_1342, %get3A_1343] {strides = array<i32>} : memref<32x512xf32, #tpu.memory_space<vmem>>, vector<16xf32>,
      %sub3A_1345 = arith.subf %get3A_1339, %get3A_1344 : vector<16xf32>
      %swap3A_1346 = arith.index_cast %scan3A_1086 : i32 to index
      %swap3A_1347 = arith.constant 336 : index
      %swap3A_1348 = tpu.vector_load %arg9[%swap3A_1346, %swap3A_1347] {strides = array<i32>} : memref<32x512xf32, #tpu.memory_space<vmem>>, vector<16xf32>,
      tpu.vector_store %arg9[%swap3A_1346, %swap3A_1347], %sub3A_1345 {strides = array<i32>} : memref<32x512xf32, #tpu.memory_space<vmem>>, vector<16xf32>,
      %get3A_1349 = arith.index_cast %scan3A_1086 : i32 to index
      %get3A_1350 = arith.constant 352 : index
      %get3A_1351 = tpu.vector_load %arg8[%get3A_1349, %get3A_1350] {strides = array<i32>} : memref<32x512xf32, #tpu.memory_space<vmem>>, vector<16xf32>,
      %sub3A_1352 = arith.constant 1 : i32
      %sub3A_1353 = arith.subi %scan3A_1086, %sub3A_1352 : i32
      %get3A_1354 = arith.index_cast %sub3A_1353 : i32 to index
      %get3A_1355 = arith.constant 352 : index
      %get3A_1356 = tpu.vector_load %arg8[%get3A_1354, %get3A_1355] {strides = array<i32>} : memref<32x512xf32, #tpu.memory_space<vmem>>, vector<16xf32>,
      %sub3A_1357 = arith.subf %get3A_1351, %get3A_1356 : vector<16xf32>
      %swap3A_1358 = arith.index_cast %scan3A_1086 : i32 to index
      %swap3A_1359 = arith.constant 352 : index
      %swap3A_1360 = tpu.vector_load %arg9[%swap3A_1358, %swap3A_1359] {strides = array<i32>} : memref<32x512xf32, #tpu.memory_space<vmem>>, vector<16xf32>,
      tpu.vector_store %arg9[%swap3A_1358, %swap3A_1359], %sub3A_1357 {strides = array<i32>} : memref<32x512xf32, #tpu.memory_space<vmem>>, vector<16xf32>,
      %get3A_1361 = arith.index_cast %scan3A_1086 : i32 to index
      %get3A_1362 = arith.constant 368 : index
      %get3A_1363 = tpu.vector_load %arg8[%get3A_1361, %get3A_1362] {strides = array<i32>} : memref<32x512xf32, #tpu.memory_space<vmem>>, vector<16xf32>,
      %sub3A_1364 = arith.constant 1 : i32
      %sub3A_1365 = arith.subi %scan3A_1086, %sub3A_1364 : i32
      %get3A_1366 = arith.index_cast %sub3A_1365 : i32 to index
      %get3A_1367 = arith.constant 368 : index
      %get3A_1368 = tpu.vector_load %arg8[%get3A_1366, %get3A_1367] {strides = array<i32>} : memref<32x512xf32, #tpu.memory_space<vmem>>, vector<16xf32>,
      %sub3A_1369 = arith.subf %get3A_1363, %get3A_1368 : vector<16xf32>
      %swap3A_1370 = arith.index_cast %scan3A_1086 : i32 to index
      %swap3A_1371 = arith.constant 368 : index
      %swap3A_1372 = tpu.vector_load %arg9[%swap3A_1370, %swap3A_1371] {strides = array<i32>} : memref<32x512xf32, #tpu.memory_space<vmem>>, vector<16xf32>,
      tpu.vector_store %arg9[%swap3A_1370, %swap3A_1371], %sub3A_1369 {strides = array<i32>} : memref<32x512xf32, #tpu.memory_space<vmem>>, vector<16xf32>,
      %get3A_1373 = arith.index_cast %scan3A_1086 : i32 to index
      %get3A_1374 = arith.constant 384 : index
      %get3A_1375 = tpu.vector_load %arg8[%get3A_1373, %get3A_1374] {strides = array<i32>} : memref<32x512xf32, #tpu.memory_space<vmem>>, vector<16xf32>,
      %sub3A_1376 = arith.constant 1 : i32
      %sub3A_1377 = arith.subi %scan3A_1086, %sub3A_1376 : i32
      %get3A_1378 = arith.index_cast %sub3A_1377 : i32 to index
      %get3A_1379 = arith.constant 384 : index
      %get3A_1380 = tpu.vector_load %arg8[%get3A_1378, %get3A_1379] {strides = array<i32>} : memref<32x512xf32, #tpu.memory_space<vmem>>, vector<16xf32>,
      %sub3A_1381 = arith.subf %get3A_1375, %get3A_1380 : vector<16xf32>
      %swap3A_1382 = arith.index_cast %scan3A_1086 : i32 to index
      %swap3A_1383 = arith.constant 384 : index
      %swap3A_1384 = tpu.vector_load %arg9[%swap3A_1382, %swap3A_1383] {strides = array<i32>} : memref<32x512xf32, #tpu.memory_space<vmem>>, vector<16xf32>,
      tpu.vector_store %arg9[%swap3A_1382, %swap3A_1383], %sub3A_1381 {strides = array<i32>} : memref<32x512xf32, #tpu.memory_space<vmem>>, vector<16xf32>,
      %get3A_1385 = arith.index_cast %scan3A_1086 : i32 to index
      %get3A_1386 = arith.constant 400 : index
      %get3A_1387 = tpu.vector_load %arg8[%get3A_1385, %get3A_1386] {strides = array<i32>} : memref<32x512xf32, #tpu.memory_space<vmem>>, vector<16xf32>,
      %sub3A_1388 = arith.constant 1 : i32
      %sub3A_1389 = arith.subi %scan3A_1086, %sub3A_1388 : i32
      %get3A_1390 = arith.index_cast %sub3A_1389 : i32 to index
      %get3A_1391 = arith.constant 400 : index
      %get3A_1392 = tpu.vector_load %arg8[%get3A_1390, %get3A_1391] {strides = array<i32>} : memref<32x512xf32, #tpu.memory_space<vmem>>, vector<16xf32>,
      %sub3A_1393 = arith.subf %get3A_1387, %get3A_1392 : vector<16xf32>
      %swap3A_1394 = arith.index_cast %scan3A_1086 : i32 to index
      %swap3A_1395 = arith.constant 400 : index
      %swap3A_1396 = tpu.vector_load %arg9[%swap3A_1394, %swap3A_1395] {strides = array<i32>} : memref<32x512xf32, #tpu.memory_space<vmem>>, vector<16xf32>,
      tpu.vector_store %arg9[%swap3A_1394, %swap3A_1395], %sub3A_1393 {strides = array<i32>} : memref<32x512xf32, #tpu.memory_space<vmem>>, vector<16xf32>,
      %get3A_1397 = arith.index_cast %scan3A_1086 : i32 to index
      %get3A_1398 = arith.constant 416 : index
      %get3A_1399 = tpu.vector_load %arg8[%get3A_1397, %get3A_1398] {strides = array<i32>} : memref<32x512xf32, #tpu.memory_space<vmem>>, vector<16xf32>,
      %sub3A_1400 = arith.constant 1 : i32
      %sub3A_1401 = arith.subi %scan3A_1086, %sub3A_1400 : i32
      %get3A_1402 = arith.index_cast %sub3A_1401 : i32 to index
      %get3A_1403 = arith.constant 416 : index
      %get3A_1404 = tpu.vector_load %arg8[%get3A_1402, %get3A_1403] {strides = array<i32>} : memref<32x512xf32, #tpu.memory_space<vmem>>, vector<16xf32>,
      %sub3A_1405 = arith.subf %get3A_1399, %get3A_1404 : vector<16xf32>
      %swap3A_1406 = arith.index_cast %scan3A_1086 : i32 to index
      %swap3A_1407 = arith.constant 416 : index
      %swap3A_1408 = tpu.vector_load %arg9[%swap3A_1406, %swap3A_1407] {strides = array<i32>} : memref<32x512xf32, #tpu.memory_space<vmem>>, vector<16xf32>,
      tpu.vector_store %arg9[%swap3A_1406, %swap3A_1407], %sub3A_1405 {strides = array<i32>} : memref<32x512xf32, #tpu.memory_space<vmem>>, vector<16xf32>,
      %get3A_1409 = arith.index_cast %scan3A_1086 : i32 to index
      %get3A_1410 = arith.constant 432 : index
      %get3A_1411 = tpu.vector_load %arg8[%get3A_1409, %get3A_1410] {strides = array<i32>} : memref<32x512xf32, #tpu.memory_space<vmem>>, vector<16xf32>,
      %sub3A_1412 = arith.constant 1 : i32
      %sub3A_1413 = arith.subi %scan3A_1086, %sub3A_1412 : i32
      %get3A_1414 = arith.index_cast %sub3A_1413 : i32 to index
      %get3A_1415 = arith.constant 432 : index
      %get3A_1416 = tpu.vector_load %arg8[%get3A_1414, %get3A_1415] {strides = array<i32>} : memref<32x512xf32, #tpu.memory_space<vmem>>, vector<16xf32>,
      %sub3A_1417 = arith.subf %get3A_1411, %get3A_1416 : vector<16xf32>
      %swap3A_1418 = arith.index_cast %scan3A_1086 : i32 to index
      %swap3A_1419 = arith.constant 432 : index
      %swap3A_1420 = tpu.vector_load %arg9[%swap3A_1418, %swap3A_1419] {strides = array<i32>} : memref<32x512xf32, #tpu.memory_space<vmem>>, vector<16xf32>,
      tpu.vector_store %arg9[%swap3A_1418, %swap3A_1419], %sub3A_1417 {strides = array<i32>} : memref<32x512xf32, #tpu.memory_space<vmem>>, vector<16xf32>,
      %get3A_1421 = arith.index_cast %scan3A_1086 : i32 to index
      %get3A_1422 = arith.constant 448 : index
      %get3A_1423 = tpu.vector_load %arg8[%get3A_1421, %get3A_1422] {strides = array<i32>} : memref<32x512xf32, #tpu.memory_space<vmem>>, vector<16xf32>,
      %sub3A_1424 = arith.constant 1 : i32
      %sub3A_1425 = arith.subi %scan3A_1086, %sub3A_1424 : i32
      %get3A_1426 = arith.index_cast %sub3A_1425 : i32 to index
      %get3A_1427 = arith.constant 448 : index
      %get3A_1428 = tpu.vector_load %arg8[%get3A_1426, %get3A_1427] {strides = array<i32>} : memref<32x512xf32, #tpu.memory_space<vmem>>, vector<16xf32>,
      %sub3A_1429 = arith.subf %get3A_1423, %get3A_1428 : vector<16xf32>
      %swap3A_1430 = arith.index_cast %scan3A_1086 : i32 to index
      %swap3A_1431 = arith.constant 448 : index
      %swap3A_1432 = tpu.vector_load %arg9[%swap3A_1430, %swap3A_1431] {strides = array<i32>} : memref<32x512xf32, #tpu.memory_space<vmem>>, vector<16xf32>,
      tpu.vector_store %arg9[%swap3A_1430, %swap3A_1431], %sub3A_1429 {strides = array<i32>} : memref<32x512xf32, #tpu.memory_space<vmem>>, vector<16xf32>,
      %get3A_1433 = arith.index_cast %scan3A_1086 : i32 to index
      %get3A_1434 = arith.constant 464 : index
      %get3A_1435 = tpu.vector_load %arg8[%get3A_1433, %get3A_1434] {strides = array<i32>} : memref<32x512xf32, #tpu.memory_space<vmem>>, vector<16xf32>,
      %sub3A_1436 = arith.constant 1 : i32
      %sub3A_1437 = arith.subi %scan3A_1086, %sub3A_1436 : i32
      %get3A_1438 = arith.index_cast %sub3A_1437 : i32 to index
      %get3A_1439 = arith.constant 464 : index
      %get3A_1440 = tpu.vector_load %arg8[%get3A_1438, %get3A_1439] {strides = array<i32>} : memref<32x512xf32, #tpu.memory_space<vmem>>, vector<16xf32>,
      %sub3A_1441 = arith.subf %get3A_1435, %get3A_1440 : vector<16xf32>
      %swap3A_1442 = arith.index_cast %scan3A_1086 : i32 to index
      %swap3A_1443 = arith.constant 464 : index
      %swap3A_1444 = tpu.vector_load %arg9[%swap3A_1442, %swap3A_1443] {strides = array<i32>} : memref<32x512xf32, #tpu.memory_space<vmem>>, vector<16xf32>,
      tpu.vector_store %arg9[%swap3A_1442, %swap3A_1443], %sub3A_1441 {strides = array<i32>} : memref<32x512xf32, #tpu.memory_space<vmem>>, vector<16xf32>,
      %get3A_1445 = arith.index_cast %scan3A_1086 : i32 to index
      %get3A_1446 = arith.constant 480 : index
      %get3A_1447 = tpu.vector_load %arg8[%get3A_1445, %get3A_1446] {strides = array<i32>} : memref<32x512xf32, #tpu.memory_space<vmem>>, vector<16xf32>,
      %sub3A_1448 = arith.constant 1 : i32
      %sub3A_1449 = arith.subi %scan3A_1086, %sub3A_1448 : i32
      %get3A_1450 = arith.index_cast %sub3A_1449 : i32 to index
      %get3A_1451 = arith.constant 480 : index
      %get3A_1452 = tpu.vector_load %arg8[%get3A_1450, %get3A_1451] {strides = array<i32>} : memref<32x512xf32, #tpu.memory_space<vmem>>, vector<16xf32>,
      %sub3A_1453 = arith.subf %get3A_1447, %get3A_1452 : vector<16xf32>
      %swap3A_1454 = arith.index_cast %scan3A_1086 : i32 to index
      %swap3A_1455 = arith.constant 480 : index
      %swap3A_1456 = tpu.vector_load %arg9[%swap3A_1454, %swap3A_1455] {strides = array<i32>} : memref<32x512xf32, #tpu.memory_space<vmem>>, vector<16xf32>,
      tpu.vector_store %arg9[%swap3A_1454, %swap3A_1455], %sub3A_1453 {strides = array<i32>} : memref<32x512xf32, #tpu.memory_space<vmem>>, vector<16xf32>,
      %get3A_1457 = arith.index_cast %scan3A_1086 : i32 to index
      %get3A_1458 = arith.constant 496 : index
      %get3A_1459 = tpu.vector_load %arg8[%get3A_1457, %get3A_1458] {strides = array<i32>} : memref<32x512xf32, #tpu.memory_space<vmem>>, vector<16xf32>,
      %sub3A_1460 = arith.constant 1 : i32
      %sub3A_1461 = arith.subi %scan3A_1086, %sub3A_1460 : i32
      %get3A_1462 = arith.index_cast %sub3A_1461 : i32 to index
      %get3A_1463 = arith.constant 496 : index
      %get3A_1464 = tpu.vector_load %arg8[%get3A_1462, %get3A_1463] {strides = array<i32>} : memref<32x512xf32, #tpu.memory_space<vmem>>, vector<16xf32>,
      %sub3A_1465 = arith.subf %get3A_1459, %get3A_1464 : vector<16xf32>
      %swap3A_1466 = arith.index_cast %scan3A_1086 : i32 to index
      %swap3A_1467 = arith.constant 496 : index
      %swap3A_1468 = tpu.vector_load %arg9[%swap3A_1466, %swap3A_1467] {strides = array<i32>} : memref<32x512xf32, #tpu.memory_space<vmem>>, vector<16xf32>,
      tpu.vector_store %arg9[%swap3A_1466, %swap3A_1467], %sub3A_1465 {strides = array<i32>} : memref<32x512xf32, #tpu.memory_space<vmem>>, vector<16xf32>,
    }
    %scan3A_1062 = arith.constant 31 : i32
    %scan3A_1063 = arith.constant 0 : i32
    %scan3A_1064 = arith.constant 1 : i32
    %scan3A_1065 = arith.constant 31 : i32
    %scan3A_1066 = arith.addi %scan3A_1064, %scan3A_1065 : i32
    %scan3A_1067 = arith.constant 1 : i32
    scf.for %scan3A_1086 = %scan3A_1064 to %scan3A_1066 step %scan3A_1067  : i32 {
      %dma_wait3A_1087 = arith.constant 0 : i32
      %dma_wait3A_1088 = arith.constant 0 : i32
      %dma_wait3A_1089 = tpu.memref_slice %arg4[%add3A, %scan3A_1086, %dma_wait3A_1087, %dma_wait3A_1088] : memref<32x32x256x256xf32, #tpu.memory_space<hbm>> -> memref<1x1x128x256xf32, #tpu.memory_space<hbm>>
      %dma_wait3A_1090 = tpu.memref_squeeze %dma_wait3A_1089 : memref<1x1x128x256xf32, #tpu.memory_space<hbm>> -> memref<128x256xf32, #tpu.memory_space<hbm>>
      %dma_wait3A_1091 = arith.constant 0 : i32
      %dma_wait3A_1092 = arith.constant 0 : i32
      %dma_wait3A_1093 = tpu.memref_slice %arg4[%add3A, %scan3A_1086, %dma_wait3A_1091, %dma_wait3A_1092] : memref<32x32x256x256xf32, #tpu.memory_space<hbm>> -> memref<1x1x128x256xf32, #tpu.memory_space<hbm>>
      %dma_wait3A_1094 = tpu.memref_squeeze %dma_wait3A_1093 : memref<1x1x128x256xf32, #tpu.memory_space<hbm>> -> memref<128x256xf32, #tpu.memory_space<hbm>>
      tpu.wait_dma2 semaphore(%arg12 : memref<!tpu.dma_semaphore, #tpu.memory_space<semaphore_mem>>) src(%arg10 : memref<128x256xf32, #tpu.memory_space<vmem>>) dst(%dma_wait3A_1094 : memref<128x256xf32, #tpu.memory_space<hbm>>)
      %dma_wait3A_1095 = arith.constant 128 : i32
      %dma_wait3A_1096 = arith.constant 0 : i32
      %dma_wait3A_1097 = tpu.memref_slice %arg4[%add3A, %scan3A_1086, %dma_wait3A_1095, %dma_wait3A_1096] : memref<32x32x256x256xf32, #tpu.memory_space<hbm>> -> memref<1x1x128x256xf32, #tpu.memory_space<hbm>>
      %dma_wait3A_1098 = tpu.memref_squeeze %dma_wait3A_1097 : memref<1x1x128x256xf32, #tpu.memory_space<hbm>> -> memref<128x256xf32, #tpu.memory_space<hbm>>
      %dma_wait3A_1099 = arith.constant 128 : i32
      %dma_wait3A_1100 = arith.constant 0 : i32
      %dma_wait3A_1101 = tpu.memref_slice %arg4[%add3A, %scan3A_1086, %dma_wait3A_1099, %dma_wait3A_1100] : memref<32x32x256x256xf32, #tpu.memory_space<hbm>> -> memref<1x1x128x256xf32, #tpu.memory_space<hbm>>
      %dma_wait3A_1102 = tpu.memref_squeeze %dma_wait3A_1101 : memref<1x1x128x256xf32, #tpu.memory_space<hbm>> -> memref<128x256xf32, #tpu.memory_space<hbm>>
      tpu.wait_dma2 semaphore(%arg13 : memref<!tpu.dma_semaphore, #tpu.memory_space<semaphore_mem>>) src(%arg11 : memref<128x256xf32, #tpu.memory_space<vmem>>) dst(%dma_wait3A_1102 : memref<128x256xf32, #tpu.memory_space<hbm>>)
      %get3A_1103 = arith.constant 0 : index
      %get3A_1104 = tpu.vector_load %arg6[%get3A_1103] {strides = array<i32>} : memref<512xi32, #tpu.memory_space<vmem>>, vector<16xi32>,
      %get3A_1105 = arith.constant 1 : i32
      %get3A_1106 = arith.index_cast %get3A_1105 : i32 to index
      %get3A_1107 = arith.constant 0 : index
      %get3A_1108 = tpu.vector_load %arg5[%get3A_1106, %get3A_1107] {strides = array<i32>} : memref<2x512xi32, #tpu.memory_space<vmem>>, vector<16xi32>,
      %get3A_1109 = arith.constant 0 : index
      %get3A_1110 = tpu.vector_load %arg7[%get3A_1109] {strides = array<i32>} : memref<512xi32, #tpu.memory_space<vmem>>, vector<16xi32>,
      %ge3A_1111 = arith.constant 128 : i32
      %ge3A_1112 = vector.broadcast %ge3A_1111 : i32 to vector<16xi32>
      %ge3A_1113 = arith.cmpi sge, %get3A_1110, %ge3A_1112 : vector<16xi32>
      %get3A_1114 = arith.index_cast %scan3A_1086 : i32 to index
      %get3A_1115 = arith.constant 0 : index
      %get3A_1116 = tpu.vector_load %arg9[%get3A_1114, %get3A_1115] {strides = array<i32>} : memref<32x512xf32, #tpu.memory_space<vmem>>, vector<16xf32>,
      %not3A_1117 = arith.constant dense<true> : vector<16xi1>
      %not3A_1118 = arith.xori %ge3A_1113, %not3A_1117 : vector<16xi1>
      tpu.vector_store_idx %arg10[%get3A_1104, %get3A_1108], %get3A_1116 masked %not3A_1118 {add = true} : memref<128x256xf32, #tpu.memory_space<vmem>>[vector<16xi32>, vector<16xi32>], vector<16xf32>, vector<16xi1>
      tpu.vector_store_idx %arg11[%get3A_1104, %get3A_1108], %get3A_1116 masked %ge3A_1113 {add = true} : memref<128x256xf32, #tpu.memory_space<vmem>>[vector<16xi32>, vector<16xi32>], vector<16xf32>, vector<16xi1>
      %get3A_1119 = arith.constant 16 : index
      %get3A_1120 = tpu.vector_load %arg6[%get3A_1119] {strides = array<i32>} : memref<512xi32, #tpu.memory_space<vmem>>, vector<16xi32>,
      %get3A_1121 = arith.constant 1 : i32
      %get3A_1122 = arith.index_cast %get3A_1121 : i32 to index
      %get3A_1123 = arith.constant 16 : index
      %get3A_1124 = tpu.vector_load %arg5[%get3A_1122, %get3A_1123] {strides = array<i32>} : memref<2x512xi32, #tpu.memory_space<vmem>>, vector<16xi32>,
      %get3A_1125 = arith.constant 16 : index
      %get3A_1126 = tpu.vector_load %arg7[%get3A_1125] {strides = array<i32>} : memref<512xi32, #tpu.memory_space<vmem>>, vector<16xi32>,
      %ge3A_1127 = arith.constant 128 : i32
      %ge3A_1128 = vector.broadcast %ge3A_1127 : i32 to vector<16xi32>
      %ge3A_1129 = arith.cmpi sge, %get3A_1126, %ge3A_1128 : vector<16xi32>
      %get3A_1130 = arith.index_cast %scan3A_1086 : i32 to index
      %get3A_1131 = arith.constant 16 : index
      %get3A_1132 = tpu.vector_load %arg9[%get3A_1130, %get3A_1131] {strides = array<i32>} : memref<32x512xf32, #tpu.memory_space<vmem>>, vector<16xf32>,
      %not3A_1133 = arith.constant dense<true> : vector<16xi1>
      %not3A_1134 = arith.xori %ge3A_1129, %not3A_1133 : vector<16xi1>
      tpu.vector_store_idx %arg10[%get3A_1120, %get3A_1124], %get3A_1132 masked %not3A_1134 {add = true} : memref<128x256xf32, #tpu.memory_space<vmem>>[vector<16xi32>, vector<16xi32>], vector<16xf32>, vector<16xi1>
      tpu.vector_store_idx %arg11[%get3A_1120, %get3A_1124], %get3A_1132 masked %ge3A_1129 {add = true} : memref<128x256xf32, #tpu.memory_space<vmem>>[vector<16xi32>, vector<16xi32>], vector<16xf32>, vector<16xi1>
      %get3A_1135 = arith.constant 32 : index
      %get3A_1136 = tpu.vector_load %arg6[%get3A_1135] {strides = array<i32>} : memref<512xi32, #tpu.memory_space<vmem>>, vector<16xi32>,
      %get3A_1137 = arith.constant 1 : i32
      %get3A_1138 = arith.index_cast %get3A_1137 : i32 to index
      %get3A_1139 = arith.constant 32 : index
      %get3A_1140 = tpu.vector_load %arg5[%get3A_1138, %get3A_1139] {strides = array<i32>} : memref<2x512xi32, #tpu.memory_space<vmem>>, vector<16xi32>,
      %get3A_1141 = arith.constant 32 : index
      %get3A_1142 = tpu.vector_load %arg7[%get3A_1141] {strides = array<i32>} : memref<512xi32, #tpu.memory_space<vmem>>, vector<16xi32>,
      %ge3A_1143 = arith.constant 128 : i32
      %ge3A_1144 = vector.broadcast %ge3A_1143 : i32 to vector<16xi32>
      %ge3A_1145 = arith.cmpi sge, %get3A_1142, %ge3A_1144 : vector<16xi32>
      %get3A_1146 = arith.index_cast %scan3A_1086 : i32 to index
      %get3A_1147 = arith.constant 32 : index
      %get3A_1148 = tpu.vector_load %arg9[%get3A_1146, %get3A_1147] {strides = array<i32>} : memref<32x512xf32, #tpu.memory_space<vmem>>, vector<16xf32>,
      %not3A_1149 = arith.constant dense<true> : vector<16xi1>
      %not3A_1150 = arith.xori %ge3A_1145, %not3A_1149 : vector<16xi1>
      tpu.vector_store_idx %arg10[%get3A_1136, %get3A_1140], %get3A_1148 masked %not3A_1150 {add = true} : memref<128x256xf32, #tpu.memory_space<vmem>>[vector<16xi32>, vector<16xi32>], vector<16xf32>, vector<16xi1>
      tpu.vector_store_idx %arg11[%get3A_1136, %get3A_1140], %get3A_1148 masked %ge3A_1145 {add = true} : memref<128x256xf32, #tpu.memory_space<vmem>>[vector<16xi32>, vector<16xi32>], vector<16xf32>, vector<16xi1>
      %get3A_1151 = arith.constant 48 : index
      %get3A_1152 = tpu.vector_load %arg6[%get3A_1151] {strides = array<i32>} : memref<512xi32, #tpu.memory_space<vmem>>, vector<16xi32>,
      %get3A_1153 = arith.constant 1 : i32
      %get3A_1154 = arith.index_cast %get3A_1153 : i32 to index
      %get3A_1155 = arith.constant 48 : index
      %get3A_1156 = tpu.vector_load %arg5[%get3A_1154, %get3A_1155] {strides = array<i32>} : memref<2x512xi32, #tpu.memory_space<vmem>>, vector<16xi32>,
      %get3A_1157 = arith.constant 48 : index
      %get3A_1158 = tpu.vector_load %arg7[%get3A_1157] {strides = array<i32>} : memref<512xi32, #tpu.memory_space<vmem>>, vector<16xi32>,
      %ge3A_1159 = arith.constant 128 : i32
      %ge3A_1160 = vector.broadcast %ge3A_1159 : i32 to vector<16xi32>
      %ge3A_1161 = arith.cmpi sge, %get3A_1158, %ge3A_1160 : vector<16xi32>
      %get3A_1162 = arith.index_cast %scan3A_1086 : i32 to index
      %get3A_1163 = arith.constant 48 : index
      %get3A_1164 = tpu.vector_load %arg9[%get3A_1162, %get3A_1163] {strides = array<i32>} : memref<32x512xf32, #tpu.memory_space<vmem>>, vector<16xf32>,
      %not3A_1165 = arith.constant dense<true> : vector<16xi1>
      %not3A_1166 = arith.xori %ge3A_1161, %not3A_1165 : vector<16xi1>
      tpu.vector_store_idx %arg10[%get3A_1152, %get3A_1156], %get3A_1164 masked %not3A_1166 {add = true} : memref<128x256xf32, #tpu.memory_space<vmem>>[vector<16xi32>, vector<16xi32>], vector<16xf32>, vector<16xi1>
      tpu.vector_store_idx %arg11[%get3A_1152, %get3A_1156], %get3A_1164 masked %ge3A_1161 {add = true} : memref<128x256xf32, #tpu.memory_space<vmem>>[vector<16xi32>, vector<16xi32>], vector<16xf32>, vector<16xi1>
      %get3A_1167 = arith.constant 64 : index
      %get3A_1168 = tpu.vector_load %arg6[%get3A_1167] {strides = array<i32>} : memref<512xi32, #tpu.memory_space<vmem>>, vector<16xi32>,
      %get3A_1169 = arith.constant 1 : i32
      %get3A_1170 = arith.index_cast %get3A_1169 : i32 to index
      %get3A_1171 = arith.constant 64 : index
      %get3A_1172 = tpu.vector_load %arg5[%get3A_1170, %get3A_1171] {strides = array<i32>} : memref<2x512xi32, #tpu.memory_space<vmem>>, vector<16xi32>,
      %get3A_1173 = arith.constant 64 : index
      %get3A_1174 = tpu.vector_load %arg7[%get3A_1173] {strides = array<i32>} : memref<512xi32, #tpu.memory_space<vmem>>, vector<16xi32>,
      %ge3A_1175 = arith.constant 128 : i32
      %ge3A_1176 = vector.broadcast %ge3A_1175 : i32 to vector<16xi32>
      %ge3A_1177 = arith.cmpi sge, %get3A_1174, %ge3A_1176 : vector<16xi32>
      %get3A_1178 = arith.index_cast %scan3A_1086 : i32 to index
      %get3A_1179 = arith.constant 64 : index
      %get3A_1180 = tpu.vector_load %arg9[%get3A_1178, %get3A_1179] {strides = array<i32>} : memref<32x512xf32, #tpu.memory_space<vmem>>, vector<16xf32>,
      %not3A_1181 = arith.constant dense<true> : vector<16xi1>
      %not3A_1182 = arith.xori %ge3A_1177, %not3A_1181 : vector<16xi1>
      tpu.vector_store_idx %arg10[%get3A_1168, %get3A_1172], %get3A_1180 masked %not3A_1182 {add = true} : memref<128x256xf32, #tpu.memory_space<vmem>>[vector<16xi32>, vector<16xi32>], vector<16xf32>, vector<16xi1>
      tpu.vector_store_idx %arg11[%get3A_1168, %get3A_1172], %get3A_1180 masked %ge3A_1177 {add = true} : memref<128x256xf32, #tpu.memory_space<vmem>>[vector<16xi32>, vector<16xi32>], vector<16xf32>, vector<16xi1>
      %get3A_1183 = arith.constant 80 : index
      %get3A_1184 = tpu.vector_load %arg6[%get3A_1183] {strides = array<i32>} : memref<512xi32, #tpu.memory_space<vmem>>, vector<16xi32>,
      %get3A_1185 = arith.constant 1 : i32
      %get3A_1186 = arith.index_cast %get3A_1185 : i32 to index
      %get3A_1187 = arith.constant 80 : index
      %get3A_1188 = tpu.vector_load %arg5[%get3A_1186, %get3A_1187] {strides = array<i32>} : memref<2x512xi32, #tpu.memory_space<vmem>>, vector<16xi32>,
      %get3A_1189 = arith.constant 80 : index
      %get3A_1190 = tpu.vector_load %arg7[%get3A_1189] {strides = array<i32>} : memref<512xi32, #tpu.memory_space<vmem>>, vector<16xi32>,
      %ge3A_1191 = arith.constant 128 : i32
      %ge3A_1192 = vector.broadcast %ge3A_1191 : i32 to vector<16xi32>
      %ge3A_1193 = arith.cmpi sge, %get3A_1190, %ge3A_1192 : vector<16xi32>
      %get3A_1194 = arith.index_cast %scan3A_1086 : i32 to index
      %get3A_1195 = arith.constant 80 : index
      %get3A_1196 = tpu.vector_load %arg9[%get3A_1194, %get3A_1195] {strides = array<i32>} : memref<32x512xf32, #tpu.memory_space<vmem>>, vector<16xf32>,
      %not3A_1197 = arith.constant dense<true> : vector<16xi1>
      %not3A_1198 = arith.xori %ge3A_1193, %not3A_1197 : vector<16xi1>
      tpu.vector_store_idx %arg10[%get3A_1184, %get3A_1188], %get3A_1196 masked %not3A_1198 {add = true} : memref<128x256xf32, #tpu.memory_space<vmem>>[vector<16xi32>, vector<16xi32>], vector<16xf32>, vector<16xi1>
      tpu.vector_store_idx %arg11[%get3A_1184, %get3A_1188], %get3A_1196 masked %ge3A_1193 {add = true} : memref<128x256xf32, #tpu.memory_space<vmem>>[vector<16xi32>, vector<16xi32>], vector<16xf32>, vector<16xi1>
      %get3A_1199 = arith.constant 96 : index
      %get3A_1200 = tpu.vector_load %arg6[%get3A_1199] {strides = array<i32>} : memref<512xi32, #tpu.memory_space<vmem>>, vector<16xi32>,
      %get3A_1201 = arith.constant 1 : i32
      %get3A_1202 = arith.index_cast %get3A_1201 : i32 to index
      %get3A_1203 = arith.constant 96 : index
      %get3A_1204 = tpu.vector_load %arg5[%get3A_1202, %get3A_1203] {strides = array<i32>} : memref<2x512xi32, #tpu.memory_space<vmem>>, vector<16xi32>,
      %get3A_1205 = arith.constant 96 : index
      %get3A_1206 = tpu.vector_load %arg7[%get3A_1205] {strides = array<i32>} : memref<512xi32, #tpu.memory_space<vmem>>, vector<16xi32>,
      %ge3A_1207 = arith.constant 128 : i32
      %ge3A_1208 = vector.broadcast %ge3A_1207 : i32 to vector<16xi32>
      %ge3A_1209 = arith.cmpi sge, %get3A_1206, %ge3A_1208 : vector<16xi32>
      %get3A_1210 = arith.index_cast %scan3A_1086 : i32 to index
      %get3A_1211 = arith.constant 96 : index
      %get3A_1212 = tpu.vector_load %arg9[%get3A_1210, %get3A_1211] {strides = array<i32>} : memref<32x512xf32, #tpu.memory_space<vmem>>, vector<16xf32>,
      %not3A_1213 = arith.constant dense<true> : vector<16xi1>
      %not3A_1214 = arith.xori %ge3A_1209, %not3A_1213 : vector<16xi1>
      tpu.vector_store_idx %arg10[%get3A_1200, %get3A_1204], %get3A_1212 masked %not3A_1214 {add = true} : memref<128x256xf32, #tpu.memory_space<vmem>>[vector<16xi32>, vector<16xi32>], vector<16xf32>, vector<16xi1>
      tpu.vector_store_idx %arg11[%get3A_1200, %get3A_1204], %get3A_1212 masked %ge3A_1209 {add = true} : memref<128x256xf32, #tpu.memory_space<vmem>>[vector<16xi32>, vector<16xi32>], vector<16xf32>, vector<16xi1>
      %get3A_1215 = arith.constant 112 : index
      %get3A_1216 = tpu.vector_load %arg6[%get3A_1215] {strides = array<i32>} : memref<512xi32, #tpu.memory_space<vmem>>, vector<16xi32>,
      %get3A_1217 = arith.constant 1 : i32
      %get3A_1218 = arith.index_cast %get3A_1217 : i32 to index
      %get3A_1219 = arith.constant 112 : index
      %get3A_1220 = tpu.vector_load %arg5[%get3A_1218, %get3A_1219] {strides = array<i32>} : memref<2x512xi32, #tpu.memory_space<vmem>>, vector<16xi32>,
      %get3A_1221 = arith.constant 112 : index
      %get3A_1222 = tpu.vector_load %arg7[%get3A_1221] {strides = array<i32>} : memref<512xi32, #tpu.memory_space<vmem>>, vector<16xi32>,
      %ge3A_1223 = arith.constant 128 : i32
      %ge3A_1224 = vector.broadcast %ge3A_1223 : i32 to vector<16xi32>
      %ge3A_1225 = arith.cmpi sge, %get3A_1222, %ge3A_1224 : vector<16xi32>
      %get3A_1226 = arith.index_cast %scan3A_1086 : i32 to index
      %get3A_1227 = arith.constant 112 : index
      %get3A_1228 = tpu.vector_load %arg9[%get3A_1226, %get3A_1227] {strides = array<i32>} : memref<32x512xf32, #tpu.memory_space<vmem>>, vector<16xf32>,
      %not3A_1229 = arith.constant dense<true> : vector<16xi1>
      %not3A_1230 = arith.xori %ge3A_1225, %not3A_1229 : vector<16xi1>
      tpu.vector_store_idx %arg10[%get3A_1216, %get3A_1220], %get3A_1228 masked %not3A_1230 {add = true} : memref<128x256xf32, #tpu.memory_space<vmem>>[vector<16xi32>, vector<16xi32>], vector<16xf32>, vector<16xi1>
      tpu.vector_store_idx %arg11[%get3A_1216, %get3A_1220], %get3A_1228 masked %ge3A_1225 {add = true} : memref<128x256xf32, #tpu.memory_space<vmem>>[vector<16xi32>, vector<16xi32>], vector<16xf32>, vector<16xi1>
      %get3A_1231 = arith.constant 128 : index
      %get3A_1232 = tpu.vector_load %arg6[%get3A_1231] {strides = array<i32>} : memref<512xi32, #tpu.memory_space<vmem>>, vector<16xi32>,
      %get3A_1233 = arith.constant 1 : i32
      %get3A_1234 = arith.index_cast %get3A_1233 : i32 to index
      %get3A_1235 = arith.constant 128 : index
      %get3A_1236 = tpu.vector_load %arg5[%get3A_1234, %get3A_1235] {strides = array<i32>} : memref<2x512xi32, #tpu.memory_space<vmem>>, vector<16xi32>,
      %get3A_1237 = arith.constant 128 : index
      %get3A_1238 = tpu.vector_load %arg7[%get3A_1237] {strides = array<i32>} : memref<512xi32, #tpu.memory_space<vmem>>, vector<16xi32>,
      %ge3A_1239 = arith.constant 128 : i32
      %ge3A_1240 = vector.broadcast %ge3A_1239 : i32 to vector<16xi32>
      %ge3A_1241 = arith.cmpi sge, %get3A_1238, %ge3A_1240 : vector<16xi32>
      %get3A_1242 = arith.index_cast %scan3A_1086 : i32 to index
      %get3A_1243 = arith.constant 128 : index
      %get3A_1244 = tpu.vector_load %arg9[%get3A_1242, %get3A_1243] {strides = array<i32>} : memref<32x512xf32, #tpu.memory_space<vmem>>, vector<16xf32>,
      %not3A_1245 = arith.constant dense<true> : vector<16xi1>
      %not3A_1246 = arith.xori %ge3A_1241, %not3A_1245 : vector<16xi1>
      tpu.vector_store_idx %arg10[%get3A_1232, %get3A_1236], %get3A_1244 masked %not3A_1246 {add = true} : memref<128x256xf32, #tpu.memory_space<vmem>>[vector<16xi32>, vector<16xi32>], vector<16xf32>, vector<16xi1>
      tpu.vector_store_idx %arg11[%get3A_1232, %get3A_1236], %get3A_1244 masked %ge3A_1241 {add = true} : memref<128x256xf32, #tpu.memory_space<vmem>>[vector<16xi32>, vector<16xi32>], vector<16xf32>, vector<16xi1>
      %get3A_1247 = arith.constant 144 : index
      %get3A_1248 = tpu.vector_load %arg6[%get3A_1247] {strides = array<i32>} : memref<512xi32, #tpu.memory_space<vmem>>, vector<16xi32>,
      %get3A_1249 = arith.constant 1 : i32
      %get3A_1250 = arith.index_cast %get3A_1249 : i32 to index
      %get3A_1251 = arith.constant 144 : index
      %get3A_1252 = tpu.vector_load %arg5[%get3A_1250, %get3A_1251] {strides = array<i32>} : memref<2x512xi32, #tpu.memory_space<vmem>>, vector<16xi32>,
      %get3A_1253 = arith.constant 144 : index
      %get3A_1254 = tpu.vector_load %arg7[%get3A_1253] {strides = array<i32>} : memref<512xi32, #tpu.memory_space<vmem>>, vector<16xi32>,
      %ge3A_1255 = arith.constant 128 : i32
      %ge3A_1256 = vector.broadcast %ge3A_1255 : i32 to vector<16xi32>
      %ge3A_1257 = arith.cmpi sge, %get3A_1254, %ge3A_1256 : vector<16xi32>
      %get3A_1258 = arith.index_cast %scan3A_1086 : i32 to index
      %get3A_1259 = arith.constant 144 : index
      %get3A_1260 = tpu.vector_load %arg9[%get3A_1258, %get3A_1259] {strides = array<i32>} : memref<32x512xf32, #tpu.memory_space<vmem>>, vector<16xf32>,
      %not3A_1261 = arith.constant dense<true> : vector<16xi1>
      %not3A_1262 = arith.xori %ge3A_1257, %not3A_1261 : vector<16xi1>
      tpu.vector_store_idx %arg10[%get3A_1248, %get3A_1252], %get3A_1260 masked %not3A_1262 {add = true} : memref<128x256xf32, #tpu.memory_space<vmem>>[vector<16xi32>, vector<16xi32>], vector<16xf32>, vector<16xi1>
      tpu.vector_store_idx %arg11[%get3A_1248, %get3A_1252], %get3A_1260 masked %ge3A_1257 {add = true} : memref<128x256xf32, #tpu.memory_space<vmem>>[vector<16xi32>, vector<16xi32>], vector<16xf32>, vector<16xi1>
      %get3A_1263 = arith.constant 160 : index
      %get3A_1264 = tpu.vector_load %arg6[%get3A_1263] {strides = array<i32>} : memref<512xi32, #tpu.memory_space<vmem>>, vector<16xi32>,
      %get3A_1265 = arith.constant 1 : i32
      %get3A_1266 = arith.index_cast %get3A_1265 : i32 to index
      %get3A_1267 = arith.constant 160 : index
      %get3A_1268 = tpu.vector_load %arg5[%get3A_1266, %get3A_1267] {strides = array<i32>} : memref<2x512xi32, #tpu.memory_space<vmem>>, vector<16xi32>,
      %get3A_1269 = arith.constant 160 : index
      %get3A_1270 = tpu.vector_load %arg7[%get3A_1269] {strides = array<i32>} : memref<512xi32, #tpu.memory_space<vmem>>, vector<16xi32>,
      %ge3A_1271 = arith.constant 128 : i32
      %ge3A_1272 = vector.broadcast %ge3A_1271 : i32 to vector<16xi32>
      %ge3A_1273 = arith.cmpi sge, %get3A_1270, %ge3A_1272 : vector<16xi32>
      %get3A_1274 = arith.index_cast %scan3A_1086 : i32 to index
      %get3A_1275 = arith.constant 160 : index
      %get3A_1276 = tpu.vector_load %arg9[%get3A_1274, %get3A_1275] {strides = array<i32>} : memref<32x512xf32, #tpu.memory_space<vmem>>, vector<16xf32>,
      %not3A_1277 = arith.constant dense<true> : vector<16xi1>
      %not3A_1278 = arith.xori %ge3A_1273, %not3A_1277 : vector<16xi1>
      tpu.vector_store_idx %arg10[%get3A_1264, %get3A_1268], %get3A_1276 masked %not3A_1278 {add = true} : memref<128x256xf32, #tpu.memory_space<vmem>>[vector<16xi32>, vector<16xi32>], vector<16xf32>, vector<16xi1>
      tpu.vector_store_idx %arg11[%get3A_1264, %get3A_1268], %get3A_1276 masked %ge3A_1273 {add = true} : memref<128x256xf32, #tpu.memory_space<vmem>>[vector<16xi32>, vector<16xi32>], vector<16xf32>, vector<16xi1>
      %get3A_1279 = arith.constant 176 : index
      %get3A_1280 = tpu.vector_load %arg6[%get3A_1279] {strides = array<i32>} : memref<512xi32, #tpu.memory_space<vmem>>, vector<16xi32>,
      %get3A_1281 = arith.constant 1 : i32
      %get3A_1282 = arith.index_cast %get3A_1281 : i32 to index
      %get3A_1283 = arith.constant 176 : index
      %get3A_1284 = tpu.vector_load %arg5[%get3A_1282, %get3A_1283] {strides = array<i32>} : memref<2x512xi32, #tpu.memory_space<vmem>>, vector<16xi32>,
      %get3A_1285 = arith.constant 176 : index
      %get3A_1286 = tpu.vector_load %arg7[%get3A_1285] {strides = array<i32>} : memref<512xi32, #tpu.memory_space<vmem>>, vector<16xi32>,
      %ge3A_1287 = arith.constant 128 : i32
      %ge3A_1288 = vector.broadcast %ge3A_1287 : i32 to vector<16xi32>
      %ge3A_1289 = arith.cmpi sge, %get3A_1286, %ge3A_1288 : vector<16xi32>
      %get3A_1290 = arith.index_cast %scan3A_1086 : i32 to index
      %get3A_1291 = arith.constant 176 : index
      %get3A_1292 = tpu.vector_load %arg9[%get3A_1290, %get3A_1291] {strides = array<i32>} : memref<32x512xf32, #tpu.memory_space<vmem>>, vector<16xf32>,
      %not3A_1293 = arith.constant dense<true> : vector<16xi1>
      %not3A_1294 = arith.xori %ge3A_1289, %not3A_1293 : vector<16xi1>
      tpu.vector_store_idx %arg10[%get3A_1280, %get3A_1284], %get3A_1292 masked %not3A_1294 {add = true} : memref<128x256xf32, #tpu.memory_space<vmem>>[vector<16xi32>, vector<16xi32>], vector<16xf32>, vector<16xi1>
      tpu.vector_store_idx %arg11[%get3A_1280, %get3A_1284], %get3A_1292 masked %ge3A_1289 {add = true} : memref<128x256xf32, #tpu.memory_space<vmem>>[vector<16xi32>, vector<16xi32>], vector<16xf32>, vector<16xi1>
      %get3A_1295 = arith.constant 192 : index
      %get3A_1296 = tpu.vector_load %arg6[%get3A_1295] {strides = array<i32>} : memref<512xi32, #tpu.memory_space<vmem>>, vector<16xi32>,
      %get3A_1297 = arith.constant 1 : i32
      %get3A_1298 = arith.index_cast %get3A_1297 : i32 to index
      %get3A_1299 = arith.constant 192 : index
      %get3A_1300 = tpu.vector_load %arg5[%get3A_1298, %get3A_1299] {strides = array<i32>} : memref<2x512xi32, #tpu.memory_space<vmem>>, vector<16xi32>,
      %get3A_1301 = arith.constant 192 : index
      %get3A_1302 = tpu.vector_load %arg7[%get3A_1301] {strides = array<i32>} : memref<512xi32, #tpu.memory_space<vmem>>, vector<16xi32>,
      %ge3A_1303 = arith.constant 128 : i32
      %ge3A_1304 = vector.broadcast %ge3A_1303 : i32 to vector<16xi32>
      %ge3A_1305 = arith.cmpi sge, %get3A_1302, %ge3A_1304 : vector<16xi32>
      %get3A_1306 = arith.index_cast %scan3A_1086 : i32 to index
      %get3A_1307 = arith.constant 192 : index
      %get3A_1308 = tpu.vector_load %arg9[%get3A_1306, %get3A_1307] {strides = array<i32>} : memref<32x512xf32, #tpu.memory_space<vmem>>, vector<16xf32>,
      %not3A_1309 = arith.constant dense<true> : vector<16xi1>
      %not3A_1310 = arith.xori %ge3A_1305, %not3A_1309 : vector<16xi1>
      tpu.vector_store_idx %arg10[%get3A_1296, %get3A_1300], %get3A_1308 masked %not3A_1310 {add = true} : memref<128x256xf32, #tpu.memory_space<vmem>>[vector<16xi32>, vector<16xi32>], vector<16xf32>, vector<16xi1>
      tpu.vector_store_idx %arg11[%get3A_1296, %get3A_1300], %get3A_1308 masked %ge3A_1305 {add = true} : memref<128x256xf32, #tpu.memory_space<vmem>>[vector<16xi32>, vector<16xi32>], vector<16xf32>, vector<16xi1>
      %get3A_1311 = arith.constant 208 : index
      %get3A_1312 = tpu.vector_load %arg6[%get3A_1311] {strides = array<i32>} : memref<512xi32, #tpu.memory_space<vmem>>, vector<16xi32>,
      %get3A_1313 = arith.constant 1 : i32
      %get3A_1314 = arith.index_cast %get3A_1313 : i32 to index
      %get3A_1315 = arith.constant 208 : index
      %get3A_1316 = tpu.vector_load %arg5[%get3A_1314, %get3A_1315] {strides = array<i32>} : memref<2x512xi32, #tpu.memory_space<vmem>>, vector<16xi32>,
      %get3A_1317 = arith.constant 208 : index
      %get3A_1318 = tpu.vector_load %arg7[%get3A_1317] {strides = array<i32>} : memref<512xi32, #tpu.memory_space<vmem>>, vector<16xi32>,
      %ge3A_1319 = arith.constant 128 : i32
      %ge3A_1320 = vector.broadcast %ge3A_1319 : i32 to vector<16xi32>
      %ge3A_1321 = arith.cmpi sge, %get3A_1318, %ge3A_1320 : vector<16xi32>
      %get3A_1322 = arith.index_cast %scan3A_1086 : i32 to index
      %get3A_1323 = arith.constant 208 : index
      %get3A_1324 = tpu.vector_load %arg9[%get3A_1322, %get3A_1323] {strides = array<i32>} : memref<32x512xf32, #tpu.memory_space<vmem>>, vector<16xf32>,
      %not3A_1325 = arith.constant dense<true> : vector<16xi1>
      %not3A_1326 = arith.xori %ge3A_1321, %not3A_1325 : vector<16xi1>
      tpu.vector_store_idx %arg10[%get3A_1312, %get3A_1316], %get3A_1324 masked %not3A_1326 {add = true} : memref<128x256xf32, #tpu.memory_space<vmem>>[vector<16xi32>, vector<16xi32>], vector<16xf32>, vector<16xi1>
      tpu.vector_store_idx %arg11[%get3A_1312, %get3A_1316], %get3A_1324 masked %ge3A_1321 {add = true} : memref<128x256xf32, #tpu.memory_space<vmem>>[vector<16xi32>, vector<16xi32>], vector<16xf32>, vector<16xi1>
      %get3A_1327 = arith.constant 224 : index
      %get3A_1328 = tpu.vector_load %arg6[%get3A_1327] {strides = array<i32>} : memref<512xi32, #tpu.memory_space<vmem>>, vector<16xi32>,
      %get3A_1329 = arith.constant 1 : i32
      %get3A_1330 = arith.index_cast %get3A_1329 : i32 to index
      %get3A_1331 = arith.constant 224 : index
      %get3A_1332 = tpu.vector_load %arg5[%get3A_1330, %get3A_1331] {strides = array<i32>} : memref<2x512xi32, #tpu.memory_space<vmem>>, vector<16xi32>,
      %get3A_1333 = arith.constant 224 : index
      %get3A_1334 = tpu.vector_load %arg7[%get3A_1333] {strides = array<i32>} : memref<512xi32, #tpu.memory_space<vmem>>, vector<16xi32>,
      %ge3A_1335 = arith.constant 128 : i32
      %ge3A_1336 = vector.broadcast %ge3A_1335 : i32 to vector<16xi32>
      %ge3A_1337 = arith.cmpi sge, %get3A_1334, %ge3A_1336 : vector<16xi32>
      %get3A_1338 = arith.index_cast %scan3A_1086 : i32 to index
      %get3A_1339 = arith.constant 224 : index
      %get3A_1340 = tpu.vector_load %arg9[%get3A_1338, %get3A_1339] {strides = array<i32>} : memref<32x512xf32, #tpu.memory_space<vmem>>, vector<16xf32>,
      %not3A_1341 = arith.constant dense<true> : vector<16xi1>
      %not3A_1342 = arith.xori %ge3A_1337, %not3A_1341 : vector<16xi1>
      tpu.vector_store_idx %arg10[%get3A_1328, %get3A_1332], %get3A_1340 masked %not3A_1342 {add = true} : memref<128x256xf32, #tpu.memory_space<vmem>>[vector<16xi32>, vector<16xi32>], vector<16xf32>, vector<16xi1>
      tpu.vector_store_idx %arg11[%get3A_1328, %get3A_1332], %get3A_1340 masked %ge3A_1337 {add = true} : memref<128x256xf32, #tpu.memory_space<vmem>>[vector<16xi32>, vector<16xi32>], vector<16xf32>, vector<16xi1>
      %get3A_1343 = arith.constant 240 : index
      %get3A_1344 = tpu.vector_load %arg6[%get3A_1343] {strides = array<i32>} : memref<512xi32, #tpu.memory_space<vmem>>, vector<16xi32>,
      %get3A_1345 = arith.constant 1 : i32
      %get3A_1346 = arith.index_cast %get3A_1345 : i32 to index
      %get3A_1347 = arith.constant 240 : index
      %get3A_1348 = tpu.vector_load %arg5[%get3A_1346, %get3A_1347] {strides = array<i32>} : memref<2x512xi32, #tpu.memory_space<vmem>>, vector<16xi32>,
      %get3A_1349 = arith.constant 240 : index
      %get3A_1350 = tpu.vector_load %arg7[%get3A_1349] {strides = array<i32>} : memref<512xi32, #tpu.memory_space<vmem>>, vector<16xi32>,
      %ge3A_1351 = arith.constant 128 : i32
      %ge3A_1352 = vector.broadcast %ge3A_1351 : i32 to vector<16xi32>
      %ge3A_1353 = arith.cmpi sge, %get3A_1350, %ge3A_1352 : vector<16xi32>
      %get3A_1354 = arith.index_cast %scan3A_1086 : i32 to index
      %get3A_1355 = arith.constant 240 : index
      %get3A_1356 = tpu.vector_load %arg9[%get3A_1354, %get3A_1355] {strides = array<i32>} : memref<32x512xf32, #tpu.memory_space<vmem>>, vector<16xf32>,
      %not3A_1357 = arith.constant dense<true> : vector<16xi1>
      %not3A_1358 = arith.xori %ge3A_1353, %not3A_1357 : vector<16xi1>
      tpu.vector_store_idx %arg10[%get3A_1344, %get3A_1348], %get3A_1356 masked %not3A_1358 {add = true} : memref<128x256xf32, #tpu.memory_space<vmem>>[vector<16xi32>, vector<16xi32>], vector<16xf32>, vector<16xi1>
      tpu.vector_store_idx %arg11[%get3A_1344, %get3A_1348], %get3A_1356 masked %ge3A_1353 {add = true} : memref<128x256xf32, #tpu.memory_space<vmem>>[vector<16xi32>, vector<16xi32>], vector<16xf32>, vector<16xi1>
      %get3A_1359 = arith.constant 256 : index
      %get3A_1360 = tpu.vector_load %arg6[%get3A_1359] {strides = array<i32>} : memref<512xi32, #tpu.memory_space<vmem>>, vector<16xi32>,
      %get3A_1361 = arith.constant 1 : i32
      %get3A_1362 = arith.index_cast %get3A_1361 : i32 to index
      %get3A_1363 = arith.constant 256 : index
      %get3A_1364 = tpu.vector_load %arg5[%get3A_1362, %get3A_1363] {strides = array<i32>} : memref<2x512xi32, #tpu.memory_space<vmem>>, vector<16xi32>,
      %get3A_1365 = arith.constant 256 : index
      %get3A_1366 = tpu.vector_load %arg7[%get3A_1365] {strides = array<i32>} : memref<512xi32, #tpu.memory_space<vmem>>, vector<16xi32>,
      %ge3A_1367 = arith.constant 128 : i32
      %ge3A_1368 = vector.broadcast %ge3A_1367 : i32 to vector<16xi32>
      %ge3A_1369 = arith.cmpi sge, %get3A_1366, %ge3A_1368 : vector<16xi32>
      %get3A_1370 = arith.index_cast %scan3A_1086 : i32 to index
      %get3A_1371 = arith.constant 256 : index
      %get3A_1372 = tpu.vector_load %arg9[%get3A_1370, %get3A_1371] {strides = array<i32>} : memref<32x512xf32, #tpu.memory_space<vmem>>, vector<16xf32>,
      %not3A_1373 = arith.constant dense<true> : vector<16xi1>
      %not3A_1374 = arith.xori %ge3A_1369, %not3A_1373 : vector<16xi1>
      tpu.vector_store_idx %arg10[%get3A_1360, %get3A_1364], %get3A_1372 masked %not3A_1374 {add = true} : memref<128x256xf32, #tpu.memory_space<vmem>>[vector<16xi32>, vector<16xi32>], vector<16xf32>, vector<16xi1>
      tpu.vector_store_idx %arg11[%get3A_1360, %get3A_1364], %get3A_1372 masked %ge3A_1369 {add = true} : memref<128x256xf32, #tpu.memory_space<vmem>>[vector<16xi32>, vector<16xi32>], vector<16xf32>, vector<16xi1>
      %get3A_1375 = arith.constant 272 : index
      %get3A_1376 = tpu.vector_load %arg6[%get3A_1375] {strides = array<i32>} : memref<512xi32, #tpu.memory_space<vmem>>, vector<16xi32>,
      %get3A_1377 = arith.constant 1 : i32
      %get3A_1378 = arith.index_cast %get3A_1377 : i32 to index
      %get3A_1379 = arith.constant 272 : index
      %get3A_1380 = tpu.vector_load %arg5[%get3A_1378, %get3A_1379] {strides = array<i32>} : memref<2x512xi32, #tpu.memory_space<vmem>>, vector<16xi32>,
      %get3A_1381 = arith.constant 272 : index
      %get3A_1382 = tpu.vector_load %arg7[%get3A_1381] {strides = array<i32>} : memref<512xi32, #tpu.memory_space<vmem>>, vector<16xi32>,
      %ge3A_1383 = arith.constant 128 : i32
      %ge3A_1384 = vector.broadcast %ge3A_1383 : i32 to vector<16xi32>
      %ge3A_1385 = arith.cmpi sge, %get3A_1382, %ge3A_1384 : vector<16xi32>
      %get3A_1386 = arith.index_cast %scan3A_1086 : i32 to index
      %get3A_1387 = arith.constant 272 : index
      %get3A_1388 = tpu.vector_load %arg9[%get3A_1386, %get3A_1387] {strides = array<i32>} : memref<32x512xf32, #tpu.memory_space<vmem>>, vector<16xf32>,
      %not3A_1389 = arith.constant dense<true> : vector<16xi1>
      %not3A_1390 = arith.xori %ge3A_1385, %not3A_1389 : vector<16xi1>
      tpu.vector_store_idx %arg10[%get3A_1376, %get3A_1380], %get3A_1388 masked %not3A_1390 {add = true} : memref<128x256xf32, #tpu.memory_space<vmem>>[vector<16xi32>, vector<16xi32>], vector<16xf32>, vector<16xi1>
      tpu.vector_store_idx %arg11[%get3A_1376, %get3A_1380], %get3A_1388 masked %ge3A_1385 {add = true} : memref<128x256xf32, #tpu.memory_space<vmem>>[vector<16xi32>, vector<16xi32>], vector<16xf32>, vector<16xi1>
      %get3A_1391 = arith.constant 288 : index
      %get3A_1392 = tpu.vector_load %arg6[%get3A_1391] {strides = array<i32>} : memref<512xi32, #tpu.memory_space<vmem>>, vector<16xi32>,
      %get3A_1393 = arith.constant 1 : i32
      %get3A_1394 = arith.index_cast %get3A_1393 : i32 to index
      %get3A_1395 = arith.constant 288 : index
      %get3A_1396 = tpu.vector_load %arg5[%get3A_1394, %get3A_1395] {strides = array<i32>} : memref<2x512xi32, #tpu.memory_space<vmem>>, vector<16xi32>,
      %get3A_1397 = arith.constant 288 : index
      %get3A_1398 = tpu.vector_load %arg7[%get3A_1397] {strides = array<i32>} : memref<512xi32, #tpu.memory_space<vmem>>, vector<16xi32>,
      %ge3A_1399 = arith.constant 128 : i32
      %ge3A_1400 = vector.broadcast %ge3A_1399 : i32 to vector<16xi32>
      %ge3A_1401 = arith.cmpi sge, %get3A_1398, %ge3A_1400 : vector<16xi32>
      %get3A_1402 = arith.index_cast %scan3A_1086 : i32 to index
      %get3A_1403 = arith.constant 288 : index
      %get3A_1404 = tpu.vector_load %arg9[%get3A_1402, %get3A_1403] {strides = array<i32>} : memref<32x512xf32, #tpu.memory_space<vmem>>, vector<16xf32>,
      %not3A_1405 = arith.constant dense<true> : vector<16xi1>
      %not3A_1406 = arith.xori %ge3A_1401, %not3A_1405 : vector<16xi1>
      tpu.vector_store_idx %arg10[%get3A_1392, %get3A_1396], %get3A_1404 masked %not3A_1406 {add = true} : memref<128x256xf32, #tpu.memory_space<vmem>>[vector<16xi32>, vector<16xi32>], vector<16xf32>, vector<16xi1>
      tpu.vector_store_idx %arg11[%get3A_1392, %get3A_1396], %get3A_1404 masked %ge3A_1401 {add = true} : memref<128x256xf32, #tpu.memory_space<vmem>>[vector<16xi32>, vector<16xi32>], vector<16xf32>, vector<16xi1>
      %get3A_1407 = arith.constant 304 : index
      %get3A_1408 = tpu.vector_load %arg6[%get3A_1407] {strides = array<i32>} : memref<512xi32, #tpu.memory_space<vmem>>, vector<16xi32>,
      %get3A_1409 = arith.constant 1 : i32
      %get3A_1410 = arith.index_cast %get3A_1409 : i32 to index
      %get3A_1411 = arith.constant 304 : index
      %get3A_1412 = tpu.vector_load %arg5[%get3A_1410, %get3A_1411] {strides = array<i32>} : memref<2x512xi32, #tpu.memory_space<vmem>>, vector<16xi32>,
      %get3A_1413 = arith.constant 304 : index
      %get3A_1414 = tpu.vector_load %arg7[%get3A_1413] {strides = array<i32>} : memref<512xi32, #tpu.memory_space<vmem>>, vector<16xi32>,
      %ge3A_1415 = arith.constant 128 : i32
      %ge3A_1416 = vector.broadcast %ge3A_1415 : i32 to vector<16xi32>
      %ge3A_1417 = arith.cmpi sge, %get3A_1414, %ge3A_1416 : vector<16xi32>
      %get3A_1418 = arith.index_cast %scan3A_1086 : i32 to index
      %get3A_1419 = arith.constant 304 : index
      %get3A_1420 = tpu.vector_load %arg9[%get3A_1418, %get3A_1419] {strides = array<i32>} : memref<32x512xf32, #tpu.memory_space<vmem>>, vector<16xf32>,
      %not3A_1421 = arith.constant dense<true> : vector<16xi1>
      %not3A_1422 = arith.xori %ge3A_1417, %not3A_1421 : vector<16xi1>
      tpu.vector_store_idx %arg10[%get3A_1408, %get3A_1412], %get3A_1420 masked %not3A_1422 {add = true} : memref<128x256xf32, #tpu.memory_space<vmem>>[vector<16xi32>, vector<16xi32>], vector<16xf32>, vector<16xi1>
      tpu.vector_store_idx %arg11[%get3A_1408, %get3A_1412], %get3A_1420 masked %ge3A_1417 {add = true} : memref<128x256xf32, #tpu.memory_space<vmem>>[vector<16xi32>, vector<16xi32>], vector<16xf32>, vector<16xi1>
      %get3A_1423 = arith.constant 320 : index
      %get3A_1424 = tpu.vector_load %arg6[%get3A_1423] {strides = array<i32>} : memref<512xi32, #tpu.memory_space<vmem>>, vector<16xi32>,
      %get3A_1425 = arith.constant 1 : i32
      %get3A_1426 = arith.index_cast %get3A_1425 : i32 to index
      %get3A_1427 = arith.constant 320 : index
      %get3A_1428 = tpu.vector_load %arg5[%get3A_1426, %get3A_1427] {strides = array<i32>} : memref<2x512xi32, #tpu.memory_space<vmem>>, vector<16xi32>,
      %get3A_1429 = arith.constant 320 : index
      %get3A_1430 = tpu.vector_load %arg7[%get3A_1429] {strides = array<i32>} : memref<512xi32, #tpu.memory_space<vmem>>, vector<16xi32>,
      %ge3A_1431 = arith.constant 128 : i32
      %ge3A_1432 = vector.broadcast %ge3A_1431 : i32 to vector<16xi32>
      %ge3A_1433 = arith.cmpi sge, %get3A_1430, %ge3A_1432 : vector<16xi32>
      %get3A_1434 = arith.index_cast %scan3A_1086 : i32 to index
      %get3A_1435 = arith.constant 320 : index
      %get3A_1436 = tpu.vector_load %arg9[%get3A_1434, %get3A_1435] {strides = array<i32>} : memref<32x512xf32, #tpu.memory_space<vmem>>, vector<16xf32>,
      %not3A_1437 = arith.constant dense<true> : vector<16xi1>
      %not3A_1438 = arith.xori %ge3A_1433, %not3A_1437 : vector<16xi1>
      tpu.vector_store_idx %arg10[%get3A_1424, %get3A_1428], %get3A_1436 masked %not3A_1438 {add = true} : memref<128x256xf32, #tpu.memory_space<vmem>>[vector<16xi32>, vector<16xi32>], vector<16xf32>, vector<16xi1>
      tpu.vector_store_idx %arg11[%get3A_1424, %get3A_1428], %get3A_1436 masked %ge3A_1433 {add = true} : memref<128x256xf32, #tpu.memory_space<vmem>>[vector<16xi32>, vector<16xi32>], vector<16xf32>, vector<16xi1>
      %get3A_1439 = arith.constant 336 : index
      %get3A_1440 = tpu.vector_load %arg6[%get3A_1439] {strides = array<i32>} : memref<512xi32, #tpu.memory_space<vmem>>, vector<16xi32>,
      %get3A_1441 = arith.constant 1 : i32
      %get3A_1442 = arith.index_cast %get3A_1441 : i32 to index
      %get3A_1443 = arith.constant 336 : index
      %get3A_1444 = tpu.vector_load %arg5[%get3A_1442, %get3A_1443] {strides = array<i32>} : memref<2x512xi32, #tpu.memory_space<vmem>>, vector<16xi32>,
      %get3A_1445 = arith.constant 336 : index
      %get3A_1446 = tpu.vector_load %arg7[%get3A_1445] {strides = array<i32>} : memref<512xi32, #tpu.memory_space<vmem>>, vector<16xi32>,
      %ge3A_1447 = arith.constant 128 : i32
      %ge3A_1448 = vector.broadcast %ge3A_1447 : i32 to vector<16xi32>
      %ge3A_1449 = arith.cmpi sge, %get3A_1446, %ge3A_1448 : vector<16xi32>
      %get3A_1450 = arith.index_cast %scan3A_1086 : i32 to index
      %get3A_1451 = arith.constant 336 : index
      %get3A_1452 = tpu.vector_load %arg9[%get3A_1450, %get3A_1451] {strides = array<i32>} : memref<32x512xf32, #tpu.memory_space<vmem>>, vector<16xf32>,
      %not3A_1453 = arith.constant dense<true> : vector<16xi1>
      %not3A_1454 = arith.xori %ge3A_1449, %not3A_1453 : vector<16xi1>
      tpu.vector_store_idx %arg10[%get3A_1440, %get3A_1444], %get3A_1452 masked %not3A_1454 {add = true} : memref<128x256xf32, #tpu.memory_space<vmem>>[vector<16xi32>, vector<16xi32>], vector<16xf32>, vector<16xi1>
      tpu.vector_store_idx %arg11[%get3A_1440, %get3A_1444], %get3A_1452 masked %ge3A_1449 {add = true} : memref<128x256xf32, #tpu.memory_space<vmem>>[vector<16xi32>, vector<16xi32>], vector<16xf32>, vector<16xi1>
      %get3A_1455 = arith.constant 352 : index
      %get3A_1456 = tpu.vector_load %arg6[%get3A_1455] {strides = array<i32>} : memref<512xi32, #tpu.memory_space<vmem>>, vector<16xi32>,
      %get3A_1457 = arith.constant 1 : i32
      %get3A_1458 = arith.index_cast %get3A_1457 : i32 to index
      %get3A_1459 = arith.constant 352 : index
      %get3A_1460 = tpu.vector_load %arg5[%get3A_1458, %get3A_1459] {strides = array<i32>} : memref<2x512xi32, #tpu.memory_space<vmem>>, vector<16xi32>,
      %get3A_1461 = arith.constant 352 : index
      %get3A_1462 = tpu.vector_load %arg7[%get3A_1461] {strides = array<i32>} : memref<512xi32, #tpu.memory_space<vmem>>, vector<16xi32>,
      %ge3A_1463 = arith.constant 128 : i32
      %ge3A_1464 = vector.broadcast %ge3A_1463 : i32 to vector<16xi32>
      %ge3A_1465 = arith.cmpi sge, %get3A_1462, %ge3A_1464 : vector<16xi32>
      %get3A_1466 = arith.index_cast %scan3A_1086 : i32 to index
      %get3A_1467 = arith.constant 352 : index
      %get3A_1468 = tpu.vector_load %arg9[%get3A_1466, %get3A_1467] {strides = array<i32>} : memref<32x512xf32, #tpu.memory_space<vmem>>, vector<16xf32>,
      %not3A_1469 = arith.constant dense<true> : vector<16xi1>
      %not3A_1470 = arith.xori %ge3A_1465, %not3A_1469 : vector<16xi1>
      tpu.vector_store_idx %arg10[%get3A_1456, %get3A_1460], %get3A_1468 masked %not3A_1470 {add = true} : memref<128x256xf32, #tpu.memory_space<vmem>>[vector<16xi32>, vector<16xi32>], vector<16xf32>, vector<16xi1>
      tpu.vector_store_idx %arg11[%get3A_1456, %get3A_1460], %get3A_1468 masked %ge3A_1465 {add = true} : memref<128x256xf32, #tpu.memory_space<vmem>>[vector<16xi32>, vector<16xi32>], vector<16xf32>, vector<16xi1>
      %get3A_1471 = arith.constant 368 : index
      %get3A_1472 = tpu.vector_load %arg6[%get3A_1471] {strides = array<i32>} : memref<512xi32, #tpu.memory_space<vmem>>, vector<16xi32>,
      %get3A_1473 = arith.constant 1 : i32
      %get3A_1474 = arith.index_cast %get3A_1473 : i32 to index
      %get3A_1475 = arith.constant 368 : index
      %get3A_1476 = tpu.vector_load %arg5[%get3A_1474, %get3A_1475] {strides = array<i32>} : memref<2x512xi32, #tpu.memory_space<vmem>>, vector<16xi32>,
      %get3A_1477 = arith.constant 368 : index
      %get3A_1478 = tpu.vector_load %arg7[%get3A_1477] {strides = array<i32>} : memref<512xi32, #tpu.memory_space<vmem>>, vector<16xi32>,
      %ge3A_1479 = arith.constant 128 : i32
      %ge3A_1480 = vector.broadcast %ge3A_1479 : i32 to vector<16xi32>
      %ge3A_1481 = arith.cmpi sge, %get3A_1478, %ge3A_1480 : vector<16xi32>
      %get3A_1482 = arith.index_cast %scan3A_1086 : i32 to index
      %get3A_1483 = arith.constant 368 : index
      %get3A_1484 = tpu.vector_load %arg9[%get3A_1482, %get3A_1483] {strides = array<i32>} : memref<32x512xf32, #tpu.memory_space<vmem>>, vector<16xf32>,
      %not3A_1485 = arith.constant dense<true> : vector<16xi1>
      %not3A_1486 = arith.xori %ge3A_1481, %not3A_1485 : vector<16xi1>
      tpu.vector_store_idx %arg10[%get3A_1472, %get3A_1476], %get3A_1484 masked %not3A_1486 {add = true} : memref<128x256xf32, #tpu.memory_space<vmem>>[vector<16xi32>, vector<16xi32>], vector<16xf32>, vector<16xi1>
      tpu.vector_store_idx %arg11[%get3A_1472, %get3A_1476], %get3A_1484 masked %ge3A_1481 {add = true} : memref<128x256xf32, #tpu.memory_space<vmem>>[vector<16xi32>, vector<16xi32>], vector<16xf32>, vector<16xi1>
      %get3A_1487 = arith.constant 384 : index
      %get3A_1488 = tpu.vector_load %arg6[%get3A_1487] {strides = array<i32>} : memref<512xi32, #tpu.memory_space<vmem>>, vector<16xi32>,
      %get3A_1489 = arith.constant 1 : i32
      %get3A_1490 = arith.index_cast %get3A_1489 : i32 to index
      %get3A_1491 = arith.constant 384 : index
      %get3A_1492 = tpu.vector_load %arg5[%get3A_1490, %get3A_1491] {strides = array<i32>} : memref<2x512xi32, #tpu.memory_space<vmem>>, vector<16xi32>,
      %get3A_1493 = arith.constant 384 : index
      %get3A_1494 = tpu.vector_load %arg7[%get3A_1493] {strides = array<i32>} : memref<512xi32, #tpu.memory_space<vmem>>, vector<16xi32>,
      %ge3A_1495 = arith.constant 128 : i32
      %ge3A_1496 = vector.broadcast %ge3A_1495 : i32 to vector<16xi32>
      %ge3A_1497 = arith.cmpi sge, %get3A_1494, %ge3A_1496 : vector<16xi32>
      %get3A_1498 = arith.index_cast %scan3A_1086 : i32 to index
      %get3A_1499 = arith.constant 384 : index
      %get3A_1500 = tpu.vector_load %arg9[%get3A_1498, %get3A_1499] {strides = array<i32>} : memref<32x512xf32, #tpu.memory_space<vmem>>, vector<16xf32>,
      %not3A_1501 = arith.constant dense<true> : vector<16xi1>
      %not3A_1502 = arith.xori %ge3A_1497, %not3A_1501 : vector<16xi1>
      tpu.vector_store_idx %arg10[%get3A_1488, %get3A_1492], %get3A_1500 masked %not3A_1502 {add = true} : memref<128x256xf32, #tpu.memory_space<vmem>>[vector<16xi32>, vector<16xi32>], vector<16xf32>, vector<16xi1>
      tpu.vector_store_idx %arg11[%get3A_1488, %get3A_1492], %get3A_1500 masked %ge3A_1497 {add = true} : memref<128x256xf32, #tpu.memory_space<vmem>>[vector<16xi32>, vector<16xi32>], vector<16xf32>, vector<16xi1>
      %get3A_1503 = arith.constant 400 : index
      %get3A_1504 = tpu.vector_load %arg6[%get3A_1503] {strides = array<i32>} : memref<512xi32, #tpu.memory_space<vmem>>, vector<16xi32>,
      %get3A_1505 = arith.constant 1 : i32
      %get3A_1506 = arith.index_cast %get3A_1505 : i32 to index
      %get3A_1507 = arith.constant 400 : index
      %get3A_1508 = tpu.vector_load %arg5[%get3A_1506, %get3A_1507] {strides = array<i32>} : memref<2x512xi32, #tpu.memory_space<vmem>>, vector<16xi32>,
      %get3A_1509 = arith.constant 400 : index
      %get3A_1510 = tpu.vector_load %arg7[%get3A_1509] {strides = array<i32>} : memref<512xi32, #tpu.memory_space<vmem>>, vector<16xi32>,
      %ge3A_1511 = arith.constant 128 : i32
      %ge3A_1512 = vector.broadcast %ge3A_1511 : i32 to vector<16xi32>
      %ge3A_1513 = arith.cmpi sge, %get3A_1510, %ge3A_1512 : vector<16xi32>
      %get3A_1514 = arith.index_cast %scan3A_1086 : i32 to index
      %get3A_1515 = arith.constant 400 : index
      %get3A_1516 = tpu.vector_load %arg9[%get3A_1514, %get3A_1515] {strides = array<i32>} : memref<32x512xf32, #tpu.memory_space<vmem>>, vector<16xf32>,
      %not3A_1517 = arith.constant dense<true> : vector<16xi1>
      %not3A_1518 = arith.xori %ge3A_1513, %not3A_1517 : vector<16xi1>
      tpu.vector_store_idx %arg10[%get3A_1504, %get3A_1508], %get3A_1516 masked %not3A_1518 {add = true} : memref<128x256xf32, #tpu.memory_space<vmem>>[vector<16xi32>, vector<16xi32>], vector<16xf32>, vector<16xi1>
      tpu.vector_store_idx %arg11[%get3A_1504, %get3A_1508], %get3A_1516 masked %ge3A_1513 {add = true} : memref<128x256xf32, #tpu.memory_space<vmem>>[vector<16xi32>, vector<16xi32>], vector<16xf32>, vector<16xi1>
      %get3A_1519 = arith.constant 416 : index
      %get3A_1520 = tpu.vector_load %arg6[%get3A_1519] {strides = array<i32>} : memref<512xi32, #tpu.memory_space<vmem>>, vector<16xi32>,
      %get3A_1521 = arith.constant 1 : i32
      %get3A_1522 = arith.index_cast %get3A_1521 : i32 to index
      %get3A_1523 = arith.constant 416 : index
      %get3A_1524 = tpu.vector_load %arg5[%get3A_1522, %get3A_1523] {strides = array<i32>} : memref<2x512xi32, #tpu.memory_space<vmem>>, vector<16xi32>,
      %get3A_1525 = arith.constant 416 : index
      %get3A_1526 = tpu.vector_load %arg7[%get3A_1525] {strides = array<i32>} : memref<512xi32, #tpu.memory_space<vmem>>, vector<16xi32>,
      %ge3A_1527 = arith.constant 128 : i32
      %ge3A_1528 = vector.broadcast %ge3A_1527 : i32 to vector<16xi32>
      %ge3A_1529 = arith.cmpi sge, %get3A_1526, %ge3A_1528 : vector<16xi32>
      %get3A_1530 = arith.index_cast %scan3A_1086 : i32 to index
      %get3A_1531 = arith.constant 416 : index
      %get3A_1532 = tpu.vector_load %arg9[%get3A_1530, %get3A_1531] {strides = array<i32>} : memref<32x512xf32, #tpu.memory_space<vmem>>, vector<16xf32>,
      %not3A_1533 = arith.constant dense<true> : vector<16xi1>
      %not3A_1534 = arith.xori %ge3A_1529, %not3A_1533 : vector<16xi1>
      tpu.vector_store_idx %arg10[%get3A_1520, %get3A_1524], %get3A_1532 masked %not3A_1534 {add = true} : memref<128x256xf32, #tpu.memory_space<vmem>>[vector<16xi32>, vector<16xi32>], vector<16xf32>, vector<16xi1>
      tpu.vector_store_idx %arg11[%get3A_1520, %get3A_1524], %get3A_1532 masked %ge3A_1529 {add = true} : memref<128x256xf32, #tpu.memory_space<vmem>>[vector<16xi32>, vector<16xi32>], vector<16xf32>, vector<16xi1>
      %get3A_1535 = arith.constant 432 : index
      %get3A_1536 = tpu.vector_load %arg6[%get3A_1535] {strides = array<i32>} : memref<512xi32, #tpu.memory_space<vmem>>, vector<16xi32>,
      %get3A_1537 = arith.constant 1 : i32
      %get3A_1538 = arith.index_cast %get3A_1537 : i32 to index
      %get3A_1539 = arith.constant 432 : index
      %get3A_1540 = tpu.vector_load %arg5[%get3A_1538, %get3A_1539] {strides = array<i32>} : memref<2x512xi32, #tpu.memory_space<vmem>>, vector<16xi32>,
      %get3A_1541 = arith.constant 432 : index
      %get3A_1542 = tpu.vector_load %arg7[%get3A_1541] {strides = array<i32>} : memref<512xi32, #tpu.memory_space<vmem>>, vector<16xi32>,
      %ge3A_1543 = arith.constant 128 : i32
      %ge3A_1544 = vector.broadcast %ge3A_1543 : i32 to vector<16xi32>
      %ge3A_1545 = arith.cmpi sge, %get3A_1542, %ge3A_1544 : vector<16xi32>
      %get3A_1546 = arith.index_cast %scan3A_1086 : i32 to index
      %get3A_1547 = arith.constant 432 : index
      %get3A_1548 = tpu.vector_load %arg9[%get3A_1546, %get3A_1547] {strides = array<i32>} : memref<32x512xf32, #tpu.memory_space<vmem>>, vector<16xf32>,
      %not3A_1549 = arith.constant dense<true> : vector<16xi1>
      %not3A_1550 = arith.xori %ge3A_1545, %not3A_1549 : vector<16xi1>
      tpu.vector_store_idx %arg10[%get3A_1536, %get3A_1540], %get3A_1548 masked %not3A_1550 {add = true} : memref<128x256xf32, #tpu.memory_space<vmem>>[vector<16xi32>, vector<16xi32>], vector<16xf32>, vector<16xi1>
      tpu.vector_store_idx %arg11[%get3A_1536, %get3A_1540], %get3A_1548 masked %ge3A_1545 {add = true} : memref<128x256xf32, #tpu.memory_space<vmem>>[vector<16xi32>, vector<16xi32>], vector<16xf32>, vector<16xi1>
      %get3A_1551 = arith.constant 448 : index
      %get3A_1552 = tpu.vector_load %arg6[%get3A_1551] {strides = array<i32>} : memref<512xi32, #tpu.memory_space<vmem>>, vector<16xi32>,
      %get3A_1553 = arith.constant 1 : i32
      %get3A_1554 = arith.index_cast %get3A_1553 : i32 to index
      %get3A_1555 = arith.constant 448 : index
      %get3A_1556 = tpu.vector_load %arg5[%get3A_1554, %get3A_1555] {strides = array<i32>} : memref<2x512xi32, #tpu.memory_space<vmem>>, vector<16xi32>,
      %get3A_1557 = arith.constant 448 : index
      %get3A_1558 = tpu.vector_load %arg7[%get3A_1557] {strides = array<i32>} : memref<512xi32, #tpu.memory_space<vmem>>, vector<16xi32>,
      %ge3A_1559 = arith.constant 128 : i32
      %ge3A_1560 = vector.broadcast %ge3A_1559 : i32 to vector<16xi32>
      %ge3A_1561 = arith.cmpi sge, %get3A_1558, %ge3A_1560 : vector<16xi32>
      %get3A_1562 = arith.index_cast %scan3A_1086 : i32 to index
      %get3A_1563 = arith.constant 448 : index
      %get3A_1564 = tpu.vector_load %arg9[%get3A_1562, %get3A_1563] {strides = array<i32>} : memref<32x512xf32, #tpu.memory_space<vmem>>, vector<16xf32>,
      %not3A_1565 = arith.constant dense<true> : vector<16xi1>
      %not3A_1566 = arith.xori %ge3A_1561, %not3A_1565 : vector<16xi1>
      tpu.vector_store_idx %arg10[%get3A_1552, %get3A_1556], %get3A_1564 masked %not3A_1566 {add = true} : memref<128x256xf32, #tpu.memory_space<vmem>>[vector<16xi32>, vector<16xi32>], vector<16xf32>, vector<16xi1>
      tpu.vector_store_idx %arg11[%get3A_1552, %get3A_1556], %get3A_1564 masked %ge3A_1561 {add = true} : memref<128x256xf32, #tpu.memory_space<vmem>>[vector<16xi32>, vector<16xi32>], vector<16xf32>, vector<16xi1>
      %get3A_1567 = arith.constant 464 : index
      %get3A_1568 = tpu.vector_load %arg6[%get3A_1567] {strides = array<i32>} : memref<512xi32, #tpu.memory_space<vmem>>, vector<16xi32>,
      %get3A_1569 = arith.constant 1 : i32
      %get3A_1570 = arith.index_cast %get3A_1569 : i32 to index
      %get3A_1571 = arith.constant 464 : index
      %get3A_1572 = tpu.vector_load %arg5[%get3A_1570, %get3A_1571] {strides = array<i32>} : memref<2x512xi32, #tpu.memory_space<vmem>>, vector<16xi32>,
      %get3A_1573 = arith.constant 464 : index
      %get3A_1574 = tpu.vector_load %arg7[%get3A_1573] {strides = array<i32>} : memref<512xi32, #tpu.memory_space<vmem>>, vector<16xi32>,
      %ge3A_1575 = arith.constant 128 : i32
      %ge3A_1576 = vector.broadcast %ge3A_1575 : i32 to vector<16xi32>
      %ge3A_1577 = arith.cmpi sge, %get3A_1574, %ge3A_1576 : vector<16xi32>
      %get3A_1578 = arith.index_cast %scan3A_1086 : i32 to index
      %get3A_1579 = arith.constant 464 : index
      %get3A_1580 = tpu.vector_load %arg9[%get3A_1578, %get3A_1579] {strides = array<i32>} : memref<32x512xf32, #tpu.memory_space<vmem>>, vector<16xf32>,
      %not3A_1581 = arith.constant dense<true> : vector<16xi1>
      %not3A_1582 = arith.xori %ge3A_1577, %not3A_1581 : vector<16xi1>
      tpu.vector_store_idx %arg10[%get3A_1568, %get3A_1572], %get3A_1580 masked %not3A_1582 {add = true} : memref<128x256xf32, #tpu.memory_space<vmem>>[vector<16xi32>, vector<16xi32>], vector<16xf32>, vector<16xi1>
      tpu.vector_store_idx %arg11[%get3A_1568, %get3A_1572], %get3A_1580 masked %ge3A_1577 {add = true} : memref<128x256xf32, #tpu.memory_space<vmem>>[vector<16xi32>, vector<16xi32>], vector<16xf32>, vector<16xi1>
      %get3A_1583 = arith.constant 480 : index
      %get3A_1584 = tpu.vector_load %arg6[%get3A_1583] {strides = array<i32>} : memref<512xi32, #tpu.memory_space<vmem>>, vector<16xi32>,
      %get3A_1585 = arith.constant 1 : i32
      %get3A_1586 = arith.index_cast %get3A_1585 : i32 to index
      %get3A_1587 = arith.constant 480 : index
      %get3A_1588 = tpu.vector_load %arg5[%get3A_1586, %get3A_1587] {strides = array<i32>} : memref<2x512xi32, #tpu.memory_space<vmem>>, vector<16xi32>,
      %get3A_1589 = arith.constant 480 : index
      %get3A_1590 = tpu.vector_load %arg7[%get3A_1589] {strides = array<i32>} : memref<512xi32, #tpu.memory_space<vmem>>, vector<16xi32>,
      %ge3A_1591 = arith.constant 128 : i32
      %ge3A_1592 = vector.broadcast %ge3A_1591 : i32 to vector<16xi32>
      %ge3A_1593 = arith.cmpi sge, %get3A_1590, %ge3A_1592 : vector<16xi32>
      %get3A_1594 = arith.index_cast %scan3A_1086 : i32 to index
      %get3A_1595 = arith.constant 480 : index
      %get3A_1596 = tpu.vector_load %arg9[%get3A_1594, %get3A_1595] {strides = array<i32>} : memref<32x512xf32, #tpu.memory_space<vmem>>, vector<16xf32>,
      %not3A_1597 = arith.constant dense<true> : vector<16xi1>
      %not3A_1598 = arith.xori %ge3A_1593, %not3A_1597 : vector<16xi1>
      tpu.vector_store_idx %arg10[%get3A_1584, %get3A_1588], %get3A_1596 masked %not3A_1598 {add = true} : memref<128x256xf32, #tpu.memory_space<vmem>>[vector<16xi32>, vector<16xi32>], vector<16xf32>, vector<16xi1>
      tpu.vector_store_idx %arg11[%get3A_1584, %get3A_1588], %get3A_1596 masked %ge3A_1593 {add = true} : memref<128x256xf32, #tpu.memory_space<vmem>>[vector<16xi32>, vector<16xi32>], vector<16xf32>, vector<16xi1>
      %get3A_1599 = arith.constant 496 : index
      %get3A_1600 = tpu.vector_load %arg6[%get3A_1599] {strides = array<i32>} : memref<512xi32, #tpu.memory_space<vmem>>, vector<16xi32>,
      %get3A_1601 = arith.constant 1 : i32
      %get3A_1602 = arith.index_cast %get3A_1601 : i32 to index
      %get3A_1603 = arith.constant 496 : index
      %get3A_1604 = tpu.vector_load %arg5[%get3A_1602, %get3A_1603] {strides = array<i32>} : memref<2x512xi32, #tpu.memory_space<vmem>>, vector<16xi32>,
      %get3A_1605 = arith.constant 496 : index
      %get3A_1606 = tpu.vector_load %arg7[%get3A_1605] {strides = array<i32>} : memref<512xi32, #tpu.memory_space<vmem>>, vector<16xi32>,
      %ge3A_1607 = arith.constant 128 : i32
      %ge3A_1608 = vector.broadcast %ge3A_1607 : i32 to vector<16xi32>
      %ge3A_1609 = arith.cmpi sge, %get3A_1606, %ge3A_1608 : vector<16xi32>
      %get3A_1610 = arith.index_cast %scan3A_1086 : i32 to index
      %get3A_1611 = arith.constant 496 : index
      %get3A_1612 = tpu.vector_load %arg9[%get3A_1610, %get3A_1611] {strides = array<i32>} : memref<32x512xf32, #tpu.memory_space<vmem>>, vector<16xf32>,
      %not3A_1613 = arith.constant dense<true> : vector<16xi1>
      %not3A_1614 = arith.xori %ge3A_1609, %not3A_1613 : vector<16xi1>
      tpu.vector_store_idx %arg10[%get3A_1600, %get3A_1604], %get3A_1612 masked %not3A_1614 {add = true} : memref<128x256xf32, #tpu.memory_space<vmem>>[vector<16xi32>, vector<16xi32>], vector<16xf32>, vector<16xi1>
      tpu.vector_store_idx %arg11[%get3A_1600, %get3A_1604], %get3A_1612 masked %ge3A_1609 {add = true} : memref<128x256xf32, #tpu.memory_space<vmem>>[vector<16xi32>, vector<16xi32>], vector<16xf32>, vector<16xi1>
      %dma_start3A_1615 = arith.constant 0 : i32
      %dma_start3A_1616 = arith.constant 0 : i32
      %dma_start3A_1617 = tpu.memref_slice %arg4[%add3A, %scan3A_1086, %dma_start3A_1615, %dma_start3A_1616] : memref<32x32x256x256xf32, #tpu.memory_space<hbm>> -> memref<1x1x128x256xf32, #tpu.memory_space<hbm>>
      %dma_start3A_1618 = tpu.memref_squeeze %dma_start3A_1617 : memref<1x1x128x256xf32, #tpu.memory_space<hbm>> -> memref<128x256xf32, #tpu.memory_space<hbm>>
      %dma_start3A_1619 = arith.constant 0 : i32
      %dma_start3A_1620 = arith.constant 0 : i32
      %dma_start3A_1621 = tpu.memref_slice %arg4[%add3A, %scan3A_1086, %dma_start3A_1619, %dma_start3A_1620] : memref<32x32x256x256xf32, #tpu.memory_space<hbm>> -> memref<1x1x128x256xf32, #tpu.memory_space<hbm>>
      %dma_start3A_1622 = tpu.memref_squeeze %dma_start3A_1621 : memref<1x1x128x256xf32, #tpu.memory_space<hbm>> -> memref<128x256xf32, #tpu.memory_space<hbm>>
      tpu.enqueue_dma source(%arg10 : memref<128x256xf32, #tpu.memory_space<vmem>>) target(%dma_start3A_1622 : memref<128x256xf32, #tpu.memory_space<hbm>>) target_semaphore(%arg12 : memref<!tpu.dma_semaphore, #tpu.memory_space<semaphore_mem>>)
      %dma_start3A_1623 = arith.constant 128 : i32
      %dma_start3A_1624 = arith.constant 0 : i32
      %dma_start3A_1625 = tpu.memref_slice %arg4[%add3A, %scan3A_1086, %dma_start3A_1623, %dma_start3A_1624] : memref<32x32x256x256xf32, #tpu.memory_space<hbm>> -> memref<1x1x128x256xf32, #tpu.memory_space<hbm>>
      %dma_start3A_1626 = tpu.memref_squeeze %dma_start3A_1625 : memref<1x1x128x256xf32, #tpu.memory_space<hbm>> -> memref<128x256xf32, #tpu.memory_space<hbm>>
      %dma_start3A_1627 = arith.constant 128 : i32
      %dma_start3A_1628 = arith.constant 0 : i32
      %dma_start3A_1629 = tpu.memref_slice %arg4[%add3A, %scan3A_1086, %dma_start3A_1627, %dma_start3A_1628] : memref<32x32x256x256xf32, #tpu.memory_space<hbm>> -> memref<1x1x128x256xf32, #tpu.memory_space<hbm>>
      %dma_start3A_1630 = tpu.memref_squeeze %dma_start3A_1629 : memref<1x1x128x256xf32, #tpu.memory_space<hbm>> -> memref<128x256xf32, #tpu.memory_space<hbm>>
      tpu.enqueue_dma source(%arg11 : memref<128x256xf32, #tpu.memory_space<vmem>>) target(%dma_start3A_1630 : memref<128x256xf32, #tpu.memory_space<hbm>>) target_semaphore(%arg13 : memref<!tpu.dma_semaphore, #tpu.memory_space<semaphore_mem>>)
    }
    %scan3A_1068 = arith.constant 31 : i32
    %dma_wait3A = arith.constant 0 : i32
    %dma_wait3A_1069 = arith.constant 0 : i32
    %dma_wait3A_1070 = arith.constant 0 : i32
    %dma_wait3A_1071 = tpu.memref_slice %arg4[%add3A, %dma_wait3A, %dma_wait3A_1069, %dma_wait3A_1070] : memref<32x32x256x256xf32, #tpu.memory_space<hbm>> -> memref<1x1x128x256xf32, #tpu.memory_space<hbm>>
    %dma_wait3A_1072 = tpu.memref_squeeze %dma_wait3A_1071 : memref<1x1x128x256xf32, #tpu.memory_space<hbm>> -> memref<128x256xf32, #tpu.memory_space<hbm>>
    %dma_wait3A_1073 = arith.constant 0 : i32
    %dma_wait3A_1074 = arith.constant 0 : i32
    %dma_wait3A_1075 = tpu.memref_slice %arg4[%add3A, %dma_wait3A, %dma_wait3A_1073, %dma_wait3A_1074] : memref<32x32x256x256xf32, #tpu.memory_space<hbm>> -> memref<1x1x128x256xf32, #tpu.memory_space<hbm>>
    %dma_wait3A_1076 = tpu.memref_squeeze %dma_wait3A_1075 : memref<1x1x128x256xf32, #tpu.memory_space<hbm>> -> memref<128x256xf32, #tpu.memory_space<hbm>>
    tpu.wait_dma2 semaphore(%arg12 : memref<!tpu.dma_semaphore, #tpu.memory_space<semaphore_mem>>) src(%arg10 : memref<128x256xf32, #tpu.memory_space<vmem>>) dst(%dma_wait3A_1076 : memref<128x256xf32, #tpu.memory_space<hbm>>)
    %dma_wait3A_1077 = arith.constant 0 : i32
    %dma_wait3A_1078 = arith.constant 128 : i32
    %dma_wait3A_1079 = arith.constant 0 : i32
    %dma_wait3A_1080 = tpu.memref_slice %arg4[%add3A, %dma_wait3A_1077, %dma_wait3A_1078, %dma_wait3A_1079] : memref<32x32x256x256xf32, #tpu.memory_space<hbm>> -> memref<1x1x128x256xf32, #tpu.memory_space<hbm>>
    %dma_wait3A_1081 = tpu.memref_squeeze %dma_wait3A_1080 : memref<1x1x128x256xf32, #tpu.memory_space<hbm>> -> memref<128x256xf32, #tpu.memory_space<hbm>>
    %dma_wait3A_1082 = arith.constant 128 : i32
    %dma_wait3A_1083 = arith.constant 0 : i32
    %dma_wait3A_1084 = tpu.memref_slice %arg4[%add3A, %dma_wait3A_1077, %dma_wait3A_1082, %dma_wait3A_1083] : memref<32x32x256x256xf32, #tpu.memory_space<hbm>> -> memref<1x1x128x256xf32, #tpu.memory_space<hbm>>
    %dma_wait3A_1085 = tpu.memref_squeeze %dma_wait3A_1084 : memref<1x1x128x256xf32, #tpu.memory_space<hbm>> -> memref<128x256xf32, #tpu.memory_space<hbm>>
    tpu.wait_dma2 semaphore(%arg13 : memref<!tpu.dma_semaphore, #tpu.memory_space<semaphore_mem>>) src(%arg11 : memref<128x256xf32, #tpu.memory_space<vmem>>) dst(%dma_wait3A_1085 : memref<128x256xf32, #tpu.memory_space<hbm>>)
    return
  }
}

</mosaic_0001>

<sc_bundles>
// kernel: kernel.3.cloned.1.call-start
scs
__scs_entry_jumppad:
0x0: {  	(pc) =	sbr.rel $0x88, $3  }
0x1: {  	(tag) =	ssettag $0x0;
	lr =	simm.s32 $0x1  }
0x2: {  	[smem:$0x3F9F] =	sst lr;
	_ =	strace $0xD0000000  }
0x3: {  	_ = 	snop  }
0x4: {  	_ = 	snop  }
0x5: {  	_ = 	snop  }
0x6: {  	_ = 	snop  }
0x7: {  	_ = 	snop  }
__scs_overlays_trampoline_lowered:
0x8: {  	[smem:$0x3FAE] =	sst s0  }
0x9: {  	[smem:$0x3FAF] =	sst s1  }
0xa: {  	[smem:$0x3FB0] =	sst s2  }
0xb: {  	[smem:$0x3FB1] =	sst s3  }
0xc: {  	[smem:$0x3FB2] =	sst s4  }
0xd: {  	[smem:$0x3FB3] =	sst s5  }
0xe: {  	[smem:$0x3FB4] =	sst s6  }
0xf: {  	[smem:$0x3FB5] =	sst s7  }
0x10: {  	[smem:$0x3FB6] =	sst s8  }
0x11: {  	[smem:$0x3FB7] =	sst s9;
	s0 =	simm.s32 @!p0 $0x0  }
0x12: {  	s1 =	sld [smem:$0x3F9D];
	s0 =	simm.s32 @p0 $0x1  }
0x13: {  	[smem:$0x3FB8] =	sst s0;
	s0 =	simm.s32 @!p1 $0x0  }
0x14: {  	s2 =	sld [smem:$0x3F9C];
	s0 =	simm.s32 @p1 $0x1  }
0x15: {  	[smem:$0x3FB9] =	sst s0;
	s0 =	simm.s32 @!p2 $0x0  }
0x16: {  	s3 =	sld [smem:$0x3FDB];
	s0 =	simm.s32 @p2 $0x1  }
0x17: {  	s4 =	simm.s32 $0x1BF5;
	[smem:$0x3FBB] =	sst s0  }
0x18: {  	s0 =	sld [smem:$0x3F9E];
	_ =	swait.ge [sflag:s4], $0x0  }
0x19: {  	s7 =	sld [smem:$0x3F9F]  }
0x1a: {  	s8 =	sadd.s32 $0xFFFFE003, lr  }
0x1b: {  	s9 =	sadd.s32 $0xFFFFFEF7, lr;
	s5 =	simm.s32 $0xFFFFFFFF;
	p2 =	slt.u32 s8, $0xFFFFF086  }
0x1c: {  	p1 =	slt.u32 s9, $0xF7A;
	s5 =	simm.s32 @!p2 $0x0  }
0x1d: {  	s5 =	simm.s32 @p1 $0x1;
	p0 =	seq.s32 s7, s2  }
0x1e: {  	s7 =	smul.u32 @!p0 $0xF7A, s2;
	p2 =	seq.s32 @!p0 s5, $0x0  }
0x1f: {  	s9 =	smul.u32 $0xF7A, s1;
	s8 =	simm.s32 @!p0 $0x1BF5;
	p2 =	por !p2, p0  }
0x20: {  	[sflag:s8] =	ssyncset.s32 @!p0 $0xFFFFF086;
	s6 =	sadd.s32 @!p0 s3, s7;
	s7 =	simm.s32 @!p0 $0x108  }
0x21: {  	s3 =	sadd.s32 s3, s9;
	s6 =	sadd.s32 @!p0 $0x88, s6;
	s7 =	simm.s32 @p2 $0x1082  }
0x22: {  	[simem:s7], [sflag:s8] =	dma.local @!p0 [hbm:s6], $0xF7A  }
0x23: {  	s9 =	sor.u32 $0xD0000000, s2;
	s6 =	simm.s32 $0x108;
	_ =	swait.ge @!p0 [sflag:s8], $0x0  }
0x24: {  	s3 =	sadd.s32 $0x88, s3;
	s6 =	simm.s32 @!p1 $0x1082;
	[sflag:s4] =	ssyncset.s32 $0xFFFFF086  }
0x25: {  	[simem:s6], [sflag:s4] =	dma.local [hbm:s3], $0xF7A  }
0x26: {  	[smem:$0x3F9F] =	sst s1;
	(tag) =	ssettag s2;
	_ =	strace s9  }
0x27: {  	s1 =	sld [smem:$0x3FAF]  }
0x28: {  	s2 =	sld [smem:$0x3FB0]  }
0x29: {  	s4 =	sld [smem:$0x3FB2]  }
0x2a: {  	p0 =	seq.s32 s5, $0x0;
	s5 =	sld [smem:$0x3FB3]  }
0x2b: {  	s6 =	sld [smem:$0x3FB4]  }
0x2c: {  	s7 =	sld [smem:$0x3FB5]  }
0x2d: {  	s3 =	simm.s32 $0x108;
	s8 =	sld [smem:$0x3FB6]  }
0x2e: {  	s3 =	simm.s32 @!p0 $0x1082;
	s9 =	sld [smem:$0x3FB7]  }
0x2f: {  	lr =	sadd.s32 s0, s3;
	s0 =	sld [smem:$0x3FAE]  }
0x30: {  	s3 =	sld [smem:$0x3FB1]  }
0x31: {  	[smem:$0x3FBA] =	sst s10  }
0x32: {  	s10 =	sld [smem:$0x3FB8];
	_ =	sdelay $0x3  }
0x33: {  	p0 =	seq.s32 s10, $0x1;
	s10 =	sld [smem:$0x3FBA];
	_ =	sdelay $0x3  }
0x34: {  	[smem:$0x3FBA] =	sst s10  }
0x35: {  	s10 =	sld [smem:$0x3FB9];
	_ =	sdelay $0x3  }
0x36: {  	p1 =	seq.s32 s10, $0x1;
	s10 =	sld [smem:$0x3FBA];
	_ =	sdelay $0x3  }
0x37: {  	[smem:$0x3FBA] =	sst s10  }
0x38: {  	s10 =	sld [smem:$0x3FBB]  }
0x39: {  	_ = 	snop;
	(pc) =	sbr.ind lr, $3  }
0x3a: {  	_ = 	snop  }
0x3b: {  	_ = 	snop  }
0x3c: {  	p2 =	seq.s32 s10, $0x1;
	s10 =	sld [smem:$0x3FBA]  }
0x3d: {  	_ =	shalt  }
0x3e: {  	_ =	shalt  }
0x3f: {  	_ =	shalt  }
0x40: {  	_ =	shalt  }
0x41: {  	_ =	shalt  }
0x42: {  	_ =	shalt  }
0x43: {  	_ =	shalt  }
0x44: {  	_ =	shalt  }
0x45: {  	_ =	shalt  }
0x46: {  	_ =	shalt  }
0x47: {  	_ =	shalt  }
0x48: {  	_ =	shalt  }
0x49: {  	_ =	shalt  }
0x4a: {  	_ =	shalt  }
0x4b: {  	_ =	shalt  }
0x4c: {  	_ =	shalt  }
0x4d: {  	_ =	shalt  }
0x4e: {  	_ =	shalt  }
0x4f: {  	_ =	shalt  }
0x50: {  	_ =	shalt  }
0x51: {  	_ =	shalt  }
0x52: {  	_ =	shalt  }
0x53: {  	_ =	shalt  }
0x54: {  	_ =	shalt  }
0x55: {  	_ =	shalt  }
0x56: {  	_ =	shalt  }
0x57: {  	_ =	shalt  }
0x58: {  	_ =	shalt  }
0x59: {  	_ =	shalt  }
0x5a: {  	_ =	shalt  }
0x5b: {  	_ =	shalt  }
0x5c: {  	_ =	shalt  }
0x5d: {  	_ =	shalt  }
0x5e: {  	_ =	shalt  }
0x5f: {  	_ =	shalt  }
0x60: {  	_ =	shalt  }
0x61: {  	_ =	shalt  }
0x62: {  	_ =	shalt  }
0x63: {  	_ =	shalt  }
0x64: {  	_ =	shalt  }
0x65: {  	_ =	shalt  }
0x66: {  	_ =	shalt  }
0x67: {  	_ =	shalt  }
0x68: {  	_ =	shalt  }
0x69: {  	_ =	shalt  }
0x6a: {  	_ =	shalt  }
0x6b: {  	_ =	shalt  }
0x6c: {  	_ =	shalt  }
0x6d: {  	_ =	shalt  }
0x6e: {  	_ =	shalt  }
0x6f: {  	_ =	shalt  }
0x70: {  	_ =	shalt  }
0x71: {  	_ =	shalt  }
0x72: {  	_ =	shalt  }
0x73: {  	_ =	shalt  }
0x74: {  	_ =	shalt  }
0x75: {  	_ =	shalt  }
0x76: {  	_ =	shalt  }
0x77: {  	_ =	shalt  }
0x78: {  	_ =	shalt  }
0x79: {  	_ =	shalt  }
0x7a: {  	_ =	shalt  }
0x7b: {  	_ =	shalt  }
0x7c: {  	_ =	shalt  }
0x7d: {  	_ =	shalt  }
0x7e: {  	_ =	shalt  }
0x7f: {  	_ =	shalt  }
0x80: {  	_ =	shalt  }
0x81: {  	_ =	shalt  }
0x82: {  	_ =	shalt  }
0x83: {  	_ =	shalt  }
0x84: {  	_ =	shalt  }
0x85: {  	_ =	shalt  }
0x86: {  	_ =	shalt  }
0x87: {  	_ =	shalt  }
.Lfunc_end0:
.L_simem_size_0:
called_computation_lowered:
.L_overlay_start_0:
0x88: {  	s2 =	sld [smem:$0x3FD9]  }
0x89: {  	s3 =	sld [smem:$0x3FFE];
	_ =	sdelay $0x1  }
0x8a: {  	s1 =	srdreg.scid  }
0x8b: {  	s0 =	sand.u32 $0x1, s1  }
0x8c: {  	s18 =	sshll.u32 s0, $0xA;
	s2 =	sadd.s32 s3, s2  }
0x8d: {  	s2 =	sadd.s32 s2, s18  }
0x8e: {  	[smem:$0x3FC6] =	sst s2  }
0x8f: {  	_ = 	snop  }
0x90: {  	s2 =	sld [smem:$0x3FC9]  }
0x91: {  	s19 =	sld [smem:$0x3FC8]  }
0x92: {  	s4 =	sld [smem:$0x3FD0];
	(tm) =	ssettm $0x1  }
0x93: {  	s5 =	sld [smem:$0x3FFB];
	_ =	sdelay $0x3  }
0x94: {  	_ =	strace s5  }
0x95: {  	s5 =	sld [smem:$0x3FFC];
	_ =	sdelay $0x3  }
0x96: {  	_ =	strace s5  }
0x97: {  	s5 =	sld [smem:$0x3FFD];
	_ =	sdelay $0x3  }
0x98: {  	_ =	strace s5  }
0x99: {  	_ =	strace $0x8FFFFFFF  }
0x9a: {  	s20 =	sld [smem:$0x3FDB];
	_ =	sdelay $0x1  }
0x9b: {  	s6 =	simm.s32 $_scs_section_size  }
0x9c: {  	s7 =	simm.s32 $_size__tile_overlayer_lowered;
	s8 =	simm.s32 $_tile_overlayer_lowered  }
0x9d: {  	s23 =	simm.s32 $0x1BFF;
	s22 =	sshll.u32 s8, $0x1;
	s5 =	sadd.s32 s6, s20  }
0x9e: {  	s9 =	simm.s32 $0x0;
	s21 =	sshll.u32 s7, $0x1;
	s7 =	sadd.s32 s22, s5  }
0x9f: {  	[timem:s9], [sflag:s23] =	dma.local [hbm:s7], s21  }
0xa0: {  	_ =	swait.ge [sflag:s23], s21  }
0xa1: {  	s6 =	ssub.s32 $0x0, s21;
	[sflag:s23] =	ssyncset.done $0x0  }
0xa2: {  	[sflag:s23] =	ssyncadd.s32 s6;
	_ =	sdelay $0x1  }
0xa3: {  	s24 =	simm.s32 $0x1B8B  }
0xa4: {  	_ =	swait.ge [sflag:s24], $0x1  }
0xa5: {  	[sflag:s24] =	ssyncset.done $0x0  }
0xa6: {  	s25 =	simm.s32 $0x1B8E;
	[sflag:s24] =	ssyncadd.s32 $0xFFFFFFFF  }
0xa7: {  	s26 =	simm.s32 $execute0_lowered;
	[smem:$0x3FD2] =	sst s25  }
0xa8: {  	s6 =	sshll.u32 s26, $0x1;
	_ =	strace $0x80000046;
	[dreg:$0x1] =	wrdreg $0xFFFFFFFF  }
0xa9: {  	s28 =	simm.s32 $_size_execute0_lowered;
	s5 =	sadd.s32 s5, s6;
	[dreg:$0x0] =	wrdreg $0x0  }
0xaa: {  	s6 =	sshll.u32 s28, $0x1;
	[dreg:$0x2] =	wrdreg s5  }
0xab: {  	[dreg:$0x3] =	wrdreg s6  }
0xac: {  	[dreg:$0x4] =	wrdreg $0xC0  }
0xad: {  	_ =	task [dreg:s9], $0x5FFFF  }
0xae: {  	[dreg:$0x1] =	wrdreg $0xFFFFFFFF  }
0xaf: {  	[dreg:$0x0] =	wrdreg $0x60  }
0xb0: {  	[dreg:$0x2] =	wrdreg s2  }
0xb1: {  	[dreg:$0x3] =	wrdreg s19  }
0xb2: {  	[dreg:$0x4] =	wrdreg s4  }
0xb3: {  	[dreg:$0x5] =	wrdreg $0x9  }
0xb4: {  	_ =	task.clear_ibuf [dreg:s9], $0x6FFFF;
	_ =	strace $0x90000046  }
0xb5: {  	s29 =	simm.s32 $0x9;
	_ =	strace $0x80000048  }
0xb6: {  	_ =	swait.ge [sflag:s29], $0x1  }
0xb7: {  	[sflag:s29] =	ssyncadd.s32 $0xFFFFFFFF  }
0xb8: {  	_ =	strace $0x90000048  }
0xb9: {  	_ =	sfence  }
0xba: {  	s30 =	sld [smem:$0x0];
	_ =	sdelay $0x2  }
0xbb: {  	s31 =	sshll.u32 s1, $0xD;
	s1 =	sshrl.u32 s1, $0x2  }
0xbc: {  	s3 =	sand.u32 $0x4000, s31;
	s1 =	sadd.s32 s1, s30  }
0xbd: {  	s0 =	sor.u32 s3, s0;
	s1 =	sshll.u32 s1, $0x11  }
0xbe: {  	s0 =	sor.u32 s1, s0  }
0xbf: {  	s0 =	sadd.s32 $0x8F2B, s0  }
0xc0: {  	[sflag:s0] =	ssyncadd.remote.s32 $0x1  }
0xc1: {  	_ =	sfence.sel $0xFFFF  }
0xc2: {  	[dreg:$0x0] =	wrdreg $0xFFFFFFFF;
	(pc) =	sbr.abs _section_cstart, $3  }
0xc3: {  	[dreg:$0x1] =	wrdreg $0xFFFFFFFF  }
0xc4: {  	_ =	task.clear_ibuf [dreg:s9], $0x2FFFF;
	_ =	strace $0x9FFFFFFF  }
0xc5: {  	(tm) =	ssettm $0x7FFFFFFF  }
tec
execute0_lowered:
.L_overlay_start_1:
0x0: {  	(tag) =	ssettag $0x1  }
0x1: {  	s3 =	rddreg [dreg:$0x0]  }
0x2: {  	s5 =	rddreg [dreg:$0x1]  }
0x3: {  	s6 =	rddreg [dreg:$0x2]  }
0x4: {  	s2 =	srdreg.scid;
	s1 =	stileid.u32  }
0x5: {  	s0 =	rddreg [dreg:$0x3];
	s11 =	simm.s32 $0x8800;
	s12 =	simm.s32 $0x10800  }
0x6: {  	s13 =	simm.s32 $0x1;
	s14 =	simm.s32 $0x2;
	s15 =	simm.s32 $0x0  }
0x7: {  	s7 =	sand.u32 $0x1, s2;
	s4 =	sshll.u32 s1, $0x1;
	s2 =	simm.s32 $0x0  }
0x8: {  	s30 =	sshll.u32 s1, $0x13;
	s8 =	ssub.s32 $0x2, s7;
	s4 =	sor.u32 s7, s4  }
0x9: {  	[smem:$0x7FF] =	sst s2;
	s7 =	sshll.u32 s7, $0x12;
	s9 =	sshrl.u32 s8, $0x1  }
0xa: {  	s10 =	sshll.u32 s4, $0xB;
	_ =	strace $0x80000047;
	s29 =	sshll.u32 s4, $0x7  }
0xb: {  	s4 =	sshll.u32 s4, $0x12;
	s8 =	ssub.s32 s8, s9;
	s3 =	sadd.s32 s3, s10  }
0xc: {  	s4 =	sadd.s32 s6, s4;
	s10 =	sadd.s32 s30, s6;
	s5 =	sadd.s32 s5, s29  }
0xd: {  	s9 =	simm.s32 $0x800;
	s6 =	sadd.s32 $0x1000, s4;
	s31 =	sadd.s32 s7, s10  }
0xe: {  	v0 =	vimm.f32 $0.0e+00;
	s7 =	smax.u32 s8, $0x1;
	s10 =	simm.s32 $0x3;
	s8 =	sadd.s32 $0x3000, s31  }
.LBB2_1:
0xf: {  	[tilespmem:s9], [sflag:$0x3] =	stream.linear.gather [hbm4b:s3+s2], $0x4000, $0x38;
	[tilespmem:$0x18800] =	vst v63  }
0x10: {  	_ =	swait.ge [sflag:s10], $0x4000  }
0x11: {  	[sflag:s10] =	ssyncset.done $0x0  }
0x12: {  	[sflag:s10] =	ssyncadd.s32 $0xFFFFC000  }
0x13: {  	[tilespmem:s2], [sflag:$0x3] =	stream.linear.gather [hbm4b:s5+s2], $0x400, $0x38;
	[tilespmem:$0x18800] =	vst v63  }
0x14: {  	s17 =	sand.u32 $0xC00, s2;
	_ =	swait.ge [sflag:s10], $0x400  }
0x15: {  	s18 =	sand.u32 $0x70, s2;
	s19 =	sshrl.u32 s17, $0x2;
	[sflag:s10] =	ssyncset.done $0x0  }
0x16: {  	s19 =	sor.u32 s18, s19;
	[sflag:s10] =	ssyncadd.s32 $0xFFFFFC00  }
0x17: {  	v1 =	vld [tilespmem:s19+$0x0];
	_ =	sdelay $0x2  }
0x18: {  	s16 =	simm.s32 $0x600;
	s20 =	simm.s32 $0x10;
	s18 =	simm.s32 $0x80  }
0x19: {  	s17 =	simm.s32 $0x400;
	s21 =	sand.u32 $0xC00, s18;
	s19 =	simm.s32 $0x20  }
.LBB2_2:
0x1a: {  	p0 =	sne.s32 s19, $0x1F0;
	s20 =	sand.u32 $0x70, s20;
	s21 =	sshrl.u32 s21, $0x2;
	[tilespmem:s16+$0x0] =	vst v1;
	v1 =	vand.u32 $0x7F, v1  }
0x1b: {  	s21 =	sor.u32 s20, s21;
	[tilespmem:s17+$0x0] =	vst v1;
	s20 =	smov.u32 s19  }
.Ltmp0:
0x1c: {  	v1 =	vld [tilespmem:s21+$0x0];
	(pc) =	sbr.rel @p0 .LBB2_2-.Ltmp0, $3  }
0x1d: {  	_ =	sdelay $0x1  }
0x1e: {  	s18 =	sadd.s32 $0x80, s18;
	s16 =	sadd.s32 $0x10, s16  }
0x1f: {  	s19 =	sadd.s32 $0x10, s19;
	s17 =	sadd.s32 $0x10, s17;
	s21 =	sand.u32 $0xC00, s18  }
0x20: {  	s18 =	sand.u32 $0x70, s20;
	s19 =	sshrl.u32 s21, $0x2;
	[tilespmem:s16+$0x0] =	vst v1;
	v1 =	vand.u32 $0x7F, v1  }
0x21: {  	s18 =	sor.u32 s18, s19;
	[tilespmem:s17+$0x0] =	vst v1  }
0x22: {  	v1 =	vld [tilespmem:s18+$0x0];
	_ =	sdelay $0x3  }
0x23: {  	s26 =	sadd.s32 $0x10, s16;
	s28 =	simm.s32 $0x0  }
0x24: {  	s29 =	sadd.s32 $0x10, s17;
	s30 =	sand.u32 $0x7800, s28;
	s18 =	sand.u32 $0x380, s28;
	[tilespmem:s26+$0x0] =	vst v1;
	v1 =	vand.u32 $0x7F, v1  }
0x25: {  	s16 =	sor.u32 s18, s30;
	[tilespmem:s29+$0x0] =	vst v1  }
0x26: {  	[tilespmem:s16+$0x8C70] =	vst v0  }
0x27: {  	[tilespmem:s16+$0x8800] =	vst v0  }
0x28: {  	[tilespmem:s16+$0x8810] =	vst v0  }
0x29: {  	[tilespmem:s16+$0x8820] =	vst v0  }
0x2a: {  	[tilespmem:s16+$0x8830] =	vst v0  }
0x2b: {  	[tilespmem:s16+$0x8840] =	vst v0  }
0x2c: {  	[tilespmem:s16+$0x8850] =	vst v0  }
0x2d: {  	[tilespmem:s16+$0x8860] =	vst v0  }
0x2e: {  	[tilespmem:s16+$0x8870] =	vst v0  }
0x2f: {  	[tilespmem:s16+$0x8C00] =	vst v0  }
0x30: {  	[tilespmem:s16+$0x8C10] =	vst v0  }
0x31: {  	[tilespmem:s16+$0x8C20] =	vst v0  }
0x32: {  	[tilespmem:s16+$0x8C30] =	vst v0  }
0x33: {  	s31 =	simm.s32 $0x100;
	s17 =	simm.s32 $0x80;
	[tilespmem:s16+$0x8C40] =	vst v0  }
0x34: {  	s19 =	sand.u32 $0x7800, s31;
	s20 =	sand.u32 $0x380, s17;
	s18 =	simm.s32 $0x200;
	[tilespmem:s16+$0x8C50] =	vst v0  }
.LBB2_4:
0x35: {  	p0 =	sne.s32 s18, $0x7F00;
	[tilespmem:s16+$0x8C60] =	vst v0;
	s16 =	sor.u32 s20, s19  }
0x36: {  	[tilespmem:s16+$0x8C70] =	vst v0  }
0x37: {  	[tilespmem:s16+$0x8800] =	vst v0  }
0x38: {  	[tilespmem:s16+$0x8810] =	vst v0  }
0x39: {  	[tilespmem:s16+$0x8820] =	vst v0  }
0x3a: {  	[tilespmem:s16+$0x8830] =	vst v0  }
0x3b: {  	[tilespmem:s16+$0x8840] =	vst v0  }
0x3c: {  	[tilespmem:s16+$0x8850] =	vst v0  }
0x3d: {  	[tilespmem:s16+$0x8860] =	vst v0  }
0x3e: {  	[tilespmem:s16+$0x8870] =	vst v0  }
0x3f: {  	[tilespmem:s16+$0x8C00] =	vst v0  }
.Ltmp1:
0x40: {  	[tilespmem:s16+$0x8C10] =	vst v0;
	(pc) =	sbr.rel @p0 .LBB2_4-.Ltmp1, $4  }
0x41: {  	[tilespmem:s16+$0x8C20] =	vst v0  }
0x42: {  	[tilespmem:s16+$0x8C30] =	vst v0  }
0x43: {  	s17 =	sadd.s32 $0x80, s17;
	[tilespmem:s16+$0x8C40] =	vst v0  }
0x44: {  	s19 =	sand.u32 $0x7800, s18;
	s18 =	sadd.s32 $0x100, s18;
	s20 =	sand.u32 $0x380, s17;
	[tilespmem:s16+$0x8C50] =	vst v0  }
0x45: {  	s17 =	sor.u32 s20, s19;
	[tilespmem:s16+$0x8C60] =	vst v0  }
0x46: {  	[tilespmem:s17+$0x8C70] =	vst v0  }
0x47: {  	[tilespmem:s17+$0x8800] =	vst v0  }
0x48: {  	[tilespmem:s17+$0x8810] =	vst v0  }
0x49: {  	[tilespmem:s17+$0x8820] =	vst v0  }
0x4a: {  	[tilespmem:s17+$0x8830] =	vst v0  }
0x4b: {  	[tilespmem:s17+$0x8840] =	vst v0  }
0x4c: {  	[tilespmem:s17+$0x8850] =	vst v0  }
0x4d: {  	[tilespmem:s17+$0x8860] =	vst v0  }
0x4e: {  	[tilespmem:s17+$0x8870] =	vst v0  }
0x4f: {  	[tilespmem:s17+$0x8C00] =	vst v0  }
0x50: {  	[tilespmem:s17+$0x8C10] =	vst v0  }
0x51: {  	[tilespmem:s17+$0x8C20] =	vst v0  }
0x52: {  	[tilespmem:s17+$0x8C30] =	vst v0  }
0x53: {  	[tilespmem:s17+$0x8C40] =	vst v0  }
0x54: {  	[tilespmem:s17+$0x8C50] =	vst v0  }
0x55: {  	[tilespmem:s17+$0x8C60] =	vst v0  }
0x56: {  	v1 =	vld [tilespmem:$0x400]  }
0x57: {  	v2 =	vld [tilespmem:$0x80];
	_ =	sdelay $0x2  }
0x58: {  	v3 =	vld [tilespmem:$0x600];
	_ =	sdelay $0x1  }
0x59: {  	v4 =	vshll.u32 v1, $0x8;
	v5 =	vshll.u32 v2, $0x3  }
0x5a: {  	v1 =	vshll.u32 v1, $0x7;
	v4 =	vand.u32 $0xFFFFF800, v4;
	v5 =	vand.u32 $0xFFFFFC00, v5  }
0x5b: {  	v1 =	vand.u32 $0x380, v1;
	v4 =	vadd.s32 v4, v5  }
0x5c: {  	vm0 =	vlt.s32 v3, $0x80;
	v2 =	vand.u32 $0x7F, v2;
	v1 =	vor.u32 v1, v4  }
0x5d: {  	v3 =	vld [tilespmem:$0x800];
	v1 =	vor.u32 v2, v1;
	_ =	sdelay $0x4  }
0x5e: {  	[tilespmem:v1+s11+$0x0] =	vst.idx.add.f32.msk vm0, v3  }
0x5f: {  	v1 =	vld [tilespmem:$0x410]  }
0x60: {  	v2 =	vld [tilespmem:$0x90];
	_ =	sdelay $0x2  }
0x61: {  	v3 =	vld [tilespmem:$0x610];
	_ =	sdelay $0x1  }
0x62: {  	v58 =	vshll.u32 v1, $0x8;
	v59 =	vshll.u32 v2, $0x3  }
0x63: {  	v1 =	vshll.u32 v1, $0x7;
	v4 =	vand.u32 $0xFFFFF800, v58;
	v5 =	vand.u32 $0xFFFFFC00, v59  }
0x64: {  	v1 =	vand.u32 $0x380, v1;
	v4 =	vadd.s32 v4, v5  }
0x65: {  	vm9 =	vlt.s32 v3, $0x80;
	v2 =	vand.u32 $0x7F, v2;
	v1 =	vor.u32 v1, v4  }
0x66: {  	v3 =	vld [tilespmem:$0x810];
	v1 =	vor.u32 v2, v1;
	_ =	sdelay $0x4  }
0x67: {  	[tilespmem:v1+s11+$0x0] =	vst.idx.add.f32.msk vm9, v3  }
0x68: {  	v1 =	vld [tilespmem:$0x420]  }
0x69: {  	v2 =	vld [tilespmem:$0xA0];
	_ =	sdelay $0x2  }
0x6a: {  	v3 =	vld [tilespmem:$0x620];
	_ =	sdelay $0x1  }
0x6b: {  	v60 =	vshll.u32 v1, $0x8;
	v61 =	vshll.u32 v2, $0x3  }
0x6c: {  	v1 =	vshll.u32 v1, $0x7;
	v4 =	vand.u32 $0xFFFFF800, v60;
	v5 =	vand.u32 $0xFFFFFC00, v61  }
0x6d: {  	v1 =	vand.u32 $0x380, v1;
	v4 =	vadd.s32 v4, v5  }
0x6e: {  	vm10 =	vlt.s32 v3, $0x80;
	v2 =	vand.u32 $0x7F, v2;
	v1 =	vor.u32 v1, v4  }
0x6f: {  	v3 =	vld [tilespmem:$0x820];
	v1 =	vor.u32 v2, v1;
	_ =	sdelay $0x4  }
0x70: {  	[tilespmem:v1+s11+$0x0] =	vst.idx.add.f32.msk vm10, v3  }
0x71: {  	v1 =	vld [tilespmem:$0x430]  }
0x72: {  	v2 =	vld [tilespmem:$0xB0];
	_ =	sdelay $0x2  }
0x73: {  	v3 =	vld [tilespmem:$0x630];
	_ =	sdelay $0x1  }
0x74: {  	v62 =	vshll.u32 v1, $0x8;
	v63 =	vshll.u32 v2, $0x3  }
0x75: {  	v1 =	vshll.u32 v1, $0x7;
	v4 =	vand.u32 $0xFFFFF800, v62;
	v5 =	vand.u32 $0xFFFFFC00, v63  }
0x76: {  	v1 =	vand.u32 $0x380, v1;
	v4 =	vadd.s32 v4, v5  }
0x77: {  	vm11 =	vlt.s32 v3, $0x80;
	v2 =	vand.u32 $0x7F, v2;
	v1 =	vor.u32 v1, v4  }
0x78: {  	v3 =	vld [tilespmem:$0x830];
	v1 =	vor.u32 v2, v1;
	_ =	sdelay $0x4  }
0x79: {  	[tilespmem:v1+s11+$0x0] =	vst.idx.add.f32.msk vm11, v3  }
0x7a: {  	v1 =	vld [tilespmem:$0x440]  }
0x7b: {  	v2 =	vld [tilespmem:$0xC0];
	_ =	sdelay $0x2  }
0x7c: {  	v3 =	vld [tilespmem:$0x640];
	_ =	sdelay $0x1  }
0x7d: {  	v8 =	vshll.u32 v1, $0x8;
	v9 =	vshll.u32 v2, $0x3  }
0x7e: {  	v1 =	vshll.u32 v1, $0x7;
	v4 =	vand.u32 $0xFFFFF800, v8;
	v5 =	vand.u32 $0xFFFFFC00, v9  }
0x7f: {  	v1 =	vand.u32 $0x380, v1;
	v4 =	vadd.s32 v4, v5  }
0x80: {  	vm12 =	vlt.s32 v3, $0x80;
	v2 =	vand.u32 $0x7F, v2;
	v1 =	vor.u32 v1, v4  }
0x81: {  	v3 =	vld [tilespmem:$0x840];
	v1 =	vor.u32 v2, v1;
	_ =	sdelay $0x4  }
0x82: {  	[tilespmem:v1+s11+$0x0] =	vst.idx.add.f32.msk vm12, v3  }
0x83: {  	v1 =	vld [tilespmem:$0x450]  }
0x84: {  	v2 =	vld [tilespmem:$0xD0];
	_ =	sdelay $0x2  }
0x85: {  	v3 =	vld [tilespmem:$0x650];
	_ =	sdelay $0x1  }
0x86: {  	v10 =	vshll.u32 v1, $0x8;
	v11 =	vshll.u32 v2, $0x3  }
0x87: {  	v1 =	vshll.u32 v1, $0x7;
	v4 =	vand.u32 $0xFFFFF800, v10;
	v5 =	vand.u32 $0xFFFFFC00, v11  }
0x88: {  	v1 =	vand.u32 $0x380, v1;
	v4 =	vadd.s32 v4, v5  }
0x89: {  	vm13 =	vlt.s32 v3, $0x80;
	v2 =	vand.u32 $0x7F, v2;
	v1 =	vor.u32 v1, v4  }
0x8a: {  	v3 =	vld [tilespmem:$0x850];
	v1 =	vor.u32 v2, v1;
	_ =	sdelay $0x4  }
0x8b: {  	[tilespmem:v1+s11+$0x0] =	vst.idx.add.f32.msk vm13, v3  }
0x8c: {  	v1 =	vld [tilespmem:$0x460]  }
0x8d: {  	v2 =	vld [tilespmem:$0xE0];
	_ =	sdelay $0x2  }
0x8e: {  	v3 =	vld [tilespmem:$0x660];
	_ =	sdelay $0x1  }
0x8f: {  	v12 =	vshll.u32 v1, $0x8;
	v13 =	vshll.u32 v2, $0x3  }
0x90: {  	v1 =	vshll.u32 v1, $0x7;
	v4 =	vand.u32 $0xFFFFF800, v12;
	v5 =	vand.u32 $0xFFFFFC00, v13  }
0x91: {  	v1 =	vand.u32 $0x380, v1;
	v4 =	vadd.s32 v4, v5  }
0x92: {  	vm14 =	vlt.s32 v3, $0x80;
	v2 =	vand.u32 $0x7F, v2;
	v1 =	vor.u32 v1, v4  }
0x93: {  	v3 =	vld [tilespmem:$0x860];
	v1 =	vor.u32 v2, v1;
	_ =	sdelay $0x4  }
0x94: {  	[tilespmem:v1+s11+$0x0] =	vst.idx.add.f32.msk vm14, v3  }
0x95: {  	v1 =	vld [tilespmem:$0x470]  }
0x96: {  	v2 =	vld [tilespmem:$0xF0];
	_ =	sdelay $0x2  }
0x97: {  	v3 =	vld [tilespmem:$0x670];
	_ =	sdelay $0x1  }
0x98: {  	v14 =	vshll.u32 v1, $0x8;
	v15 =	vshll.u32 v2, $0x3  }
0x99: {  	v1 =	vshll.u32 v1, $0x7;
	v4 =	vand.u32 $0xFFFFF800, v14;
	v5 =	vand.u32 $0xFFFFFC00, v15  }
0x9a: {  	v1 =	vand.u32 $0x380, v1;
	v4 =	vadd.s32 v4, v5  }
0x9b: {  	vm15 =	vlt.s32 v3, $0x80;
	v2 =	vand.u32 $0x7F, v2;
	v1 =	vor.u32 v1, v4  }
0x9c: {  	v3 =	vld [tilespmem:$0x870];
	v1 =	vor.u32 v2, v1;
	_ =	sdelay $0x4  }
0x9d: {  	[tilespmem:v1+s11+$0x0] =	vst.idx.add.f32.msk vm15, v3  }
0x9e: {  	v1 =	vld [tilespmem:$0x480]  }
0x9f: {  	v2 =	vld [tilespmem:$0x180];
	_ =	sdelay $0x2  }
0xa0: {  	v3 =	vld [tilespmem:$0x680];
	_ =	sdelay $0x1  }
0xa1: {  	v16 =	vshll.u32 v1, $0x8;
	v17 =	vshll.u32 v2, $0x3  }
0xa2: {  	v1 =	vshll.u32 v1, $0x7;
	v4 =	vand.u32 $0xFFFFF800, v16;
	v5 =	vand.u32 $0xFFFFFC00, v17  }
0xa3: {  	v1 =	vand.u32 $0x380, v1;
	v4 =	vadd.s32 v4, v5  }
0xa4: {  	vm4 =	vlt.s32 v3, $0x80;
	v2 =	vand.u32 $0x7F, v2;
	v1 =	vor.u32 v1, v4  }
0xa5: {  	v3 =	vld [tilespmem:$0xC00];
	v1 =	vor.u32 v2, v1;
	_ =	sdelay $0x4  }
0xa6: {  	[tilespmem:v1+s11+$0x0] =	vst.idx.add.f32.msk vm4, v3  }
0xa7: {  	v1 =	vld [tilespmem:$0x490]  }
0xa8: {  	v2 =	vld [tilespmem:$0x190];
	_ =	sdelay $0x2  }
0xa9: {  	v3 =	vld [tilespmem:$0x690];
	_ =	sdelay $0x1  }
0xaa: {  	v18 =	vshll.u32 v1, $0x8;
	v19 =	vshll.u32 v2, $0x3  }
0xab: {  	v1 =	vshll.u32 v1, $0x7;
	v4 =	vand.u32 $0xFFFFF800, v18;
	v5 =	vand.u32 $0xFFFFFC00, v19  }
0xac: {  	v1 =	vand.u32 $0x380, v1;
	v4 =	vadd.s32 v4, v5  }
0xad: {  	vm5 =	vlt.s32 v3, $0x80;
	v2 =	vand.u32 $0x7F, v2;
	v1 =	vor.u32 v1, v4  }
0xae: {  	v3 =	vld [tilespmem:$0xC10];
	v1 =	vor.u32 v2, v1;
	_ =	sdelay $0x4  }
0xaf: {  	[tilespmem:v1+s11+$0x0] =	vst.idx.add.f32.msk vm5, v3  }
0xb0: {  	v1 =	vld [tilespmem:$0x4A0]  }
0xb1: {  	v2 =	vld [tilespmem:$0x1A0];
	_ =	sdelay $0x2  }
0xb2: {  	v3 =	vld [tilespmem:$0x6A0];
	_ =	sdelay $0x1  }
0xb3: {  	v20 =	vshll.u32 v1, $0x8;
	v21 =	vshll.u32 v2, $0x3  }
0xb4: {  	v1 =	vshll.u32 v1, $0x7;
	v4 =	vand.u32 $0xFFFFF800, v20;
	v5 =	vand.u32 $0xFFFFFC00, v21  }
0xb5: {  	v1 =	vand.u32 $0x380, v1;
	v4 =	vadd.s32 v4, v5  }
0xb6: {  	vm6 =	vlt.s32 v3, $0x80;
	v2 =	vand.u32 $0x7F, v2;
	v1 =	vor.u32 v1, v4  }
0xb7: {  	v3 =	vld [tilespmem:$0xC20];
	v1 =	vor.u32 v2, v1;
	_ =	sdelay $0x4  }
0xb8: {  	[tilespmem:v1+s11+$0x0] =	vst.idx.add.f32.msk vm6, v3  }
0xb9: {  	v1 =	vld [tilespmem:$0x4B0]  }
0xba: {  	v2 =	vld [tilespmem:$0x1B0];
	_ =	sdelay $0x2  }
0xbb: {  	v3 =	vld [tilespmem:$0x6B0];
	_ =	sdelay $0x1  }
0xbc: {  	v22 =	vshll.u32 v1, $0x8;
	v23 =	vshll.u32 v2, $0x3  }
0xbd: {  	v1 =	vshll.u32 v1, $0x7;
	v4 =	vand.u32 $0xFFFFF800, v22;
	v5 =	vand.u32 $0xFFFFFC00, v23  }
0xbe: {  	v1 =	vand.u32 $0x380, v1;
	v4 =	vadd.s32 v4, v5  }
0xbf: {  	vm7 =	vlt.s32 v3, $0x80;
	v2 =	vand.u32 $0x7F, v2;
	v1 =	vor.u32 v1, v4  }
0xc0: {  	v3 =	vld [tilespmem:$0xC30];
	v1 =	vor.u32 v2, v1;
	_ =	sdelay $0x4  }
0xc1: {  	[tilespmem:v1+s11+$0x0] =	vst.idx.add.f32.msk vm7, v3  }
0xc2: {  	v1 =	vld [tilespmem:$0x4C0]  }
0xc3: {  	v2 =	vld [tilespmem:$0x1C0];
	_ =	sdelay $0x2  }
0xc4: {  	v3 =	vld [tilespmem:$0x6C0];
	_ =	sdelay $0x1  }
0xc5: {  	v24 =	vshll.u32 v1, $0x8;
	v25 =	vshll.u32 v2, $0x3  }
0xc6: {  	v1 =	vshll.u32 v1, $0x7;
	v4 =	vand.u32 $0xFFFFF800, v24;
	v5 =	vand.u32 $0xFFFFFC00, v25  }
0xc7: {  	v1 =	vand.u32 $0x380, v1;
	v4 =	vadd.s32 v4, v5  }
0xc8: {  	vm8 =	vlt.s32 v3, $0x80;
	v2 =	vand.u32 $0x7F, v2;
	v1 =	vor.u32 v1, v4  }
0xc9: {  	v3 =	vld [tilespmem:$0xC40];
	v1 =	vor.u32 v2, v1;
	_ =	sdelay $0x4  }
0xca: {  	[tilespmem:v1+s11+$0x0] =	vst.idx.add.f32.msk vm8, v3  }
0xcb: {  	v1 =	vld [tilespmem:$0x4D0]  }
0xcc: {  	v2 =	vld [tilespmem:$0x1D0];
	_ =	sdelay $0x2  }
0xcd: {  	v3 =	vld [tilespmem:$0x6D0];
	_ =	sdelay $0x1  }
0xce: {  	v26 =	vshll.u32 v1, $0x8;
	v27 =	vshll.u32 v2, $0x3  }
0xcf: {  	v1 =	vshll.u32 v1, $0x7;
	v4 =	vand.u32 $0xFFFFF800, v26;
	v5 =	vand.u32 $0xFFFFFC00, v27  }
0xd0: {  	v1 =	vand.u32 $0x380, v1;
	v4 =	vadd.s32 v4, v5  }
0xd1: {  	vm9 =	vlt.s32 v3, $0x80;
	v2 =	vand.u32 $0x7F, v2;
	v1 =	vor.u32 v1, v4  }
0xd2: {  	v3 =	vld [tilespmem:$0xC50];
	v1 =	vor.u32 v2, v1;
	_ =	sdelay $0x4  }
0xd3: {  	[tilespmem:v1+s11+$0x0] =	vst.idx.add.f32.msk vm9, v3  }
0xd4: {  	v1 =	vld [tilespmem:$0x4E0]  }
0xd5: {  	v2 =	vld [tilespmem:$0x1E0];
	_ =	sdelay $0x2  }
0xd6: {  	v3 =	vld [tilespmem:$0x6E0];
	_ =	sdelay $0x1  }
0xd7: {  	v28 =	vshll.u32 v1, $0x8;
	v29 =	vshll.u32 v2, $0x3  }
0xd8: {  	v1 =	vshll.u32 v1, $0x7;
	v4 =	vand.u32 $0xFFFFF800, v28;
	v5 =	vand.u32 $0xFFFFFC00, v29  }
0xd9: {  	v1 =	vand.u32 $0x380, v1;
	v4 =	vadd.s32 v4, v5  }
0xda: {  	vm10 =	vlt.s32 v3, $0x80;
	v2 =	vand.u32 $0x7F, v2;
	v1 =	vor.u32 v1, v4  }
0xdb: {  	v3 =	vld [tilespmem:$0xC60];
	v1 =	vor.u32 v2, v1;
	_ =	sdelay $0x4  }
0xdc: {  	[tilespmem:v1+s11+$0x0] =	vst.idx.add.f32.msk vm10, v3  }
0xdd: {  	v1 =	vld [tilespmem:$0x4F0]  }
0xde: {  	v2 =	vld [tilespmem:$0x1F0];
	_ =	sdelay $0x2  }
0xdf: {  	v3 =	vld [tilespmem:$0x6F0];
	_ =	sdelay $0x1  }
0xe0: {  	v30 =	vshll.u32 v1, $0x8;
	v31 =	vshll.u32 v2, $0x3  }
0xe1: {  	v1 =	vshll.u32 v1, $0x7;
	v4 =	vand.u32 $0xFFFFF800, v30;
	v5 =	vand.u32 $0xFFFFFC00, v31  }
0xe2: {  	v1 =	vand.u32 $0x380, v1;
	v4 =	vadd.s32 v4, v5  }
0xe3: {  	vm11 =	vlt.s32 v3, $0x80;
	v2 =	vand.u32 $0x7F, v2;
	v1 =	vor.u32 v1, v4  }
0xe4: {  	v3 =	vld [tilespmem:$0xC70];
	v1 =	vor.u32 v2, v1;
	_ =	sdelay $0x4  }
0xe5: {  	[tilespmem:v1+s11+$0x0] =	vst.idx.add.f32.msk vm11, v3  }
0xe6: {  	v1 =	vld [tilespmem:$0x500]  }
0xe7: {  	v2 =	vld [tilespmem:$0x280];
	_ =	sdelay $0x2  }
0xe8: {  	v3 =	vld [tilespmem:$0x700];
	_ =	sdelay $0x1  }
0xe9: {  	v32 =	vshll.u32 v1, $0x8;
	v33 =	vshll.u32 v2, $0x3  }
0xea: {  	v1 =	vshll.u32 v1, $0x7;
	v4 =	vand.u32 $0xFFFFF800, v32;
	v5 =	vand.u32 $0xFFFFFC00, v33  }
0xeb: {  	v1 =	vand.u32 $0x380, v1;
	v4 =	vadd.s32 v4, v5  }
0xec: {  	vm12 =	vlt.s32 v3, $0x80;
	v2 =	vand.u32 $0x7F, v2;
	v1 =	vor.u32 v1, v4  }
0xed: {  	v3 =	vld [tilespmem:$0x1000];
	v1 =	vor.u32 v2, v1;
	_ =	sdelay $0x4  }
0xee: {  	[tilespmem:v1+s11+$0x0] =	vst.idx.add.f32.msk vm12, v3  }
0xef: {  	v1 =	vld [tilespmem:$0x510]  }
0xf0: {  	v2 =	vld [tilespmem:$0x290];
	_ =	sdelay $0x2  }
0xf1: {  	v3 =	vld [tilespmem:$0x710];
	_ =	sdelay $0x1  }
0xf2: {  	v34 =	vshll.u32 v1, $0x8;
	v35 =	vshll.u32 v2, $0x3  }
0xf3: {  	v1 =	vshll.u32 v1, $0x7;
	v4 =	vand.u32 $0xFFFFF800, v34;
	v5 =	vand.u32 $0xFFFFFC00, v35  }
0xf4: {  	v1 =	vand.u32 $0x380, v1;
	v4 =	vadd.s32 v4, v5  }
0xf5: {  	vm13 =	vlt.s32 v3, $0x80;
	v2 =	vand.u32 $0x7F, v2;
	v1 =	vor.u32 v1, v4  }
0xf6: {  	v3 =	vld [tilespmem:$0x1010];
	v1 =	vor.u32 v2, v1;
	_ =	sdelay $0x4  }
0xf7: {  	[tilespmem:v1+s11+$0x0] =	vst.idx.add.f32.msk vm13, v3  }
0xf8: {  	v1 =	vld [tilespmem:$0x520]  }
0xf9: {  	v2 =	vld [tilespmem:$0x2A0];
	_ =	sdelay $0x2  }
0xfa: {  	v3 =	vld [tilespmem:$0x720];
	_ =	sdelay $0x1  }
0xfb: {  	v36 =	vshll.u32 v1, $0x8;
	v37 =	vshll.u32 v2, $0x3  }
0xfc: {  	v1 =	vshll.u32 v1, $0x7;
	v4 =	vand.u32 $0xFFFFF800, v36;
	v5 =	vand.u32 $0xFFFFFC00, v37  }
0xfd: {  	v1 =	vand.u32 $0x380, v1;
	v4 =	vadd.s32 v4, v5  }
0xfe: {  	vm14 =	vlt.s32 v3, $0x80;
	v2 =	vand.u32 $0x7F, v2;
	v1 =	vor.u32 v1, v4  }
0xff: {  	v3 =	vld [tilespmem:$0x1020];
	v1 =	vor.u32 v2, v1;
	_ =	sdelay $0x4  }
0x100: {  	[tilespmem:v1+s11+$0x0] =	vst.idx.add.f32.msk vm14, v3  }
0x101: {  	v1 =	vld [tilespmem:$0x530]  }
0x102: {  	v2 =	vld [tilespmem:$0x2B0];
	_ =	sdelay $0x2  }
0x103: {  	v3 =	vld [tilespmem:$0x730];
	_ =	sdelay $0x1  }
0x104: {  	v38 =	vshll.u32 v1, $0x8;
	v39 =	vshll.u32 v2, $0x3  }
0x105: {  	v1 =	vshll.u32 v1, $0x7;
	v4 =	vand.u32 $0xFFFFF800, v38;
	v5 =	vand.u32 $0xFFFFFC00, v39  }
0x106: {  	v1 =	vand.u32 $0x380, v1;
	v4 =	vadd.s32 v4, v5  }
0x107: {  	vm15 =	vlt.s32 v3, $0x80;
	v2 =	vand.u32 $0x7F, v2;
	v1 =	vor.u32 v1, v4  }
0x108: {  	v3 =	vld [tilespmem:$0x1030];
	v1 =	vor.u32 v2, v1;
	_ =	sdelay $0x4  }
0x109: {  	[tilespmem:v1+s11+$0x0] =	vst.idx.add.f32.msk vm15, v3  }
0x10a: {  	v1 =	vld [tilespmem:$0x540]  }
0x10b: {  	v2 =	vld [tilespmem:$0x2C0];
	_ =	sdelay $0x2  }
0x10c: {  	v3 =	vld [tilespmem:$0x740];
	_ =	sdelay $0x1  }
0x10d: {  	v40 =	vshll.u32 v1, $0x8;
	v41 =	vshll.u32 v2, $0x3  }
0x10e: {  	v1 =	vshll.u32 v1, $0x7;
	v4 =	vand.u32 $0xFFFFF800, v40;
	v5 =	vand.u32 $0xFFFFFC00, v41  }
0x10f: {  	v1 =	vand.u32 $0x380, v1;
	v4 =	vadd.s32 v4, v5  }
0x110: {  	vm4 =	vlt.s32 v3, $0x80;
	v2 =	vand.u32 $0x7F, v2;
	v1 =	vor.u32 v1, v4  }
0x111: {  	v3 =	vld [tilespmem:$0x1040];
	v1 =	vor.u32 v2, v1;
	_ =	sdelay $0x4  }
0x112: {  	[tilespmem:v1+s11+$0x0] =	vst.idx.add.f32.msk vm4, v3  }
0x113: {  	v1 =	vld [tilespmem:$0x550]  }
0x114: {  	v2 =	vld [tilespmem:$0x2D0];
	_ =	sdelay $0x2  }
0x115: {  	v3 =	vld [tilespmem:$0x750];
	_ =	sdelay $0x1  }
0x116: {  	v42 =	vshll.u32 v1, $0x8;
	v43 =	vshll.u32 v2, $0x3  }
0x117: {  	v1 =	vshll.u32 v1, $0x7;
	v4 =	vand.u32 $0xFFFFF800, v42;
	v5 =	vand.u32 $0xFFFFFC00, v43  }
0x118: {  	v1 =	vand.u32 $0x380, v1;
	v4 =	vadd.s32 v4, v5  }
0x119: {  	vm5 =	vlt.s32 v3, $0x80;
	v2 =	vand.u32 $0x7F, v2;
	v1 =	vor.u32 v1, v4  }
0x11a: {  	v3 =	vld [tilespmem:$0x1050];
	v1 =	vor.u32 v2, v1;
	_ =	sdelay $0x4  }
0x11b: {  	[tilespmem:v1+s11+$0x0] =	vst.idx.add.f32.msk vm5, v3  }
0x11c: {  	v1 =	vld [tilespmem:$0x560]  }
0x11d: {  	v2 =	vld [tilespmem:$0x2E0];
	_ =	sdelay $0x2  }
0x11e: {  	v3 =	vld [tilespmem:$0x760];
	_ =	sdelay $0x1  }
0x11f: {  	v44 =	vshll.u32 v1, $0x8;
	v45 =	vshll.u32 v2, $0x3  }
0x120: {  	v1 =	vshll.u32 v1, $0x7;
	v4 =	vand.u32 $0xFFFFF800, v44;
	v5 =	vand.u32 $0xFFFFFC00, v45  }
0x121: {  	v1 =	vand.u32 $0x380, v1;
	v4 =	vadd.s32 v4, v5  }
0x122: {  	vm6 =	vlt.s32 v3, $0x80;
	v2 =	vand.u32 $0x7F, v2;
	v1 =	vor.u32 v1, v4  }
0x123: {  	v3 =	vld [tilespmem:$0x1060];
	v1 =	vor.u32 v2, v1;
	_ =	sdelay $0x4  }
0x124: {  	[tilespmem:v1+s11+$0x0] =	vst.idx.add.f32.msk vm6, v3  }
0x125: {  	v1 =	vld [tilespmem:$0x570]  }
0x126: {  	v2 =	vld [tilespmem:$0x2F0];
	_ =	sdelay $0x2  }
0x127: {  	v3 =	vld [tilespmem:$0x770];
	_ =	sdelay $0x1  }
0x128: {  	v46 =	vshll.u32 v1, $0x8;
	v47 =	vshll.u32 v2, $0x3  }
0x129: {  	v1 =	vshll.u32 v1, $0x7;
	v4 =	vand.u32 $0xFFFFF800, v46;
	v5 =	vand.u32 $0xFFFFFC00, v47  }
0x12a: {  	v1 =	vand.u32 $0x380, v1;
	v4 =	vadd.s32 v4, v5  }
0x12b: {  	vm7 =	vlt.s32 v3, $0x80;
	v2 =	vand.u32 $0x7F, v2;
	v1 =	vor.u32 v1, v4  }
0x12c: {  	v3 =	vld [tilespmem:$0x1070];
	v1 =	vor.u32 v2, v1;
	_ =	sdelay $0x4  }
0x12d: {  	[tilespmem:v1+s11+$0x0] =	vst.idx.add.f32.msk vm7, v3  }
0x12e: {  	v1 =	vld [tilespmem:$0x580]  }
0x12f: {  	v2 =	vld [tilespmem:$0x380];
	_ =	sdelay $0x2  }
0x130: {  	v3 =	vld [tilespmem:$0x780];
	_ =	sdelay $0x1  }
0x131: {  	v48 =	vshll.u32 v1, $0x8;
	v49 =	vshll.u32 v2, $0x3  }
0x132: {  	v1 =	vshll.u32 v1, $0x7;
	v4 =	vand.u32 $0xFFFFF800, v48;
	v5 =	vand.u32 $0xFFFFFC00, v49  }
0x133: {  	v1 =	vand.u32 $0x380, v1;
	v4 =	vadd.s32 v4, v5  }
0x134: {  	vm8 =	vlt.s32 v3, $0x80;
	v2 =	vand.u32 $0x7F, v2;
	v1 =	vor.u32 v1, v4  }
0x135: {  	v3 =	vld [tilespmem:$0x1400];
	v1 =	vor.u32 v2, v1;
	_ =	sdelay $0x4  }
0x136: {  	[tilespmem:v1+s11+$0x0] =	vst.idx.add.f32.msk vm8, v3  }
0x137: {  	v1 =	vld [tilespmem:$0x590]  }
0x138: {  	v2 =	vld [tilespmem:$0x390];
	_ =	sdelay $0x2  }
0x139: {  	v3 =	vld [tilespmem:$0x790];
	_ =	sdelay $0x1  }
0x13a: {  	v50 =	vshll.u32 v1, $0x8;
	v51 =	vshll.u32 v2, $0x3  }
0x13b: {  	v1 =	vshll.u32 v1, $0x7;
	v4 =	vand.u32 $0xFFFFF800, v50;
	v5 =	vand.u32 $0xFFFFFC00, v51  }
0x13c: {  	v1 =	vand.u32 $0x380, v1;
	v4 =	vadd.s32 v4, v5  }
0x13d: {  	vm9 =	vlt.s32 v3, $0x80;
	v2 =	vand.u32 $0x7F, v2;
	v1 =	vor.u32 v1, v4  }
0x13e: {  	v3 =	vld [tilespmem:$0x1410];
	v1 =	vor.u32 v2, v1;
	_ =	sdelay $0x4  }
0x13f: {  	[tilespmem:v1+s11+$0x0] =	vst.idx.add.f32.msk vm9, v3  }
0x140: {  	v1 =	vld [tilespmem:$0x5A0]  }
0x141: {  	v2 =	vld [tilespmem:$0x3A0];
	_ =	sdelay $0x2  }
0x142: {  	v3 =	vld [tilespmem:$0x7A0];
	_ =	sdelay $0x1  }
0x143: {  	v52 =	vshll.u32 v1, $0x8;
	v53 =	vshll.u32 v2, $0x3  }
0x144: {  	v1 =	vshll.u32 v1, $0x7;
	v4 =	vand.u32 $0xFFFFF800, v52;
	v5 =	vand.u32 $0xFFFFFC00, v53  }
0x145: {  	v1 =	vand.u32 $0x380, v1;
	v4 =	vadd.s32 v4, v5  }
0x146: {  	vm10 =	vlt.s32 v3, $0x80;
	v2 =	vand.u32 $0x7F, v2;
	v1 =	vor.u32 v1, v4  }
0x147: {  	v3 =	vld [tilespmem:$0x1420];
	v1 =	vor.u32 v2, v1;
	_ =	sdelay $0x4  }
0x148: {  	[tilespmem:v1+s11+$0x0] =	vst.idx.add.f32.msk vm10, v3  }
0x149: {  	v1 =	vld [tilespmem:$0x5B0]  }
0x14a: {  	v2 =	vld [tilespmem:$0x3B0];
	_ =	sdelay $0x2  }
0x14b: {  	v3 =	vld [tilespmem:$0x7B0];
	_ =	sdelay $0x1  }
0x14c: {  	v54 =	vshll.u32 v1, $0x8;
	v55 =	vshll.u32 v2, $0x3  }
0x14d: {  	v1 =	vshll.u32 v1, $0x7;
	v4 =	vand.u32 $0xFFFFF800, v54;
	v5 =	vand.u32 $0xFFFFFC00, v55  }
0x14e: {  	v1 =	vand.u32 $0x380, v1;
	v4 =	vadd.s32 v4, v5  }
0x14f: {  	vm11 =	vlt.s32 v3, $0x80;
	v2 =	vand.u32 $0x7F, v2;
	v1 =	vor.u32 v1, v4  }
0x150: {  	v3 =	vld [tilespmem:$0x1430];
	v1 =	vor.u32 v2, v1;
	_ =	sdelay $0x4  }
0x151: {  	[tilespmem:v1+s11+$0x0] =	vst.idx.add.f32.msk vm11, v3  }
0x152: {  	v1 =	vld [tilespmem:$0x5C0]  }
0x153: {  	v2 =	vld [tilespmem:$0x3C0];
	_ =	sdelay $0x2  }
0x154: {  	v3 =	vld [tilespmem:$0x7C0];
	_ =	sdelay $0x1  }
0x155: {  	v56 =	vshll.u32 v1, $0x8;
	v57 =	vshll.u32 v2, $0x3  }
0x156: {  	v1 =	vshll.u32 v1, $0x7;
	v4 =	vand.u32 $0xFFFFF800, v56;
	v5 =	vand.u32 $0xFFFFFC00, v57  }
0x157: {  	v1 =	vand.u32 $0x380, v1;
	v4 =	vadd.s32 v4, v5  }
0x158: {  	vm12 =	vlt.s32 v3, $0x80;
	v2 =	vand.u32 $0x7F, v2;
	v1 =	vor.u32 v1, v4  }
0x159: {  	v3 =	vld [tilespmem:$0x1440];
	v1 =	vor.u32 v2, v1;
	_ =	sdelay $0x4  }
0x15a: {  	[tilespmem:v1+s11+$0x0] =	vst.idx.add.f32.msk vm12, v3  }
0x15b: {  	v1 =	vld [tilespmem:$0x5D0]  }
0x15c: {  	v2 =	vld [tilespmem:$0x3D0];
	_ =	sdelay $0x2  }
0x15d: {  	v3 =	vld [tilespmem:$0x7D0];
	_ =	sdelay $0x1  }
0x15e: {  	v58 =	vshll.u32 v1, $0x8;
	v59 =	vshll.u32 v2, $0x3  }
0x15f: {  	v1 =	vshll.u32 v1, $0x7;
	v4 =	vand.u32 $0xFFFFF800, v58;
	v5 =	vand.u32 $0xFFFFFC00, v59  }
0x160: {  	v1 =	vand.u32 $0x380, v1;
	v4 =	vadd.s32 v4, v5  }
0x161: {  	vm13 =	vlt.s32 v3, $0x80;
	v2 =	vand.u32 $0x7F, v2;
	v1 =	vor.u32 v1, v4  }
0x162: {  	v3 =	vld [tilespmem:$0x1450];
	v1 =	vor.u32 v2, v1;
	_ =	sdelay $0x4  }
0x163: {  	[tilespmem:v1+s11+$0x0] =	vst.idx.add.f32.msk vm13, v3  }
0x164: {  	v1 =	vld [tilespmem:$0x5E0]  }
0x165: {  	v2 =	vld [tilespmem:$0x3E0];
	_ =	sdelay $0x2  }
0x166: {  	v3 =	vld [tilespmem:$0x7E0];
	_ =	sdelay $0x1  }
0x167: {  	v60 =	vshll.u32 v1, $0x8;
	v61 =	vshll.u32 v2, $0x3  }
0x168: {  	v1 =	vshll.u32 v1, $0x7;
	v4 =	vand.u32 $0xFFFFF800, v60;
	v5 =	vand.u32 $0xFFFFFC00, v61  }
0x169: {  	v1 =	vand.u32 $0x380, v1;
	v4 =	vadd.s32 v4, v5  }
0x16a: {  	vm14 =	vlt.s32 v3, $0x80;
	v2 =	vand.u32 $0x7F, v2;
	v1 =	vor.u32 v1, v4  }
0x16b: {  	v3 =	vld [tilespmem:$0x1460];
	v1 =	vor.u32 v2, v1;
	_ =	sdelay $0x4  }
0x16c: {  	[tilespmem:v1+s11+$0x0] =	vst.idx.add.f32.msk vm14, v3  }
0x16d: {  	v1 =	vld [tilespmem:$0x5F0]  }
0x16e: {  	v2 =	vld [tilespmem:$0x3F0];
	_ =	sdelay $0x2  }
0x16f: {  	v3 =	vld [tilespmem:$0x7F0];
	_ =	sdelay $0x1  }
0x170: {  	v62 =	vshll.u32 v1, $0x8;
	v63 =	vshll.u32 v2, $0x3  }
0x171: {  	v1 =	vshll.u32 v1, $0x7;
	v4 =	vand.u32 $0xFFFFF800, v62;
	v5 =	vand.u32 $0xFFFFFC00, v63  }
0x172: {  	v1 =	vand.u32 $0x380, v1;
	v4 =	vadd.s32 v4, v5  }
0x173: {  	vm15 =	vlt.s32 v3, $0x80;
	v2 =	vand.u32 $0x7F, v2;
	v1 =	vor.u32 v1, v4  }
0x174: {  	v3 =	vld [tilespmem:$0x1470];
	v1 =	vor.u32 v2, v1;
	_ =	sdelay $0x2  }
0x175: {  	s30 =	simm.s32 $0x0  }
0x176: {  	s31 =	sand.u32 $0x7800, s30;
	s16 =	sand.u32 $0x380, s30  }
0x177: {  	s17 =	sor.u32 s16, s31;
	[tilespmem:v1+s11+$0x0] =	vst.idx.add.f32.msk vm15, v3  }
0x178: {  	[hbm4b:s4+s30] =	stream.linear.scatter [tilespmem:s11], [sflag:$0x1], $0x8000, $0x38;
	[tilespmem:$0x18800] =	vst v63  }
0x179: {  	s16 =	sadd.s32 $0x10800, s17;
	[tilespmem:s17+$0x10800] =	vst v0  }
0x17a: {  	[tilespmem:s16+$0x40] =	vst v0  }
0x17b: {  	[tilespmem:s16+$0x50] =	vst v0  }
0x17c: {  	[tilespmem:s16+$0x60] =	vst v0  }
0x17d: {  	[tilespmem:s16+$0x70] =	vst v0  }
0x17e: {  	[tilespmem:s16+$0x400] =	vst v0  }
0x17f: {  	[tilespmem:s16+$0x410] =	vst v0  }
0x180: {  	[tilespmem:s16+$0x420] =	vst v0  }
0x181: {  	[tilespmem:s16+$0x430] =	vst v0  }
0x182: {  	[tilespmem:s16+$0x440] =	vst v0  }
0x183: {  	[tilespmem:s16+$0x450] =	vst v0  }
0x184: {  	[tilespmem:s16+$0x460] =	vst v0  }
0x185: {  	[tilespmem:s16+$0x10] =	vst v0  }
0x186: {  	s18 =	simm.s32 $0x100;
	s17 =	simm.s32 $0x80;
	[tilespmem:s16+$0x20] =	vst v0  }
0x187: {  	s19 =	sand.u32 $0x7800, s18;
	s18 =	simm.s32 $0x200;
	[tilespmem:s16+$0x30] =	vst v0;
	s20 =	sand.u32 $0x380, s17  }
.LBB2_6:
0x188: {  	p0 =	sne.s32 s18, $0x7F00;
	s19 =	sor.u32 s20, s19;
	[tilespmem:s16+$0x470] =	vst v0  }
0x189: {  	s16 =	sadd.s32 $0x10800, s19;
	[tilespmem:s19+$0x10800] =	vst v0  }
0x18a: {  	[tilespmem:s16+$0x10] =	vst v0  }
0x18b: {  	[tilespmem:s16+$0x20] =	vst v0  }
0x18c: {  	[tilespmem:s16+$0x30] =	vst v0  }
0x18d: {  	[tilespmem:s16+$0x40] =	vst v0  }
0x18e: {  	[tilespmem:s16+$0x50] =	vst v0  }
0x18f: {  	[tilespmem:s16+$0x60] =	vst v0  }
0x190: {  	[tilespmem:s16+$0x70] =	vst v0  }
0x191: {  	[tilespmem:s16+$0x400] =	vst v0  }
0x192: {  	[tilespmem:s16+$0x410] =	vst v0  }
.Ltmp2:
0x193: {  	[tilespmem:s16+$0x420] =	vst v0;
	(pc) =	sbr.rel @p0 .LBB2_6-.Ltmp2, $4  }
0x194: {  	[tilespmem:s16+$0x430] =	vst v0  }
0x195: {  	[tilespmem:s16+$0x440] =	vst v0  }
0x196: {  	s17 =	sadd.s32 $0x80, s17;
	[tilespmem:s16+$0x450] =	vst v0  }
0x197: {  	s19 =	sand.u32 $0x7800, s18;
	s20 =	sand.u32 $0x380, s17;
	s18 =	sadd.s32 $0x100, s18;
	[tilespmem:s16+$0x460] =	vst v0  }
0x198: {  	s17 =	sor.u32 s20, s19;
	[tilespmem:s16+$0x470] =	vst v0  }
0x199: {  	s25 =	sadd.s32 $0x10800, s17;
	[tilespmem:s17+$0x10800] =	vst v0  }
0x19a: {  	[tilespmem:s25+$0x10] =	vst v0  }
0x19b: {  	[tilespmem:s25+$0x20] =	vst v0  }
0x19c: {  	[tilespmem:s25+$0x30] =	vst v0  }
0x19d: {  	[tilespmem:s25+$0x40] =	vst v0  }
0x19e: {  	[tilespmem:s25+$0x50] =	vst v0  }
0x19f: {  	[tilespmem:s25+$0x60] =	vst v0  }
0x1a0: {  	[tilespmem:s25+$0x70] =	vst v0  }
0x1a1: {  	[tilespmem:s25+$0x400] =	vst v0  }
0x1a2: {  	[tilespmem:s25+$0x410] =	vst v0  }
0x1a3: {  	[tilespmem:s25+$0x420] =	vst v0  }
0x1a4: {  	[tilespmem:s25+$0x430] =	vst v0  }
0x1a5: {  	[tilespmem:s25+$0x440] =	vst v0  }
0x1a6: {  	[tilespmem:s25+$0x450] =	vst v0  }
0x1a7: {  	[tilespmem:s25+$0x460] =	vst v0  }
0x1a8: {  	[tilespmem:s25+$0x470] =	vst v0  }
0x1a9: {  	v1 =	vld [tilespmem:$0x400]  }
0x1aa: {  	v2 =	vld [tilespmem:$0x80];
	_ =	sdelay $0x2  }
0x1ab: {  	v3 =	vld [tilespmem:$0x600];
	_ =	sdelay $0x1  }
0x1ac: {  	v4 =	vshll.u32 v1, $0x8;
	v5 =	vshll.u32 v2, $0x3  }
0x1ad: {  	v1 =	vshll.u32 v1, $0x7;
	v4 =	vand.u32 $0xFFFFF800, v4;
	v5 =	vand.u32 $0xFFFFFC00, v5  }
0x1ae: {  	v1 =	vand.u32 $0x380, v1;
	v4 =	vadd.s32 v4, v5  }
0x1af: {  	vm0 =	vgt.s32 v3, $0x7F;
	v2 =	vand.u32 $0x7F, v2;
	v1 =	vor.u32 v1, v4  }
0x1b0: {  	v3 =	vld [tilespmem:$0x800];
	v1 =	vor.u32 v2, v1;
	_ =	sdelay $0x4  }
0x1b1: {  	[tilespmem:v1+s12+$0x0] =	vst.idx.add.f32.msk vm0, v3  }
0x1b2: {  	v1 =	vld [tilespmem:$0x410]  }
0x1b3: {  	v2 =	vld [tilespmem:$0x90];
	_ =	sdelay $0x2  }
0x1b4: {  	v3 =	vld [tilespmem:$0x610];
	_ =	sdelay $0x1  }
0x1b5: {  	v58 =	vshll.u32 v1, $0x8;
	v59 =	vshll.u32 v2, $0x3  }
0x1b6: {  	v1 =	vshll.u32 v1, $0x7;
	v4 =	vand.u32 $0xFFFFF800, v58;
	v5 =	vand.u32 $0xFFFFFC00, v59  }
0x1b7: {  	v1 =	vand.u32 $0x380, v1;
	v4 =	vadd.s32 v4, v5  }
0x1b8: {  	vm9 =	vgt.s32 v3, $0x7F;
	v2 =	vand.u32 $0x7F, v2;
	v1 =	vor.u32 v1, v4  }
0x1b9: {  	v3 =	vld [tilespmem:$0x810];
	v1 =	vor.u32 v2, v1;
	_ =	sdelay $0x4  }
0x1ba: {  	[tilespmem:v1+s12+$0x0] =	vst.idx.add.f32.msk vm9, v3  }
0x1bb: {  	v1 =	vld [tilespmem:$0x420]  }
0x1bc: {  	v2 =	vld [tilespmem:$0xA0];
	_ =	sdelay $0x2  }
0x1bd: {  	v3 =	vld [tilespmem:$0x620];
	_ =	sdelay $0x1  }
0x1be: {  	v60 =	vshll.u32 v1, $0x8;
	v61 =	vshll.u32 v2, $0x3  }
0x1bf: {  	v1 =	vshll.u32 v1, $0x7;
	v4 =	vand.u32 $0xFFFFF800, v60;
	v5 =	vand.u32 $0xFFFFFC00, v61  }
0x1c0: {  	v1 =	vand.u32 $0x380, v1;
	v4 =	vadd.s32 v4, v5  }
0x1c1: {  	vm10 =	vgt.s32 v3, $0x7F;
	v2 =	vand.u32 $0x7F, v2;
	v1 =	vor.u32 v1, v4  }
0x1c2: {  	v3 =	vld [tilespmem:$0x820];
	v1 =	vor.u32 v2, v1;
	_ =	sdelay $0x4  }
0x1c3: {  	[tilespmem:v1+s12+$0x0] =	vst.idx.add.f32.msk vm10, v3  }
0x1c4: {  	v1 =	vld [tilespmem:$0x430]  }
0x1c5: {  	v2 =	vld [tilespmem:$0xB0];
	_ =	sdelay $0x2  }
0x1c6: {  	v3 =	vld [tilespmem:$0x630];
	_ =	sdelay $0x1  }
0x1c7: {  	v62 =	vshll.u32 v1, $0x8;
	v63 =	vshll.u32 v2, $0x3  }
0x1c8: {  	v1 =	vshll.u32 v1, $0x7;
	v4 =	vand.u32 $0xFFFFF800, v62;
	v5 =	vand.u32 $0xFFFFFC00, v63  }
0x1c9: {  	v1 =	vand.u32 $0x380, v1;
	v4 =	vadd.s32 v4, v5  }
0x1ca: {  	vm11 =	vgt.s32 v3, $0x7F;
	v2 =	vand.u32 $0x7F, v2;
	v1 =	vor.u32 v1, v4  }
0x1cb: {  	v3 =	vld [tilespmem:$0x830];
	v1 =	vor.u32 v2, v1;
	_ =	sdelay $0x4  }
0x1cc: {  	[tilespmem:v1+s12+$0x0] =	vst.idx.add.f32.msk vm11, v3  }
0x1cd: {  	v1 =	vld [tilespmem:$0x440]  }
0x1ce: {  	v2 =	vld [tilespmem:$0xC0];
	_ =	sdelay $0x2  }
0x1cf: {  	v3 =	vld [tilespmem:$0x640];
	_ =	sdelay $0x1  }
0x1d0: {  	v8 =	vshll.u32 v1, $0x8;
	v9 =	vshll.u32 v2, $0x3  }
0x1d1: {  	v1 =	vshll.u32 v1, $0x7;
	v4 =	vand.u32 $0xFFFFF800, v8;
	v5 =	vand.u32 $0xFFFFFC00, v9  }
0x1d2: {  	v1 =	vand.u32 $0x380, v1;
	v4 =	vadd.s32 v4, v5  }
0x1d3: {  	vm12 =	vgt.s32 v3, $0x7F;
	v2 =	vand.u32 $0x7F, v2;
	v1 =	vor.u32 v1, v4  }
0x1d4: {  	v3 =	vld [tilespmem:$0x840];
	v1 =	vor.u32 v2, v1;
	_ =	sdelay $0x4  }
0x1d5: {  	[tilespmem:v1+s12+$0x0] =	vst.idx.add.f32.msk vm12, v3  }
0x1d6: {  	v1 =	vld [tilespmem:$0x450]  }
0x1d7: {  	v2 =	vld [tilespmem:$0xD0];
	_ =	sdelay $0x2  }
0x1d8: {  	v3 =	vld [tilespmem:$0x650];
	_ =	sdelay $0x1  }
0x1d9: {  	v10 =	vshll.u32 v1, $0x8;
	v11 =	vshll.u32 v2, $0x3  }
0x1da: {  	v1 =	vshll.u32 v1, $0x7;
	v4 =	vand.u32 $0xFFFFF800, v10;
	v5 =	vand.u32 $0xFFFFFC00, v11  }
0x1db: {  	v1 =	vand.u32 $0x380, v1;
	v4 =	vadd.s32 v4, v5  }
0x1dc: {  	vm13 =	vgt.s32 v3, $0x7F;
	v2 =	vand.u32 $0x7F, v2;
	v1 =	vor.u32 v1, v4  }
0x1dd: {  	v3 =	vld [tilespmem:$0x850];
	v1 =	vor.u32 v2, v1;
	_ =	sdelay $0x4  }
0x1de: {  	[tilespmem:v1+s12+$0x0] =	vst.idx.add.f32.msk vm13, v3  }
0x1df: {  	v1 =	vld [tilespmem:$0x460]  }
0x1e0: {  	v2 =	vld [tilespmem:$0xE0];
	_ =	sdelay $0x2  }
0x1e1: {  	v3 =	vld [tilespmem:$0x660];
	_ =	sdelay $0x1  }
0x1e2: {  	v12 =	vshll.u32 v1, $0x8;
	v13 =	vshll.u32 v2, $0x3  }
0x1e3: {  	v1 =	vshll.u32 v1, $0x7;
	v4 =	vand.u32 $0xFFFFF800, v12;
	v5 =	vand.u32 $0xFFFFFC00, v13  }
0x1e4: {  	v1 =	vand.u32 $0x380, v1;
	v4 =	vadd.s32 v4, v5  }
0x1e5: {  	vm14 =	vgt.s32 v3, $0x7F;
	v2 =	vand.u32 $0x7F, v2;
	v1 =	vor.u32 v1, v4  }
0x1e6: {  	v3 =	vld [tilespmem:$0x860];
	v1 =	vor.u32 v2, v1;
	_ =	sdelay $0x4  }
0x1e7: {  	[tilespmem:v1+s12+$0x0] =	vst.idx.add.f32.msk vm14, v3  }
0x1e8: {  	v1 =	vld [tilespmem:$0x470]  }
0x1e9: {  	v2 =	vld [tilespmem:$0xF0];
	_ =	sdelay $0x2  }
0x1ea: {  	v3 =	vld [tilespmem:$0x670];
	_ =	sdelay $0x1  }
0x1eb: {  	v14 =	vshll.u32 v1, $0x8;
	v15 =	vshll.u32 v2, $0x3  }
0x1ec: {  	v1 =	vshll.u32 v1, $0x7;
	v4 =	vand.u32 $0xFFFFF800, v14;
	v5 =	vand.u32 $0xFFFFFC00, v15  }
0x1ed: {  	v1 =	vand.u32 $0x380, v1;
	v4 =	vadd.s32 v4, v5  }
0x1ee: {  	vm15 =	vgt.s32 v3, $0x7F;
	v2 =	vand.u32 $0x7F, v2;
	v1 =	vor.u32 v1, v4  }
0x1ef: {  	v3 =	vld [tilespmem:$0x870];
	v1 =	vor.u32 v2, v1;
	_ =	sdelay $0x4  }
0x1f0: {  	[tilespmem:v1+s12+$0x0] =	vst.idx.add.f32.msk vm15, v3  }
0x1f1: {  	v1 =	vld [tilespmem:$0x480]  }
0x1f2: {  	v2 =	vld [tilespmem:$0x180];
	_ =	sdelay $0x2  }
0x1f3: {  	v3 =	vld [tilespmem:$0x680];
	_ =	sdelay $0x1  }
0x1f4: {  	v16 =	vshll.u32 v1, $0x8;
	v17 =	vshll.u32 v2, $0x3  }
0x1f5: {  	v1 =	vshll.u32 v1, $0x7;
	v4 =	vand.u32 $0xFFFFF800, v16;
	v5 =	vand.u32 $0xFFFFFC00, v17  }
0x1f6: {  	v1 =	vand.u32 $0x380, v1;
	v4 =	vadd.s32 v4, v5  }
0x1f7: {  	vm4 =	vgt.s32 v3, $0x7F;
	v2 =	vand.u32 $0x7F, v2;
	v1 =	vor.u32 v1, v4  }
0x1f8: {  	v3 =	vld [tilespmem:$0xC00];
	v1 =	vor.u32 v2, v1;
	_ =	sdelay $0x4  }
0x1f9: {  	[tilespmem:v1+s12+$0x0] =	vst.idx.add.f32.msk vm4, v3  }
0x1fa: {  	v1 =	vld [tilespmem:$0x490]  }
0x1fb: {  	v2 =	vld [tilespmem:$0x190];
	_ =	sdelay $0x2  }
0x1fc: {  	v3 =	vld [tilespmem:$0x690];
	_ =	sdelay $0x1  }
0x1fd: {  	v18 =	vshll.u32 v1, $0x8;
	v19 =	vshll.u32 v2, $0x3  }
0x1fe: {  	v1 =	vshll.u32 v1, $0x7;
	v4 =	vand.u32 $0xFFFFF800, v18;
	v5 =	vand.u32 $0xFFFFFC00, v19  }
0x1ff: {  	v1 =	vand.u32 $0x380, v1;
	v4 =	vadd.s32 v4, v5  }
0x200: {  	vm5 =	vgt.s32 v3, $0x7F;
	v2 =	vand.u32 $0x7F, v2;
	v1 =	vor.u32 v1, v4  }
0x201: {  	v3 =	vld [tilespmem:$0xC10];
	v1 =	vor.u32 v2, v1;
	_ =	sdelay $0x4  }
0x202: {  	[tilespmem:v1+s12+$0x0] =	vst.idx.add.f32.msk vm5, v3  }
0x203: {  	v1 =	vld [tilespmem:$0x4A0]  }
0x204: {  	v2 =	vld [tilespmem:$0x1A0];
	_ =	sdelay $0x2  }
0x205: {  	v3 =	vld [tilespmem:$0x6A0];
	_ =	sdelay $0x1  }
0x206: {  	v20 =	vshll.u32 v1, $0x8;
	v21 =	vshll.u32 v2, $0x3  }
0x207: {  	v1 =	vshll.u32 v1, $0x7;
	v4 =	vand.u32 $0xFFFFF800, v20;
	v5 =	vand.u32 $0xFFFFFC00, v21  }
0x208: {  	v1 =	vand.u32 $0x380, v1;
	v4 =	vadd.s32 v4, v5  }
0x209: {  	vm6 =	vgt.s32 v3, $0x7F;
	v2 =	vand.u32 $0x7F, v2;
	v1 =	vor.u32 v1, v4  }
0x20a: {  	v3 =	vld [tilespmem:$0xC20];
	v1 =	vor.u32 v2, v1;
	_ =	sdelay $0x4  }
0x20b: {  	[tilespmem:v1+s12+$0x0] =	vst.idx.add.f32.msk vm6, v3  }
0x20c: {  	v1 =	vld [tilespmem:$0x4B0]  }
0x20d: {  	v2 =	vld [tilespmem:$0x1B0];
	_ =	sdelay $0x2  }
0x20e: {  	v3 =	vld [tilespmem:$0x6B0];
	_ =	sdelay $0x1  }
0x20f: {  	v22 =	vshll.u32 v1, $0x8;
	v23 =	vshll.u32 v2, $0x3  }
0x210: {  	v1 =	vshll.u32 v1, $0x7;
	v4 =	vand.u32 $0xFFFFF800, v22;
	v5 =	vand.u32 $0xFFFFFC00, v23  }
0x211: {  	v1 =	vand.u32 $0x380, v1;
	v4 =	vadd.s32 v4, v5  }
0x212: {  	vm7 =	vgt.s32 v3, $0x7F;
	v2 =	vand.u32 $0x7F, v2;
	v1 =	vor.u32 v1, v4  }
0x213: {  	v3 =	vld [tilespmem:$0xC30];
	v1 =	vor.u32 v2, v1;
	_ =	sdelay $0x4  }
0x214: {  	[tilespmem:v1+s12+$0x0] =	vst.idx.add.f32.msk vm7, v3  }
0x215: {  	v1 =	vld [tilespmem:$0x4C0]  }
0x216: {  	v2 =	vld [tilespmem:$0x1C0];
	_ =	sdelay $0x2  }
0x217: {  	v3 =	vld [tilespmem:$0x6C0];
	_ =	sdelay $0x1  }
0x218: {  	v24 =	vshll.u32 v1, $0x8;
	v25 =	vshll.u32 v2, $0x3  }
0x219: {  	v1 =	vshll.u32 v1, $0x7;
	v4 =	vand.u32 $0xFFFFF800, v24;
	v5 =	vand.u32 $0xFFFFFC00, v25  }
0x21a: {  	v1 =	vand.u32 $0x380, v1;
	v4 =	vadd.s32 v4, v5  }
0x21b: {  	vm8 =	vgt.s32 v3, $0x7F;
	v2 =	vand.u32 $0x7F, v2;
	v1 =	vor.u32 v1, v4  }
0x21c: {  	v3 =	vld [tilespmem:$0xC40];
	v1 =	vor.u32 v2, v1;
	_ =	sdelay $0x4  }
0x21d: {  	[tilespmem:v1+s12+$0x0] =	vst.idx.add.f32.msk vm8, v3  }
0x21e: {  	v1 =	vld [tilespmem:$0x4D0]  }
0x21f: {  	v2 =	vld [tilespmem:$0x1D0];
	_ =	sdelay $0x2  }
0x220: {  	v3 =	vld [tilespmem:$0x6D0];
	_ =	sdelay $0x1  }
0x221: {  	v26 =	vshll.u32 v1, $0x8;
	v27 =	vshll.u32 v2, $0x3  }
0x222: {  	v1 =	vshll.u32 v1, $0x7;
	v4 =	vand.u32 $0xFFFFF800, v26;
	v5 =	vand.u32 $0xFFFFFC00, v27  }
0x223: {  	v1 =	vand.u32 $0x380, v1;
	v4 =	vadd.s32 v4, v5  }
0x224: {  	vm9 =	vgt.s32 v3, $0x7F;
	v2 =	vand.u32 $0x7F, v2;
	v1 =	vor.u32 v1, v4  }
0x225: {  	v3 =	vld [tilespmem:$0xC50];
	v1 =	vor.u32 v2, v1;
	_ =	sdelay $0x4  }
0x226: {  	[tilespmem:v1+s12+$0x0] =	vst.idx.add.f32.msk vm9, v3  }
0x227: {  	v1 =	vld [tilespmem:$0x4E0]  }
0x228: {  	v2 =	vld [tilespmem:$0x1E0];
	_ =	sdelay $0x2  }
0x229: {  	v3 =	vld [tilespmem:$0x6E0];
	_ =	sdelay $0x1  }
0x22a: {  	v28 =	vshll.u32 v1, $0x8;
	v29 =	vshll.u32 v2, $0x3  }
0x22b: {  	v1 =	vshll.u32 v1, $0x7;
	v4 =	vand.u32 $0xFFFFF800, v28;
	v5 =	vand.u32 $0xFFFFFC00, v29  }
0x22c: {  	v1 =	vand.u32 $0x380, v1;
	v4 =	vadd.s32 v4, v5  }
0x22d: {  	vm10 =	vgt.s32 v3, $0x7F;
	v2 =	vand.u32 $0x7F, v2;
	v1 =	vor.u32 v1, v4  }
0x22e: {  	v3 =	vld [tilespmem:$0xC60];
	v1 =	vor.u32 v2, v1;
	_ =	sdelay $0x4  }
0x22f: {  	[tilespmem:v1+s12+$0x0] =	vst.idx.add.f32.msk vm10, v3  }
0x230: {  	v1 =	vld [tilespmem:$0x4F0]  }
0x231: {  	v2 =	vld [tilespmem:$0x1F0];
	_ =	sdelay $0x2  }
0x232: {  	v3 =	vld [tilespmem:$0x6F0];
	_ =	sdelay $0x1  }
0x233: {  	v30 =	vshll.u32 v1, $0x8;
	v31 =	vshll.u32 v2, $0x3  }
0x234: {  	v1 =	vshll.u32 v1, $0x7;
	v4 =	vand.u32 $0xFFFFF800, v30;
	v5 =	vand.u32 $0xFFFFFC00, v31  }
0x235: {  	v1 =	vand.u32 $0x380, v1;
	v4 =	vadd.s32 v4, v5  }
0x236: {  	vm11 =	vgt.s32 v3, $0x7F;
	v2 =	vand.u32 $0x7F, v2;
	v1 =	vor.u32 v1, v4  }
0x237: {  	v3 =	vld [tilespmem:$0xC70];
	v1 =	vor.u32 v2, v1;
	_ =	sdelay $0x4  }
0x238: {  	[tilespmem:v1+s12+$0x0] =	vst.idx.add.f32.msk vm11, v3  }
0x239: {  	v1 =	vld [tilespmem:$0x500]  }
0x23a: {  	v2 =	vld [tilespmem:$0x280];
	_ =	sdelay $0x2  }
0x23b: {  	v3 =	vld [tilespmem:$0x700];
	_ =	sdelay $0x1  }
0x23c: {  	v32 =	vshll.u32 v1, $0x8;
	v33 =	vshll.u32 v2, $0x3  }
0x23d: {  	v1 =	vshll.u32 v1, $0x7;
	v4 =	vand.u32 $0xFFFFF800, v32;
	v5 =	vand.u32 $0xFFFFFC00, v33  }
0x23e: {  	v1 =	vand.u32 $0x380, v1;
	v4 =	vadd.s32 v4, v5  }
0x23f: {  	vm12 =	vgt.s32 v3, $0x7F;
	v2 =	vand.u32 $0x7F, v2;
	v1 =	vor.u32 v1, v4  }
0x240: {  	v3 =	vld [tilespmem:$0x1000];
	v1 =	vor.u32 v2, v1;
	_ =	sdelay $0x4  }
0x241: {  	[tilespmem:v1+s12+$0x0] =	vst.idx.add.f32.msk vm12, v3  }
0x242: {  	v1 =	vld [tilespmem:$0x510]  }
0x243: {  	v2 =	vld [tilespmem:$0x290];
	_ =	sdelay $0x2  }
0x244: {  	v3 =	vld [tilespmem:$0x710];
	_ =	sdelay $0x1  }
0x245: {  	v34 =	vshll.u32 v1, $0x8;
	v35 =	vshll.u32 v2, $0x3  }
0x246: {  	v1 =	vshll.u32 v1, $0x7;
	v4 =	vand.u32 $0xFFFFF800, v34;
	v5 =	vand.u32 $0xFFFFFC00, v35  }
0x247: {  	v1 =	vand.u32 $0x380, v1;
	v4 =	vadd.s32 v4, v5  }
0x248: {  	vm13 =	vgt.s32 v3, $0x7F;
	v2 =	vand.u32 $0x7F, v2;
	v1 =	vor.u32 v1, v4  }
0x249: {  	v3 =	vld [tilespmem:$0x1010];
	v1 =	vor.u32 v2, v1;
	_ =	sdelay $0x4  }
0x24a: {  	[tilespmem:v1+s12+$0x0] =	vst.idx.add.f32.msk vm13, v3  }
0x24b: {  	v1 =	vld [tilespmem:$0x520]  }
0x24c: {  	v2 =	vld [tilespmem:$0x2A0];
	_ =	sdelay $0x2  }
0x24d: {  	v3 =	vld [tilespmem:$0x720];
	_ =	sdelay $0x1  }
0x24e: {  	v36 =	vshll.u32 v1, $0x8;
	v37 =	vshll.u32 v2, $0x3  }
0x24f: {  	v1 =	vshll.u32 v1, $0x7;
	v4 =	vand.u32 $0xFFFFF800, v36;
	v5 =	vand.u32 $0xFFFFFC00, v37  }
0x250: {  	v1 =	vand.u32 $0x380, v1;
	v4 =	vadd.s32 v4, v5  }
0x251: {  	vm14 =	vgt.s32 v3, $0x7F;
	v2 =	vand.u32 $0x7F, v2;
	v1 =	vor.u32 v1, v4  }
0x252: {  	v3 =	vld [tilespmem:$0x1020];
	v1 =	vor.u32 v2, v1;
	_ =	sdelay $0x4  }
0x253: {  	[tilespmem:v1+s12+$0x0] =	vst.idx.add.f32.msk vm14, v3  }
0x254: {  	v1 =	vld [tilespmem:$0x530]  }
0x255: {  	v2 =	vld [tilespmem:$0x2B0];
	_ =	sdelay $0x2  }
0x256: {  	v3 =	vld [tilespmem:$0x730];
	_ =	sdelay $0x1  }
0x257: {  	v38 =	vshll.u32 v1, $0x8;
	v39 =	vshll.u32 v2, $0x3  }
0x258: {  	v1 =	vshll.u32 v1, $0x7;
	v4 =	vand.u32 $0xFFFFF800, v38;
	v5 =	vand.u32 $0xFFFFFC00, v39  }
0x259: {  	v1 =	vand.u32 $0x380, v1;
	v4 =	vadd.s32 v4, v5  }
0x25a: {  	vm15 =	vgt.s32 v3, $0x7F;
	v2 =	vand.u32 $0x7F, v2;
	v1 =	vor.u32 v1, v4  }
0x25b: {  	v3 =	vld [tilespmem:$0x1030];
	v1 =	vor.u32 v2, v1;
	_ =	sdelay $0x4  }
0x25c: {  	[tilespmem:v1+s12+$0x0] =	vst.idx.add.f32.msk vm15, v3  }
0x25d: {  	v1 =	vld [tilespmem:$0x540]  }
0x25e: {  	v2 =	vld [tilespmem:$0x2C0];
	_ =	sdelay $0x2  }
0x25f: {  	v3 =	vld [tilespmem:$0x740];
	_ =	sdelay $0x1  }
0x260: {  	v40 =	vshll.u32 v1, $0x8;
	v41 =	vshll.u32 v2, $0x3  }
0x261: {  	v1 =	vshll.u32 v1, $0x7;
	v4 =	vand.u32 $0xFFFFF800, v40;
	v5 =	vand.u32 $0xFFFFFC00, v41  }
0x262: {  	v1 =	vand.u32 $0x380, v1;
	v4 =	vadd.s32 v4, v5  }
0x263: {  	vm4 =	vgt.s32 v3, $0x7F;
	v2 =	vand.u32 $0x7F, v2;
	v1 =	vor.u32 v1, v4  }
0x264: {  	v3 =	vld [tilespmem:$0x1040];
	v1 =	vor.u32 v2, v1;
	_ =	sdelay $0x4  }
0x265: {  	[tilespmem:v1+s12+$0x0] =	vst.idx.add.f32.msk vm4, v3  }
0x266: {  	v1 =	vld [tilespmem:$0x550]  }
0x267: {  	v2 =	vld [tilespmem:$0x2D0];
	_ =	sdelay $0x2  }
0x268: {  	v3 =	vld [tilespmem:$0x750];
	_ =	sdelay $0x1  }
0x269: {  	v42 =	vshll.u32 v1, $0x8;
	v43 =	vshll.u32 v2, $0x3  }
0x26a: {  	v1 =	vshll.u32 v1, $0x7;
	v4 =	vand.u32 $0xFFFFF800, v42;
	v5 =	vand.u32 $0xFFFFFC00, v43  }
0x26b: {  	v1 =	vand.u32 $0x380, v1;
	v4 =	vadd.s32 v4, v5  }
0x26c: {  	vm5 =	vgt.s32 v3, $0x7F;
	v2 =	vand.u32 $0x7F, v2;
	v1 =	vor.u32 v1, v4  }
0x26d: {  	v3 =	vld [tilespmem:$0x1050];
	v1 =	vor.u32 v2, v1;
	_ =	sdelay $0x4  }
0x26e: {  	[tilespmem:v1+s12+$0x0] =	vst.idx.add.f32.msk vm5, v3  }
0x26f: {  	v1 =	vld [tilespmem:$0x560]  }
0x270: {  	v2 =	vld [tilespmem:$0x2E0];
	_ =	sdelay $0x2  }
0x271: {  	v3 =	vld [tilespmem:$0x760];
	_ =	sdelay $0x1  }
0x272: {  	v44 =	vshll.u32 v1, $0x8;
	v45 =	vshll.u32 v2, $0x3  }
0x273: {  	v1 =	vshll.u32 v1, $0x7;
	v4 =	vand.u32 $0xFFFFF800, v44;
	v5 =	vand.u32 $0xFFFFFC00, v45  }
0x274: {  	v1 =	vand.u32 $0x380, v1;
	v4 =	vadd.s32 v4, v5  }
0x275: {  	vm6 =	vgt.s32 v3, $0x7F;
	v2 =	vand.u32 $0x7F, v2;
	v1 =	vor.u32 v1, v4  }
0x276: {  	v3 =	vld [tilespmem:$0x1060];
	v1 =	vor.u32 v2, v1;
	_ =	sdelay $0x4  }
0x277: {  	[tilespmem:v1+s12+$0x0] =	vst.idx.add.f32.msk vm6, v3  }
0x278: {  	v1 =	vld [tilespmem:$0x570]  }
0x279: {  	v2 =	vld [tilespmem:$0x2F0];
	_ =	sdelay $0x2  }
0x27a: {  	v3 =	vld [tilespmem:$0x770];
	_ =	sdelay $0x1  }
0x27b: {  	v46 =	vshll.u32 v1, $0x8;
	v47 =	vshll.u32 v2, $0x3  }
0x27c: {  	v1 =	vshll.u32 v1, $0x7;
	v4 =	vand.u32 $0xFFFFF800, v46;
	v5 =	vand.u32 $0xFFFFFC00, v47  }
0x27d: {  	v1 =	vand.u32 $0x380, v1;
	v4 =	vadd.s32 v4, v5  }
0x27e: {  	vm7 =	vgt.s32 v3, $0x7F;
	v2 =	vand.u32 $0x7F, v2;
	v1 =	vor.u32 v1, v4  }
0x27f: {  	v3 =	vld [tilespmem:$0x1070];
	v1 =	vor.u32 v2, v1;
	_ =	sdelay $0x4  }
0x280: {  	[tilespmem:v1+s12+$0x0] =	vst.idx.add.f32.msk vm7, v3  }
0x281: {  	v1 =	vld [tilespmem:$0x580]  }
0x282: {  	v2 =	vld [tilespmem:$0x380];
	_ =	sdelay $0x2  }
0x283: {  	v3 =	vld [tilespmem:$0x780];
	_ =	sdelay $0x1  }
0x284: {  	v48 =	vshll.u32 v1, $0x8;
	v49 =	vshll.u32 v2, $0x3  }
0x285: {  	v1 =	vshll.u32 v1, $0x7;
	v4 =	vand.u32 $0xFFFFF800, v48;
	v5 =	vand.u32 $0xFFFFFC00, v49  }
0x286: {  	v1 =	vand.u32 $0x380, v1;
	v4 =	vadd.s32 v4, v5  }
0x287: {  	vm8 =	vgt.s32 v3, $0x7F;
	v2 =	vand.u32 $0x7F, v2;
	v1 =	vor.u32 v1, v4  }
0x288: {  	v3 =	vld [tilespmem:$0x1400];
	v1 =	vor.u32 v2, v1;
	_ =	sdelay $0x4  }
0x289: {  	[tilespmem:v1+s12+$0x0] =	vst.idx.add.f32.msk vm8, v3  }
0x28a: {  	v1 =	vld [tilespmem:$0x590]  }
0x28b: {  	v2 =	vld [tilespmem:$0x390];
	_ =	sdelay $0x2  }
0x28c: {  	v3 =	vld [tilespmem:$0x790];
	_ =	sdelay $0x1  }
0x28d: {  	v50 =	vshll.u32 v1, $0x8;
	v51 =	vshll.u32 v2, $0x3  }
0x28e: {  	v1 =	vshll.u32 v1, $0x7;
	v4 =	vand.u32 $0xFFFFF800, v50;
	v5 =	vand.u32 $0xFFFFFC00, v51  }
0x28f: {  	v1 =	vand.u32 $0x380, v1;
	v4 =	vadd.s32 v4, v5  }
0x290: {  	vm9 =	vgt.s32 v3, $0x7F;
	v2 =	vand.u32 $0x7F, v2;
	v1 =	vor.u32 v1, v4  }
0x291: {  	v3 =	vld [tilespmem:$0x1410];
	v1 =	vor.u32 v2, v1;
	_ =	sdelay $0x4  }
0x292: {  	[tilespmem:v1+s12+$0x0] =	vst.idx.add.f32.msk vm9, v3  }
0x293: {  	v1 =	vld [tilespmem:$0x5A0]  }
0x294: {  	v2 =	vld [tilespmem:$0x3A0];
	_ =	sdelay $0x2  }
0x295: {  	v3 =	vld [tilespmem:$0x7A0];
	_ =	sdelay $0x1  }
0x296: {  	v52 =	vshll.u32 v1, $0x8;
	v53 =	vshll.u32 v2, $0x3  }
0x297: {  	v1 =	vshll.u32 v1, $0x7;
	v4 =	vand.u32 $0xFFFFF800, v52;
	v5 =	vand.u32 $0xFFFFFC00, v53  }
0x298: {  	v1 =	vand.u32 $0x380, v1;
	v4 =	vadd.s32 v4, v5  }
0x299: {  	vm10 =	vgt.s32 v3, $0x7F;
	v2 =	vand.u32 $0x7F, v2;
	v1 =	vor.u32 v1, v4  }
0x29a: {  	v3 =	vld [tilespmem:$0x1420];
	v1 =	vor.u32 v2, v1;
	_ =	sdelay $0x4  }
0x29b: {  	[tilespmem:v1+s12+$0x0] =	vst.idx.add.f32.msk vm10, v3  }
0x29c: {  	v1 =	vld [tilespmem:$0x5B0]  }
0x29d: {  	v2 =	vld [tilespmem:$0x3B0];
	_ =	sdelay $0x2  }
0x29e: {  	v3 =	vld [tilespmem:$0x7B0];
	_ =	sdelay $0x1  }
0x29f: {  	v54 =	vshll.u32 v1, $0x8;
	v55 =	vshll.u32 v2, $0x3  }
0x2a0: {  	v1 =	vshll.u32 v1, $0x7;
	v4 =	vand.u32 $0xFFFFF800, v54;
	v5 =	vand.u32 $0xFFFFFC00, v55  }
0x2a1: {  	v1 =	vand.u32 $0x380, v1;
	v4 =	vadd.s32 v4, v5  }
0x2a2: {  	vm11 =	vgt.s32 v3, $0x7F;
	v2 =	vand.u32 $0x7F, v2;
	v1 =	vor.u32 v1, v4  }
0x2a3: {  	v3 =	vld [tilespmem:$0x1430];
	v1 =	vor.u32 v2, v1;
	_ =	sdelay $0x4  }
0x2a4: {  	[tilespmem:v1+s12+$0x0] =	vst.idx.add.f32.msk vm11, v3  }
0x2a5: {  	v1 =	vld [tilespmem:$0x5C0]  }
0x2a6: {  	v2 =	vld [tilespmem:$0x3C0];
	_ =	sdelay $0x2  }
0x2a7: {  	v3 =	vld [tilespmem:$0x7C0];
	_ =	sdelay $0x1  }
0x2a8: {  	v56 =	vshll.u32 v1, $0x8;
	v57 =	vshll.u32 v2, $0x3  }
0x2a9: {  	v1 =	vshll.u32 v1, $0x7;
	v4 =	vand.u32 $0xFFFFF800, v56;
	v5 =	vand.u32 $0xFFFFFC00, v57  }
0x2aa: {  	v1 =	vand.u32 $0x380, v1;
	v4 =	vadd.s32 v4, v5  }
0x2ab: {  	vm12 =	vgt.s32 v3, $0x7F;
	v2 =	vand.u32 $0x7F, v2;
	v1 =	vor.u32 v1, v4  }
0x2ac: {  	v3 =	vld [tilespmem:$0x1440];
	v1 =	vor.u32 v2, v1;
	_ =	sdelay $0x4  }
0x2ad: {  	[tilespmem:v1+s12+$0x0] =	vst.idx.add.f32.msk vm12, v3  }
0x2ae: {  	v1 =	vld [tilespmem:$0x5D0]  }
0x2af: {  	v2 =	vld [tilespmem:$0x3D0];
	_ =	sdelay $0x2  }
0x2b0: {  	v3 =	vld [tilespmem:$0x7D0];
	_ =	sdelay $0x1  }
0x2b1: {  	v58 =	vshll.u32 v1, $0x8;
	v59 =	vshll.u32 v2, $0x3  }
0x2b2: {  	v1 =	vshll.u32 v1, $0x7;
	v4 =	vand.u32 $0xFFFFF800, v58;
	v5 =	vand.u32 $0xFFFFFC00, v59  }
0x2b3: {  	v1 =	vand.u32 $0x380, v1;
	v4 =	vadd.s32 v4, v5  }
0x2b4: {  	vm13 =	vgt.s32 v3, $0x7F;
	v2 =	vand.u32 $0x7F, v2;
	v1 =	vor.u32 v1, v4  }
0x2b5: {  	v3 =	vld [tilespmem:$0x1450];
	v1 =	vor.u32 v2, v1;
	_ =	sdelay $0x4  }
0x2b6: {  	[tilespmem:v1+s12+$0x0] =	vst.idx.add.f32.msk vm13, v3  }
0x2b7: {  	v1 =	vld [tilespmem:$0x5E0]  }
0x2b8: {  	v2 =	vld [tilespmem:$0x3E0];
	_ =	sdelay $0x2  }
0x2b9: {  	v3 =	vld [tilespmem:$0x7E0];
	_ =	sdelay $0x1  }
0x2ba: {  	v60 =	vshll.u32 v1, $0x8;
	v61 =	vshll.u32 v2, $0x3  }
0x2bb: {  	v1 =	vshll.u32 v1, $0x7;
	v4 =	vand.u32 $0xFFFFF800, v60;
	v5 =	vand.u32 $0xFFFFFC00, v61  }
0x2bc: {  	v1 =	vand.u32 $0x380, v1;
	v4 =	vadd.s32 v4, v5  }
0x2bd: {  	vm14 =	vgt.s32 v3, $0x7F;
	v2 =	vand.u32 $0x7F, v2;
	v1 =	vor.u32 v1, v4  }
0x2be: {  	v3 =	vld [tilespmem:$0x1460];
	v1 =	vor.u32 v2, v1;
	_ =	sdelay $0x4  }
0x2bf: {  	[tilespmem:v1+s12+$0x0] =	vst.idx.add.f32.msk vm14, v3  }
0x2c0: {  	v1 =	vld [tilespmem:$0x5F0]  }
0x2c1: {  	v2 =	vld [tilespmem:$0x3F0];
	_ =	sdelay $0x2  }
0x2c2: {  	v3 =	vld [tilespmem:$0x7F0];
	_ =	sdelay $0x1  }
0x2c3: {  	v62 =	vshll.u32 v1, $0x8;
	v63 =	vshll.u32 v2, $0x3  }
0x2c4: {  	v1 =	vshll.u32 v1, $0x7;
	v4 =	vand.u32 $0xFFFFF800, v62;
	v5 =	vand.u32 $0xFFFFFC00, v63  }
0x2c5: {  	v1 =	vand.u32 $0x380, v1;
	v4 =	vadd.s32 v4, v5  }
0x2c6: {  	vm15 =	vgt.s32 v3, $0x7F;
	v2 =	vand.u32 $0x7F, v2;
	v1 =	vor.u32 v1, v4  }
0x2c7: {  	v3 =	vld [tilespmem:$0x1470];
	v1 =	vor.u32 v2, v1;
	_ =	sdelay $0x2  }
0x2c8: {  	s26 =	simm.s32 $0x0;
	s16 =	simm.s32 $0x80;
	s28 =	simm.s32 $0x200  }
0x2c9: {  	s21 =	simm.s32 $0x0;
	s18 =	sand.u32 $0x380, s16;
	s29 =	sand.u32 $0x3000, s28  }
0x2ca: {  	s22 =	sand.u32 $0xFFFFF000, s26;
	s30 =	sand.u32 $0x380, s21;
	s17 =	sor.u32 s18, s29;
	[tilespmem:v1+s12+$0x0] =	vst.idx.add.f32.msk vm15, v3  }
0x2cb: {  	[hbm4b:s6+s26] =	stream.linear.scatter [tilespmem:s12], [sflag:$0x2], $0x8000, $0x38;
	[tilespmem:$0x18800] =	vst v63  }
0x2cc: {  	s18 =	sor.u32 s30, s22;
	v1 =	vld [tilespmem:s17+$0x800]  }
0x2cd: {  	v2 =	vld [tilespmem:s18+$0x800];
	_ =	sdelay $0x4  }
0x2ce: {  	v1 =	vsub.f32 v1, v2;
	_ =	sdelay $0x1  }
0x2cf: {  	[tilespmem:s17+$0x4800] =	vst v1;
	v1 =	vld [tilespmem:s17+$0x810]  }
0x2d0: {  	v2 =	vld [tilespmem:s18+$0x810];
	_ =	sdelay $0x4  }
0x2d1: {  	v1 =	vsub.f32 v1, v2;
	_ =	sdelay $0x1  }
0x2d2: {  	[tilespmem:s17+$0x4810] =	vst v1;
	v1 =	vld [tilespmem:s17+$0x820]  }
0x2d3: {  	v2 =	vld [tilespmem:s18+$0x820];
	_ =	sdelay $0x4  }
0x2d4: {  	v1 =	vsub.f32 v1, v2;
	_ =	sdelay $0x1  }
0x2d5: {  	[tilespmem:s17+$0x4820] =	vst v1;
	v1 =	vld [tilespmem:s17+$0x830]  }
0x2d6: {  	v2 =	vld [tilespmem:s18+$0x830];
	_ =	sdelay $0x4  }
0x2d7: {  	v1 =	vsub.f32 v1, v2;
	_ =	sdelay $0x1  }
0x2d8: {  	[tilespmem:s17+$0x4830] =	vst v1;
	v1 =	vld [tilespmem:s17+$0x840]  }
0x2d9: {  	v2 =	vld [tilespmem:s18+$0x840];
	_ =	sdelay $0x4  }
0x2da: {  	v1 =	vsub.f32 v1, v2;
	_ =	sdelay $0x1  }
0x2db: {  	[tilespmem:s17+$0x4840] =	vst v1;
	v1 =	vld [tilespmem:s17+$0x850]  }
0x2dc: {  	v2 =	vld [tilespmem:s18+$0x850];
	_ =	sdelay $0x4  }
0x2dd: {  	v1 =	vsub.f32 v1, v2;
	_ =	sdelay $0x1  }
0x2de: {  	[tilespmem:s17+$0x4850] =	vst v1;
	v1 =	vld [tilespmem:s17+$0x860]  }
0x2df: {  	v2 =	vld [tilespmem:s18+$0x860];
	_ =	sdelay $0x4  }
0x2e0: {  	v1 =	vsub.f32 v1, v2;
	_ =	sdelay $0x1  }
0x2e1: {  	[tilespmem:s17+$0x4860] =	vst v1;
	v1 =	vld [tilespmem:s17+$0x870]  }
0x2e2: {  	v2 =	vld [tilespmem:s18+$0x870];
	_ =	sdelay $0x4  }
0x2e3: {  	v1 =	vsub.f32 v1, v2;
	_ =	sdelay $0x1  }
0x2e4: {  	[tilespmem:s17+$0x4870] =	vst v1;
	v1 =	vld [tilespmem:s17+$0xC00]  }
0x2e5: {  	v2 =	vld [tilespmem:s18+$0xC00];
	_ =	sdelay $0x4  }
0x2e6: {  	v1 =	vsub.f32 v1, v2;
	_ =	sdelay $0x1  }
0x2e7: {  	[tilespmem:s17+$0x4C00] =	vst v1;
	v1 =	vld [tilespmem:s17+$0xC10]  }
0x2e8: {  	v2 =	vld [tilespmem:s18+$0xC10];
	_ =	sdelay $0x4  }
0x2e9: {  	v1 =	vsub.f32 v1, v2;
	_ =	sdelay $0x1  }
0x2ea: {  	[tilespmem:s17+$0x4C10] =	vst v1;
	v1 =	vld [tilespmem:s17+$0xC20]  }
0x2eb: {  	v2 =	vld [tilespmem:s18+$0xC20];
	_ =	sdelay $0x4  }
0x2ec: {  	v1 =	vsub.f32 v1, v2;
	_ =	sdelay $0x1  }
0x2ed: {  	[tilespmem:s17+$0x4C20] =	vst v1;
	v1 =	vld [tilespmem:s17+$0xC30]  }
0x2ee: {  	v2 =	vld [tilespmem:s18+$0xC30];
	_ =	sdelay $0x4  }
0x2ef: {  	v1 =	vsub.f32 v1, v2;
	_ =	sdelay $0x1  }
0x2f0: {  	[tilespmem:s17+$0x4C30] =	vst v1;
	v1 =	vld [tilespmem:s17+$0xC40]  }
0x2f1: {  	v2 =	vld [tilespmem:s18+$0xC40];
	_ =	sdelay $0x4  }
0x2f2: {  	v1 =	vsub.f32 v1, v2;
	_ =	sdelay $0x1  }
0x2f3: {  	[tilespmem:s17+$0x4C40] =	vst v1;
	v1 =	vld [tilespmem:s17+$0xC50]  }
0x2f4: {  	v2 =	vld [tilespmem:s18+$0xC50];
	_ =	sdelay $0x4  }
0x2f5: {  	v1 =	vsub.f32 v1, v2;
	_ =	sdelay $0x1  }
0x2f6: {  	[tilespmem:s17+$0x4C50] =	vst v1;
	v1 =	vld [tilespmem:s17+$0xC60]  }
0x2f7: {  	v2 =	vld [tilespmem:s18+$0xC60];
	_ =	sdelay $0x4  }
0x2f8: {  	v1 =	vsub.f32 v1, v2;
	_ =	sdelay $0x1  }
0x2f9: {  	[tilespmem:s17+$0x4C60] =	vst v1;
	v1 =	vld [tilespmem:s17+$0xC70]  }
0x2fa: {  	v2 =	vld [tilespmem:s18+$0xC70];
	_ =	sdelay $0x4  }
0x2fb: {  	v1 =	vsub.f32 v1, v2;
	_ =	sdelay $0x1  }
0x2fc: {  	[tilespmem:s17+$0x4C70] =	vst v1;
	v1 =	vld [tilespmem:s17+$0x1000]  }
0x2fd: {  	v2 =	vld [tilespmem:s18+$0x1000];
	_ =	sdelay $0x4  }
0x2fe: {  	v1 =	vsub.f32 v1, v2;
	_ =	sdelay $0x1  }
0x2ff: {  	[tilespmem:s17+$0x5000] =	vst v1;
	v1 =	vld [tilespmem:s17+$0x1010]  }
0x300: {  	v2 =	vld [tilespmem:s18+$0x1010];
	_ =	sdelay $0x4  }
0x301: {  	v1 =	vsub.f32 v1, v2;
	_ =	sdelay $0x1  }
0x302: {  	[tilespmem:s17+$0x5010] =	vst v1;
	v1 =	vld [tilespmem:s17+$0x1020]  }
0x303: {  	v2 =	vld [tilespmem:s18+$0x1020];
	_ =	sdelay $0x4  }
0x304: {  	v1 =	vsub.f32 v1, v2;
	_ =	sdelay $0x1  }
0x305: {  	[tilespmem:s17+$0x5020] =	vst v1;
	v1 =	vld [tilespmem:s17+$0x1030]  }
0x306: {  	v2 =	vld [tilespmem:s18+$0x1030];
	_ =	sdelay $0x4  }
0x307: {  	v1 =	vsub.f32 v1, v2;
	_ =	sdelay $0x1  }
0x308: {  	[tilespmem:s17+$0x5030] =	vst v1;
	v1 =	vld [tilespmem:s17+$0x1040]  }
0x309: {  	v2 =	vld [tilespmem:s18+$0x1040];
	_ =	sdelay $0x4  }
0x30a: {  	v1 =	vsub.f32 v1, v2;
	_ =	sdelay $0x1  }
0x30b: {  	[tilespmem:s17+$0x5040] =	vst v1;
	v1 =	vld [tilespmem:s17+$0x1050]  }
0x30c: {  	v2 =	vld [tilespmem:s18+$0x1050];
	_ =	sdelay $0x4  }
0x30d: {  	v1 =	vsub.f32 v1, v2;
	_ =	sdelay $0x1  }
0x30e: {  	[tilespmem:s17+$0x5050] =	vst v1;
	v1 =	vld [tilespmem:s17+$0x1060]  }
0x30f: {  	v2 =	vld [tilespmem:s18+$0x1060];
	_ =	sdelay $0x4  }
0x310: {  	v1 =	vsub.f32 v1, v2;
	_ =	sdelay $0x1  }
0x311: {  	[tilespmem:s17+$0x5060] =	vst v1;
	v1 =	vld [tilespmem:s17+$0x1070]  }
0x312: {  	v2 =	vld [tilespmem:s18+$0x1070];
	_ =	sdelay $0x4  }
0x313: {  	v1 =	vsub.f32 v1, v2;
	_ =	sdelay $0x1  }
0x314: {  	[tilespmem:s17+$0x5070] =	vst v1;
	v1 =	vld [tilespmem:s17+$0x1400]  }
0x315: {  	v2 =	vld [tilespmem:s18+$0x1400];
	_ =	sdelay $0x4  }
0x316: {  	v1 =	vsub.f32 v1, v2;
	_ =	sdelay $0x1  }
0x317: {  	[tilespmem:s17+$0x5400] =	vst v1;
	v1 =	vld [tilespmem:s17+$0x1410]  }
0x318: {  	v2 =	vld [tilespmem:s18+$0x1410];
	_ =	sdelay $0x4  }
0x319: {  	v1 =	vsub.f32 v1, v2;
	_ =	sdelay $0x1  }
0x31a: {  	[tilespmem:s17+$0x5410] =	vst v1;
	v1 =	vld [tilespmem:s17+$0x1420]  }
0x31b: {  	v2 =	vld [tilespmem:s18+$0x1420];
	_ =	sdelay $0x4  }
0x31c: {  	v1 =	vsub.f32 v1, v2;
	_ =	sdelay $0x1  }
0x31d: {  	[tilespmem:s17+$0x5420] =	vst v1;
	v1 =	vld [tilespmem:s17+$0x1430]  }
0x31e: {  	v2 =	vld [tilespmem:s18+$0x1430];
	_ =	sdelay $0x4  }
0x31f: {  	v1 =	vsub.f32 v1, v2;
	_ =	sdelay $0x1  }
0x320: {  	[tilespmem:s17+$0x5430] =	vst v1;
	v1 =	vld [tilespmem:s17+$0x1440]  }
0x321: {  	v2 =	vld [tilespmem:s18+$0x1440];
	_ =	sdelay $0x4  }
0x322: {  	v1 =	vsub.f32 v1, v2;
	_ =	sdelay $0x1  }
0x323: {  	[tilespmem:s17+$0x5440] =	vst v1;
	v1 =	vld [tilespmem:s17+$0x1450]  }
0x324: {  	v2 =	vld [tilespmem:s18+$0x1450];
	_ =	sdelay $0x4  }
0x325: {  	v1 =	vsub.f32 v1, v2;
	_ =	sdelay $0x1  }
0x326: {  	[tilespmem:s17+$0x5450] =	vst v1;
	v1 =	vld [tilespmem:s17+$0x1460]  }
0x327: {  	v2 =	vld [tilespmem:s18+$0x1460];
	_ =	sdelay $0x4  }
0x328: {  	v1 =	vsub.f32 v1, v2;
	_ =	sdelay $0x1  }
0x329: {  	[tilespmem:s17+$0x5460] =	vst v1;
	v1 =	vld [tilespmem:s17+$0x1470]  }
0x32a: {  	v2 =	vld [tilespmem:s18+$0x1470];
	_ =	sdelay $0x2  }
0x32b: {  	s31 =	simm.s32 $0x100  }
0x32c: {  	s23 =	simm.s32 $0x80;
	s19 =	simm.s32 $0x180;
	s18 =	simm.s32 $0x400  }
0x32d: {  	s21 =	sand.u32 $0x380, s31;
	s20 =	sand.u32 $0xFFFFF000, s28;
	s22 =	sand.u32 $0x3000, s18;
	v1 =	vsub.f32 v1, v2  }
.LBB2_8:
0x32e: {  	p0 =	sne.s32 s19, $0xF80;
	s21 =	sor.u32 s21, s22;
	s22 =	sand.u32 $0x380, s23  }
0x32f: {  	v2 =	vld [tilespmem:s21+$0x800];
	s20 =	sor.u32 s22, s20;
	[tilespmem:s17+$0x5470] =	vst v1;
	s17 =	smov.u32 s21  }
0x330: {  	v1 =	vld [tilespmem:s20+$0x800];
	_ =	sdelay $0x4  }
0x331: {  	v1 =	vsub.f32 v2, v1;
	_ =	sdelay $0x1  }
0x332: {  	[tilespmem:s17+$0x4800] =	vst v1;
	v1 =	vld [tilespmem:s17+$0x810]  }
0x333: {  	v2 =	vld [tilespmem:s20+$0x810];
	_ =	sdelay $0x4  }
0x334: {  	v1 =	vsub.f32 v1, v2;
	_ =	sdelay $0x1  }
0x335: {  	[tilespmem:s17+$0x4810] =	vst v1;
	v1 =	vld [tilespmem:s17+$0x820]  }
0x336: {  	v2 =	vld [tilespmem:s20+$0x820];
	_ =	sdelay $0x4  }
0x337: {  	v1 =	vsub.f32 v1, v2;
	_ =	sdelay $0x1  }
0x338: {  	[tilespmem:s17+$0x4820] =	vst v1;
	v1 =	vld [tilespmem:s17+$0x830]  }
0x339: {  	v2 =	vld [tilespmem:s20+$0x830];
	_ =	sdelay $0x4  }
0x33a: {  	v1 =	vsub.f32 v1, v2;
	_ =	sdelay $0x1  }
0x33b: {  	[tilespmem:s17+$0x4830] =	vst v1;
	v1 =	vld [tilespmem:s17+$0x840]  }
0x33c: {  	v2 =	vld [tilespmem:s20+$0x840];
	_ =	sdelay $0x4  }
0x33d: {  	v1 =	vsub.f32 v1, v2;
	_ =	sdelay $0x1  }
0x33e: {  	[tilespmem:s17+$0x4840] =	vst v1;
	v1 =	vld [tilespmem:s17+$0x850]  }
0x33f: {  	v2 =	vld [tilespmem:s20+$0x850];
	_ =	sdelay $0x4  }
0x340: {  	v1 =	vsub.f32 v1, v2;
	_ =	sdelay $0x1  }
0x341: {  	[tilespmem:s17+$0x4850] =	vst v1;
	v1 =	vld [tilespmem:s17+$0x860]  }
0x342: {  	v2 =	vld [tilespmem:s20+$0x860];
	_ =	sdelay $0x4  }
0x343: {  	v1 =	vsub.f32 v1, v2;
	_ =	sdelay $0x1  }
0x344: {  	[tilespmem:s17+$0x4860] =	vst v1;
	v1 =	vld [tilespmem:s17+$0x870]  }
0x345: {  	v2 =	vld [tilespmem:s20+$0x870];
	_ =	sdelay $0x4  }
0x346: {  	v1 =	vsub.f32 v1, v2;
	_ =	sdelay $0x1  }
0x347: {  	[tilespmem:s17+$0x4870] =	vst v1;
	v1 =	vld [tilespmem:s17+$0xC00]  }
0x348: {  	v2 =	vld [tilespmem:s20+$0xC00];
	_ =	sdelay $0x4  }
0x349: {  	v1 =	vsub.f32 v1, v2;
	_ =	sdelay $0x1  }
0x34a: {  	[tilespmem:s17+$0x4C00] =	vst v1;
	v1 =	vld [tilespmem:s17+$0xC10]  }
0x34b: {  	v2 =	vld [tilespmem:s20+$0xC10];
	_ =	sdelay $0x4  }
0x34c: {  	v1 =	vsub.f32 v1, v2;
	_ =	sdelay $0x1  }
0x34d: {  	[tilespmem:s17+$0x4C10] =	vst v1;
	v1 =	vld [tilespmem:s17+$0xC20]  }
0x34e: {  	v2 =	vld [tilespmem:s20+$0xC20];
	_ =	sdelay $0x4  }
0x34f: {  	v1 =	vsub.f32 v1, v2;
	_ =	sdelay $0x1  }
0x350: {  	[tilespmem:s17+$0x4C20] =	vst v1;
	v1 =	vld [tilespmem:s17+$0xC30]  }
0x351: {  	v2 =	vld [tilespmem:s20+$0xC30];
	_ =	sdelay $0x4  }
0x352: {  	v1 =	vsub.f32 v1, v2;
	_ =	sdelay $0x1  }
0x353: {  	[tilespmem:s17+$0x4C30] =	vst v1;
	v1 =	vld [tilespmem:s17+$0xC40]  }
0x354: {  	v2 =	vld [tilespmem:s20+$0xC40];
	_ =	sdelay $0x4  }
0x355: {  	v1 =	vsub.f32 v1, v2;
	_ =	sdelay $0x1  }
0x356: {  	[tilespmem:s17+$0x4C40] =	vst v1;
	v1 =	vld [tilespmem:s17+$0xC50]  }
0x357: {  	v2 =	vld [tilespmem:s20+$0xC50];
	_ =	sdelay $0x4  }
0x358: {  	v1 =	vsub.f32 v1, v2;
	_ =	sdelay $0x1  }
0x359: {  	[tilespmem:s17+$0x4C50] =	vst v1;
	v1 =	vld [tilespmem:s17+$0xC60]  }
0x35a: {  	v2 =	vld [tilespmem:s20+$0xC60];
	_ =	sdelay $0x4  }
0x35b: {  	v1 =	vsub.f32 v1, v2;
	_ =	sdelay $0x1  }
0x35c: {  	[tilespmem:s17+$0x4C60] =	vst v1;
	v1 =	vld [tilespmem:s17+$0xC70]  }
0x35d: {  	v2 =	vld [tilespmem:s20+$0xC70];
	_ =	sdelay $0x4  }
0x35e: {  	v1 =	vsub.f32 v1, v2;
	_ =	sdelay $0x1  }
0x35f: {  	[tilespmem:s17+$0x4C70] =	vst v1;
	v1 =	vld [tilespmem:s17+$0x1000]  }
0x360: {  	v2 =	vld [tilespmem:s20+$0x1000];
	_ =	sdelay $0x4  }
0x361: {  	v1 =	vsub.f32 v1, v2;
	_ =	sdelay $0x1  }
0x362: {  	[tilespmem:s17+$0x5000] =	vst v1;
	v1 =	vld [tilespmem:s17+$0x1010]  }
0x363: {  	v2 =	vld [tilespmem:s20+$0x1010];
	_ =	sdelay $0x4  }
0x364: {  	v1 =	vsub.f32 v1, v2;
	_ =	sdelay $0x1  }
0x365: {  	[tilespmem:s17+$0x5010] =	vst v1;
	v1 =	vld [tilespmem:s17+$0x1020]  }
0x366: {  	v2 =	vld [tilespmem:s20+$0x1020];
	_ =	sdelay $0x4  }
0x367: {  	v1 =	vsub.f32 v1, v2;
	_ =	sdelay $0x1  }
0x368: {  	[tilespmem:s17+$0x5020] =	vst v1;
	v1 =	vld [tilespmem:s17+$0x1030]  }
0x369: {  	v2 =	vld [tilespmem:s20+$0x1030];
	_ =	sdelay $0x4  }
0x36a: {  	v1 =	vsub.f32 v1, v2;
	_ =	sdelay $0x1  }
0x36b: {  	[tilespmem:s17+$0x5030] =	vst v1;
	v1 =	vld [tilespmem:s17+$0x1040]  }
0x36c: {  	v2 =	vld [tilespmem:s20+$0x1040];
	_ =	sdelay $0x4  }
0x36d: {  	v1 =	vsub.f32 v1, v2;
	_ =	sdelay $0x1  }
0x36e: {  	[tilespmem:s17+$0x5040] =	vst v1;
	v1 =	vld [tilespmem:s17+$0x1050]  }
0x36f: {  	v2 =	vld [tilespmem:s20+$0x1050];
	_ =	sdelay $0x4  }
0x370: {  	v1 =	vsub.f32 v1, v2;
	_ =	sdelay $0x1  }
0x371: {  	[tilespmem:s17+$0x5050] =	vst v1;
	v1 =	vld [tilespmem:s17+$0x1060]  }
0x372: {  	v2 =	vld [tilespmem:s20+$0x1060];
	_ =	sdelay $0x4  }
0x373: {  	v1 =	vsub.f32 v1, v2;
	_ =	sdelay $0x1  }
0x374: {  	[tilespmem:s17+$0x5060] =	vst v1;
	v1 =	vld [tilespmem:s17+$0x1070]  }
0x375: {  	v2 =	vld [tilespmem:s20+$0x1070];
	_ =	sdelay $0x4  }
0x376: {  	v1 =	vsub.f32 v1, v2;
	_ =	sdelay $0x1  }
0x377: {  	[tilespmem:s17+$0x5070] =	vst v1;
	v1 =	vld [tilespmem:s17+$0x1400]  }
0x378: {  	v2 =	vld [tilespmem:s20+$0x1400];
	_ =	sdelay $0x4  }
0x379: {  	v1 =	vsub.f32 v1, v2;
	_ =	sdelay $0x1  }
0x37a: {  	[tilespmem:s17+$0x5400] =	vst v1;
	v1 =	vld [tilespmem:s17+$0x1410]  }
0x37b: {  	v2 =	vld [tilespmem:s20+$0x1410];
	_ =	sdelay $0x4  }
0x37c: {  	v1 =	vsub.f32 v1, v2;
	_ =	sdelay $0x1  }
0x37d: {  	[tilespmem:s17+$0x5410] =	vst v1;
	v1 =	vld [tilespmem:s17+$0x1420]  }
0x37e: {  	v2 =	vld [tilespmem:s20+$0x1420];
	_ =	sdelay $0x4  }
0x37f: {  	v1 =	vsub.f32 v1, v2;
	_ =	sdelay $0x1  }
0x380: {  	[tilespmem:s17+$0x5420] =	vst v1;
	v1 =	vld [tilespmem:s17+$0x1430]  }
0x381: {  	v2 =	vld [tilespmem:s20+$0x1430];
	_ =	sdelay $0x4  }
0x382: {  	v1 =	vsub.f32 v1, v2;
	_ =	sdelay $0x1  }
0x383: {  	[tilespmem:s17+$0x5430] =	vst v1;
	v1 =	vld [tilespmem:s17+$0x1440]  }
0x384: {  	v2 =	vld [tilespmem:s20+$0x1440];
	_ =	sdelay $0x4  }
0x385: {  	v1 =	vsub.f32 v1, v2;
	_ =	sdelay $0x1  }
0x386: {  	[tilespmem:s17+$0x5440] =	vst v1;
	v1 =	vld [tilespmem:s17+$0x1450]  }
0x387: {  	v2 =	vld [tilespmem:s20+$0x1450];
	_ =	sdelay $0x4  }
0x388: {  	v1 =	vsub.f32 v1, v2;
	_ =	sdelay $0x1  }
0x389: {  	[tilespmem:s17+$0x5450] =	vst v1;
	v1 =	vld [tilespmem:s17+$0x1460]  }
0x38a: {  	v2 =	vld [tilespmem:s20+$0x1460];
	_ =	sdelay $0x4  }
0x38b: {  	v1 =	vsub.f32 v1, v2;
	_ =	sdelay $0x1  }
0x38c: {  	[tilespmem:s17+$0x5460] =	vst v1;
	v1 =	vld [tilespmem:s17+$0x1470]  }
0x38d: {  	v2 =	vld [tilespmem:s20+$0x1470]  }
.Ltmp3:
0x38e: {  	(pc) =	sbr.rel @p0 .LBB2_8-.Ltmp3, $3  }
0x38f: {  	_ =	sdelay $0x1  }
0x390: {  	s21 =	sand.u32 $0x380, s19;
	s20 =	sand.u32 $0xFFFFF000, s18;
	s18 =	sadd.s32 $0x200, s18  }
0x391: {  	s23 =	sadd.s32 $0xFFFFFF80, s19;
	s19 =	sadd.s32 $0x80, s19;
	s22 =	sand.u32 $0x3000, s18;
	v1 =	vsub.f32 v1, v2  }
0x392: {  	s18 =	sor.u32 s21, s22;
	s19 =	sand.u32 $0x380, s23  }
0x393: {  	v2 =	vld [tilespmem:s18+$0x800];
	s19 =	sor.u32 s19, s20;
	[tilespmem:s17+$0x5470] =	vst v1  }
0x394: {  	v1 =	vld [tilespmem:s19+$0x800];
	_ =	sdelay $0x4  }
0x395: {  	v1 =	vsub.f32 v2, v1;
	_ =	sdelay $0x1  }
0x396: {  	[tilespmem:s18+$0x4800] =	vst v1;
	v1 =	vld [tilespmem:s18+$0x810]  }
0x397: {  	v2 =	vld [tilespmem:s19+$0x810];
	_ =	sdelay $0x4  }
0x398: {  	v1 =	vsub.f32 v1, v2;
	_ =	sdelay $0x1  }
0x399: {  	[tilespmem:s18+$0x4810] =	vst v1;
	v1 =	vld [tilespmem:s18+$0x820]  }
0x39a: {  	v2 =	vld [tilespmem:s19+$0x820];
	_ =	sdelay $0x4  }
0x39b: {  	v1 =	vsub.f32 v1, v2;
	_ =	sdelay $0x1  }
0x39c: {  	[tilespmem:s18+$0x4820] =	vst v1;
	v1 =	vld [tilespmem:s18+$0x830]  }
0x39d: {  	v2 =	vld [tilespmem:s19+$0x830];
	_ =	sdelay $0x4  }
0x39e: {  	v1 =	vsub.f32 v1, v2;
	_ =	sdelay $0x1  }
0x39f: {  	[tilespmem:s18+$0x4830] =	vst v1;
	v1 =	vld [tilespmem:s18+$0x840]  }
0x3a0: {  	v2 =	vld [tilespmem:s19+$0x840];
	_ =	sdelay $0x4  }
0x3a1: {  	v1 =	vsub.f32 v1, v2;
	_ =	sdelay $0x1  }
0x3a2: {  	[tilespmem:s18+$0x4840] =	vst v1;
	v1 =	vld [tilespmem:s18+$0x850]  }
0x3a3: {  	v2 =	vld [tilespmem:s19+$0x850];
	_ =	sdelay $0x4  }
0x3a4: {  	v1 =	vsub.f32 v1, v2;
	_ =	sdelay $0x1  }
0x3a5: {  	[tilespmem:s18+$0x4850] =	vst v1;
	v1 =	vld [tilespmem:s18+$0x860]  }
0x3a6: {  	v2 =	vld [tilespmem:s19+$0x860];
	_ =	sdelay $0x4  }
0x3a7: {  	v1 =	vsub.f32 v1, v2;
	_ =	sdelay $0x1  }
0x3a8: {  	[tilespmem:s18+$0x4860] =	vst v1;
	v1 =	vld [tilespmem:s18+$0x870]  }
0x3a9: {  	v2 =	vld [tilespmem:s19+$0x870];
	_ =	sdelay $0x4  }
0x3aa: {  	v1 =	vsub.f32 v1, v2;
	_ =	sdelay $0x1  }
0x3ab: {  	[tilespmem:s18+$0x4870] =	vst v1;
	v1 =	vld [tilespmem:s18+$0xC00]  }
0x3ac: {  	v2 =	vld [tilespmem:s19+$0xC00];
	_ =	sdelay $0x4  }
0x3ad: {  	v1 =	vsub.f32 v1, v2;
	_ =	sdelay $0x1  }
0x3ae: {  	[tilespmem:s18+$0x4C00] =	vst v1;
	v1 =	vld [tilespmem:s18+$0xC10]  }
0x3af: {  	v2 =	vld [tilespmem:s19+$0xC10];
	_ =	sdelay $0x4  }
0x3b0: {  	v1 =	vsub.f32 v1, v2;
	_ =	sdelay $0x1  }
0x3b1: {  	[tilespmem:s18+$0x4C10] =	vst v1;
	v1 =	vld [tilespmem:s18+$0xC20]  }
0x3b2: {  	v2 =	vld [tilespmem:s19+$0xC20];
	_ =	sdelay $0x4  }
0x3b3: {  	v1 =	vsub.f32 v1, v2;
	_ =	sdelay $0x1  }
0x3b4: {  	[tilespmem:s18+$0x4C20] =	vst v1;
	v1 =	vld [tilespmem:s18+$0xC30]  }
0x3b5: {  	v2 =	vld [tilespmem:s19+$0xC30];
	_ =	sdelay $0x4  }
0x3b6: {  	v1 =	vsub.f32 v1, v2;
	_ =	sdelay $0x1  }
0x3b7: {  	[tilespmem:s18+$0x4C30] =	vst v1;
	v1 =	vld [tilespmem:s18+$0xC40]  }
0x3b8: {  	v2 =	vld [tilespmem:s19+$0xC40];
	_ =	sdelay $0x4  }
0x3b9: {  	v1 =	vsub.f32 v1, v2;
	_ =	sdelay $0x1  }
0x3ba: {  	[tilespmem:s18+$0x4C40] =	vst v1;
	v1 =	vld [tilespmem:s18+$0xC50]  }
0x3bb: {  	v2 =	vld [tilespmem:s19+$0xC50];
	_ =	sdelay $0x4  }
0x3bc: {  	v1 =	vsub.f32 v1, v2;
	_ =	sdelay $0x1  }
0x3bd: {  	[tilespmem:s18+$0x4C50] =	vst v1;
	v1 =	vld [tilespmem:s18+$0xC60]  }
0x3be: {  	v2 =	vld [tilespmem:s19+$0xC60];
	_ =	sdelay $0x4  }
0x3bf: {  	v1 =	vsub.f32 v1, v2;
	_ =	sdelay $0x1  }
0x3c0: {  	[tilespmem:s18+$0x4C60] =	vst v1;
	v1 =	vld [tilespmem:s18+$0xC70]  }
0x3c1: {  	v2 =	vld [tilespmem:s19+$0xC70];
	_ =	sdelay $0x4  }
0x3c2: {  	v1 =	vsub.f32 v1, v2;
	_ =	sdelay $0x1  }
0x3c3: {  	[tilespmem:s18+$0x4C70] =	vst v1;
	v1 =	vld [tilespmem:s18+$0x1000]  }
0x3c4: {  	v2 =	vld [tilespmem:s19+$0x1000];
	_ =	sdelay $0x4  }
0x3c5: {  	v1 =	vsub.f32 v1, v2;
	_ =	sdelay $0x1  }
0x3c6: {  	[tilespmem:s18+$0x5000] =	vst v1;
	v1 =	vld [tilespmem:s18+$0x1010]  }
0x3c7: {  	v2 =	vld [tilespmem:s19+$0x1010];
	_ =	sdelay $0x4  }
0x3c8: {  	v1 =	vsub.f32 v1, v2;
	_ =	sdelay $0x1  }
0x3c9: {  	[tilespmem:s18+$0x5010] =	vst v1;
	v1 =	vld [tilespmem:s18+$0x1020]  }
0x3ca: {  	v2 =	vld [tilespmem:s19+$0x1020];
	_ =	sdelay $0x4  }
0x3cb: {  	v1 =	vsub.f32 v1, v2;
	_ =	sdelay $0x1  }
0x3cc: {  	[tilespmem:s18+$0x5020] =	vst v1;
	v1 =	vld [tilespmem:s18+$0x1030]  }
0x3cd: {  	v2 =	vld [tilespmem:s19+$0x1030];
	_ =	sdelay $0x4  }
0x3ce: {  	v1 =	vsub.f32 v1, v2;
	_ =	sdelay $0x1  }
0x3cf: {  	[tilespmem:s18+$0x5030] =	vst v1;
	v1 =	vld [tilespmem:s18+$0x1040]  }
0x3d0: {  	v2 =	vld [tilespmem:s19+$0x1040];
	_ =	sdelay $0x4  }
0x3d1: {  	v1 =	vsub.f32 v1, v2;
	_ =	sdelay $0x1  }
0x3d2: {  	[tilespmem:s18+$0x5040] =	vst v1;
	v1 =	vld [tilespmem:s18+$0x1050]  }
0x3d3: {  	v2 =	vld [tilespmem:s19+$0x1050];
	_ =	sdelay $0x4  }
0x3d4: {  	v1 =	vsub.f32 v1, v2;
	_ =	sdelay $0x1  }
0x3d5: {  	[tilespmem:s18+$0x5050] =	vst v1;
	v1 =	vld [tilespmem:s18+$0x1060]  }
0x3d6: {  	v2 =	vld [tilespmem:s19+$0x1060];
	_ =	sdelay $0x4  }
0x3d7: {  	v1 =	vsub.f32 v1, v2;
	_ =	sdelay $0x1  }
0x3d8: {  	[tilespmem:s18+$0x5060] =	vst v1;
	v1 =	vld [tilespmem:s18+$0x1070]  }
0x3d9: {  	v2 =	vld [tilespmem:s19+$0x1070];
	_ =	sdelay $0x4  }
0x3da: {  	v1 =	vsub.f32 v1, v2;
	_ =	sdelay $0x1  }
0x3db: {  	[tilespmem:s18+$0x5070] =	vst v1;
	v1 =	vld [tilespmem:s18+$0x1400]  }
0x3dc: {  	v2 =	vld [tilespmem:s19+$0x1400];
	_ =	sdelay $0x4  }
0x3dd: {  	v1 =	vsub.f32 v1, v2;
	_ =	sdelay $0x1  }
0x3de: {  	[tilespmem:s18+$0x5400] =	vst v1;
	v1 =	vld [tilespmem:s18+$0x1410]  }
0x3df: {  	v2 =	vld [tilespmem:s19+$0x1410];
	_ =	sdelay $0x4  }
0x3e0: {  	v1 =	vsub.f32 v1, v2;
	_ =	sdelay $0x1  }
0x3e1: {  	[tilespmem:s18+$0x5410] =	vst v1;
	v1 =	vld [tilespmem:s18+$0x1420]  }
0x3e2: {  	v2 =	vld [tilespmem:s19+$0x1420];
	_ =	sdelay $0x4  }
0x3e3: {  	v1 =	vsub.f32 v1, v2;
	_ =	sdelay $0x1  }
0x3e4: {  	[tilespmem:s18+$0x5420] =	vst v1;
	v1 =	vld [tilespmem:s18+$0x1430]  }
0x3e5: {  	v2 =	vld [tilespmem:s19+$0x1430];
	_ =	sdelay $0x4  }
0x3e6: {  	v1 =	vsub.f32 v1, v2;
	_ =	sdelay $0x1  }
0x3e7: {  	[tilespmem:s18+$0x5430] =	vst v1;
	v1 =	vld [tilespmem:s18+$0x1440]  }
0x3e8: {  	v2 =	vld [tilespmem:s19+$0x1440];
	_ =	sdelay $0x4  }
0x3e9: {  	v1 =	vsub.f32 v1, v2;
	_ =	sdelay $0x1  }
0x3ea: {  	[tilespmem:s18+$0x5440] =	vst v1;
	v1 =	vld [tilespmem:s18+$0x1450]  }
0x3eb: {  	v2 =	vld [tilespmem:s19+$0x1450];
	_ =	sdelay $0x4  }
0x3ec: {  	v1 =	vsub.f32 v1, v2;
	_ =	sdelay $0x1  }
0x3ed: {  	[tilespmem:s18+$0x5450] =	vst v1;
	v1 =	vld [tilespmem:s18+$0x1460]  }
0x3ee: {  	v2 =	vld [tilespmem:s19+$0x1460];
	_ =	sdelay $0x4  }
0x3ef: {  	v1 =	vsub.f32 v1, v2;
	_ =	sdelay $0x1  }
0x3f0: {  	[tilespmem:s18+$0x5460] =	vst v1;
	v1 =	vld [tilespmem:s18+$0x1470]  }
0x3f1: {  	v2 =	vld [tilespmem:s19+$0x1470];
	_ =	sdelay $0x4  }
0x3f2: {  	v1 =	vsub.f32 v1, v2;
	_ =	sdelay $0x1  }
0x3f3: {  	s17 =	simm.s32 $0x200;
	[tilespmem:s18+$0x5470] =	vst v1;
	s18 =	smov.u32 s8  }
.LBB2_10:
0x3f4: {  	_ =	swait.ge [sflag:s13], $0x8000  }
0x3f5: {  	[sflag:s13] =	ssyncset.done $0x0  }
0x3f6: {  	[sflag:s13] =	ssyncadd.s32 $0xFFFF8000  }
0x3f7: {  	_ =	swait.ge [sflag:s14], $0x8000  }
0x3f8: {  	[sflag:s14] =	ssyncset.done $0x0  }
0x3f9: {  	[sflag:s14] =	ssyncadd.s32 $0xFFFF8000  }
0x3fa: {  	v1 =	vld [tilespmem:$0x400]  }
0x3fb: {  	v2 =	vld [tilespmem:$0x80];
	_ =	sdelay $0x2  }
0x3fc: {  	v3 =	vld [tilespmem:$0x600];
	_ =	sdelay $0x1  }
0x3fd: {  	v4 =	vshll.u32 v1, $0x8;
	v5 =	vshll.u32 v2, $0x3  }
0x3fe: {  	v1 =	vshll.u32 v1, $0x7;
	v4 =	vand.u32 $0xFFFFF800, v4;
	v5 =	vand.u32 $0xFFFFFC00, v5  }
0x3ff: {  	s19 =	sand.u32 $0x3000, s17;
	s20 =	sand.u32 $0x380, s16;
	v1 =	vand.u32 $0x380, v1;
	v4 =	vadd.s32 v4, v5  }
0x400: {  	s19 =	sor.u32 s20, s19;
	vm0 =	vle.s32 v3, $0x7F;
	v2 =	vand.u32 $0x7F, v2;
	v1 =	vor.u32 v1, v4  }
0x401: {  	vm1 =	vgt.s32 v3, $0x7F;
	v3 =	vld [tilespmem:s19+$0x4800];
	v1 =	vor.u32 v2, v1;
	_ =	sdelay $0x4  }
0x402: {  	[tilespmem:v1+s11+$0x0] =	vst.idx.add.f32.msk vm0, v3  }
0x403: {  	[tilespmem:v1+s12+$0x0] =	vst.idx.add.f32.msk vm1, v3  }
0x404: {  	v1 =	vld [tilespmem:$0x410]  }
0x405: {  	v2 =	vld [tilespmem:$0x90];
	_ =	sdelay $0x2  }
0x406: {  	v3 =	vld [tilespmem:$0x610];
	_ =	sdelay $0x1  }
0x407: {  	v58 =	vshll.u32 v1, $0x8;
	v59 =	vshll.u32 v2, $0x3  }
0x408: {  	v1 =	vshll.u32 v1, $0x7;
	v4 =	vand.u32 $0xFFFFF800, v58;
	v5 =	vand.u32 $0xFFFFFC00, v59  }
0x409: {  	v1 =	vand.u32 $0x380, v1;
	v4 =	vadd.s32 v4, v5  }
0x40a: {  	vm14 =	vle.s32 v3, $0x7F;
	v2 =	vand.u32 $0x7F, v2;
	v1 =	vor.u32 v1, v4  }
0x40b: {  	vm15 =	vgt.s32 v3, $0x7F;
	v3 =	vld [tilespmem:s19+$0x4810];
	v1 =	vor.u32 v2, v1;
	_ =	sdelay $0x4  }
0x40c: {  	[tilespmem:v1+s11+$0x0] =	vst.idx.add.f32.msk vm14, v3  }
0x40d: {  	[tilespmem:v1+s12+$0x0] =	vst.idx.add.f32.msk vm15, v3  }
0x40e: {  	v1 =	vld [tilespmem:$0x420]  }
0x40f: {  	v2 =	vld [tilespmem:$0xA0];
	_ =	sdelay $0x2  }
0x410: {  	v3 =	vld [tilespmem:$0x620];
	_ =	sdelay $0x1  }
0x411: {  	v60 =	vshll.u32 v1, $0x8;
	v61 =	vshll.u32 v2, $0x3  }
0x412: {  	v1 =	vshll.u32 v1, $0x7;
	v4 =	vand.u32 $0xFFFFF800, v60;
	v5 =	vand.u32 $0xFFFFFC00, v61  }
0x413: {  	v1 =	vand.u32 $0x380, v1;
	v4 =	vadd.s32 v4, v5  }
0x414: {  	vm4 =	vle.s32 v3, $0x7F;
	v2 =	vand.u32 $0x7F, v2;
	v1 =	vor.u32 v1, v4  }
0x415: {  	vm5 =	vgt.s32 v3, $0x7F;
	v3 =	vld [tilespmem:s19+$0x4820];
	v1 =	vor.u32 v2, v1;
	_ =	sdelay $0x4  }
0x416: {  	[tilespmem:v1+s11+$0x0] =	vst.idx.add.f32.msk vm4, v3  }
0x417: {  	[tilespmem:v1+s12+$0x0] =	vst.idx.add.f32.msk vm5, v3  }
0x418: {  	v1 =	vld [tilespmem:$0x430]  }
0x419: {  	v2 =	vld [tilespmem:$0xB0];
	_ =	sdelay $0x2  }
0x41a: {  	v3 =	vld [tilespmem:$0x630];
	_ =	sdelay $0x1  }
0x41b: {  	v62 =	vshll.u32 v1, $0x8;
	v63 =	vshll.u32 v2, $0x3  }
0x41c: {  	v1 =	vshll.u32 v1, $0x7;
	v4 =	vand.u32 $0xFFFFF800, v62;
	v5 =	vand.u32 $0xFFFFFC00, v63  }
0x41d: {  	v1 =	vand.u32 $0x380, v1;
	v4 =	vadd.s32 v4, v5  }
0x41e: {  	vm6 =	vle.s32 v3, $0x7F;
	v2 =	vand.u32 $0x7F, v2;
	v1 =	vor.u32 v1, v4  }
0x41f: {  	vm7 =	vgt.s32 v3, $0x7F;
	v3 =	vld [tilespmem:s19+$0x4830];
	v1 =	vor.u32 v2, v1;
	_ =	sdelay $0x4  }
0x420: {  	[tilespmem:v1+s11+$0x0] =	vst.idx.add.f32.msk vm6, v3  }
0x421: {  	[tilespmem:v1+s12+$0x0] =	vst.idx.add.f32.msk vm7, v3  }
0x422: {  	v1 =	vld [tilespmem:$0x440]  }
0x423: {  	v2 =	vld [tilespmem:$0xC0];
	_ =	sdelay $0x2  }
0x424: {  	v3 =	vld [tilespmem:$0x640];
	_ =	sdelay $0x1  }
0x425: {  	v8 =	vshll.u32 v1, $0x8;
	v9 =	vshll.u32 v2, $0x3  }
0x426: {  	v1 =	vshll.u32 v1, $0x7;
	v4 =	vand.u32 $0xFFFFF800, v8;
	v5 =	vand.u32 $0xFFFFFC00, v9  }
0x427: {  	v1 =	vand.u32 $0x380, v1;
	v4 =	vadd.s32 v4, v5  }
0x428: {  	vm8 =	vle.s32 v3, $0x7F;
	v2 =	vand.u32 $0x7F, v2;
	v1 =	vor.u32 v1, v4  }
0x429: {  	vm9 =	vgt.s32 v3, $0x7F;
	v3 =	vld [tilespmem:s19+$0x4840];
	v1 =	vor.u32 v2, v1;
	_ =	sdelay $0x4  }
0x42a: {  	[tilespmem:v1+s11+$0x0] =	vst.idx.add.f32.msk vm8, v3  }
0x42b: {  	[tilespmem:v1+s12+$0x0] =	vst.idx.add.f32.msk vm9, v3  }
0x42c: {  	v1 =	vld [tilespmem:$0x450]  }
0x42d: {  	v2 =	vld [tilespmem:$0xD0];
	_ =	sdelay $0x2  }
0x42e: {  	v3 =	vld [tilespmem:$0x650];
	_ =	sdelay $0x1  }
0x42f: {  	v10 =	vshll.u32 v1, $0x8;
	v11 =	vshll.u32 v2, $0x3  }
0x430: {  	v1 =	vshll.u32 v1, $0x7;
	v4 =	vand.u32 $0xFFFFF800, v10;
	v5 =	vand.u32 $0xFFFFFC00, v11  }
0x431: {  	v1 =	vand.u32 $0x380, v1;
	v4 =	vadd.s32 v4, v5  }
0x432: {  	vm10 =	vle.s32 v3, $0x7F;
	v2 =	vand.u32 $0x7F, v2;
	v1 =	vor.u32 v1, v4  }
0x433: {  	vm11 =	vgt.s32 v3, $0x7F;
	v3 =	vld [tilespmem:s19+$0x4850];
	v1 =	vor.u32 v2, v1;
	_ =	sdelay $0x4  }
0x434: {  	[tilespmem:v1+s11+$0x0] =	vst.idx.add.f32.msk vm10, v3  }
0x435: {  	[tilespmem:v1+s12+$0x0] =	vst.idx.add.f32.msk vm11, v3  }
0x436: {  	v1 =	vld [tilespmem:$0x460]  }
0x437: {  	v2 =	vld [tilespmem:$0xE0];
	_ =	sdelay $0x2  }
0x438: {  	v3 =	vld [tilespmem:$0x660];
	_ =	sdelay $0x1  }
0x439: {  	v12 =	vshll.u32 v1, $0x8;
	v13 =	vshll.u32 v2, $0x3  }
0x43a: {  	v1 =	vshll.u32 v1, $0x7;
	v4 =	vand.u32 $0xFFFFF800, v12;
	v5 =	vand.u32 $0xFFFFFC00, v13  }
0x43b: {  	v1 =	vand.u32 $0x380, v1;
	v4 =	vadd.s32 v4, v5  }
0x43c: {  	vm12 =	vle.s32 v3, $0x7F;
	v2 =	vand.u32 $0x7F, v2;
	v1 =	vor.u32 v1, v4  }
0x43d: {  	vm13 =	vgt.s32 v3, $0x7F;
	v3 =	vld [tilespmem:s19+$0x4860];
	v1 =	vor.u32 v2, v1;
	_ =	sdelay $0x4  }
0x43e: {  	[tilespmem:v1+s11+$0x0] =	vst.idx.add.f32.msk vm12, v3  }
0x43f: {  	[tilespmem:v1+s12+$0x0] =	vst.idx.add.f32.msk vm13, v3  }
0x440: {  	v1 =	vld [tilespmem:$0x470]  }
0x441: {  	v2 =	vld [tilespmem:$0xF0];
	_ =	sdelay $0x2  }
0x442: {  	v3 =	vld [tilespmem:$0x670];
	_ =	sdelay $0x1  }
0x443: {  	v14 =	vshll.u32 v1, $0x8;
	v15 =	vshll.u32 v2, $0x3  }
0x444: {  	v1 =	vshll.u32 v1, $0x7;
	v4 =	vand.u32 $0xFFFFF800, v14;
	v5 =	vand.u32 $0xFFFFFC00, v15  }
0x445: {  	v1 =	vand.u32 $0x380, v1;
	v4 =	vadd.s32 v4, v5  }
0x446: {  	vm14 =	vle.s32 v3, $0x7F;
	v2 =	vand.u32 $0x7F, v2;
	v1 =	vor.u32 v1, v4  }
0x447: {  	vm15 =	vgt.s32 v3, $0x7F;
	v3 =	vld [tilespmem:s19+$0x4870];
	v1 =	vor.u32 v2, v1;
	_ =	sdelay $0x4  }
0x448: {  	[tilespmem:v1+s11+$0x0] =	vst.idx.add.f32.msk vm14, v3  }
0x449: {  	[tilespmem:v1+s12+$0x0] =	vst.idx.add.f32.msk vm15, v3  }
0x44a: {  	v1 =	vld [tilespmem:$0x480]  }
0x44b: {  	v2 =	vld [tilespmem:$0x180];
	_ =	sdelay $0x2  }
0x44c: {  	v3 =	vld [tilespmem:$0x680];
	_ =	sdelay $0x1  }
0x44d: {  	v16 =	vshll.u32 v1, $0x8;
	v17 =	vshll.u32 v2, $0x3  }
0x44e: {  	v1 =	vshll.u32 v1, $0x7;
	v4 =	vand.u32 $0xFFFFF800, v16;
	v5 =	vand.u32 $0xFFFFFC00, v17  }
0x44f: {  	v1 =	vand.u32 $0x380, v1;
	v4 =	vadd.s32 v4, v5  }
0x450: {  	vm4 =	vle.s32 v3, $0x7F;
	v2 =	vand.u32 $0x7F, v2;
	v1 =	vor.u32 v1, v4  }
0x451: {  	vm5 =	vgt.s32 v3, $0x7F;
	v3 =	vld [tilespmem:s19+$0x4C00];
	v1 =	vor.u32 v2, v1;
	_ =	sdelay $0x4  }
0x452: {  	[tilespmem:v1+s11+$0x0] =	vst.idx.add.f32.msk vm4, v3  }
0x453: {  	[tilespmem:v1+s12+$0x0] =	vst.idx.add.f32.msk vm5, v3  }
0x454: {  	v1 =	vld [tilespmem:$0x490]  }
0x455: {  	v2 =	vld [tilespmem:$0x190];
	_ =	sdelay $0x2  }
0x456: {  	v3 =	vld [tilespmem:$0x690];
	_ =	sdelay $0x1  }
0x457: {  	v18 =	vshll.u32 v1, $0x8;
	v19 =	vshll.u32 v2, $0x3  }
0x458: {  	v1 =	vshll.u32 v1, $0x7;
	v4 =	vand.u32 $0xFFFFF800, v18;
	v5 =	vand.u32 $0xFFFFFC00, v19  }
0x459: {  	v1 =	vand.u32 $0x380, v1;
	v4 =	vadd.s32 v4, v5  }
0x45a: {  	vm6 =	vle.s32 v3, $0x7F;
	v2 =	vand.u32 $0x7F, v2;
	v1 =	vor.u32 v1, v4  }
0x45b: {  	vm7 =	vgt.s32 v3, $0x7F;
	v3 =	vld [tilespmem:s19+$0x4C10];
	v1 =	vor.u32 v2, v1;
	_ =	sdelay $0x4  }
0x45c: {  	[tilespmem:v1+s11+$0x0] =	vst.idx.add.f32.msk vm6, v3  }
0x45d: {  	[tilespmem:v1+s12+$0x0] =	vst.idx.add.f32.msk vm7, v3  }
0x45e: {  	v1 =	vld [tilespmem:$0x4A0]  }
0x45f: {  	v2 =	vld [tilespmem:$0x1A0];
	_ =	sdelay $0x2  }
0x460: {  	v3 =	vld [tilespmem:$0x6A0];
	_ =	sdelay $0x1  }
0x461: {  	v20 =	vshll.u32 v1, $0x8;
	v21 =	vshll.u32 v2, $0x3  }
0x462: {  	v1 =	vshll.u32 v1, $0x7;
	v4 =	vand.u32 $0xFFFFF800, v20;
	v5 =	vand.u32 $0xFFFFFC00, v21  }
0x463: {  	v1 =	vand.u32 $0x380, v1;
	v4 =	vadd.s32 v4, v5  }
0x464: {  	vm8 =	vle.s32 v3, $0x7F;
	v2 =	vand.u32 $0x7F, v2;
	v1 =	vor.u32 v1, v4  }
0x465: {  	vm9 =	vgt.s32 v3, $0x7F;
	v3 =	vld [tilespmem:s19+$0x4C20];
	v1 =	vor.u32 v2, v1;
	_ =	sdelay $0x4  }
0x466: {  	[tilespmem:v1+s11+$0x0] =	vst.idx.add.f32.msk vm8, v3  }
0x467: {  	[tilespmem:v1+s12+$0x0] =	vst.idx.add.f32.msk vm9, v3  }
0x468: {  	v1 =	vld [tilespmem:$0x4B0]  }
0x469: {  	v2 =	vld [tilespmem:$0x1B0];
	_ =	sdelay $0x2  }
0x46a: {  	v3 =	vld [tilespmem:$0x6B0];
	_ =	sdelay $0x1  }
0x46b: {  	v22 =	vshll.u32 v1, $0x8;
	v23 =	vshll.u32 v2, $0x3  }
0x46c: {  	v1 =	vshll.u32 v1, $0x7;
	v4 =	vand.u32 $0xFFFFF800, v22;
	v5 =	vand.u32 $0xFFFFFC00, v23  }
0x46d: {  	v1 =	vand.u32 $0x380, v1;
	v4 =	vadd.s32 v4, v5  }
0x46e: {  	vm10 =	vle.s32 v3, $0x7F;
	v2 =	vand.u32 $0x7F, v2;
	v1 =	vor.u32 v1, v4  }
0x46f: {  	vm11 =	vgt.s32 v3, $0x7F;
	v3 =	vld [tilespmem:s19+$0x4C30];
	v1 =	vor.u32 v2, v1;
	_ =	sdelay $0x4  }
0x470: {  	[tilespmem:v1+s11+$0x0] =	vst.idx.add.f32.msk vm10, v3  }
0x471: {  	[tilespmem:v1+s12+$0x0] =	vst.idx.add.f32.msk vm11, v3  }
0x472: {  	v1 =	vld [tilespmem:$0x4C0]  }
0x473: {  	v2 =	vld [tilespmem:$0x1C0];
	_ =	sdelay $0x2  }
0x474: {  	v3 =	vld [tilespmem:$0x6C0];
	_ =	sdelay $0x1  }
0x475: {  	v24 =	vshll.u32 v1, $0x8;
	v25 =	vshll.u32 v2, $0x3  }
0x476: {  	v1 =	vshll.u32 v1, $0x7;
	v4 =	vand.u32 $0xFFFFF800, v24;
	v5 =	vand.u32 $0xFFFFFC00, v25  }
0x477: {  	v1 =	vand.u32 $0x380, v1;
	v4 =	vadd.s32 v4, v5  }
0x478: {  	vm12 =	vle.s32 v3, $0x7F;
	v2 =	vand.u32 $0x7F, v2;
	v1 =	vor.u32 v1, v4  }
0x479: {  	vm13 =	vgt.s32 v3, $0x7F;
	v3 =	vld [tilespmem:s19+$0x4C40];
	v1 =	vor.u32 v2, v1;
	_ =	sdelay $0x4  }
0x47a: {  	[tilespmem:v1+s11+$0x0] =	vst.idx.add.f32.msk vm12, v3  }
0x47b: {  	[tilespmem:v1+s12+$0x0] =	vst.idx.add.f32.msk vm13, v3  }
0x47c: {  	v1 =	vld [tilespmem:$0x4D0]  }
0x47d: {  	v2 =	vld [tilespmem:$0x1D0];
	_ =	sdelay $0x2  }
0x47e: {  	v3 =	vld [tilespmem:$0x6D0];
	_ =	sdelay $0x1  }
0x47f: {  	v26 =	vshll.u32 v1, $0x8;
	v27 =	vshll.u32 v2, $0x3  }
0x480: {  	v1 =	vshll.u32 v1, $0x7;
	v4 =	vand.u32 $0xFFFFF800, v26;
	v5 =	vand.u32 $0xFFFFFC00, v27  }
0x481: {  	v1 =	vand.u32 $0x380, v1;
	v4 =	vadd.s32 v4, v5  }
0x482: {  	vm14 =	vle.s32 v3, $0x7F;
	v2 =	vand.u32 $0x7F, v2;
	v1 =	vor.u32 v1, v4  }
0x483: {  	vm15 =	vgt.s32 v3, $0x7F;
	v3 =	vld [tilespmem:s19+$0x4C50];
	v1 =	vor.u32 v2, v1;
	_ =	sdelay $0x4  }
0x484: {  	[tilespmem:v1+s11+$0x0] =	vst.idx.add.f32.msk vm14, v3  }
0x485: {  	[tilespmem:v1+s12+$0x0] =	vst.idx.add.f32.msk vm15, v3  }
0x486: {  	v1 =	vld [tilespmem:$0x4E0]  }
0x487: {  	v2 =	vld [tilespmem:$0x1E0];
	_ =	sdelay $0x2  }
0x488: {  	v3 =	vld [tilespmem:$0x6E0];
	_ =	sdelay $0x1  }
0x489: {  	v28 =	vshll.u32 v1, $0x8;
	v29 =	vshll.u32 v2, $0x3  }
0x48a: {  	v1 =	vshll.u32 v1, $0x7;
	v4 =	vand.u32 $0xFFFFF800, v28;
	v5 =	vand.u32 $0xFFFFFC00, v29  }
0x48b: {  	v1 =	vand.u32 $0x380, v1;
	v4 =	vadd.s32 v4, v5  }
0x48c: {  	vm4 =	vle.s32 v3, $0x7F;
	v2 =	vand.u32 $0x7F, v2;
	v1 =	vor.u32 v1, v4  }
0x48d: {  	vm5 =	vgt.s32 v3, $0x7F;
	v3 =	vld [tilespmem:s19+$0x4C60];
	v1 =	vor.u32 v2, v1;
	_ =	sdelay $0x4  }
0x48e: {  	[tilespmem:v1+s11+$0x0] =	vst.idx.add.f32.msk vm4, v3  }
0x48f: {  	[tilespmem:v1+s12+$0x0] =	vst.idx.add.f32.msk vm5, v3  }
0x490: {  	v1 =	vld [tilespmem:$0x4F0]  }
0x491: {  	v2 =	vld [tilespmem:$0x1F0];
	_ =	sdelay $0x2  }
0x492: {  	v3 =	vld [tilespmem:$0x6F0];
	_ =	sdelay $0x1  }
0x493: {  	v30 =	vshll.u32 v1, $0x8;
	v31 =	vshll.u32 v2, $0x3  }
0x494: {  	v1 =	vshll.u32 v1, $0x7;
	v4 =	vand.u32 $0xFFFFF800, v30;
	v5 =	vand.u32 $0xFFFFFC00, v31  }
0x495: {  	v1 =	vand.u32 $0x380, v1;
	v4 =	vadd.s32 v4, v5  }
0x496: {  	vm6 =	vle.s32 v3, $0x7F;
	v2 =	vand.u32 $0x7F, v2;
	v1 =	vor.u32 v1, v4  }
0x497: {  	vm7 =	vgt.s32 v3, $0x7F;
	v3 =	vld [tilespmem:s19+$0x4C70];
	v1 =	vor.u32 v2, v1;
	_ =	sdelay $0x4  }
0x498: {  	[tilespmem:v1+s11+$0x0] =	vst.idx.add.f32.msk vm6, v3  }
0x499: {  	[tilespmem:v1+s12+$0x0] =	vst.idx.add.f32.msk vm7, v3  }
0x49a: {  	v1 =	vld [tilespmem:$0x500]  }
0x49b: {  	v2 =	vld [tilespmem:$0x280];
	_ =	sdelay $0x2  }
0x49c: {  	v3 =	vld [tilespmem:$0x700];
	_ =	sdelay $0x1  }
0x49d: {  	v32 =	vshll.u32 v1, $0x8;
	v33 =	vshll.u32 v2, $0x3  }
0x49e: {  	v1 =	vshll.u32 v1, $0x7;
	v4 =	vand.u32 $0xFFFFF800, v32;
	v5 =	vand.u32 $0xFFFFFC00, v33  }
0x49f: {  	v1 =	vand.u32 $0x380, v1;
	v4 =	vadd.s32 v4, v5  }
0x4a0: {  	vm8 =	vle.s32 v3, $0x7F;
	v2 =	vand.u32 $0x7F, v2;
	v1 =	vor.u32 v1, v4  }
0x4a1: {  	vm9 =	vgt.s32 v3, $0x7F;
	v3 =	vld [tilespmem:s19+$0x5000];
	v1 =	vor.u32 v2, v1;
	_ =	sdelay $0x4  }
0x4a2: {  	[tilespmem:v1+s11+$0x0] =	vst.idx.add.f32.msk vm8, v3  }
0x4a3: {  	[tilespmem:v1+s12+$0x0] =	vst.idx.add.f32.msk vm9, v3  }
0x4a4: {  	v1 =	vld [tilespmem:$0x510]  }
0x4a5: {  	v2 =	vld [tilespmem:$0x290];
	_ =	sdelay $0x2  }
0x4a6: {  	v3 =	vld [tilespmem:$0x710];
	_ =	sdelay $0x1  }
0x4a7: {  	v34 =	vshll.u32 v1, $0x8;
	v35 =	vshll.u32 v2, $0x3  }
0x4a8: {  	v1 =	vshll.u32 v1, $0x7;
	v4 =	vand.u32 $0xFFFFF800, v34;
	v5 =	vand.u32 $0xFFFFFC00, v35  }
0x4a9: {  	v1 =	vand.u32 $0x380, v1;
	v4 =	vadd.s32 v4, v5  }
0x4aa: {  	vm10 =	vle.s32 v3, $0x7F;
	v2 =	vand.u32 $0x7F, v2;
	v1 =	vor.u32 v1, v4  }
0x4ab: {  	vm11 =	vgt.s32 v3, $0x7F;
	v3 =	vld [tilespmem:s19+$0x5010];
	v1 =	vor.u32 v2, v1;
	_ =	sdelay $0x4  }
0x4ac: {  	[tilespmem:v1+s11+$0x0] =	vst.idx.add.f32.msk vm10, v3  }
0x4ad: {  	[tilespmem:v1+s12+$0x0] =	vst.idx.add.f32.msk vm11, v3  }
0x4ae: {  	v1 =	vld [tilespmem:$0x520]  }
0x4af: {  	v2 =	vld [tilespmem:$0x2A0];
	_ =	sdelay $0x2  }
0x4b0: {  	v3 =	vld [tilespmem:$0x720];
	_ =	sdelay $0x1  }
0x4b1: {  	v36 =	vshll.u32 v1, $0x8;
	v37 =	vshll.u32 v2, $0x3  }
0x4b2: {  	v1 =	vshll.u32 v1, $0x7;
	v4 =	vand.u32 $0xFFFFF800, v36;
	v5 =	vand.u32 $0xFFFFFC00, v37  }
0x4b3: {  	v1 =	vand.u32 $0x380, v1;
	v4 =	vadd.s32 v4, v5  }
0x4b4: {  	vm12 =	vle.s32 v3, $0x7F;
	v2 =	vand.u32 $0x7F, v2;
	v1 =	vor.u32 v1, v4  }
0x4b5: {  	vm13 =	vgt.s32 v3, $0x7F;
	v3 =	vld [tilespmem:s19+$0x5020];
	v1 =	vor.u32 v2, v1;
	_ =	sdelay $0x4  }
0x4b6: {  	[tilespmem:v1+s11+$0x0] =	vst.idx.add.f32.msk vm12, v3  }
0x4b7: {  	[tilespmem:v1+s12+$0x0] =	vst.idx.add.f32.msk vm13, v3  }
0x4b8: {  	v1 =	vld [tilespmem:$0x530]  }
0x4b9: {  	v2 =	vld [tilespmem:$0x2B0];
	_ =	sdelay $0x2  }
0x4ba: {  	v3 =	vld [tilespmem:$0x730];
	_ =	sdelay $0x1  }
0x4bb: {  	v38 =	vshll.u32 v1, $0x8;
	v39 =	vshll.u32 v2, $0x3  }
0x4bc: {  	v1 =	vshll.u32 v1, $0x7;
	v4 =	vand.u32 $0xFFFFF800, v38;
	v5 =	vand.u32 $0xFFFFFC00, v39  }
0x4bd: {  	v1 =	vand.u32 $0x380, v1;
	v4 =	vadd.s32 v4, v5  }
0x4be: {  	vm14 =	vle.s32 v3, $0x7F;
	v2 =	vand.u32 $0x7F, v2;
	v1 =	vor.u32 v1, v4  }
0x4bf: {  	vm15 =	vgt.s32 v3, $0x7F;
	v3 =	vld [tilespmem:s19+$0x5030];
	v1 =	vor.u32 v2, v1;
	_ =	sdelay $0x4  }
0x4c0: {  	[tilespmem:v1+s11+$0x0] =	vst.idx.add.f32.msk vm14, v3  }
0x4c1: {  	[tilespmem:v1+s12+$0x0] =	vst.idx.add.f32.msk vm15, v3  }
0x4c2: {  	v1 =	vld [tilespmem:$0x540]  }
0x4c3: {  	v2 =	vld [tilespmem:$0x2C0];
	_ =	sdelay $0x2  }
0x4c4: {  	v3 =	vld [tilespmem:$0x740];
	_ =	sdelay $0x1  }
0x4c5: {  	v40 =	vshll.u32 v1, $0x8;
	v41 =	vshll.u32 v2, $0x3  }
0x4c6: {  	v1 =	vshll.u32 v1, $0x7;
	v4 =	vand.u32 $0xFFFFF800, v40;
	v5 =	vand.u32 $0xFFFFFC00, v41  }
0x4c7: {  	v1 =	vand.u32 $0x380, v1;
	v4 =	vadd.s32 v4, v5  }
0x4c8: {  	vm4 =	vle.s32 v3, $0x7F;
	v2 =	vand.u32 $0x7F, v2;
	v1 =	vor.u32 v1, v4  }
0x4c9: {  	vm5 =	vgt.s32 v3, $0x7F;
	v3 =	vld [tilespmem:s19+$0x5040];
	v1 =	vor.u32 v2, v1;
	_ =	sdelay $0x4  }
0x4ca: {  	[tilespmem:v1+s11+$0x0] =	vst.idx.add.f32.msk vm4, v3  }
0x4cb: {  	[tilespmem:v1+s12+$0x0] =	vst.idx.add.f32.msk vm5, v3  }
0x4cc: {  	v1 =	vld [tilespmem:$0x550]  }
0x4cd: {  	v2 =	vld [tilespmem:$0x2D0];
	_ =	sdelay $0x2  }
0x4ce: {  	v3 =	vld [tilespmem:$0x750];
	_ =	sdelay $0x1  }
0x4cf: {  	v42 =	vshll.u32 v1, $0x8;
	v43 =	vshll.u32 v2, $0x3  }
0x4d0: {  	v1 =	vshll.u32 v1, $0x7;
	v4 =	vand.u32 $0xFFFFF800, v42;
	v5 =	vand.u32 $0xFFFFFC00, v43  }
0x4d1: {  	v1 =	vand.u32 $0x380, v1;
	v4 =	vadd.s32 v4, v5  }
0x4d2: {  	vm6 =	vle.s32 v3, $0x7F;
	v2 =	vand.u32 $0x7F, v2;
	v1 =	vor.u32 v1, v4  }
0x4d3: {  	vm7 =	vgt.s32 v3, $0x7F;
	v3 =	vld [tilespmem:s19+$0x5050];
	v1 =	vor.u32 v2, v1;
	_ =	sdelay $0x4  }
0x4d4: {  	[tilespmem:v1+s11+$0x0] =	vst.idx.add.f32.msk vm6, v3  }
0x4d5: {  	[tilespmem:v1+s12+$0x0] =	vst.idx.add.f32.msk vm7, v3  }
0x4d6: {  	v1 =	vld [tilespmem:$0x560]  }
0x4d7: {  	v2 =	vld [tilespmem:$0x2E0];
	_ =	sdelay $0x2  }
0x4d8: {  	v3 =	vld [tilespmem:$0x760];
	_ =	sdelay $0x1  }
0x4d9: {  	v44 =	vshll.u32 v1, $0x8;
	v45 =	vshll.u32 v2, $0x3  }
0x4da: {  	v1 =	vshll.u32 v1, $0x7;
	v4 =	vand.u32 $0xFFFFF800, v44;
	v5 =	vand.u32 $0xFFFFFC00, v45  }
0x4db: {  	v1 =	vand.u32 $0x380, v1;
	v4 =	vadd.s32 v4, v5  }
0x4dc: {  	vm8 =	vle.s32 v3, $0x7F;
	v2 =	vand.u32 $0x7F, v2;
	v1 =	vor.u32 v1, v4  }
0x4dd: {  	vm9 =	vgt.s32 v3, $0x7F;
	v3 =	vld [tilespmem:s19+$0x5060];
	v1 =	vor.u32 v2, v1;
	_ =	sdelay $0x4  }
0x4de: {  	[tilespmem:v1+s11+$0x0] =	vst.idx.add.f32.msk vm8, v3  }
0x4df: {  	[tilespmem:v1+s12+$0x0] =	vst.idx.add.f32.msk vm9, v3  }
0x4e0: {  	v1 =	vld [tilespmem:$0x570]  }
0x4e1: {  	v2 =	vld [tilespmem:$0x2F0];
	_ =	sdelay $0x2  }
0x4e2: {  	v3 =	vld [tilespmem:$0x770];
	_ =	sdelay $0x1  }
0x4e3: {  	v46 =	vshll.u32 v1, $0x8;
	v47 =	vshll.u32 v2, $0x3  }
0x4e4: {  	v1 =	vshll.u32 v1, $0x7;
	v4 =	vand.u32 $0xFFFFF800, v46;
	v5 =	vand.u32 $0xFFFFFC00, v47  }
0x4e5: {  	v1 =	vand.u32 $0x380, v1;
	v4 =	vadd.s32 v4, v5  }
0x4e6: {  	vm10 =	vle.s32 v3, $0x7F;
	v2 =	vand.u32 $0x7F, v2;
	v1 =	vor.u32 v1, v4  }
0x4e7: {  	vm11 =	vgt.s32 v3, $0x7F;
	v3 =	vld [tilespmem:s19+$0x5070];
	v1 =	vor.u32 v2, v1;
	_ =	sdelay $0x4  }
0x4e8: {  	[tilespmem:v1+s11+$0x0] =	vst.idx.add.f32.msk vm10, v3  }
0x4e9: {  	[tilespmem:v1+s12+$0x0] =	vst.idx.add.f32.msk vm11, v3  }
0x4ea: {  	v1 =	vld [tilespmem:$0x580]  }
0x4eb: {  	v2 =	vld [tilespmem:$0x380];
	_ =	sdelay $0x2  }
0x4ec: {  	v3 =	vld [tilespmem:$0x780];
	_ =	sdelay $0x1  }
0x4ed: {  	v48 =	vshll.u32 v1, $0x8;
	v49 =	vshll.u32 v2, $0x3  }
0x4ee: {  	v1 =	vshll.u32 v1, $0x7;
	v4 =	vand.u32 $0xFFFFF800, v48;
	v5 =	vand.u32 $0xFFFFFC00, v49  }
0x4ef: {  	v1 =	vand.u32 $0x380, v1;
	v4 =	vadd.s32 v4, v5  }
0x4f0: {  	vm12 =	vle.s32 v3, $0x7F;
	v2 =	vand.u32 $0x7F, v2;
	v1 =	vor.u32 v1, v4  }
0x4f1: {  	vm13 =	vgt.s32 v3, $0x7F;
	v3 =	vld [tilespmem:s19+$0x5400];
	v1 =	vor.u32 v2, v1;
	_ =	sdelay $0x4  }
0x4f2: {  	[tilespmem:v1+s11+$0x0] =	vst.idx.add.f32.msk vm12, v3  }
0x4f3: {  	[tilespmem:v1+s12+$0x0] =	vst.idx.add.f32.msk vm13, v3  }
0x4f4: {  	v1 =	vld [tilespmem:$0x590]  }
0x4f5: {  	v2 =	vld [tilespmem:$0x390];
	_ =	sdelay $0x2  }
0x4f6: {  	v3 =	vld [tilespmem:$0x790];
	_ =	sdelay $0x1  }
0x4f7: {  	v50 =	vshll.u32 v1, $0x8;
	v51 =	vshll.u32 v2, $0x3  }
0x4f8: {  	v1 =	vshll.u32 v1, $0x7;
	v4 =	vand.u32 $0xFFFFF800, v50;
	v5 =	vand.u32 $0xFFFFFC00, v51  }
0x4f9: {  	v1 =	vand.u32 $0x380, v1;
	v4 =	vadd.s32 v4, v5  }
0x4fa: {  	vm14 =	vle.s32 v3, $0x7F;
	v2 =	vand.u32 $0x7F, v2;
	v1 =	vor.u32 v1, v4  }
0x4fb: {  	vm15 =	vgt.s32 v3, $0x7F;
	v3 =	vld [tilespmem:s19+$0x5410];
	v1 =	vor.u32 v2, v1;
	_ =	sdelay $0x4  }
0x4fc: {  	[tilespmem:v1+s11+$0x0] =	vst.idx.add.f32.msk vm14, v3  }
0x4fd: {  	[tilespmem:v1+s12+$0x0] =	vst.idx.add.f32.msk vm15, v3  }
0x4fe: {  	v1 =	vld [tilespmem:$0x5A0]  }
0x4ff: {  	v2 =	vld [tilespmem:$0x3A0];
	_ =	sdelay $0x2  }
0x500: {  	v3 =	vld [tilespmem:$0x7A0];
	_ =	sdelay $0x1  }
0x501: {  	v52 =	vshll.u32 v1, $0x8;
	v53 =	vshll.u32 v2, $0x3  }
0x502: {  	v1 =	vshll.u32 v1, $0x7;
	v4 =	vand.u32 $0xFFFFF800, v52;
	v5 =	vand.u32 $0xFFFFFC00, v53  }
0x503: {  	v1 =	vand.u32 $0x380, v1;
	v4 =	vadd.s32 v4, v5  }
0x504: {  	vm4 =	vle.s32 v3, $0x7F;
	v2 =	vand.u32 $0x7F, v2;
	v1 =	vor.u32 v1, v4  }
0x505: {  	vm5 =	vgt.s32 v3, $0x7F;
	v3 =	vld [tilespmem:s19+$0x5420];
	v1 =	vor.u32 v2, v1;
	_ =	sdelay $0x4  }
0x506: {  	[tilespmem:v1+s11+$0x0] =	vst.idx.add.f32.msk vm4, v3  }
0x507: {  	[tilespmem:v1+s12+$0x0] =	vst.idx.add.f32.msk vm5, v3  }
0x508: {  	v1 =	vld [tilespmem:$0x5B0]  }
0x509: {  	v2 =	vld [tilespmem:$0x3B0];
	_ =	sdelay $0x2  }
0x50a: {  	v3 =	vld [tilespmem:$0x7B0];
	_ =	sdelay $0x1  }
0x50b: {  	v54 =	vshll.u32 v1, $0x8;
	v55 =	vshll.u32 v2, $0x3  }
0x50c: {  	v1 =	vshll.u32 v1, $0x7;
	v4 =	vand.u32 $0xFFFFF800, v54;
	v5 =	vand.u32 $0xFFFFFC00, v55  }
0x50d: {  	v1 =	vand.u32 $0x380, v1;
	v4 =	vadd.s32 v4, v5  }
0x50e: {  	vm6 =	vle.s32 v3, $0x7F;
	v2 =	vand.u32 $0x7F, v2;
	v1 =	vor.u32 v1, v4  }
0x50f: {  	vm7 =	vgt.s32 v3, $0x7F;
	v3 =	vld [tilespmem:s19+$0x5430];
	v1 =	vor.u32 v2, v1;
	_ =	sdelay $0x4  }
0x510: {  	[tilespmem:v1+s11+$0x0] =	vst.idx.add.f32.msk vm6, v3  }
0x511: {  	[tilespmem:v1+s12+$0x0] =	vst.idx.add.f32.msk vm7, v3  }
0x512: {  	v1 =	vld [tilespmem:$0x5C0]  }
0x513: {  	v2 =	vld [tilespmem:$0x3C0];
	_ =	sdelay $0x2  }
0x514: {  	v3 =	vld [tilespmem:$0x7C0];
	_ =	sdelay $0x1  }
0x515: {  	v56 =	vshll.u32 v1, $0x8;
	v57 =	vshll.u32 v2, $0x3  }
0x516: {  	v1 =	vshll.u32 v1, $0x7;
	v4 =	vand.u32 $0xFFFFF800, v56;
	v5 =	vand.u32 $0xFFFFFC00, v57  }
0x517: {  	v1 =	vand.u32 $0x380, v1;
	v4 =	vadd.s32 v4, v5  }
0x518: {  	vm8 =	vle.s32 v3, $0x7F;
	v2 =	vand.u32 $0x7F, v2;
	v1 =	vor.u32 v1, v4  }
0x519: {  	vm9 =	vgt.s32 v3, $0x7F;
	v3 =	vld [tilespmem:s19+$0x5440];
	v1 =	vor.u32 v2, v1;
	_ =	sdelay $0x4  }
0x51a: {  	[tilespmem:v1+s11+$0x0] =	vst.idx.add.f32.msk vm8, v3  }
0x51b: {  	[tilespmem:v1+s12+$0x0] =	vst.idx.add.f32.msk vm9, v3  }
0x51c: {  	v1 =	vld [tilespmem:$0x5D0]  }
0x51d: {  	v2 =	vld [tilespmem:$0x3D0];
	_ =	sdelay $0x2  }
0x51e: {  	v3 =	vld [tilespmem:$0x7D0];
	_ =	sdelay $0x1  }
0x51f: {  	v58 =	vshll.u32 v1, $0x8;
	v59 =	vshll.u32 v2, $0x3  }
0x520: {  	v1 =	vshll.u32 v1, $0x7;
	v4 =	vand.u32 $0xFFFFF800, v58;
	v5 =	vand.u32 $0xFFFFFC00, v59  }
0x521: {  	v1 =	vand.u32 $0x380, v1;
	v4 =	vadd.s32 v4, v5  }
0x522: {  	vm10 =	vle.s32 v3, $0x7F;
	v2 =	vand.u32 $0x7F, v2;
	v1 =	vor.u32 v1, v4  }
0x523: {  	vm11 =	vgt.s32 v3, $0x7F;
	v3 =	vld [tilespmem:s19+$0x5450];
	v1 =	vor.u32 v2, v1;
	_ =	sdelay $0x4  }
0x524: {  	[tilespmem:v1+s11+$0x0] =	vst.idx.add.f32.msk vm10, v3  }
0x525: {  	[tilespmem:v1+s12+$0x0] =	vst.idx.add.f32.msk vm11, v3  }
0x526: {  	v1 =	vld [tilespmem:$0x5E0]  }
0x527: {  	v2 =	vld [tilespmem:$0x3E0];
	_ =	sdelay $0x2  }
0x528: {  	v3 =	vld [tilespmem:$0x7E0];
	_ =	sdelay $0x1  }
0x529: {  	v60 =	vshll.u32 v1, $0x8;
	v61 =	vshll.u32 v2, $0x3  }
0x52a: {  	v1 =	vshll.u32 v1, $0x7;
	v4 =	vand.u32 $0xFFFFF800, v60;
	v5 =	vand.u32 $0xFFFFFC00, v61  }
0x52b: {  	v1 =	vand.u32 $0x380, v1;
	v4 =	vadd.s32 v4, v5  }
0x52c: {  	vm12 =	vle.s32 v3, $0x7F;
	v2 =	vand.u32 $0x7F, v2;
	v1 =	vor.u32 v1, v4  }
0x52d: {  	vm13 =	vgt.s32 v3, $0x7F;
	v3 =	vld [tilespmem:s19+$0x5460];
	v1 =	vor.u32 v2, v1;
	_ =	sdelay $0x4  }
0x52e: {  	[tilespmem:v1+s11+$0x0] =	vst.idx.add.f32.msk vm12, v3  }
0x52f: {  	[tilespmem:v1+s12+$0x0] =	vst.idx.add.f32.msk vm13, v3  }
0x530: {  	v1 =	vld [tilespmem:$0x5F0]  }
0x531: {  	v2 =	vld [tilespmem:$0x3F0];
	_ =	sdelay $0x2  }
0x532: {  	v3 =	vld [tilespmem:$0x7F0];
	_ =	sdelay $0x1  }
0x533: {  	v62 =	vshll.u32 v1, $0x8;
	v63 =	vshll.u32 v2, $0x3  }
0x534: {  	v1 =	vshll.u32 v1, $0x7;
	v4 =	vand.u32 $0xFFFFF800, v62;
	v5 =	vand.u32 $0xFFFFFC00, v63  }
0x535: {  	v1 =	vand.u32 $0x380, v1;
	v4 =	vadd.s32 v4, v5  }
0x536: {  	vm14 =	vle.s32 v3, $0x7F;
	v2 =	vand.u32 $0x7F, v2;
	v1 =	vor.u32 v1, v4  }
0x537: {  	vm15 =	vgt.s32 v3, $0x7F;
	v3 =	vld [tilespmem:s19+$0x5470];
	v1 =	vor.u32 v2, v1;
	_ =	sdelay $0x4  }
0x538: {  	p0 =	sne.s32 s17, $0x3E00;
	[tilespmem:v1+s11+$0x0] =	vst.idx.add.f32.msk vm14, v3  }
.Ltmp4:
0x539: {  	s31 =	sadd.s32 $0xFFFFF000, s18;
	[tilespmem:v1+s12+$0x0] =	vst.idx.add.f32.msk vm15, v3;
	(pc) =	sbr.rel @p0 .LBB2_10-.Ltmp4, $4  }
0x53a: {  	[hbm4b:s31+s2] =	stream.linear.scatter [tilespmem:s11], [sflag:$0x1], $0x8000, $0x38;
	[tilespmem:$0x18800] =	vst v63  }
0x53b: {  	_ = 	snop  }
0x53c: {  	[hbm4b:s18+s2] =	stream.linear.scatter [tilespmem:s12], [sflag:$0x2], $0x8000, $0x38;
	[tilespmem:$0x18800] =	vst v63  }
0x53d: {  	s16 =	sadd.s32 $0x80, s16;
	s17 =	sadd.s32 $0x200, s17;
	s18 =	sadd.s32 $0x2000, s18  }
0x53e: {  	s15 =	sadd.s32 $0x1, s15  }
0x53f: {  	_ =	swait.ge [sflag:s13], $0x8000;
	p0 =	sne.s32 s15, s7  }
.Ltmp5:
0x540: {  	[sflag:s13] =	ssyncset.done $0x0;
	(pc) =	sbr.rel @p0 .LBB2_1-.Ltmp5, $4  }
0x541: {  	[sflag:s13] =	ssyncadd.s32 $0xFFFF8000  }
0x542: {  	_ =	swait.ge [sflag:s14], $0x8000  }
0x543: {  	[sflag:s14] =	ssyncset.done $0x0  }
0x544: {  	[sflag:s14] =	ssyncadd.s32 $0xFFFF8000  }
0x545: {  	_ =	sfence.sel $0x180000  }
0x546: {  	[bflag:$0x0] =	sbarrier.arrive $0xFFFF  }
0x547: {  	p0 =	sne.s32 s1, $0x0;
	_ =	strace $0x90000047  }
0x548: {  	s0 =	sadd.s32 @!p0 $0x100000, s0;
	[bflag:$0x2] =	sbarrier.arrive $0xFFFF  }
0x549: {  	[sflag:s0] =	ssyncadd.tile.s32 @!p0 $0x1;
	_ =	shalt  }
.Lfunc_end2:
_tile_overlayer_lowered:
.L_overlay_start_2:
0x54a: {  	(tag) =	ssettag $0x2  }
0x54b: {  	s0 =	rddreg [dreg:$0x0];
	s2 =	stileid.u32  }
0x54c: {  	s1 =	rddreg [dreg:$0x1];
	p0 =	sne.s32 s2, $0x0  }
0x54d: {  	s3 =	rddreg [dreg:$0x2];
	[bflag:$0x3] =	sbarrier.arrive $0xFFFF;
	s2 =	simm.s32 @!p0 $0x1C03  }
0x54e: {  	[timem:s3], [sflag:s2] =	dma.local @!p0 [hbm:s0], s1  }
0x54f: {  	s0 =	simm.s32 @!p0 $0x3  }
0x550: {  	_ =	swait.ge @!p0 [sflag:s0], s1  }
0x551: {  	s1 =	ssub.s32 @!p0 $0x0, s1;
	[sflag:s0] =	ssyncset.done @!p0 $0x0  }
0x552: {  	[sflag:s0] =	ssyncadd.s32 @!p0 s1  }
0x553: {  	[bflag:$0x3] =	sbarrier.arrive $0xFFFF  }
0x554: {  	_ =	shalt  }

</sc_bundles>
